<compile_context>
chip_gen: v7x
topology: tpu7x:2x2x1
jax: 0.10.2.dev20260603
libtpu: 0.0.44.dev20260713+nightly
codegen_flags: <defaults>
</compile_context>

<pallas_src>
import functools

import jax
import jax.numpy as jnp
from jax import lax
from jax.experimental import pallas as pl
from jax.experimental.pallas import tpu as pltpu
from jax.experimental.pallas import tpu_sc as plsc

N = 10000
E = 320000
D_IN = 128
D_H = 64
D_PAD = 128
EPS = 1e-5

NC = 2
NS = 16
NW = NC * NS
EPW = E // NW
CH = 80
NCH = EPW // CH
NPAD = 10240
STRIPE = NPAD // NS

_mesh = plsc.VectorSubcoreMesh(core_axis_name="c", subcore_axis_name="s")


def _zero_vec(ref, nwords):
    def body(i, _):
        ref[pl.ds(i * 16, 16)] = jnp.zeros((16,), jnp.float32)
        return 0
    lax.fori_loop(0, nwords // 16, body, 0, unroll=4)


def _zero_rows(ref, nrows, ncols):
    def body(i, _):
        for c in range(ncols // 16):
            ref[i, pl.ds(c * 16, 16)] = jnp.zeros((16,), jnp.float32)
        return 0
    lax.fori_loop(0, nrows, body, 0, unroll=2)




@functools.partial(
    pl.kernel,
    mesh=_mesh,
    out_type=jax.ShapeDtypeStruct((NC, NPAD), jnp.float32),
    scratch_types=[
        pltpu.VMEM((CH,), jnp.int32),
        pltpu.VMEM((CH,), jnp.int32),
        pltpu.VMEM((CH,), jnp.float32),
        pltpu.VMEM((STRIPE,), jnp.float32),
        pltpu.VMEM_SHARED((NPAD,), jnp.float32),
        pltpu.SemaphoreType.DMA,
        pltpu.SemaphoreType.DMA,
    ],
)
def _deg(dst_hbm, out_hbm, idxa_v, idxb_v, ones_v, zrow_v, deg_sh, sema, semb):
    c = lax.axis_index("c")
    s = lax.axis_index("s")
    wid = s * NC + c
    base0 = wid * EPW

    def fill(i, _):
        ones_v[pl.ds(i * 16, 16)] = jnp.ones((16,), jnp.float32)
        return 0
    lax.fori_loop(0, CH // 16, fill, 0)
    _zero_vec(zrow_v, STRIPE)

    pltpu.sync_copy(zrow_v, deg_sh.at[pl.ds(s * STRIPE, STRIPE)])
    plsc.subcore_barrier()

    pltpu.async_copy(dst_hbm.at[pl.ds(base0, CH)], idxa_v, sema)

    def body(k, _):
        j = 2 * k
        pltpu.async_copy(dst_hbm.at[pl.ds(base0 + (j + 1) * CH, CH)], idxb_v, semb)
        pltpu.make_async_copy(dst_hbm.at[pl.ds(base0, CH)], idxa_v, sema).wait()
        pltpu.sync_copy(ones_v, deg_sh.at[idxa_v], add=True)
        pltpu.async_copy(dst_hbm.at[pl.ds(base0 + (j + 2) * CH, CH)], idxa_v, sema)
        pltpu.make_async_copy(dst_hbm.at[pl.ds(base0, CH)], idxb_v, semb).wait()
        pltpu.sync_copy(ones_v, deg_sh.at[idxb_v], add=True)
        return 0
    lax.fori_loop(0, (NCH - 1) // 2, body, 0)
    pltpu.make_async_copy(dst_hbm.at[pl.ds(base0, CH)], idxa_v, sema).wait()
    pltpu.sync_copy(ones_v, deg_sh.at[idxa_v], add=True)
    plsc.subcore_barrier()

    pltpu.sync_copy(deg_sh.at[pl.ds(s * STRIPE, STRIPE)],
                    out_hbm.at[c, pl.ds(s * STRIPE, STRIPE)])


NBUFI = 8
NBUFR = 4
GLEAD = 4
UNROLL = 8


@functools.partial(
    pl.kernel,
    mesh=_mesh,
    out_type=jax.ShapeDtypeStruct((NC, NPAD, D_PAD), jnp.float32),
    scratch_types=(
        [pltpu.VMEM((CH,), jnp.int32) for _ in range(NBUFI)]
        + [pltpu.VMEM((CH,), jnp.int32) for _ in range(NBUFI)]
        + [pltpu.VMEM((CH, D_PAD), jnp.float32) for _ in range(NBUFR)]
        + [pltpu.VMEM_SHARED((NPAD, D_PAD), jnp.float32)]
        + [pltpu.SemaphoreType.DMA for _ in range(NBUFI)]
        + [pltpu.SemaphoreType.DMA for _ in range(NBUFI)]
        + [pltpu.SemaphoreType.DMA for _ in range(NBUFR)]
    ),
)
def _scat(src_hbm, dst_hbm, h_hbm, out_hbm, *refs):
    sidx = refs[0:NBUFI]
    didx = refs[NBUFI:2 * NBUFI]
    rows = refs[2 * NBUFI:2 * NBUFI + NBUFR]
    acc_sh = refs[2 * NBUFI + NBUFR]
    issem = refs[2 * NBUFI + NBUFR + 1:3 * NBUFI + NBUFR + 1]
    idsem = refs[3 * NBUFI + NBUFR + 1:4 * NBUFI + NBUFR + 1]
    gsem = refs[4 * NBUFI + NBUFR + 1:]

    c = lax.axis_index("c")
    s = lax.axis_index("s")
    wid = s * NC + c
    base0 = wid * EPW
    lo = s * STRIPE

    _zero_rows(rows[0], CH, D_PAD)

    def zc(k, _):
        pltpu.sync_copy(rows[0], acc_sh.at[pl.ds(lo + k * CH, CH)])
        return 0
    lax.fori_loop(0, STRIPE // CH, zc, 0)
    plsc.subcore_barrier()

    def idx_load(j, ib):
        pltpu.async_copy(src_hbm.at[pl.ds(base0 + j * CH, CH)], sidx[ib], issem[ib])
        pltpu.async_copy(dst_hbm.at[pl.ds(base0 + j * CH, CH)], didx[ib], idsem[ib])

    def idx_wait_and_gather(j, ib, rb):
        pltpu.make_async_copy(
            src_hbm.at[pl.ds(base0 + j * CH, CH)], sidx[ib], issem[ib]).wait()
        pltpu.make_async_copy(
            dst_hbm.at[pl.ds(base0 + j * CH, CH)], didx[ib], idsem[ib]).wait()
        pltpu.async_copy(h_hbm.at[sidx[ib]], rows[rb], gsem[rb])

    def wait_and_scatter(j, ib, rb):
        pltpu.make_async_copy(h_hbm.at[sidx[ib]], rows[rb], gsem[rb]).wait()
        pltpu.sync_copy(rows[rb], acc_sh.at[didx[ib]], add=True)

    for j in range(NBUFI):
        idx_load(j, j)
    for t in range(GLEAD):
        idx_wait_and_gather(t, t, t)

    def body(k, _):
        j0 = UNROLL * k
        for u in range(UNROLL):
            j = j0 + u

            @pl.when(j < NCH)
            def _():
                wait_and_scatter(j, u % NBUFI, u % NBUFR)

                @pl.when(j + NBUFI < NCH)
                def _():
                    idx_load(j + NBUFI, u % NBUFI)

                @pl.when(j + GLEAD < NCH)
                def _():
                    idx_wait_and_gather(j + GLEAD, (u + GLEAD) % NBUFI,
                                        (u + GLEAD) % NBUFR)
        return 0
    lax.fori_loop(0, (NCH + UNROLL - 1) // UNROLL, body, 0)
    plsc.subcore_barrier()

    def oc(k, _):
        pltpu.sync_copy(acc_sh.at[pl.ds(lo + k * CH, CH)],
                        out_hbm.at[c, pl.ds(lo + k * CH, CH)])
        return 0
    lax.fori_loop(0, STRIPE // CH, oc, 0)


def _dinv_of(d0, d1):
    deg = d0 + d1 + 1.0
    return lax.rsqrt(jnp.maximum(deg, 1e-12))


def _mm_body(x_ref, w_ref, o_ref):
    o_ref[...] = jnp.dot(
        x_ref[...], w_ref[...], preferred_element_type=jnp.float32)


def _scale_body(h_ref, d0_ref, d1_ref, o_ref):
    o_ref[...] = _dinv_of(d0_ref[...], d1_ref[...]) * h_ref[...]


def _comb_body(accp, hp, d0, d1, b, g, be, w2, o_ref, *, last):
    dinv = _dinv_of(d0[...], d1[...])
    acc = accp[...]
    t = dinv * (acc[0, :N, :D_H] + acc[1, :N, :D_H]
                + hp[...][:, :D_H]) + b[...]
    mu = jnp.mean(t, axis=0, keepdims=True)
    tc = t - mu
    var = jnp.mean(tc * tc, axis=0, keepdims=True)
    y = jnp.maximum(tc * lax.rsqrt(var + EPS) * g[...] + be[...], 0.0)
    if last:
        o_ref[...] = y
    else:
        o_ref[...] = dinv * jnp.dot(
            y, w2[...], preferred_element_type=jnp.float32)


_mm = pl.pallas_call(
    _mm_body, out_shape=jax.ShapeDtypeStruct((N, D_PAD), jnp.float32))
_scale = pl.pallas_call(
    _scale_body, out_shape=jax.ShapeDtypeStruct((N, D_PAD), jnp.float32))
_comb_mid = pl.pallas_call(
    functools.partial(_comb_body, last=False),
    out_shape=jax.ShapeDtypeStruct((N, D_PAD), jnp.float32))


def _comb_last_body(accp, hp, d0, d1, b, g, be, o_ref):
    _comb_body(accp, hp, d0, d1, b, g, be, None, o_ref, last=True)


_comb_last = pl.pallas_call(
    _comb_last_body, out_shape=jax.ShapeDtypeStruct((N, D_H), jnp.float32))


def kernel(x, edge_index, W1, b1, gamma1, beta1, W2, b2, gamma2, beta2):
    ei = edge_index.astype(jnp.int32)
    src = ei[0]
    dst = ei[1]

    W1p = jnp.pad(W1, ((0, 0), (0, D_PAD - D_H)))
    W2p = jnp.pad(W2, ((0, 0), (0, D_PAD - D_H)))

    h1 = _mm(x, W1p)
    degp = _deg(dst)
    d0 = degp[0, :N].reshape(N, 1)
    d1 = degp[1, :N].reshape(N, 1)
    h1p = _scale(h1, d0, d1)
    accp = _scat(src, dst, h1p)
    h2p = _comb_mid(accp, h1p, d0, d1,
                    b1.reshape(1, D_H), gamma1.reshape(1, D_H),
                    beta1.reshape(1, D_H), W2p)
    accp2 = _scat(src, dst, h2p)
    out = _comb_last(accp2, h2p, d0, d1,
                     b2.reshape(1, D_H), gamma2.reshape(1, D_H),
                     beta2.reshape(1, D_H))
    return out

# --- scband reference (transcript-rebuilt; emitter-appended) ---
"""Pipeline reference for scband-client-gcn-81415400063394 (READ-ONLY COPY).

The authoritative reference and input builder live on the scoring server;
editing this copy changes nothing except your own understanding.
"""

import jax, jax.numpy as jnp
import numpy as np

N = 10000
E = 320000
D_IN = 128
D_H = 64
EPS = 1e-5


def setup_inputs(seed: int = 0) -> dict:
    key = jax.random.key(seed)
    ks = jax.random.split(key, 12)
    x = jax.random.normal(ks[0], (N, D_IN), dtype=jnp.float32)
    edge_index = jax.random.randint(ks[1], (2, E), 0, N, dtype=jnp.int32).astype(jnp.int64)
    W1 = jax.random.normal(ks[2], (D_IN, D_H), dtype=jnp.float32) * 0.1
    b1 = jnp.zeros((D_H,), dtype=jnp.float32)
    gamma1 = jnp.ones((D_H,), dtype=jnp.float32)
    beta1 = jnp.zeros((D_H,), dtype=jnp.float32)
    W2 = jax.random.normal(ks[3], (D_H, D_H), dtype=jnp.float32) * 0.1
    b2 = jnp.zeros((D_H,), dtype=jnp.float32)
    gamma2 = jnp.ones((D_H,), dtype=jnp.float32)
    beta2 = jnp.zeros((D_H,), dtype=jnp.float32)
    return {"x": x, "edge_index": edge_index, "W1": W1, "b1": b1, "gamma1": gamma1,
            "beta1": beta1, "W2": W2, "b2": b2, "gamma2": gamma2, "beta2": beta2}


def _gcn_conv(x, edge_index, W, b):
    n = x.shape[0]
    loop = jnp.arange(n, dtype=edge_index.dtype)
    src = jnp.concatenate([edge_index[0], loop])
    dst = jnp.concatenate([edge_index[1], loop])
    h = x @ W
    deg = jnp.zeros((n,), dtype=h.dtype).at[dst].add(1.0)
    dinv = jax.lax.rsqrt(jnp.maximum(deg, 1e-12))
    norm = dinv[src] * dinv[dst]
    msgs = norm[:, None] * jnp.take(h, src, axis=0)
    out = jnp.zeros((n, h.shape[1]), dtype=h.dtype).at[dst].add(msgs)
    return out + b


def _batch_norm(x, gamma, beta):
    mean = jnp.mean(x, axis=0)
    var = jnp.var(x, axis=0)
    xhat = (x - mean) * jax.lax.rsqrt(var + EPS)
    return xhat * gamma + beta


def reference(x, edge_index, W1, b1, gamma1, beta1, W2, b2, gamma2, beta2):
    h = _gcn_conv(x, edge_index, W1, b1)
    h = _batch_norm(h, gamma1, beta1)
    h = jax.nn.relu(h)
    # dropout is identity in deterministic/eval mode
    h = _gcn_conv(h, edge_index, W2, b2)
    h = _batch_norm(h, gamma2, beta2)
    h = jax.nn.relu(h)
    return h

if __name__ == "__main__":
    import jax
    _d = setup_inputs()
    print(jax.jit(kernel)(*tuple(_d.values())))

</pallas_src>

<mosaic_0001>
#map = affine_map<(d0, d1) -> (0)>
#map1 = affine_map<(d0, d1) -> (0, 0)>
module attributes {stable_mosaic.version = 14 : i64} {
  func.func @_deg(%arg0: i32, %arg1: i32, %arg2: memref<320000xi32, #tpu.memory_space<hbm>>, %arg3: memref<2x10240xf32, #tpu.memory_space<hbm>>, %arg4: memref<80xi32, #tpu.memory_space<vmem>>, %arg5: memref<80xi32, #tpu.memory_space<vmem>>, %arg6: memref<80xf32, #tpu.memory_space<vmem>>, %arg7: memref<640xf32, #tpu.memory_space<vmem>>, %arg8: memref<10240xf32, #tpu.memory_space<vmem_shared>>, %arg9: memref<!tpu.dma_semaphore, #tpu.memory_space<semaphore_mem>>, %arg10: memref<!tpu.dma_semaphore, #tpu.memory_space<semaphore_mem>>) attributes {dimension_semantics = [#tpu.dimension_semantics<core_parallel>, #tpu.dimension_semantics<subcore_parallel>], iteration_bounds = array<i64: 2, 16>, scalar_prefetch = 0 : i64, scratch_operands = 7 : i64, tpu.core_type = #tpu.core_type<sc_vector_subcore>, window_params = [{transform_indices = #map}, {transform_indices = #map1}]} {
    %mul3A = arith.constant 2 : i32
    %mul3A_0 = arith.muli %arg1, %mul3A : i32
    %add3A = arith.addi %mul3A_0, %arg0 : i32
    %mul3A_1 = arith.constant 10000 : i32
    %mul3A_2 = arith.muli %add3A, %mul3A_1 : i32
    %scan3A = arith.constant 0 : i32
    %scan3A_3 = arith.constant 0 : i32
    %scan3A_4 = arith.constant 5 : i32
    %scan3A_5 = arith.addi %scan3A_3, %scan3A_4 : i32
    %scan3A_6 = arith.constant 1 : i32
    %scan3A_7 = scf.for %scan3A_32 = %scan3A_3 to %scan3A_5 step %scan3A_6 iter_args(%scan3A_33 = %scan3A) -> (i32)  : i32 {
      %broadcast_in_dim3A = arith.constant 1.000000e+00 : f32
      %broadcast_in_dim3A_34 = vector.broadcast %broadcast_in_dim3A : f32 to vector<16xf32>
      %mul3A_35 = arith.constant 16 : i32
      %mul3A_36 = arith.muli %scan3A_32, %mul3A_35 : i32
      %swap3A = arith.index_cast %mul3A_36 : i32 to index
      %swap3A_37 = tpu.vector_load %arg6[%swap3A] {strides = array<i32>} : memref<80xf32, #tpu.memory_space<vmem>>, vector<16xf32>,
      %swap3A_38 = vector.shape_cast %swap3A_37 : vector<16xf32> to vector<16xf32>
      %swap3A_39 = vector.shape_cast %broadcast_in_dim3A_34 : vector<16xf32> to vector<16xf32>
      tpu.vector_store %arg6[%swap3A], %swap3A_39 {strides = array<i32>} : memref<80xf32, #tpu.memory_space<vmem>>, vector<16xf32>,
      %scan3A_40 = arith.constant 0 : i32
      scf.yield %scan3A_40 : i32
    }
    %scan3A_8 = arith.constant 5 : i32
    %scan3A_9 = arith.constant 0 : i32
    %scan3A_10 = arith.constant 0 : i32
    %scan3A_11 = arith.constant 40 : i32
    %scan3A_12 = arith.addi %scan3A_10, %scan3A_11 : i32
    %scan3A_13 = arith.constant 4 : i32
    %scan3A_14 = scf.for %scan3A_32 = %scan3A_10 to %scan3A_12 step %scan3A_13 iter_args(%scan3A_33 = %scan3A_9) -> (i32)  : i32 {
      %broadcast_in_dim3A = arith.constant 0.000000e+00 : f32
      %broadcast_in_dim3A_34 = vector.broadcast %broadcast_in_dim3A : f32 to vector<16xf32>
      %mul3A_35 = arith.constant 16 : i32
      %mul3A_36 = arith.muli %scan3A_32, %mul3A_35 : i32
      %swap3A = arith.index_cast %mul3A_36 : i32 to index
      %swap3A_37 = tpu.vector_load %arg7[%swap3A] {strides = array<i32>} : memref<640xf32, #tpu.memory_space<vmem>>, vector<16xf32>,
      %swap3A_38 = vector.shape_cast %swap3A_37 : vector<16xf32> to vector<16xf32>
      %swap3A_39 = vector.shape_cast %broadcast_in_dim3A_34 : vector<16xf32> to vector<16xf32>
      tpu.vector_store %arg7[%swap3A], %swap3A_39 {strides = array<i32>} : memref<640xf32, #tpu.memory_space<vmem>>, vector<16xf32>,
      %scan3A_40 = arith.constant 0 : i32
      %scan3A_41 = arith.constant 1 : i32
      %scan3A_42 = arith.addi %scan3A_32, %scan3A_41 : i32
      %broadcast_in_dim3A_43 = arith.constant 0.000000e+00 : f32
      %broadcast_in_dim3A_44 = vector.broadcast %broadcast_in_dim3A_43 : f32 to vector<16xf32>
      %mul3A_45 = arith.constant 16 : i32
      %mul3A_46 = arith.muli %scan3A_42, %mul3A_45 : i32
      %swap3A_47 = arith.index_cast %mul3A_46 : i32 to index
      %swap3A_48 = tpu.vector_load %arg7[%swap3A_47] {strides = array<i32>} : memref<640xf32, #tpu.memory_space<vmem>>, vector<16xf32>,
      %swap3A_49 = vector.shape_cast %swap3A_48 : vector<16xf32> to vector<16xf32>
      %swap3A_50 = vector.shape_cast %broadcast_in_dim3A_44 : vector<16xf32> to vector<16xf32>
      tpu.vector_store %arg7[%swap3A_47], %swap3A_50 {strides = array<i32>} : memref<640xf32, #tpu.memory_space<vmem>>, vector<16xf32>,
      %scan3A_51 = arith.constant 0 : i32
      %scan3A_52 = arith.constant 2 : i32
      %scan3A_53 = arith.addi %scan3A_32, %scan3A_52 : i32
      %broadcast_in_dim3A_54 = arith.constant 0.000000e+00 : f32
      %broadcast_in_dim3A_55 = vector.broadcast %broadcast_in_dim3A_54 : f32 to vector<16xf32>
      %mul3A_56 = arith.constant 16 : i32
      %mul3A_57 = arith.muli %scan3A_53, %mul3A_56 : i32
      %swap3A_58 = arith.index_cast %mul3A_57 : i32 to index
      %swap3A_59 = tpu.vector_load %arg7[%swap3A_58] {strides = array<i32>} : memref<640xf32, #tpu.memory_space<vmem>>, vector<16xf32>,
      %swap3A_60 = vector.shape_cast %swap3A_59 : vector<16xf32> to vector<16xf32>
      %swap3A_61 = vector.shape_cast %broadcast_in_dim3A_55 : vector<16xf32> to vector<16xf32>
      tpu.vector_store %arg7[%swap3A_58], %swap3A_61 {strides = array<i32>} : memref<640xf32, #tpu.memory_space<vmem>>, vector<16xf32>,
      %scan3A_62 = arith.constant 0 : i32
      %scan3A_63 = arith.constant 3 : i32
      %scan3A_64 = arith.addi %scan3A_32, %scan3A_63 : i32
      %broadcast_in_dim3A_65 = arith.constant 0.000000e+00 : f32
      %broadcast_in_dim3A_66 = vector.broadcast %broadcast_in_dim3A_65 : f32 to vector<16xf32>
      %mul3A_67 = arith.constant 16 : i32
      %mul3A_68 = arith.muli %scan3A_64, %mul3A_67 : i32
      %swap3A_69 = arith.index_cast %mul3A_68 : i32 to index
      %swap3A_70 = tpu.vector_load %arg7[%swap3A_69] {strides = array<i32>} : memref<640xf32, #tpu.memory_space<vmem>>, vector<16xf32>,
      %swap3A_71 = vector.shape_cast %swap3A_70 : vector<16xf32> to vector<16xf32>
      %swap3A_72 = vector.shape_cast %broadcast_in_dim3A_66 : vector<16xf32> to vector<16xf32>
      tpu.vector_store %arg7[%swap3A_69], %swap3A_72 {strides = array<i32>} : memref<640xf32, #tpu.memory_space<vmem>>, vector<16xf32>,
      %scan3A_73 = arith.constant 0 : i32
      scf.yield %scan3A_73 : i32
    }
    %scan3A_15 = arith.constant 40 : i32
    %mul3A_16 = arith.constant 640 : i32
    %mul3A_17 = arith.muli %arg1, %mul3A_16 : i32
    "tpu.region"() ({
      %run_scoped3A = tpu.sem_alloc : memref<!tpu.dma_semaphore, #tpu.memory_space<semaphore_mem>>
      %dma_start3A_32 = tpu.memref_slice %arg8[%mul3A_17] : memref<10240xf32, #tpu.memory_space<vmem_shared>> -> memref<640xf32, #tpu.memory_space<vmem_shared>>
      %dma_start3A_33 = tpu.memref_slice %arg8[%mul3A_17] : memref<10240xf32, #tpu.memory_space<vmem_shared>> -> memref<640xf32, #tpu.memory_space<vmem_shared>>
      tpu.enqueue_dma source(%arg7 : memref<640xf32, #tpu.memory_space<vmem>>) target(%dma_start3A_33 : memref<640xf32, #tpu.memory_space<vmem_shared>>) target_semaphore(%run_scoped3A : memref<!tpu.dma_semaphore, #tpu.memory_space<semaphore_mem>>)
      %dma_wait3A_34 = tpu.memref_slice %arg8[%mul3A_17] : memref<10240xf32, #tpu.memory_space<vmem_shared>> -> memref<640xf32, #tpu.memory_space<vmem_shared>>
      %dma_wait3A_35 = tpu.memref_slice %arg8[%mul3A_17] : memref<10240xf32, #tpu.memory_space<vmem_shared>> -> memref<640xf32, #tpu.memory_space<vmem_shared>>
      tpu.wait_dma2 semaphore(%run_scoped3A : memref<!tpu.dma_semaphore, #tpu.memory_space<semaphore_mem>>) src(%arg7 : memref<640xf32, #tpu.memory_space<vmem>>) dst(%dma_wait3A_35 : memref<640xf32, #tpu.memory_space<vmem_shared>>)
      tpu.yield
    }) : () -> ()
    %barrier3A = arith.constant 0 : index
    tpu.barrier barrier_id(%barrier3A)
    %dma_start3A = tpu.memref_slice %arg2[%mul3A_2] : memref<320000xi32, #tpu.memory_space<hbm>> -> memref<80xi32, #tpu.memory_space<hbm>>
    %dma_start3A_18 = tpu.memref_slice %arg2[%mul3A_2] : memref<320000xi32, #tpu.memory_space<hbm>> -> memref<80xi32, #tpu.memory_space<hbm>>
    tpu.enqueue_dma source(%dma_start3A_18 : memref<80xi32, #tpu.memory_space<hbm>>) target(%arg4 : memref<80xi32, #tpu.memory_space<vmem>>) target_semaphore(%arg9 : memref<!tpu.dma_semaphore, #tpu.memory_space<semaphore_mem>>)
    %scan3A_19 = arith.constant 0 : i32
    %scan3A_20 = arith.constant 0 : i32
    %scan3A_21 = arith.constant 62 : i32
    %scan3A_22 = arith.addi %scan3A_20, %scan3A_21 : i32
    %scan3A_23 = arith.constant 1 : i32
    %scan3A_24 = scf.for %scan3A_32 = %scan3A_20 to %scan3A_22 step %scan3A_23 iter_args(%scan3A_33 = %scan3A_19) -> (i32)  : i32 {
      %mul3A_34 = arith.constant 2 : i32
      %mul3A_35 = arith.muli %mul3A_34, %scan3A_32 : i32
      %add3A_36 = arith.constant 1 : i32
      %add3A_37 = arith.addi %mul3A_35, %add3A_36 : i32
      %mul3A_38 = arith.constant 80 : i32
      %mul3A_39 = arith.muli %add3A_37, %mul3A_38 : i32
      %add3A_40 = arith.addi %mul3A_2, %mul3A_39 : i32
      %dma_start3A_41 = tpu.memref_slice %arg2[%add3A_40] : memref<320000xi32, #tpu.memory_space<hbm>> -> memref<80xi32, #tpu.memory_space<hbm>>
      %dma_start3A_42 = tpu.memref_slice %arg2[%add3A_40] : memref<320000xi32, #tpu.memory_space<hbm>> -> memref<80xi32, #tpu.memory_space<hbm>>
      tpu.enqueue_dma source(%dma_start3A_42 : memref<80xi32, #tpu.memory_space<hbm>>) target(%arg5 : memref<80xi32, #tpu.memory_space<vmem>>) target_semaphore(%arg10 : memref<!tpu.dma_semaphore, #tpu.memory_space<semaphore_mem>>)
      %dma_wait3A_43 = tpu.memref_slice %arg2[%mul3A_2] : memref<320000xi32, #tpu.memory_space<hbm>> -> memref<80xi32, #tpu.memory_space<hbm>>
      %dma_wait3A_44 = tpu.memref_slice %arg2[%mul3A_2] : memref<320000xi32, #tpu.memory_space<hbm>> -> memref<80xi32, #tpu.memory_space<hbm>>
      tpu.wait_dma2 semaphore(%arg9 : memref<!tpu.dma_semaphore, #tpu.memory_space<semaphore_mem>>) src(%dma_wait3A_44 : memref<80xi32, #tpu.memory_space<hbm>>) dst(%arg4 : memref<80xi32, #tpu.memory_space<vmem>>)
      "tpu.region"() ({
        %run_scoped3A = tpu.sem_alloc : memref<!tpu.dma_semaphore, #tpu.memory_space<semaphore_mem>>
        %dma_start3A_55 = arith.constant 0 : i32
        %dma_start3A_56 = tpu.memref_slice %arg8[%dma_start3A_55] : memref<10240xf32, #tpu.memory_space<vmem_shared>> -> memref<10240xf32, #tpu.memory_space<vmem_shared>>
        tpu.enqueue_indirect_dma source(%arg6 : memref<80xf32, #tpu.memory_space<vmem>>) target(%dma_start3A_56 : memref<10240xf32, #tpu.memory_space<vmem_shared>>) offsets(%arg4 : memref<80xi32, #tpu.memory_space<vmem>>) semaphore(%run_scoped3A : memref<!tpu.dma_semaphore, #tpu.memory_space<semaphore_mem>>) {add = true}
        %dma_wait3A_57 = arith.constant 0 : i32
        %dma_wait3A_58 = tpu.memref_slice %arg8[%dma_wait3A_57] : memref<10240xf32, #tpu.memory_space<vmem_shared>> -> memref<10240xf32, #tpu.memory_space<vmem_shared>>
        tpu.wait_indirect_dma semaphore(%run_scoped3A : memref<!tpu.dma_semaphore, #tpu.memory_space<semaphore_mem>>) src(%arg6 : memref<80xf32, #tpu.memory_space<vmem>>) dst(%dma_wait3A_58 : memref<10240xf32, #tpu.memory_space<vmem_shared>>)
        tpu.yield
      }) : () -> ()
      %add3A_45 = arith.constant 2 : i32
      %add3A_46 = arith.addi %mul3A_35, %add3A_45 : i32
      %mul3A_47 = arith.constant 80 : i32
      %mul3A_48 = arith.muli %add3A_46, %mul3A_47 : i32
      %add3A_49 = arith.addi %mul3A_2, %mul3A_48 : i32
      %dma_start3A_50 = tpu.memref_slice %arg2[%add3A_49] : memref<320000xi32, #tpu.memory_space<hbm>> -> memref<80xi32, #tpu.memory_space<hbm>>
      %dma_start3A_51 = tpu.memref_slice %arg2[%add3A_49] : memref<320000xi32, #tpu.memory_space<hbm>> -> memref<80xi32, #tpu.memory_space<hbm>>
      tpu.enqueue_dma source(%dma_start3A_51 : memref<80xi32, #tpu.memory_space<hbm>>) target(%arg4 : memref<80xi32, #tpu.memory_space<vmem>>) target_semaphore(%arg9 : memref<!tpu.dma_semaphore, #tpu.memory_space<semaphore_mem>>)
      %dma_wait3A_52 = tpu.memref_slice %arg2[%mul3A_2] : memref<320000xi32, #tpu.memory_space<hbm>> -> memref<80xi32, #tpu.memory_space<hbm>>
      %dma_wait3A_53 = tpu.memref_slice %arg2[%mul3A_2] : memref<320000xi32, #tpu.memory_space<hbm>> -> memref<80xi32, #tpu.memory_space<hbm>>
      tpu.wait_dma2 semaphore(%arg10 : memref<!tpu.dma_semaphore, #tpu.memory_space<semaphore_mem>>) src(%dma_wait3A_53 : memref<80xi32, #tpu.memory_space<hbm>>) dst(%arg5 : memref<80xi32, #tpu.memory_space<vmem>>)
      "tpu.region"() ({
        %run_scoped3A = tpu.sem_alloc : memref<!tpu.dma_semaphore, #tpu.memory_space<semaphore_mem>>
        %dma_start3A_55 = arith.constant 0 : i32
        %dma_start3A_56 = tpu.memref_slice %arg8[%dma_start3A_55] : memref<10240xf32, #tpu.memory_space<vmem_shared>> -> memref<10240xf32, #tpu.memory_space<vmem_shared>>
        tpu.enqueue_indirect_dma source(%arg6 : memref<80xf32, #tpu.memory_space<vmem>>) target(%dma_start3A_56 : memref<10240xf32, #tpu.memory_space<vmem_shared>>) offsets(%arg5 : memref<80xi32, #tpu.memory_space<vmem>>) semaphore(%run_scoped3A : memref<!tpu.dma_semaphore, #tpu.memory_space<semaphore_mem>>) {add = true}
        %dma_wait3A_57 = arith.constant 0 : i32
        %dma_wait3A_58 = tpu.memref_slice %arg8[%dma_wait3A_57] : memref<10240xf32, #tpu.memory_space<vmem_shared>> -> memref<10240xf32, #tpu.memory_space<vmem_shared>>
        tpu.wait_indirect_dma semaphore(%run_scoped3A : memref<!tpu.dma_semaphore, #tpu.memory_space<semaphore_mem>>) src(%arg6 : memref<80xf32, #tpu.memory_space<vmem>>) dst(%dma_wait3A_58 : memref<10240xf32, #tpu.memory_space<vmem_shared>>)
        tpu.yield
      }) : () -> ()
      %scan3A_54 = arith.constant 0 : i32
      scf.yield %scan3A_54 : i32
    }
    %scan3A_25 = arith.constant 62 : i32
    %dma_wait3A = tpu.memref_slice %arg2[%mul3A_2] : memref<320000xi32, #tpu.memory_space<hbm>> -> memref<80xi32, #tpu.memory_space<hbm>>
    %dma_wait3A_26 = tpu.memref_slice %arg2[%mul3A_2] : memref<320000xi32, #tpu.memory_space<hbm>> -> memref<80xi32, #tpu.memory_space<hbm>>
    tpu.wait_dma2 semaphore(%arg9 : memref<!tpu.dma_semaphore, #tpu.memory_space<semaphore_mem>>) src(%dma_wait3A_26 : memref<80xi32, #tpu.memory_space<hbm>>) dst(%arg4 : memref<80xi32, #tpu.memory_space<vmem>>)
    "tpu.region"() ({
      %run_scoped3A = tpu.sem_alloc : memref<!tpu.dma_semaphore, #tpu.memory_space<semaphore_mem>>
      %dma_start3A_32 = arith.constant 0 : i32
      %dma_start3A_33 = tpu.memref_slice %arg8[%dma_start3A_32] : memref<10240xf32, #tpu.memory_space<vmem_shared>> -> memref<10240xf32, #tpu.memory_space<vmem_shared>>
      tpu.enqueue_indirect_dma source(%arg6 : memref<80xf32, #tpu.memory_space<vmem>>) target(%dma_start3A_33 : memref<10240xf32, #tpu.memory_space<vmem_shared>>) offsets(%arg4 : memref<80xi32, #tpu.memory_space<vmem>>) semaphore(%run_scoped3A : memref<!tpu.dma_semaphore, #tpu.memory_space<semaphore_mem>>) {add = true}
      %dma_wait3A_34 = arith.constant 0 : i32
      %dma_wait3A_35 = tpu.memref_slice %arg8[%dma_wait3A_34] : memref<10240xf32, #tpu.memory_space<vmem_shared>> -> memref<10240xf32, #tpu.memory_space<vmem_shared>>
      tpu.wait_indirect_dma semaphore(%run_scoped3A : memref<!tpu.dma_semaphore, #tpu.memory_space<semaphore_mem>>) src(%arg6 : memref<80xf32, #tpu.memory_space<vmem>>) dst(%dma_wait3A_35 : memref<10240xf32, #tpu.memory_space<vmem_shared>>)
      tpu.yield
    }) : () -> ()
    %barrier3A_27 = arith.constant 0 : index
    tpu.barrier barrier_id(%barrier3A_27)
    %mul3A_28 = arith.constant 640 : i32
    %mul3A_29 = arith.muli %arg1, %mul3A_28 : i32
    %mul3A_30 = arith.constant 640 : i32
    %mul3A_31 = arith.muli %arg1, %mul3A_30 : i32
    "tpu.region"() ({
      %run_scoped3A = tpu.sem_alloc : memref<!tpu.dma_semaphore, #tpu.memory_space<semaphore_mem>>
      %dma_start3A_32 = tpu.memref_slice %arg3[%arg0, %mul3A_31] : memref<2x10240xf32, #tpu.memory_space<hbm>> -> memref<1x640xf32, #tpu.memory_space<hbm>>
      %dma_start3A_33 = tpu.memref_squeeze %dma_start3A_32 : memref<1x640xf32, #tpu.memory_space<hbm>> -> memref<640xf32, #tpu.memory_space<hbm>>
      %dma_start3A_34 = tpu.memref_slice %arg8[%mul3A_29] : memref<10240xf32, #tpu.memory_space<vmem_shared>> -> memref<640xf32, #tpu.memory_space<vmem_shared>>
      tpu.enqueue_dma source(%dma_start3A_34 : memref<640xf32, #tpu.memory_space<vmem_shared>>) target(%dma_start3A_33 : memref<640xf32, #tpu.memory_space<hbm>>) target_semaphore(%run_scoped3A : memref<!tpu.dma_semaphore, #tpu.memory_space<semaphore_mem>>)
      %dma_wait3A_35 = tpu.memref_slice %arg3[%arg0, %mul3A_31] : memref<2x10240xf32, #tpu.memory_space<hbm>> -> memref<1x640xf32, #tpu.memory_space<hbm>>
      %dma_wait3A_36 = tpu.memref_squeeze %dma_wait3A_35 : memref<1x640xf32, #tpu.memory_space<hbm>> -> memref<640xf32, #tpu.memory_space<hbm>>
      %dma_wait3A_37 = tpu.memref_slice %arg8[%mul3A_29] : memref<10240xf32, #tpu.memory_space<vmem_shared>> -> memref<640xf32, #tpu.memory_space<vmem_shared>>
      tpu.wait_dma2 semaphore(%run_scoped3A : memref<!tpu.dma_semaphore, #tpu.memory_space<semaphore_mem>>) src(%dma_wait3A_37 : memref<640xf32, #tpu.memory_space<vmem_shared>>) dst(%dma_wait3A_36 : memref<640xf32, #tpu.memory_space<hbm>>)
      tpu.yield
    }) : () -> ()
    return
  }
}

#map = affine_map<(d0, d1) -> (0)>
#map1 = affine_map<(d0, d1) -> (0, 0)>
#map2 = affine_map<(d0, d1) -> (0, 0, 0)>
module attributes {stable_mosaic.version = 14 : i64} {
  func.func @_scat(%arg0: i32, %arg1: i32, %arg2: memref<320000xi32, #tpu.memory_space<hbm>>, %arg3: memref<320000xi32, #tpu.memory_space<hbm>>, %arg4: memref<10000x128xf32, #tpu.memory_space<hbm>>, %arg5: memref<2x10240x128xf32, #tpu.memory_space<hbm>>, %arg6: memref<80xi32, #tpu.memory_space<vmem>>, %arg7: memref<80xi32, #tpu.memory_space<vmem>>, %arg8: memref<80xi32, #tpu.memory_space<vmem>>, %arg9: memref<80xi32, #tpu.memory_space<vmem>>, %arg10: memref<80xi32, #tpu.memory_space<vmem>>, %arg11: memref<80xi32, #tpu.memory_space<vmem>>, %arg12: memref<80xi32, #tpu.memory_space<vmem>>, %arg13: memref<80xi32, #tpu.memory_space<vmem>>, %arg14: memref<80xi32, #tpu.memory_space<vmem>>, %arg15: memref<80xi32, #tpu.memory_space<vmem>>, %arg16: memref<80xi32, #tpu.memory_space<vmem>>, %arg17: memref<80xi32, #tpu.memory_space<vmem>>, %arg18: memref<80xi32, #tpu.memory_space<vmem>>, %arg19: memref<80xi32, #tpu.memory_space<vmem>>, %arg20: memref<80xi32, #tpu.memory_space<vmem>>, %arg21: memref<80xi32, #tpu.memory_space<vmem>>, %arg22: memref<80x128xf32, #tpu.memory_space<vmem>>, %arg23: memref<80x128xf32, #tpu.memory_space<vmem>>, %arg24: memref<80x128xf32, #tpu.memory_space<vmem>>, %arg25: memref<80x128xf32, #tpu.memory_space<vmem>>, %arg26: memref<10240x128xf32, #tpu.memory_space<vmem_shared>>, %arg27: memref<!tpu.dma_semaphore, #tpu.memory_space<semaphore_mem>>, %arg28: memref<!tpu.dma_semaphore, #tpu.memory_space<semaphore_mem>>, %arg29: memref<!tpu.dma_semaphore, #tpu.memory_space<semaphore_mem>>, %arg30: memref<!tpu.dma_semaphore, #tpu.memory_space<semaphore_mem>>, %arg31: memref<!tpu.dma_semaphore, #tpu.memory_space<semaphore_mem>>, %arg32: memref<!tpu.dma_semaphore, #tpu.memory_space<semaphore_mem>>, %arg33: memref<!tpu.dma_semaphore, #tpu.memory_space<semaphore_mem>>, %arg34: memref<!tpu.dma_semaphore, #tpu.memory_space<semaphore_mem>>, %arg35: memref<!tpu.dma_semaphore, #tpu.memory_space<semaphore_mem>>, %arg36: memref<!tpu.dma_semaphore, #tpu.memory_space<semaphore_mem>>, %arg37: memref<!tpu.dma_semaphore, #tpu.memory_space<semaphore_mem>>, %arg38: memref<!tpu.dma_semaphore, #tpu.memory_space<semaphore_mem>>, %arg39: memref<!tpu.dma_semaphore, #tpu.memory_space<semaphore_mem>>, %arg40: memref<!tpu.dma_semaphore, #tpu.memory_space<semaphore_mem>>, %arg41: memref<!tpu.dma_semaphore, #tpu.memory_space<semaphore_mem>>, %arg42: memref<!tpu.dma_semaphore, #tpu.memory_space<semaphore_mem>>, %arg43: memref<!tpu.dma_semaphore, #tpu.memory_space<semaphore_mem>>, %arg44: memref<!tpu.dma_semaphore, #tpu.memory_space<semaphore_mem>>, %arg45: memref<!tpu.dma_semaphore, #tpu.memory_space<semaphore_mem>>, %arg46: memref<!tpu.dma_semaphore, #tpu.memory_space<semaphore_mem>>) attributes {dimension_semantics = [#tpu.dimension_semantics<core_parallel>, #tpu.dimension_semantics<subcore_parallel>], iteration_bounds = array<i64: 2, 16>, scalar_prefetch = 0 : i64, scratch_operands = 41 : i64, tpu.core_type = #tpu.core_type<sc_vector_subcore>, window_params = [{transform_indices = #map}, {transform_indices = #map}, {transform_indices = #map1}, {transform_indices = #map2}]} {
    %mul3A = arith.constant 2 : i32
    %mul3A_0 = arith.muli %arg1, %mul3A : i32
    %add3A = arith.addi %mul3A_0, %arg0 : i32
    %mul3A_1 = arith.constant 10000 : i32
    %mul3A_2 = arith.muli %add3A, %mul3A_1 : i32
    %mul3A_3 = arith.constant 640 : i32
    %mul3A_4 = arith.muli %arg1, %mul3A_3 : i32
    %scan3A = arith.constant 0 : i32
    %scan3A_5 = arith.constant 0 : i32
    %scan3A_6 = arith.constant 80 : i32
    %scan3A_7 = arith.addi %scan3A_5, %scan3A_6 : i32
    %scan3A_8 = arith.constant 2 : i32
    %scan3A_9 = scf.for %scan3A_139 = %scan3A_5 to %scan3A_7 step %scan3A_8 iter_args(%scan3A_140 = %scan3A) -> (i32)  : i32 {
      %broadcast_in_dim3A = arith.constant 0.000000e+00 : f32
      %broadcast_in_dim3A_141 = vector.broadcast %broadcast_in_dim3A : f32 to vector<16xf32>
      %swap3A = arith.index_cast %scan3A_139 : i32 to index
      %swap3A_142 = arith.constant 0 : index
      %swap3A_143 = tpu.vector_load %arg22[%swap3A, %swap3A_142] {strides = array<i32>} : memref<80x128xf32, #tpu.memory_space<vmem>>, vector<1x16xf32>,
      %swap3A_144 = vector.shape_cast %swap3A_143 : vector<1x16xf32> to vector<16xf32>
      %swap3A_145 = vector.shape_cast %broadcast_in_dim3A_141 : vector<16xf32> to vector<1x16xf32>
      tpu.vector_store %arg22[%swap3A, %swap3A_142], %swap3A_145 {strides = array<i32>} : memref<80x128xf32, #tpu.memory_space<vmem>>, vector<1x16xf32>,
      %broadcast_in_dim3A_146 = arith.constant 0.000000e+00 : f32
      %broadcast_in_dim3A_147 = vector.broadcast %broadcast_in_dim3A_146 : f32 to vector<16xf32>
      %swap3A_148 = arith.index_cast %scan3A_139 : i32 to index
      %swap3A_149 = arith.constant 16 : index
      %swap3A_150 = tpu.vector_load %arg22[%swap3A_148, %swap3A_149] {strides = array<i32>} : memref<80x128xf32, #tpu.memory_space<vmem>>, vector<1x16xf32>,
      %swap3A_151 = vector.shape_cast %swap3A_150 : vector<1x16xf32> to vector<16xf32>
      %swap3A_152 = vector.shape_cast %broadcast_in_dim3A_147 : vector<16xf32> to vector<1x16xf32>
      tpu.vector_store %arg22[%swap3A_148, %swap3A_149], %swap3A_152 {strides = array<i32>} : memref<80x128xf32, #tpu.memory_space<vmem>>, vector<1x16xf32>,
      %broadcast_in_dim3A_153 = arith.constant 0.000000e+00 : f32
      %broadcast_in_dim3A_154 = vector.broadcast %broadcast_in_dim3A_153 : f32 to vector<16xf32>
      %swap3A_155 = arith.index_cast %scan3A_139 : i32 to index
      %swap3A_156 = arith.constant 32 : index
      %swap3A_157 = tpu.vector_load %arg22[%swap3A_155, %swap3A_156] {strides = array<i32>} : memref<80x128xf32, #tpu.memory_space<vmem>>, vector<1x16xf32>,
      %swap3A_158 = vector.shape_cast %swap3A_157 : vector<1x16xf32> to vector<16xf32>
      %swap3A_159 = vector.shape_cast %broadcast_in_dim3A_154 : vector<16xf32> to vector<1x16xf32>
      tpu.vector_store %arg22[%swap3A_155, %swap3A_156], %swap3A_159 {strides = array<i32>} : memref<80x128xf32, #tpu.memory_space<vmem>>, vector<1x16xf32>,
      %broadcast_in_dim3A_160 = arith.constant 0.000000e+00 : f32
      %broadcast_in_dim3A_161 = vector.broadcast %broadcast_in_dim3A_160 : f32 to vector<16xf32>
      %swap3A_162 = arith.index_cast %scan3A_139 : i32 to index
      %swap3A_163 = arith.constant 48 : index
      %swap3A_164 = tpu.vector_load %arg22[%swap3A_162, %swap3A_163] {strides = array<i32>} : memref<80x128xf32, #tpu.memory_space<vmem>>, vector<1x16xf32>,
      %swap3A_165 = vector.shape_cast %swap3A_164 : vector<1x16xf32> to vector<16xf32>
      %swap3A_166 = vector.shape_cast %broadcast_in_dim3A_161 : vector<16xf32> to vector<1x16xf32>
      tpu.vector_store %arg22[%swap3A_162, %swap3A_163], %swap3A_166 {strides = array<i32>} : memref<80x128xf32, #tpu.memory_space<vmem>>, vector<1x16xf32>,
      %broadcast_in_dim3A_167 = arith.constant 0.000000e+00 : f32
      %broadcast_in_dim3A_168 = vector.broadcast %broadcast_in_dim3A_167 : f32 to vector<16xf32>
      %swap3A_169 = arith.index_cast %scan3A_139 : i32 to index
      %swap3A_170 = arith.constant 64 : index
      %swap3A_171 = tpu.vector_load %arg22[%swap3A_169, %swap3A_170] {strides = array<i32>} : memref<80x128xf32, #tpu.memory_space<vmem>>, vector<1x16xf32>,
      %swap3A_172 = vector.shape_cast %swap3A_171 : vector<1x16xf32> to vector<16xf32>
      %swap3A_173 = vector.shape_cast %broadcast_in_dim3A_168 : vector<16xf32> to vector<1x16xf32>
      tpu.vector_store %arg22[%swap3A_169, %swap3A_170], %swap3A_173 {strides = array<i32>} : memref<80x128xf32, #tpu.memory_space<vmem>>, vector<1x16xf32>,
      %broadcast_in_dim3A_174 = arith.constant 0.000000e+00 : f32
      %broadcast_in_dim3A_175 = vector.broadcast %broadcast_in_dim3A_174 : f32 to vector<16xf32>
      %swap3A_176 = arith.index_cast %scan3A_139 : i32 to index
      %swap3A_177 = arith.constant 80 : index
      %swap3A_178 = tpu.vector_load %arg22[%swap3A_176, %swap3A_177] {strides = array<i32>} : memref<80x128xf32, #tpu.memory_space<vmem>>, vector<1x16xf32>,
      %swap3A_179 = vector.shape_cast %swap3A_178 : vector<1x16xf32> to vector<16xf32>
      %swap3A_180 = vector.shape_cast %broadcast_in_dim3A_175 : vector<16xf32> to vector<1x16xf32>
      tpu.vector_store %arg22[%swap3A_176, %swap3A_177], %swap3A_180 {strides = array<i32>} : memref<80x128xf32, #tpu.memory_space<vmem>>, vector<1x16xf32>,
      %broadcast_in_dim3A_181 = arith.constant 0.000000e+00 : f32
      %broadcast_in_dim3A_182 = vector.broadcast %broadcast_in_dim3A_181 : f32 to vector<16xf32>
      %swap3A_183 = arith.index_cast %scan3A_139 : i32 to index
      %swap3A_184 = arith.constant 96 : index
      %swap3A_185 = tpu.vector_load %arg22[%swap3A_183, %swap3A_184] {strides = array<i32>} : memref<80x128xf32, #tpu.memory_space<vmem>>, vector<1x16xf32>,
      %swap3A_186 = vector.shape_cast %swap3A_185 : vector<1x16xf32> to vector<16xf32>
      %swap3A_187 = vector.shape_cast %broadcast_in_dim3A_182 : vector<16xf32> to vector<1x16xf32>
      tpu.vector_store %arg22[%swap3A_183, %swap3A_184], %swap3A_187 {strides = array<i32>} : memref<80x128xf32, #tpu.memory_space<vmem>>, vector<1x16xf32>,
      %broadcast_in_dim3A_188 = arith.constant 0.000000e+00 : f32
      %broadcast_in_dim3A_189 = vector.broadcast %broadcast_in_dim3A_188 : f32 to vector<16xf32>
      %swap3A_190 = arith.index_cast %scan3A_139 : i32 to index
      %swap3A_191 = arith.constant 112 : index
      %swap3A_192 = tpu.vector_load %arg22[%swap3A_190, %swap3A_191] {strides = array<i32>} : memref<80x128xf32, #tpu.memory_space<vmem>>, vector<1x16xf32>,
      %swap3A_193 = vector.shape_cast %swap3A_192 : vector<1x16xf32> to vector<16xf32>
      %swap3A_194 = vector.shape_cast %broadcast_in_dim3A_189 : vector<16xf32> to vector<1x16xf32>
      tpu.vector_store %arg22[%swap3A_190, %swap3A_191], %swap3A_194 {strides = array<i32>} : memref<80x128xf32, #tpu.memory_space<vmem>>, vector<1x16xf32>,
      %scan3A_195 = arith.constant 0 : i32
      %scan3A_196 = arith.constant 1 : i32
      %scan3A_197 = arith.addi %scan3A_139, %scan3A_196 : i32
      %broadcast_in_dim3A_198 = arith.constant 0.000000e+00 : f32
      %broadcast_in_dim3A_199 = vector.broadcast %broadcast_in_dim3A_198 : f32 to vector<16xf32>
      %swap3A_200 = arith.index_cast %scan3A_197 : i32 to index
      %swap3A_201 = arith.constant 0 : index
      %swap3A_202 = tpu.vector_load %arg22[%swap3A_200, %swap3A_201] {strides = array<i32>} : memref<80x128xf32, #tpu.memory_space<vmem>>, vector<1x16xf32>,
      %swap3A_203 = vector.shape_cast %swap3A_202 : vector<1x16xf32> to vector<16xf32>
      %swap3A_204 = vector.shape_cast %broadcast_in_dim3A_199 : vector<16xf32> to vector<1x16xf32>
      tpu.vector_store %arg22[%swap3A_200, %swap3A_201], %swap3A_204 {strides = array<i32>} : memref<80x128xf32, #tpu.memory_space<vmem>>, vector<1x16xf32>,
      %broadcast_in_dim3A_205 = arith.constant 0.000000e+00 : f32
      %broadcast_in_dim3A_206 = vector.broadcast %broadcast_in_dim3A_205 : f32 to vector<16xf32>
      %swap3A_207 = arith.index_cast %scan3A_197 : i32 to index
      %swap3A_208 = arith.constant 16 : index
      %swap3A_209 = tpu.vector_load %arg22[%swap3A_207, %swap3A_208] {strides = array<i32>} : memref<80x128xf32, #tpu.memory_space<vmem>>, vector<1x16xf32>,
      %swap3A_210 = vector.shape_cast %swap3A_209 : vector<1x16xf32> to vector<16xf32>
      %swap3A_211 = vector.shape_cast %broadcast_in_dim3A_206 : vector<16xf32> to vector<1x16xf32>
      tpu.vector_store %arg22[%swap3A_207, %swap3A_208], %swap3A_211 {strides = array<i32>} : memref<80x128xf32, #tpu.memory_space<vmem>>, vector<1x16xf32>,
      %broadcast_in_dim3A_212 = arith.constant 0.000000e+00 : f32
      %broadcast_in_dim3A_213 = vector.broadcast %broadcast_in_dim3A_212 : f32 to vector<16xf32>
      %swap3A_214 = arith.index_cast %scan3A_197 : i32 to index
      %swap3A_215 = arith.constant 32 : index
      %swap3A_216 = tpu.vector_load %arg22[%swap3A_214, %swap3A_215] {strides = array<i32>} : memref<80x128xf32, #tpu.memory_space<vmem>>, vector<1x16xf32>,
      %swap3A_217 = vector.shape_cast %swap3A_216 : vector<1x16xf32> to vector<16xf32>
      %swap3A_218 = vector.shape_cast %broadcast_in_dim3A_213 : vector<16xf32> to vector<1x16xf32>
      tpu.vector_store %arg22[%swap3A_214, %swap3A_215], %swap3A_218 {strides = array<i32>} : memref<80x128xf32, #tpu.memory_space<vmem>>, vector<1x16xf32>,
      %broadcast_in_dim3A_219 = arith.constant 0.000000e+00 : f32
      %broadcast_in_dim3A_220 = vector.broadcast %broadcast_in_dim3A_219 : f32 to vector<16xf32>
      %swap3A_221 = arith.index_cast %scan3A_197 : i32 to index
      %swap3A_222 = arith.constant 48 : index
      %swap3A_223 = tpu.vector_load %arg22[%swap3A_221, %swap3A_222] {strides = array<i32>} : memref<80x128xf32, #tpu.memory_space<vmem>>, vector<1x16xf32>,
      %swap3A_224 = vector.shape_cast %swap3A_223 : vector<1x16xf32> to vector<16xf32>
      %swap3A_225 = vector.shape_cast %broadcast_in_dim3A_220 : vector<16xf32> to vector<1x16xf32>
      tpu.vector_store %arg22[%swap3A_221, %swap3A_222], %swap3A_225 {strides = array<i32>} : memref<80x128xf32, #tpu.memory_space<vmem>>, vector<1x16xf32>,
      %broadcast_in_dim3A_226 = arith.constant 0.000000e+00 : f32
      %broadcast_in_dim3A_227 = vector.broadcast %broadcast_in_dim3A_226 : f32 to vector<16xf32>
      %swap3A_228 = arith.index_cast %scan3A_197 : i32 to index
      %swap3A_229 = arith.constant 64 : index
      %swap3A_230 = tpu.vector_load %arg22[%swap3A_228, %swap3A_229] {strides = array<i32>} : memref<80x128xf32, #tpu.memory_space<vmem>>, vector<1x16xf32>,
      %swap3A_231 = vector.shape_cast %swap3A_230 : vector<1x16xf32> to vector<16xf32>
      %swap3A_232 = vector.shape_cast %broadcast_in_dim3A_227 : vector<16xf32> to vector<1x16xf32>
      tpu.vector_store %arg22[%swap3A_228, %swap3A_229], %swap3A_232 {strides = array<i32>} : memref<80x128xf32, #tpu.memory_space<vmem>>, vector<1x16xf32>,
      %broadcast_in_dim3A_233 = arith.constant 0.000000e+00 : f32
      %broadcast_in_dim3A_234 = vector.broadcast %broadcast_in_dim3A_233 : f32 to vector<16xf32>
      %swap3A_235 = arith.index_cast %scan3A_197 : i32 to index
      %swap3A_236 = arith.constant 80 : index
      %swap3A_237 = tpu.vector_load %arg22[%swap3A_235, %swap3A_236] {strides = array<i32>} : memref<80x128xf32, #tpu.memory_space<vmem>>, vector<1x16xf32>,
      %swap3A_238 = vector.shape_cast %swap3A_237 : vector<1x16xf32> to vector<16xf32>
      %swap3A_239 = vector.shape_cast %broadcast_in_dim3A_234 : vector<16xf32> to vector<1x16xf32>
      tpu.vector_store %arg22[%swap3A_235, %swap3A_236], %swap3A_239 {strides = array<i32>} : memref<80x128xf32, #tpu.memory_space<vmem>>, vector<1x16xf32>,
      %broadcast_in_dim3A_240 = arith.constant 0.000000e+00 : f32
      %broadcast_in_dim3A_241 = vector.broadcast %broadcast_in_dim3A_240 : f32 to vector<16xf32>
      %swap3A_242 = arith.index_cast %scan3A_197 : i32 to index
      %swap3A_243 = arith.constant 96 : index
      %swap3A_244 = tpu.vector_load %arg22[%swap3A_242, %swap3A_243] {strides = array<i32>} : memref<80x128xf32, #tpu.memory_space<vmem>>, vector<1x16xf32>,
      %swap3A_245 = vector.shape_cast %swap3A_244 : vector<1x16xf32> to vector<16xf32>
      %swap3A_246 = vector.shape_cast %broadcast_in_dim3A_241 : vector<16xf32> to vector<1x16xf32>
      tpu.vector_store %arg22[%swap3A_242, %swap3A_243], %swap3A_246 {strides = array<i32>} : memref<80x128xf32, #tpu.memory_space<vmem>>, vector<1x16xf32>,
      %broadcast_in_dim3A_247 = arith.constant 0.000000e+00 : f32
      %broadcast_in_dim3A_248 = vector.broadcast %broadcast_in_dim3A_247 : f32 to vector<16xf32>
      %swap3A_249 = arith.index_cast %scan3A_197 : i32 to index
      %swap3A_250 = arith.constant 112 : index
      %swap3A_251 = tpu.vector_load %arg22[%swap3A_249, %swap3A_250] {strides = array<i32>} : memref<80x128xf32, #tpu.memory_space<vmem>>, vector<1x16xf32>,
      %swap3A_252 = vector.shape_cast %swap3A_251 : vector<1x16xf32> to vector<16xf32>
      %swap3A_253 = vector.shape_cast %broadcast_in_dim3A_248 : vector<16xf32> to vector<1x16xf32>
      tpu.vector_store %arg22[%swap3A_249, %swap3A_250], %swap3A_253 {strides = array<i32>} : memref<80x128xf32, #tpu.memory_space<vmem>>, vector<1x16xf32>,
      %scan3A_254 = arith.constant 0 : i32
      scf.yield %scan3A_254 : i32
    }
    %scan3A_10 = arith.constant 80 : i32
    %scan3A_11 = arith.constant 0 : i32
    %scan3A_12 = arith.constant 0 : i32
    %scan3A_13 = arith.constant 8 : i32
    %scan3A_14 = arith.addi %scan3A_12, %scan3A_13 : i32
    %scan3A_15 = arith.constant 1 : i32
    %scan3A_16 = scf.for %scan3A_139 = %scan3A_12 to %scan3A_14 step %scan3A_15 iter_args(%scan3A_140 = %scan3A_11) -> (i32)  : i32 {
      %mul3A_141 = arith.constant 80 : i32
      %mul3A_142 = arith.muli %scan3A_139, %mul3A_141 : i32
      %add3A_143 = arith.addi %mul3A_4, %mul3A_142 : i32
      "tpu.region"() ({
        %run_scoped3A = tpu.sem_alloc : memref<!tpu.dma_semaphore, #tpu.memory_space<semaphore_mem>>
        %dma_start3A_145 = arith.constant 0 : i32
        %dma_start3A_146 = tpu.memref_slice %arg26[%add3A_143, %dma_start3A_145] : memref<10240x128xf32, #tpu.memory_space<vmem_shared>> -> memref<80x128xf32, #tpu.memory_space<vmem_shared>>
        %dma_start3A_147 = arith.constant 0 : i32
        %dma_start3A_148 = tpu.memref_slice %arg26[%add3A_143, %dma_start3A_147] : memref<10240x128xf32, #tpu.memory_space<vmem_shared>> -> memref<80x128xf32, #tpu.memory_space<vmem_shared>>
        tpu.enqueue_dma source(%arg22 : memref<80x128xf32, #tpu.memory_space<vmem>>) target(%dma_start3A_148 : memref<80x128xf32, #tpu.memory_space<vmem_shared>>) target_semaphore(%run_scoped3A : memref<!tpu.dma_semaphore, #tpu.memory_space<semaphore_mem>>)
        %dma_wait3A_149 = arith.constant 0 : i32
        %dma_wait3A_150 = tpu.memref_slice %arg26[%add3A_143, %dma_wait3A_149] : memref<10240x128xf32, #tpu.memory_space<vmem_shared>> -> memref<80x128xf32, #tpu.memory_space<vmem_shared>>
        %dma_wait3A_151 = arith.constant 0 : i32
        %dma_wait3A_152 = tpu.memref_slice %arg26[%add3A_143, %dma_wait3A_151] : memref<10240x128xf32, #tpu.memory_space<vmem_shared>> -> memref<80x128xf32, #tpu.memory_space<vmem_shared>>
        tpu.wait_dma2 semaphore(%run_scoped3A : memref<!tpu.dma_semaphore, #tpu.memory_space<semaphore_mem>>) src(%arg22 : memref<80x128xf32, #tpu.memory_space<vmem>>) dst(%dma_wait3A_152 : memref<80x128xf32, #tpu.memory_space<vmem_shared>>)
        tpu.yield
      }) : () -> ()
      %scan3A_144 = arith.constant 0 : i32
      scf.yield %scan3A_144 : i32
    }
    %scan3A_17 = arith.constant 8 : i32
    %barrier3A = arith.constant 0 : index
    tpu.barrier barrier_id(%barrier3A)
    %add3A_18 = arith.constant 0 : i32
    %add3A_19 = arith.addi %mul3A_2, %add3A_18 : i32
    %dma_start3A = tpu.memref_slice %arg2[%add3A_19] : memref<320000xi32, #tpu.memory_space<hbm>> -> memref<80xi32, #tpu.memory_space<hbm>>
    %dma_start3A_20 = tpu.memref_slice %arg2[%add3A_19] : memref<320000xi32, #tpu.memory_space<hbm>> -> memref<80xi32, #tpu.memory_space<hbm>>
    tpu.enqueue_dma source(%dma_start3A_20 : memref<80xi32, #tpu.memory_space<hbm>>) target(%arg6 : memref<80xi32, #tpu.memory_space<vmem>>) target_semaphore(%arg27 : memref<!tpu.dma_semaphore, #tpu.memory_space<semaphore_mem>>)
    %add3A_21 = arith.constant 0 : i32
    %add3A_22 = arith.addi %mul3A_2, %add3A_21 : i32
    %dma_start3A_23 = tpu.memref_slice %arg3[%add3A_22] : memref<320000xi32, #tpu.memory_space<hbm>> -> memref<80xi32, #tpu.memory_space<hbm>>
    %dma_start3A_24 = tpu.memref_slice %arg3[%add3A_22] : memref<320000xi32, #tpu.memory_space<hbm>> -> memref<80xi32, #tpu.memory_space<hbm>>
    tpu.enqueue_dma source(%dma_start3A_24 : memref<80xi32, #tpu.memory_space<hbm>>) target(%arg14 : memref<80xi32, #tpu.memory_space<vmem>>) target_semaphore(%arg35 : memref<!tpu.dma_semaphore, #tpu.memory_space<semaphore_mem>>)
    %add3A_25 = arith.constant 80 : i32
    %add3A_26 = arith.addi %mul3A_2, %add3A_25 : i32
    %dma_start3A_27 = tpu.memref_slice %arg2[%add3A_26] : memref<320000xi32, #tpu.memory_space<hbm>> -> memref<80xi32, #tpu.memory_space<hbm>>
    %dma_start3A_28 = tpu.memref_slice %arg2[%add3A_26] : memref<320000xi32, #tpu.memory_space<hbm>> -> memref<80xi32, #tpu.memory_space<hbm>>
    tpu.enqueue_dma source(%dma_start3A_28 : memref<80xi32, #tpu.memory_space<hbm>>) target(%arg7 : memref<80xi32, #tpu.memory_space<vmem>>) target_semaphore(%arg28 : memref<!tpu.dma_semaphore, #tpu.memory_space<semaphore_mem>>)
    %add3A_29 = arith.constant 80 : i32
    %add3A_30 = arith.addi %mul3A_2, %add3A_29 : i32
    %dma_start3A_31 = tpu.memref_slice %arg3[%add3A_30] : memref<320000xi32, #tpu.memory_space<hbm>> -> memref<80xi32, #tpu.memory_space<hbm>>
    %dma_start3A_32 = tpu.memref_slice %arg3[%add3A_30] : memref<320000xi32, #tpu.memory_space<hbm>> -> memref<80xi32, #tpu.memory_space<hbm>>
    tpu.enqueue_dma source(%dma_start3A_32 : memref<80xi32, #tpu.memory_space<hbm>>) target(%arg15 : memref<80xi32, #tpu.memory_space<vmem>>) target_semaphore(%arg36 : memref<!tpu.dma_semaphore, #tpu.memory_space<semaphore_mem>>)
    %add3A_33 = arith.constant 160 : i32
    %add3A_34 = arith.addi %mul3A_2, %add3A_33 : i32
    %dma_start3A_35 = tpu.memref_slice %arg2[%add3A_34] : memref<320000xi32, #tpu.memory_space<hbm>> -> memref<80xi32, #tpu.memory_space<hbm>>
    %dma_start3A_36 = tpu.memref_slice %arg2[%add3A_34] : memref<320000xi32, #tpu.memory_space<hbm>> -> memref<80xi32, #tpu.memory_space<hbm>>
    tpu.enqueue_dma source(%dma_start3A_36 : memref<80xi32, #tpu.memory_space<hbm>>) target(%arg8 : memref<80xi32, #tpu.memory_space<vmem>>) target_semaphore(%arg29 : memref<!tpu.dma_semaphore, #tpu.memory_space<semaphore_mem>>)
    %add3A_37 = arith.constant 160 : i32
    %add3A_38 = arith.addi %mul3A_2, %add3A_37 : i32
    %dma_start3A_39 = tpu.memref_slice %arg3[%add3A_38] : memref<320000xi32, #tpu.memory_space<hbm>> -> memref<80xi32, #tpu.memory_space<hbm>>
    %dma_start3A_40 = tpu.memref_slice %arg3[%add3A_38] : memref<320000xi32, #tpu.memory_space<hbm>> -> memref<80xi32, #tpu.memory_space<hbm>>
    tpu.enqueue_dma source(%dma_start3A_40 : memref<80xi32, #tpu.memory_space<hbm>>) target(%arg16 : memref<80xi32, #tpu.memory_space<vmem>>) target_semaphore(%arg37 : memref<!tpu.dma_semaphore, #tpu.memory_space<semaphore_mem>>)
    %add3A_41 = arith.constant 240 : i32
    %add3A_42 = arith.addi %mul3A_2, %add3A_41 : i32
    %dma_start3A_43 = tpu.memref_slice %arg2[%add3A_42] : memref<320000xi32, #tpu.memory_space<hbm>> -> memref<80xi32, #tpu.memory_space<hbm>>
    %dma_start3A_44 = tpu.memref_slice %arg2[%add3A_42] : memref<320000xi32, #tpu.memory_space<hbm>> -> memref<80xi32, #tpu.memory_space<hbm>>
    tpu.enqueue_dma source(%dma_start3A_44 : memref<80xi32, #tpu.memory_space<hbm>>) target(%arg9 : memref<80xi32, #tpu.memory_space<vmem>>) target_semaphore(%arg30 : memref<!tpu.dma_semaphore, #tpu.memory_space<semaphore_mem>>)
    %add3A_45 = arith.constant 240 : i32
    %add3A_46 = arith.addi %mul3A_2, %add3A_45 : i32
    %dma_start3A_47 = tpu.memref_slice %arg3[%add3A_46] : memref<320000xi32, #tpu.memory_space<hbm>> -> memref<80xi32, #tpu.memory_space<hbm>>
    %dma_start3A_48 = tpu.memref_slice %arg3[%add3A_46] : memref<320000xi32, #tpu.memory_space<hbm>> -> memref<80xi32, #tpu.memory_space<hbm>>
    tpu.enqueue_dma source(%dma_start3A_48 : memref<80xi32, #tpu.memory_space<hbm>>) target(%arg17 : memref<80xi32, #tpu.memory_space<vmem>>) target_semaphore(%arg38 : memref<!tpu.dma_semaphore, #tpu.memory_space<semaphore_mem>>)
    %add3A_49 = arith.constant 320 : i32
    %add3A_50 = arith.addi %mul3A_2, %add3A_49 : i32
    %dma_start3A_51 = tpu.memref_slice %arg2[%add3A_50] : memref<320000xi32, #tpu.memory_space<hbm>> -> memref<80xi32, #tpu.memory_space<hbm>>
    %dma_start3A_52 = tpu.memref_slice %arg2[%add3A_50] : memref<320000xi32, #tpu.memory_space<hbm>> -> memref<80xi32, #tpu.memory_space<hbm>>
    tpu.enqueue_dma source(%dma_start3A_52 : memref<80xi32, #tpu.memory_space<hbm>>) target(%arg10 : memref<80xi32, #tpu.memory_space<vmem>>) target_semaphore(%arg31 : memref<!tpu.dma_semaphore, #tpu.memory_space<semaphore_mem>>)
    %add3A_53 = arith.constant 320 : i32
    %add3A_54 = arith.addi %mul3A_2, %add3A_53 : i32
    %dma_start3A_55 = tpu.memref_slice %arg3[%add3A_54] : memref<320000xi32, #tpu.memory_space<hbm>> -> memref<80xi32, #tpu.memory_space<hbm>>
    %dma_start3A_56 = tpu.memref_slice %arg3[%add3A_54] : memref<320000xi32, #tpu.memory_space<hbm>> -> memref<80xi32, #tpu.memory_space<hbm>>
    tpu.enqueue_dma source(%dma_start3A_56 : memref<80xi32, #tpu.memory_space<hbm>>) target(%arg18 : memref<80xi32, #tpu.memory_space<vmem>>) target_semaphore(%arg39 : memref<!tpu.dma_semaphore, #tpu.memory_space<semaphore_mem>>)
    %add3A_57 = arith.constant 400 : i32
    %add3A_58 = arith.addi %mul3A_2, %add3A_57 : i32
    %dma_start3A_59 = tpu.memref_slice %arg2[%add3A_58] : memref<320000xi32, #tpu.memory_space<hbm>> -> memref<80xi32, #tpu.memory_space<hbm>>
    %dma_start3A_60 = tpu.memref_slice %arg2[%add3A_58] : memref<320000xi32, #tpu.memory_space<hbm>> -> memref<80xi32, #tpu.memory_space<hbm>>
    tpu.enqueue_dma source(%dma_start3A_60 : memref<80xi32, #tpu.memory_space<hbm>>) target(%arg11 : memref<80xi32, #tpu.memory_space<vmem>>) target_semaphore(%arg32 : memref<!tpu.dma_semaphore, #tpu.memory_space<semaphore_mem>>)
    %add3A_61 = arith.constant 400 : i32
    %add3A_62 = arith.addi %mul3A_2, %add3A_61 : i32
    %dma_start3A_63 = tpu.memref_slice %arg3[%add3A_62] : memref<320000xi32, #tpu.memory_space<hbm>> -> memref<80xi32, #tpu.memory_space<hbm>>
    %dma_start3A_64 = tpu.memref_slice %arg3[%add3A_62] : memref<320000xi32, #tpu.memory_space<hbm>> -> memref<80xi32, #tpu.memory_space<hbm>>
    tpu.enqueue_dma source(%dma_start3A_64 : memref<80xi32, #tpu.memory_space<hbm>>) target(%arg19 : memref<80xi32, #tpu.memory_space<vmem>>) target_semaphore(%arg40 : memref<!tpu.dma_semaphore, #tpu.memory_space<semaphore_mem>>)
    %add3A_65 = arith.constant 480 : i32
    %add3A_66 = arith.addi %mul3A_2, %add3A_65 : i32
    %dma_start3A_67 = tpu.memref_slice %arg2[%add3A_66] : memref<320000xi32, #tpu.memory_space<hbm>> -> memref<80xi32, #tpu.memory_space<hbm>>
    %dma_start3A_68 = tpu.memref_slice %arg2[%add3A_66] : memref<320000xi32, #tpu.memory_space<hbm>> -> memref<80xi32, #tpu.memory_space<hbm>>
    tpu.enqueue_dma source(%dma_start3A_68 : memref<80xi32, #tpu.memory_space<hbm>>) target(%arg12 : memref<80xi32, #tpu.memory_space<vmem>>) target_semaphore(%arg33 : memref<!tpu.dma_semaphore, #tpu.memory_space<semaphore_mem>>)
    %add3A_69 = arith.constant 480 : i32
    %add3A_70 = arith.addi %mul3A_2, %add3A_69 : i32
    %dma_start3A_71 = tpu.memref_slice %arg3[%add3A_70] : memref<320000xi32, #tpu.memory_space<hbm>> -> memref<80xi32, #tpu.memory_space<hbm>>
    %dma_start3A_72 = tpu.memref_slice %arg3[%add3A_70] : memref<320000xi32, #tpu.memory_space<hbm>> -> memref<80xi32, #tpu.memory_space<hbm>>
    tpu.enqueue_dma source(%dma_start3A_72 : memref<80xi32, #tpu.memory_space<hbm>>) target(%arg20 : memref<80xi32, #tpu.memory_space<vmem>>) target_semaphore(%arg41 : memref<!tpu.dma_semaphore, #tpu.memory_space<semaphore_mem>>)
    %add3A_73 = arith.constant 560 : i32
    %add3A_74 = arith.addi %mul3A_2, %add3A_73 : i32
    %dma_start3A_75 = tpu.memref_slice %arg2[%add3A_74] : memref<320000xi32, #tpu.memory_space<hbm>> -> memref<80xi32, #tpu.memory_space<hbm>>
    %dma_start3A_76 = tpu.memref_slice %arg2[%add3A_74] : memref<320000xi32, #tpu.memory_space<hbm>> -> memref<80xi32, #tpu.memory_space<hbm>>
    tpu.enqueue_dma source(%dma_start3A_76 : memref<80xi32, #tpu.memory_space<hbm>>) target(%arg13 : memref<80xi32, #tpu.memory_space<vmem>>) target_semaphore(%arg34 : memref<!tpu.dma_semaphore, #tpu.memory_space<semaphore_mem>>)
    %add3A_77 = arith.constant 560 : i32
    %add3A_78 = arith.addi %mul3A_2, %add3A_77 : i32
    %dma_start3A_79 = tpu.memref_slice %arg3[%add3A_78] : memref<320000xi32, #tpu.memory_space<hbm>> -> memref<80xi32, #tpu.memory_space<hbm>>
    %dma_start3A_80 = tpu.memref_slice %arg3[%add3A_78] : memref<320000xi32, #tpu.memory_space<hbm>> -> memref<80xi32, #tpu.memory_space<hbm>>
    tpu.enqueue_dma source(%dma_start3A_80 : memref<80xi32, #tpu.memory_space<hbm>>) target(%arg21 : memref<80xi32, #tpu.memory_space<vmem>>) target_semaphore(%arg42 : memref<!tpu.dma_semaphore, #tpu.memory_space<semaphore_mem>>)
    %add3A_81 = arith.constant 0 : i32
    %add3A_82 = arith.addi %mul3A_2, %add3A_81 : i32
    %dma_wait3A = tpu.memref_slice %arg2[%add3A_82] : memref<320000xi32, #tpu.memory_space<hbm>> -> memref<80xi32, #tpu.memory_space<hbm>>
    %dma_wait3A_83 = tpu.memref_slice %arg2[%add3A_82] : memref<320000xi32, #tpu.memory_space<hbm>> -> memref<80xi32, #tpu.memory_space<hbm>>
    tpu.wait_dma2 semaphore(%arg27 : memref<!tpu.dma_semaphore, #tpu.memory_space<semaphore_mem>>) src(%dma_wait3A_83 : memref<80xi32, #tpu.memory_space<hbm>>) dst(%arg6 : memref<80xi32, #tpu.memory_space<vmem>>)
    %add3A_84 = arith.constant 0 : i32
    %add3A_85 = arith.addi %mul3A_2, %add3A_84 : i32
    %dma_wait3A_86 = tpu.memref_slice %arg3[%add3A_85] : memref<320000xi32, #tpu.memory_space<hbm>> -> memref<80xi32, #tpu.memory_space<hbm>>
    %dma_wait3A_87 = tpu.memref_slice %arg3[%add3A_85] : memref<320000xi32, #tpu.memory_space<hbm>> -> memref<80xi32, #tpu.memory_space<hbm>>
    tpu.wait_dma2 semaphore(%arg35 : memref<!tpu.dma_semaphore, #tpu.memory_space<semaphore_mem>>) src(%dma_wait3A_87 : memref<80xi32, #tpu.memory_space<hbm>>) dst(%arg14 : memref<80xi32, #tpu.memory_space<vmem>>)
    %dma_start3A_88 = arith.constant 0 : i32
    %dma_start3A_89 = arith.constant 0 : i32
    %dma_start3A_90 = tpu.memref_slice %arg4[%dma_start3A_88, %dma_start3A_89] : memref<10000x128xf32, #tpu.memory_space<hbm>> -> memref<10000x128xf32, #tpu.memory_space<hbm>>
    tpu.enqueue_indirect_dma source(%dma_start3A_90 : memref<10000x128xf32, #tpu.memory_space<hbm>>) target(%arg22 : memref<80x128xf32, #tpu.memory_space<vmem>>) offsets(%arg6 : memref<80xi32, #tpu.memory_space<vmem>>) semaphore(%arg43 : memref<!tpu.dma_semaphore, #tpu.memory_space<semaphore_mem>>)
    %add3A_91 = arith.constant 80 : i32
    %add3A_92 = arith.addi %mul3A_2, %add3A_91 : i32
    %dma_wait3A_93 = tpu.memref_slice %arg2[%add3A_92] : memref<320000xi32, #tpu.memory_space<hbm>> -> memref<80xi32, #tpu.memory_space<hbm>>
    %dma_wait3A_94 = tpu.memref_slice %arg2[%add3A_92] : memref<320000xi32, #tpu.memory_space<hbm>> -> memref<80xi32, #tpu.memory_space<hbm>>
    tpu.wait_dma2 semaphore(%arg28 : memref<!tpu.dma_semaphore, #tpu.memory_space<semaphore_mem>>) src(%dma_wait3A_94 : memref<80xi32, #tpu.memory_space<hbm>>) dst(%arg7 : memref<80xi32, #tpu.memory_space<vmem>>)
    %add3A_95 = arith.constant 80 : i32
    %add3A_96 = arith.addi %mul3A_2, %add3A_95 : i32
    %dma_wait3A_97 = tpu.memref_slice %arg3[%add3A_96] : memref<320000xi32, #tpu.memory_space<hbm>> -> memref<80xi32, #tpu.memory_space<hbm>>
    %dma_wait3A_98 = tpu.memref_slice %arg3[%add3A_96] : memref<320000xi32, #tpu.memory_space<hbm>> -> memref<80xi32, #tpu.memory_space<hbm>>
    tpu.wait_dma2 semaphore(%arg36 : memref<!tpu.dma_semaphore, #tpu.memory_space<semaphore_mem>>) src(%dma_wait3A_98 : memref<80xi32, #tpu.memory_space<hbm>>) dst(%arg15 : memref<80xi32, #tpu.memory_space<vmem>>)
    %dma_start3A_99 = arith.constant 0 : i32
    %dma_start3A_100 = arith.constant 0 : i32
    %dma_start3A_101 = tpu.memref_slice %arg4[%dma_start3A_99, %dma_start3A_100] : memref<10000x128xf32, #tpu.memory_space<hbm>> -> memref<10000x128xf32, #tpu.memory_space<hbm>>
    tpu.enqueue_indirect_dma source(%dma_start3A_101 : memref<10000x128xf32, #tpu.memory_space<hbm>>) target(%arg23 : memref<80x128xf32, #tpu.memory_space<vmem>>) offsets(%arg7 : memref<80xi32, #tpu.memory_space<vmem>>) semaphore(%arg44 : memref<!tpu.dma_semaphore, #tpu.memory_space<semaphore_mem>>)
    %add3A_102 = arith.constant 160 : i32
    %add3A_103 = arith.addi %mul3A_2, %add3A_102 : i32
    %dma_wait3A_104 = tpu.memref_slice %arg2[%add3A_103] : memref<320000xi32, #tpu.memory_space<hbm>> -> memref<80xi32, #tpu.memory_space<hbm>>
    %dma_wait3A_105 = tpu.memref_slice %arg2[%add3A_103] : memref<320000xi32, #tpu.memory_space<hbm>> -> memref<80xi32, #tpu.memory_space<hbm>>
    tpu.wait_dma2 semaphore(%arg29 : memref<!tpu.dma_semaphore, #tpu.memory_space<semaphore_mem>>) src(%dma_wait3A_105 : memref<80xi32, #tpu.memory_space<hbm>>) dst(%arg8 : memref<80xi32, #tpu.memory_space<vmem>>)
    %add3A_106 = arith.constant 160 : i32
    %add3A_107 = arith.addi %mul3A_2, %add3A_106 : i32
    %dma_wait3A_108 = tpu.memref_slice %arg3[%add3A_107] : memref<320000xi32, #tpu.memory_space<hbm>> -> memref<80xi32, #tpu.memory_space<hbm>>
    %dma_wait3A_109 = tpu.memref_slice %arg3[%add3A_107] : memref<320000xi32, #tpu.memory_space<hbm>> -> memref<80xi32, #tpu.memory_space<hbm>>
    tpu.wait_dma2 semaphore(%arg37 : memref<!tpu.dma_semaphore, #tpu.memory_space<semaphore_mem>>) src(%dma_wait3A_109 : memref<80xi32, #tpu.memory_space<hbm>>) dst(%arg16 : memref<80xi32, #tpu.memory_space<vmem>>)
    %dma_start3A_110 = arith.constant 0 : i32
    %dma_start3A_111 = arith.constant 0 : i32
    %dma_start3A_112 = tpu.memref_slice %arg4[%dma_start3A_110, %dma_start3A_111] : memref<10000x128xf32, #tpu.memory_space<hbm>> -> memref<10000x128xf32, #tpu.memory_space<hbm>>
    tpu.enqueue_indirect_dma source(%dma_start3A_112 : memref<10000x128xf32, #tpu.memory_space<hbm>>) target(%arg24 : memref<80x128xf32, #tpu.memory_space<vmem>>) offsets(%arg8 : memref<80xi32, #tpu.memory_space<vmem>>) semaphore(%arg45 : memref<!tpu.dma_semaphore, #tpu.memory_space<semaphore_mem>>)
    %add3A_113 = arith.constant 240 : i32
    %add3A_114 = arith.addi %mul3A_2, %add3A_113 : i32
    %dma_wait3A_115 = tpu.memref_slice %arg2[%add3A_114] : memref<320000xi32, #tpu.memory_space<hbm>> -> memref<80xi32, #tpu.memory_space<hbm>>
    %dma_wait3A_116 = tpu.memref_slice %arg2[%add3A_114] : memref<320000xi32, #tpu.memory_space<hbm>> -> memref<80xi32, #tpu.memory_space<hbm>>
    tpu.wait_dma2 semaphore(%arg30 : memref<!tpu.dma_semaphore, #tpu.memory_space<semaphore_mem>>) src(%dma_wait3A_116 : memref<80xi32, #tpu.memory_space<hbm>>) dst(%arg9 : memref<80xi32, #tpu.memory_space<vmem>>)
    %add3A_117 = arith.constant 240 : i32
    %add3A_118 = arith.addi %mul3A_2, %add3A_117 : i32
    %dma_wait3A_119 = tpu.memref_slice %arg3[%add3A_118] : memref<320000xi32, #tpu.memory_space<hbm>> -> memref<80xi32, #tpu.memory_space<hbm>>
    %dma_wait3A_120 = tpu.memref_slice %arg3[%add3A_118] : memref<320000xi32, #tpu.memory_space<hbm>> -> memref<80xi32, #tpu.memory_space<hbm>>
    tpu.wait_dma2 semaphore(%arg38 : memref<!tpu.dma_semaphore, #tpu.memory_space<semaphore_mem>>) src(%dma_wait3A_120 : memref<80xi32, #tpu.memory_space<hbm>>) dst(%arg17 : memref<80xi32, #tpu.memory_space<vmem>>)
    %dma_start3A_121 = arith.constant 0 : i32
    %dma_start3A_122 = arith.constant 0 : i32
    %dma_start3A_123 = tpu.memref_slice %arg4[%dma_start3A_121, %dma_start3A_122] : memref<10000x128xf32, #tpu.memory_space<hbm>> -> memref<10000x128xf32, #tpu.memory_space<hbm>>
    tpu.enqueue_indirect_dma source(%dma_start3A_123 : memref<10000x128xf32, #tpu.memory_space<hbm>>) target(%arg25 : memref<80x128xf32, #tpu.memory_space<vmem>>) offsets(%arg9 : memref<80xi32, #tpu.memory_space<vmem>>) semaphore(%arg46 : memref<!tpu.dma_semaphore, #tpu.memory_space<semaphore_mem>>)
    %scan3A_124 = arith.constant 0 : i32
    %scan3A_125 = arith.constant 0 : i32
    %scan3A_126 = arith.constant 16 : i32
    %scan3A_127 = arith.addi %scan3A_125, %scan3A_126 : i32
    %scan3A_128 = arith.constant 1 : i32
    %scan3A_129 = scf.for %scan3A_139 = %scan3A_125 to %scan3A_127 step %scan3A_128 iter_args(%scan3A_140 = %scan3A_124) -> (i32)  : i32 {
      %mul3A_141 = arith.constant 8 : i32
      %mul3A_142 = arith.muli %mul3A_141, %scan3A_139 : i32
      %add3A_143 = arith.constant 0 : i32
      %add3A_144 = arith.addi %mul3A_142, %add3A_143 : i32
      %lt3A = arith.constant 125 : i32
      %lt3A_145 = arith.cmpi slt, %add3A_144, %lt3A : i32
      %convert_element_type3A = arith.extui %lt3A_145 : i1 to i32
      %cond3A = arith.constant 0 : i32
      %cond3A_146 = arith.cmpi ne, %convert_element_type3A, %cond3A : i32
      scf.if %cond3A_146 {
        %dma_wait3A_197 = arith.constant 0 : i32
        %dma_wait3A_198 = arith.constant 0 : i32
        %dma_wait3A_199 = tpu.memref_slice %arg4[%dma_wait3A_197, %dma_wait3A_198] : memref<10000x128xf32, #tpu.memory_space<hbm>> -> memref<10000x128xf32, #tpu.memory_space<hbm>>
        tpu.wait_indirect_dma semaphore(%arg43 : memref<!tpu.dma_semaphore, #tpu.memory_space<semaphore_mem>>) src(%dma_wait3A_199 : memref<10000x128xf32, #tpu.memory_space<hbm>>) dst(%arg22 : memref<80x128xf32, #tpu.memory_space<vmem>>)
        "tpu.region"() ({
          %run_scoped3A = tpu.sem_alloc : memref<!tpu.dma_semaphore, #tpu.memory_space<semaphore_mem>>
          %dma_start3A_214 = arith.constant 0 : i32
          %dma_start3A_215 = arith.constant 0 : i32
          %dma_start3A_216 = tpu.memref_slice %arg26[%dma_start3A_214, %dma_start3A_215] : memref<10240x128xf32, #tpu.memory_space<vmem_shared>> -> memref<10240x128xf32, #tpu.memory_space<vmem_shared>>
          tpu.enqueue_indirect_dma source(%arg22 : memref<80x128xf32, #tpu.memory_space<vmem>>) target(%dma_start3A_216 : memref<10240x128xf32, #tpu.memory_space<vmem_shared>>) offsets(%arg14 : memref<80xi32, #tpu.memory_space<vmem>>) semaphore(%run_scoped3A : memref<!tpu.dma_semaphore, #tpu.memory_space<semaphore_mem>>) {add = true}
          %dma_wait3A_217 = arith.constant 0 : i32
          %dma_wait3A_218 = arith.constant 0 : i32
          %dma_wait3A_219 = tpu.memref_slice %arg26[%dma_wait3A_217, %dma_wait3A_218] : memref<10240x128xf32, #tpu.memory_space<vmem_shared>> -> memref<10240x128xf32, #tpu.memory_space<vmem_shared>>
          tpu.wait_indirect_dma semaphore(%run_scoped3A : memref<!tpu.dma_semaphore, #tpu.memory_space<semaphore_mem>>) src(%arg22 : memref<80x128xf32, #tpu.memory_space<vmem>>) dst(%dma_wait3A_219 : memref<10240x128xf32, #tpu.memory_space<vmem_shared>>)
          tpu.yield
        }) : () -> ()
        %add3A_200 = arith.constant 8 : i32
        %add3A_201 = arith.addi %add3A_144, %add3A_200 : i32
        %lt3A_202 = arith.constant 125 : i32
        %lt3A_203 = arith.cmpi slt, %add3A_201, %lt3A_202 : i32
        %convert_element_type3A_204 = arith.extui %lt3A_203 : i1 to i32
        %cond3A_205 = arith.constant 0 : i32
        %cond3A_206 = arith.cmpi ne, %convert_element_type3A_204, %cond3A_205 : i32
        scf.if %cond3A_206 {
          %add3A_214 = arith.constant 8 : i32
          %add3A_215 = arith.addi %add3A_144, %add3A_214 : i32
          %mul3A_216 = arith.constant 80 : i32
          %mul3A_217 = arith.muli %add3A_215, %mul3A_216 : i32
          %add3A_218 = arith.addi %mul3A_2, %mul3A_217 : i32
          %dma_start3A_219 = tpu.memref_slice %arg2[%add3A_218] : memref<320000xi32, #tpu.memory_space<hbm>> -> memref<80xi32, #tpu.memory_space<hbm>>
          %dma_start3A_220 = tpu.memref_slice %arg2[%add3A_218] : memref<320000xi32, #tpu.memory_space<hbm>> -> memref<80xi32, #tpu.memory_space<hbm>>
          tpu.enqueue_dma source(%dma_start3A_220 : memref<80xi32, #tpu.memory_space<hbm>>) target(%arg6 : memref<80xi32, #tpu.memory_space<vmem>>) target_semaphore(%arg27 : memref<!tpu.dma_semaphore, #tpu.memory_space<semaphore_mem>>)
          %mul3A_221 = arith.constant 80 : i32
          %mul3A_222 = arith.muli %add3A_215, %mul3A_221 : i32
          %add3A_223 = arith.addi %mul3A_2, %mul3A_222 : i32
          %dma_start3A_224 = tpu.memref_slice %arg3[%add3A_223] : memref<320000xi32, #tpu.memory_space<hbm>> -> memref<80xi32, #tpu.memory_space<hbm>>
          %dma_start3A_225 = tpu.memref_slice %arg3[%add3A_223] : memref<320000xi32, #tpu.memory_space<hbm>> -> memref<80xi32, #tpu.memory_space<hbm>>
          tpu.enqueue_dma source(%dma_start3A_225 : memref<80xi32, #tpu.memory_space<hbm>>) target(%arg14 : memref<80xi32, #tpu.memory_space<vmem>>) target_semaphore(%arg35 : memref<!tpu.dma_semaphore, #tpu.memory_space<semaphore_mem>>)
        } else {
        }
        %add3A_207 = arith.constant 4 : i32
        %add3A_208 = arith.addi %add3A_144, %add3A_207 : i32
        %lt3A_209 = arith.constant 125 : i32
        %lt3A_210 = arith.cmpi slt, %add3A_208, %lt3A_209 : i32
        %convert_element_type3A_211 = arith.extui %lt3A_210 : i1 to i32
        %cond3A_212 = arith.constant 0 : i32
        %cond3A_213 = arith.cmpi ne, %convert_element_type3A_211, %cond3A_212 : i32
        scf.if %cond3A_213 {
          %add3A_214 = arith.constant 4 : i32
          %add3A_215 = arith.addi %add3A_144, %add3A_214 : i32
          %mul3A_216 = arith.constant 80 : i32
          %mul3A_217 = arith.muli %add3A_215, %mul3A_216 : i32
          %add3A_218 = arith.addi %mul3A_2, %mul3A_217 : i32
          %dma_wait3A_219 = tpu.memref_slice %arg2[%add3A_218] : memref<320000xi32, #tpu.memory_space<hbm>> -> memref<80xi32, #tpu.memory_space<hbm>>
          %dma_wait3A_220 = tpu.memref_slice %arg2[%add3A_218] : memref<320000xi32, #tpu.memory_space<hbm>> -> memref<80xi32, #tpu.memory_space<hbm>>
          tpu.wait_dma2 semaphore(%arg31 : memref<!tpu.dma_semaphore, #tpu.memory_space<semaphore_mem>>) src(%dma_wait3A_220 : memref<80xi32, #tpu.memory_space<hbm>>) dst(%arg10 : memref<80xi32, #tpu.memory_space<vmem>>)
          %mul3A_221 = arith.constant 80 : i32
          %mul3A_222 = arith.muli %add3A_215, %mul3A_221 : i32
          %add3A_223 = arith.addi %mul3A_2, %mul3A_222 : i32
          %dma_wait3A_224 = tpu.memref_slice %arg3[%add3A_223] : memref<320000xi32, #tpu.memory_space<hbm>> -> memref<80xi32, #tpu.memory_space<hbm>>
          %dma_wait3A_225 = tpu.memref_slice %arg3[%add3A_223] : memref<320000xi32, #tpu.memory_space<hbm>> -> memref<80xi32, #tpu.memory_space<hbm>>
          tpu.wait_dma2 semaphore(%arg39 : memref<!tpu.dma_semaphore, #tpu.memory_space<semaphore_mem>>) src(%dma_wait3A_225 : memref<80xi32, #tpu.memory_space<hbm>>) dst(%arg18 : memref<80xi32, #tpu.memory_space<vmem>>)
          %dma_start3A_226 = arith.constant 0 : i32
          %dma_start3A_227 = arith.constant 0 : i32
          %dma_start3A_228 = tpu.memref_slice %arg4[%dma_start3A_226, %dma_start3A_227] : memref<10000x128xf32, #tpu.memory_space<hbm>> -> memref<10000x128xf32, #tpu.memory_space<hbm>>
          tpu.enqueue_indirect_dma source(%dma_start3A_228 : memref<10000x128xf32, #tpu.memory_space<hbm>>) target(%arg22 : memref<80x128xf32, #tpu.memory_space<vmem>>) offsets(%arg10 : memref<80xi32, #tpu.memory_space<vmem>>) semaphore(%arg43 : memref<!tpu.dma_semaphore, #tpu.memory_space<semaphore_mem>>)
        } else {
        }
      } else {
      }
      %add3A_147 = arith.constant 1 : i32
      %add3A_148 = arith.addi %mul3A_142, %add3A_147 : i32
      %lt3A_149 = arith.constant 125 : i32
      %lt3A_150 = arith.cmpi slt, %add3A_148, %lt3A_149 : i32
      %convert_element_type3A_151 = arith.extui %lt3A_150 : i1 to i32
      %cond3A_152 = arith.constant 0 : i32
      %cond3A_153 = arith.cmpi ne, %convert_element_type3A_151, %cond3A_152 : i32
      scf.if %cond3A_153 {
        %dma_wait3A_197 = arith.constant 0 : i32
        %dma_wait3A_198 = arith.constant 0 : i32
        %dma_wait3A_199 = tpu.memref_slice %arg4[%dma_wait3A_197, %dma_wait3A_198] : memref<10000x128xf32, #tpu.memory_space<hbm>> -> memref<10000x128xf32, #tpu.memory_space<hbm>>
        tpu.wait_indirect_dma semaphore(%arg44 : memref<!tpu.dma_semaphore, #tpu.memory_space<semaphore_mem>>) src(%dma_wait3A_199 : memref<10000x128xf32, #tpu.memory_space<hbm>>) dst(%arg23 : memref<80x128xf32, #tpu.memory_space<vmem>>)
        "tpu.region"() ({
          %run_scoped3A = tpu.sem_alloc : memref<!tpu.dma_semaphore, #tpu.memory_space<semaphore_mem>>
          %dma_start3A_214 = arith.constant 0 : i32
          %dma_start3A_215 = arith.constant 0 : i32
          %dma_start3A_216 = tpu.memref_slice %arg26[%dma_start3A_214, %dma_start3A_215] : memref<10240x128xf32, #tpu.memory_space<vmem_shared>> -> memref<10240x128xf32, #tpu.memory_space<vmem_shared>>
          tpu.enqueue_indirect_dma source(%arg23 : memref<80x128xf32, #tpu.memory_space<vmem>>) target(%dma_start3A_216 : memref<10240x128xf32, #tpu.memory_space<vmem_shared>>) offsets(%arg15 : memref<80xi32, #tpu.memory_space<vmem>>) semaphore(%run_scoped3A : memref<!tpu.dma_semaphore, #tpu.memory_space<semaphore_mem>>) {add = true}
          %dma_wait3A_217 = arith.constant 0 : i32
          %dma_wait3A_218 = arith.constant 0 : i32
          %dma_wait3A_219 = tpu.memref_slice %arg26[%dma_wait3A_217, %dma_wait3A_218] : memref<10240x128xf32, #tpu.memory_space<vmem_shared>> -> memref<10240x128xf32, #tpu.memory_space<vmem_shared>>
          tpu.wait_indirect_dma semaphore(%run_scoped3A : memref<!tpu.dma_semaphore, #tpu.memory_space<semaphore_mem>>) src(%arg23 : memref<80x128xf32, #tpu.memory_space<vmem>>) dst(%dma_wait3A_219 : memref<10240x128xf32, #tpu.memory_space<vmem_shared>>)
          tpu.yield
        }) : () -> ()
        %add3A_200 = arith.constant 8 : i32
        %add3A_201 = arith.addi %add3A_148, %add3A_200 : i32
        %lt3A_202 = arith.constant 125 : i32
        %lt3A_203 = arith.cmpi slt, %add3A_201, %lt3A_202 : i32
        %convert_element_type3A_204 = arith.extui %lt3A_203 : i1 to i32
        %cond3A_205 = arith.constant 0 : i32
        %cond3A_206 = arith.cmpi ne, %convert_element_type3A_204, %cond3A_205 : i32
        scf.if %cond3A_206 {
          %add3A_214 = arith.constant 8 : i32
          %add3A_215 = arith.addi %add3A_148, %add3A_214 : i32
          %mul3A_216 = arith.constant 80 : i32
          %mul3A_217 = arith.muli %add3A_215, %mul3A_216 : i32
          %add3A_218 = arith.addi %mul3A_2, %mul3A_217 : i32
          %dma_start3A_219 = tpu.memref_slice %arg2[%add3A_218] : memref<320000xi32, #tpu.memory_space<hbm>> -> memref<80xi32, #tpu.memory_space<hbm>>
          %dma_start3A_220 = tpu.memref_slice %arg2[%add3A_218] : memref<320000xi32, #tpu.memory_space<hbm>> -> memref<80xi32, #tpu.memory_space<hbm>>
          tpu.enqueue_dma source(%dma_start3A_220 : memref<80xi32, #tpu.memory_space<hbm>>) target(%arg7 : memref<80xi32, #tpu.memory_space<vmem>>) target_semaphore(%arg28 : memref<!tpu.dma_semaphore, #tpu.memory_space<semaphore_mem>>)
          %mul3A_221 = arith.constant 80 : i32
          %mul3A_222 = arith.muli %add3A_215, %mul3A_221 : i32
          %add3A_223 = arith.addi %mul3A_2, %mul3A_222 : i32
          %dma_start3A_224 = tpu.memref_slice %arg3[%add3A_223] : memref<320000xi32, #tpu.memory_space<hbm>> -> memref<80xi32, #tpu.memory_space<hbm>>
          %dma_start3A_225 = tpu.memref_slice %arg3[%add3A_223] : memref<320000xi32, #tpu.memory_space<hbm>> -> memref<80xi32, #tpu.memory_space<hbm>>
          tpu.enqueue_dma source(%dma_start3A_225 : memref<80xi32, #tpu.memory_space<hbm>>) target(%arg15 : memref<80xi32, #tpu.memory_space<vmem>>) target_semaphore(%arg36 : memref<!tpu.dma_semaphore, #tpu.memory_space<semaphore_mem>>)
        } else {
        }
        %add3A_207 = arith.constant 4 : i32
        %add3A_208 = arith.addi %add3A_148, %add3A_207 : i32
        %lt3A_209 = arith.constant 125 : i32
        %lt3A_210 = arith.cmpi slt, %add3A_208, %lt3A_209 : i32
        %convert_element_type3A_211 = arith.extui %lt3A_210 : i1 to i32
        %cond3A_212 = arith.constant 0 : i32
        %cond3A_213 = arith.cmpi ne, %convert_element_type3A_211, %cond3A_212 : i32
        scf.if %cond3A_213 {
          %add3A_214 = arith.constant 4 : i32
          %add3A_215 = arith.addi %add3A_148, %add3A_214 : i32
          %mul3A_216 = arith.constant 80 : i32
          %mul3A_217 = arith.muli %add3A_215, %mul3A_216 : i32
          %add3A_218 = arith.addi %mul3A_2, %mul3A_217 : i32
          %dma_wait3A_219 = tpu.memref_slice %arg2[%add3A_218] : memref<320000xi32, #tpu.memory_space<hbm>> -> memref<80xi32, #tpu.memory_space<hbm>>
          %dma_wait3A_220 = tpu.memref_slice %arg2[%add3A_218] : memref<320000xi32, #tpu.memory_space<hbm>> -> memref<80xi32, #tpu.memory_space<hbm>>
          tpu.wait_dma2 semaphore(%arg32 : memref<!tpu.dma_semaphore, #tpu.memory_space<semaphore_mem>>) src(%dma_wait3A_220 : memref<80xi32, #tpu.memory_space<hbm>>) dst(%arg11 : memref<80xi32, #tpu.memory_space<vmem>>)
          %mul3A_221 = arith.constant 80 : i32
          %mul3A_222 = arith.muli %add3A_215, %mul3A_221 : i32
          %add3A_223 = arith.addi %mul3A_2, %mul3A_222 : i32
          %dma_wait3A_224 = tpu.memref_slice %arg3[%add3A_223] : memref<320000xi32, #tpu.memory_space<hbm>> -> memref<80xi32, #tpu.memory_space<hbm>>
          %dma_wait3A_225 = tpu.memref_slice %arg3[%add3A_223] : memref<320000xi32, #tpu.memory_space<hbm>> -> memref<80xi32, #tpu.memory_space<hbm>>
          tpu.wait_dma2 semaphore(%arg40 : memref<!tpu.dma_semaphore, #tpu.memory_space<semaphore_mem>>) src(%dma_wait3A_225 : memref<80xi32, #tpu.memory_space<hbm>>) dst(%arg19 : memref<80xi32, #tpu.memory_space<vmem>>)
          %dma_start3A_226 = arith.constant 0 : i32
          %dma_start3A_227 = arith.constant 0 : i32
          %dma_start3A_228 = tpu.memref_slice %arg4[%dma_start3A_226, %dma_start3A_227] : memref<10000x128xf32, #tpu.memory_space<hbm>> -> memref<10000x128xf32, #tpu.memory_space<hbm>>
          tpu.enqueue_indirect_dma source(%dma_start3A_228 : memref<10000x128xf32, #tpu.memory_space<hbm>>) target(%arg23 : memref<80x128xf32, #tpu.memory_space<vmem>>) offsets(%arg11 : memref<80xi32, #tpu.memory_space<vmem>>) semaphore(%arg44 : memref<!tpu.dma_semaphore, #tpu.memory_space<semaphore_mem>>)
        } else {
        }
      } else {
      }
      %add3A_154 = arith.constant 2 : i32
      %add3A_155 = arith.addi %mul3A_142, %add3A_154 : i32
      %lt3A_156 = arith.constant 125 : i32
      %lt3A_157 = arith.cmpi slt, %add3A_155, %lt3A_156 : i32
      %convert_element_type3A_158 = arith.extui %lt3A_157 : i1 to i32
      %cond3A_159 = arith.constant 0 : i32
      %cond3A_160 = arith.cmpi ne, %convert_element_type3A_158, %cond3A_159 : i32
      scf.if %cond3A_160 {
        %dma_wait3A_197 = arith.constant 0 : i32
        %dma_wait3A_198 = arith.constant 0 : i32
        %dma_wait3A_199 = tpu.memref_slice %arg4[%dma_wait3A_197, %dma_wait3A_198] : memref<10000x128xf32, #tpu.memory_space<hbm>> -> memref<10000x128xf32, #tpu.memory_space<hbm>>
        tpu.wait_indirect_dma semaphore(%arg45 : memref<!tpu.dma_semaphore, #tpu.memory_space<semaphore_mem>>) src(%dma_wait3A_199 : memref<10000x128xf32, #tpu.memory_space<hbm>>) dst(%arg24 : memref<80x128xf32, #tpu.memory_space<vmem>>)
        "tpu.region"() ({
          %run_scoped3A = tpu.sem_alloc : memref<!tpu.dma_semaphore, #tpu.memory_space<semaphore_mem>>
          %dma_start3A_214 = arith.constant 0 : i32
          %dma_start3A_215 = arith.constant 0 : i32
          %dma_start3A_216 = tpu.memref_slice %arg26[%dma_start3A_214, %dma_start3A_215] : memref<10240x128xf32, #tpu.memory_space<vmem_shared>> -> memref<10240x128xf32, #tpu.memory_space<vmem_shared>>
          tpu.enqueue_indirect_dma source(%arg24 : memref<80x128xf32, #tpu.memory_space<vmem>>) target(%dma_start3A_216 : memref<10240x128xf32, #tpu.memory_space<vmem_shared>>) offsets(%arg16 : memref<80xi32, #tpu.memory_space<vmem>>) semaphore(%run_scoped3A : memref<!tpu.dma_semaphore, #tpu.memory_space<semaphore_mem>>) {add = true}
          %dma_wait3A_217 = arith.constant 0 : i32
          %dma_wait3A_218 = arith.constant 0 : i32
          %dma_wait3A_219 = tpu.memref_slice %arg26[%dma_wait3A_217, %dma_wait3A_218] : memref<10240x128xf32, #tpu.memory_space<vmem_shared>> -> memref<10240x128xf32, #tpu.memory_space<vmem_shared>>
          tpu.wait_indirect_dma semaphore(%run_scoped3A : memref<!tpu.dma_semaphore, #tpu.memory_space<semaphore_mem>>) src(%arg24 : memref<80x128xf32, #tpu.memory_space<vmem>>) dst(%dma_wait3A_219 : memref<10240x128xf32, #tpu.memory_space<vmem_shared>>)
          tpu.yield
        }) : () -> ()
        %add3A_200 = arith.constant 8 : i32
        %add3A_201 = arith.addi %add3A_155, %add3A_200 : i32
        %lt3A_202 = arith.constant 125 : i32
        %lt3A_203 = arith.cmpi slt, %add3A_201, %lt3A_202 : i32
        %convert_element_type3A_204 = arith.extui %lt3A_203 : i1 to i32
        %cond3A_205 = arith.constant 0 : i32
        %cond3A_206 = arith.cmpi ne, %convert_element_type3A_204, %cond3A_205 : i32
        scf.if %cond3A_206 {
          %add3A_214 = arith.constant 8 : i32
          %add3A_215 = arith.addi %add3A_155, %add3A_214 : i32
          %mul3A_216 = arith.constant 80 : i32
          %mul3A_217 = arith.muli %add3A_215, %mul3A_216 : i32
          %add3A_218 = arith.addi %mul3A_2, %mul3A_217 : i32
          %dma_start3A_219 = tpu.memref_slice %arg2[%add3A_218] : memref<320000xi32, #tpu.memory_space<hbm>> -> memref<80xi32, #tpu.memory_space<hbm>>
          %dma_start3A_220 = tpu.memref_slice %arg2[%add3A_218] : memref<320000xi32, #tpu.memory_space<hbm>> -> memref<80xi32, #tpu.memory_space<hbm>>
          tpu.enqueue_dma source(%dma_start3A_220 : memref<80xi32, #tpu.memory_space<hbm>>) target(%arg8 : memref<80xi32, #tpu.memory_space<vmem>>) target_semaphore(%arg29 : memref<!tpu.dma_semaphore, #tpu.memory_space<semaphore_mem>>)
          %mul3A_221 = arith.constant 80 : i32
          %mul3A_222 = arith.muli %add3A_215, %mul3A_221 : i32
          %add3A_223 = arith.addi %mul3A_2, %mul3A_222 : i32
          %dma_start3A_224 = tpu.memref_slice %arg3[%add3A_223] : memref<320000xi32, #tpu.memory_space<hbm>> -> memref<80xi32, #tpu.memory_space<hbm>>
          %dma_start3A_225 = tpu.memref_slice %arg3[%add3A_223] : memref<320000xi32, #tpu.memory_space<hbm>> -> memref<80xi32, #tpu.memory_space<hbm>>
          tpu.enqueue_dma source(%dma_start3A_225 : memref<80xi32, #tpu.memory_space<hbm>>) target(%arg16 : memref<80xi32, #tpu.memory_space<vmem>>) target_semaphore(%arg37 : memref<!tpu.dma_semaphore, #tpu.memory_space<semaphore_mem>>)
        } else {
        }
        %add3A_207 = arith.constant 4 : i32
        %add3A_208 = arith.addi %add3A_155, %add3A_207 : i32
        %lt3A_209 = arith.constant 125 : i32
        %lt3A_210 = arith.cmpi slt, %add3A_208, %lt3A_209 : i32
        %convert_element_type3A_211 = arith.extui %lt3A_210 : i1 to i32
        %cond3A_212 = arith.constant 0 : i32
        %cond3A_213 = arith.cmpi ne, %convert_element_type3A_211, %cond3A_212 : i32
        scf.if %cond3A_213 {
          %add3A_214 = arith.constant 4 : i32
          %add3A_215 = arith.addi %add3A_155, %add3A_214 : i32
          %mul3A_216 = arith.constant 80 : i32
          %mul3A_217 = arith.muli %add3A_215, %mul3A_216 : i32
          %add3A_218 = arith.addi %mul3A_2, %mul3A_217 : i32
          %dma_wait3A_219 = tpu.memref_slice %arg2[%add3A_218] : memref<320000xi32, #tpu.memory_space<hbm>> -> memref<80xi32, #tpu.memory_space<hbm>>
          %dma_wait3A_220 = tpu.memref_slice %arg2[%add3A_218] : memref<320000xi32, #tpu.memory_space<hbm>> -> memref<80xi32, #tpu.memory_space<hbm>>
          tpu.wait_dma2 semaphore(%arg33 : memref<!tpu.dma_semaphore, #tpu.memory_space<semaphore_mem>>) src(%dma_wait3A_220 : memref<80xi32, #tpu.memory_space<hbm>>) dst(%arg12 : memref<80xi32, #tpu.memory_space<vmem>>)
          %mul3A_221 = arith.constant 80 : i32
          %mul3A_222 = arith.muli %add3A_215, %mul3A_221 : i32
          %add3A_223 = arith.addi %mul3A_2, %mul3A_222 : i32
          %dma_wait3A_224 = tpu.memref_slice %arg3[%add3A_223] : memref<320000xi32, #tpu.memory_space<hbm>> -> memref<80xi32, #tpu.memory_space<hbm>>
          %dma_wait3A_225 = tpu.memref_slice %arg3[%add3A_223] : memref<320000xi32, #tpu.memory_space<hbm>> -> memref<80xi32, #tpu.memory_space<hbm>>
          tpu.wait_dma2 semaphore(%arg41 : memref<!tpu.dma_semaphore, #tpu.memory_space<semaphore_mem>>) src(%dma_wait3A_225 : memref<80xi32, #tpu.memory_space<hbm>>) dst(%arg20 : memref<80xi32, #tpu.memory_space<vmem>>)
          %dma_start3A_226 = arith.constant 0 : i32
          %dma_start3A_227 = arith.constant 0 : i32
          %dma_start3A_228 = tpu.memref_slice %arg4[%dma_start3A_226, %dma_start3A_227] : memref<10000x128xf32, #tpu.memory_space<hbm>> -> memref<10000x128xf32, #tpu.memory_space<hbm>>
          tpu.enqueue_indirect_dma source(%dma_start3A_228 : memref<10000x128xf32, #tpu.memory_space<hbm>>) target(%arg24 : memref<80x128xf32, #tpu.memory_space<vmem>>) offsets(%arg12 : memref<80xi32, #tpu.memory_space<vmem>>) semaphore(%arg45 : memref<!tpu.dma_semaphore, #tpu.memory_space<semaphore_mem>>)
        } else {
        }
      } else {
      }
      %add3A_161 = arith.constant 3 : i32
      %add3A_162 = arith.addi %mul3A_142, %add3A_161 : i32
      %lt3A_163 = arith.constant 125 : i32
      %lt3A_164 = arith.cmpi slt, %add3A_162, %lt3A_163 : i32
      %convert_element_type3A_165 = arith.extui %lt3A_164 : i1 to i32
      %cond3A_166 = arith.constant 0 : i32
      %cond3A_167 = arith.cmpi ne, %convert_element_type3A_165, %cond3A_166 : i32
      scf.if %cond3A_167 {
        %dma_wait3A_197 = arith.constant 0 : i32
        %dma_wait3A_198 = arith.constant 0 : i32
        %dma_wait3A_199 = tpu.memref_slice %arg4[%dma_wait3A_197, %dma_wait3A_198] : memref<10000x128xf32, #tpu.memory_space<hbm>> -> memref<10000x128xf32, #tpu.memory_space<hbm>>
        tpu.wait_indirect_dma semaphore(%arg46 : memref<!tpu.dma_semaphore, #tpu.memory_space<semaphore_mem>>) src(%dma_wait3A_199 : memref<10000x128xf32, #tpu.memory_space<hbm>>) dst(%arg25 : memref<80x128xf32, #tpu.memory_space<vmem>>)
        "tpu.region"() ({
          %run_scoped3A = tpu.sem_alloc : memref<!tpu.dma_semaphore, #tpu.memory_space<semaphore_mem>>
          %dma_start3A_214 = arith.constant 0 : i32
          %dma_start3A_215 = arith.constant 0 : i32
          %dma_start3A_216 = tpu.memref_slice %arg26[%dma_start3A_214, %dma_start3A_215] : memref<10240x128xf32, #tpu.memory_space<vmem_shared>> -> memref<10240x128xf32, #tpu.memory_space<vmem_shared>>
          tpu.enqueue_indirect_dma source(%arg25 : memref<80x128xf32, #tpu.memory_space<vmem>>) target(%dma_start3A_216 : memref<10240x128xf32, #tpu.memory_space<vmem_shared>>) offsets(%arg17 : memref<80xi32, #tpu.memory_space<vmem>>) semaphore(%run_scoped3A : memref<!tpu.dma_semaphore, #tpu.memory_space<semaphore_mem>>) {add = true}
          %dma_wait3A_217 = arith.constant 0 : i32
          %dma_wait3A_218 = arith.constant 0 : i32
          %dma_wait3A_219 = tpu.memref_slice %arg26[%dma_wait3A_217, %dma_wait3A_218] : memref<10240x128xf32, #tpu.memory_space<vmem_shared>> -> memref<10240x128xf32, #tpu.memory_space<vmem_shared>>
          tpu.wait_indirect_dma semaphore(%run_scoped3A : memref<!tpu.dma_semaphore, #tpu.memory_space<semaphore_mem>>) src(%arg25 : memref<80x128xf32, #tpu.memory_space<vmem>>) dst(%dma_wait3A_219 : memref<10240x128xf32, #tpu.memory_space<vmem_shared>>)
          tpu.yield
        }) : () -> ()
        %add3A_200 = arith.constant 8 : i32
        %add3A_201 = arith.addi %add3A_162, %add3A_200 : i32
        %lt3A_202 = arith.constant 125 : i32
        %lt3A_203 = arith.cmpi slt, %add3A_201, %lt3A_202 : i32
        %convert_element_type3A_204 = arith.extui %lt3A_203 : i1 to i32
        %cond3A_205 = arith.constant 0 : i32
        %cond3A_206 = arith.cmpi ne, %convert_element_type3A_204, %cond3A_205 : i32
        scf.if %cond3A_206 {
          %add3A_214 = arith.constant 8 : i32
          %add3A_215 = arith.addi %add3A_162, %add3A_214 : i32
          %mul3A_216 = arith.constant 80 : i32
          %mul3A_217 = arith.muli %add3A_215, %mul3A_216 : i32
          %add3A_218 = arith.addi %mul3A_2, %mul3A_217 : i32
          %dma_start3A_219 = tpu.memref_slice %arg2[%add3A_218] : memref<320000xi32, #tpu.memory_space<hbm>> -> memref<80xi32, #tpu.memory_space<hbm>>
          %dma_start3A_220 = tpu.memref_slice %arg2[%add3A_218] : memref<320000xi32, #tpu.memory_space<hbm>> -> memref<80xi32, #tpu.memory_space<hbm>>
          tpu.enqueue_dma source(%dma_start3A_220 : memref<80xi32, #tpu.memory_space<hbm>>) target(%arg9 : memref<80xi32, #tpu.memory_space<vmem>>) target_semaphore(%arg30 : memref<!tpu.dma_semaphore, #tpu.memory_space<semaphore_mem>>)
          %mul3A_221 = arith.constant 80 : i32
          %mul3A_222 = arith.muli %add3A_215, %mul3A_221 : i32
          %add3A_223 = arith.addi %mul3A_2, %mul3A_222 : i32
          %dma_start3A_224 = tpu.memref_slice %arg3[%add3A_223] : memref<320000xi32, #tpu.memory_space<hbm>> -> memref<80xi32, #tpu.memory_space<hbm>>
          %dma_start3A_225 = tpu.memref_slice %arg3[%add3A_223] : memref<320000xi32, #tpu.memory_space<hbm>> -> memref<80xi32, #tpu.memory_space<hbm>>
          tpu.enqueue_dma source(%dma_start3A_225 : memref<80xi32, #tpu.memory_space<hbm>>) target(%arg17 : memref<80xi32, #tpu.memory_space<vmem>>) target_semaphore(%arg38 : memref<!tpu.dma_semaphore, #tpu.memory_space<semaphore_mem>>)
        } else {
        }
        %add3A_207 = arith.constant 4 : i32
        %add3A_208 = arith.addi %add3A_162, %add3A_207 : i32
        %lt3A_209 = arith.constant 125 : i32
        %lt3A_210 = arith.cmpi slt, %add3A_208, %lt3A_209 : i32
        %convert_element_type3A_211 = arith.extui %lt3A_210 : i1 to i32
        %cond3A_212 = arith.constant 0 : i32
        %cond3A_213 = arith.cmpi ne, %convert_element_type3A_211, %cond3A_212 : i32
        scf.if %cond3A_213 {
          %add3A_214 = arith.constant 4 : i32
          %add3A_215 = arith.addi %add3A_162, %add3A_214 : i32
          %mul3A_216 = arith.constant 80 : i32
          %mul3A_217 = arith.muli %add3A_215, %mul3A_216 : i32
          %add3A_218 = arith.addi %mul3A_2, %mul3A_217 : i32
          %dma_wait3A_219 = tpu.memref_slice %arg2[%add3A_218] : memref<320000xi32, #tpu.memory_space<hbm>> -> memref<80xi32, #tpu.memory_space<hbm>>
          %dma_wait3A_220 = tpu.memref_slice %arg2[%add3A_218] : memref<320000xi32, #tpu.memory_space<hbm>> -> memref<80xi32, #tpu.memory_space<hbm>>
          tpu.wait_dma2 semaphore(%arg34 : memref<!tpu.dma_semaphore, #tpu.memory_space<semaphore_mem>>) src(%dma_wait3A_220 : memref<80xi32, #tpu.memory_space<hbm>>) dst(%arg13 : memref<80xi32, #tpu.memory_space<vmem>>)
          %mul3A_221 = arith.constant 80 : i32
          %mul3A_222 = arith.muli %add3A_215, %mul3A_221 : i32
          %add3A_223 = arith.addi %mul3A_2, %mul3A_222 : i32
          %dma_wait3A_224 = tpu.memref_slice %arg3[%add3A_223] : memref<320000xi32, #tpu.memory_space<hbm>> -> memref<80xi32, #tpu.memory_space<hbm>>
          %dma_wait3A_225 = tpu.memref_slice %arg3[%add3A_223] : memref<320000xi32, #tpu.memory_space<hbm>> -> memref<80xi32, #tpu.memory_space<hbm>>
          tpu.wait_dma2 semaphore(%arg42 : memref<!tpu.dma_semaphore, #tpu.memory_space<semaphore_mem>>) src(%dma_wait3A_225 : memref<80xi32, #tpu.memory_space<hbm>>) dst(%arg21 : memref<80xi32, #tpu.memory_space<vmem>>)
          %dma_start3A_226 = arith.constant 0 : i32
          %dma_start3A_227 = arith.constant 0 : i32
          %dma_start3A_228 = tpu.memref_slice %arg4[%dma_start3A_226, %dma_start3A_227] : memref<10000x128xf32, #tpu.memory_space<hbm>> -> memref<10000x128xf32, #tpu.memory_space<hbm>>
          tpu.enqueue_indirect_dma source(%dma_start3A_228 : memref<10000x128xf32, #tpu.memory_space<hbm>>) target(%arg25 : memref<80x128xf32, #tpu.memory_space<vmem>>) offsets(%arg13 : memref<80xi32, #tpu.memory_space<vmem>>) semaphore(%arg46 : memref<!tpu.dma_semaphore, #tpu.memory_space<semaphore_mem>>)
        } else {
        }
      } else {
      }
      %add3A_168 = arith.constant 4 : i32
      %add3A_169 = arith.addi %mul3A_142, %add3A_168 : i32
      %lt3A_170 = arith.constant 125 : i32
      %lt3A_171 = arith.cmpi slt, %add3A_169, %lt3A_170 : i32
      %convert_element_type3A_172 = arith.extui %lt3A_171 : i1 to i32
      %cond3A_173 = arith.constant 0 : i32
      %cond3A_174 = arith.cmpi ne, %convert_element_type3A_172, %cond3A_173 : i32
      scf.if %cond3A_174 {
        %dma_wait3A_197 = arith.constant 0 : i32
        %dma_wait3A_198 = arith.constant 0 : i32
        %dma_wait3A_199 = tpu.memref_slice %arg4[%dma_wait3A_197, %dma_wait3A_198] : memref<10000x128xf32, #tpu.memory_space<hbm>> -> memref<10000x128xf32, #tpu.memory_space<hbm>>
        tpu.wait_indirect_dma semaphore(%arg43 : memref<!tpu.dma_semaphore, #tpu.memory_space<semaphore_mem>>) src(%dma_wait3A_199 : memref<10000x128xf32, #tpu.memory_space<hbm>>) dst(%arg22 : memref<80x128xf32, #tpu.memory_space<vmem>>)
        "tpu.region"() ({
          %run_scoped3A = tpu.sem_alloc : memref<!tpu.dma_semaphore, #tpu.memory_space<semaphore_mem>>
          %dma_start3A_214 = arith.constant 0 : i32
          %dma_start3A_215 = arith.constant 0 : i32
          %dma_start3A_216 = tpu.memref_slice %arg26[%dma_start3A_214, %dma_start3A_215] : memref<10240x128xf32, #tpu.memory_space<vmem_shared>> -> memref<10240x128xf32, #tpu.memory_space<vmem_shared>>
          tpu.enqueue_indirect_dma source(%arg22 : memref<80x128xf32, #tpu.memory_space<vmem>>) target(%dma_start3A_216 : memref<10240x128xf32, #tpu.memory_space<vmem_shared>>) offsets(%arg18 : memref<80xi32, #tpu.memory_space<vmem>>) semaphore(%run_scoped3A : memref<!tpu.dma_semaphore, #tpu.memory_space<semaphore_mem>>) {add = true}
          %dma_wait3A_217 = arith.constant 0 : i32
          %dma_wait3A_218 = arith.constant 0 : i32
          %dma_wait3A_219 = tpu.memref_slice %arg26[%dma_wait3A_217, %dma_wait3A_218] : memref<10240x128xf32, #tpu.memory_space<vmem_shared>> -> memref<10240x128xf32, #tpu.memory_space<vmem_shared>>
          tpu.wait_indirect_dma semaphore(%run_scoped3A : memref<!tpu.dma_semaphore, #tpu.memory_space<semaphore_mem>>) src(%arg22 : memref<80x128xf32, #tpu.memory_space<vmem>>) dst(%dma_wait3A_219 : memref<10240x128xf32, #tpu.memory_space<vmem_shared>>)
          tpu.yield
        }) : () -> ()
        %add3A_200 = arith.constant 8 : i32
        %add3A_201 = arith.addi %add3A_169, %add3A_200 : i32
        %lt3A_202 = arith.constant 125 : i32
        %lt3A_203 = arith.cmpi slt, %add3A_201, %lt3A_202 : i32
        %convert_element_type3A_204 = arith.extui %lt3A_203 : i1 to i32
        %cond3A_205 = arith.constant 0 : i32
        %cond3A_206 = arith.cmpi ne, %convert_element_type3A_204, %cond3A_205 : i32
        scf.if %cond3A_206 {
          %add3A_214 = arith.constant 8 : i32
          %add3A_215 = arith.addi %add3A_169, %add3A_214 : i32
          %mul3A_216 = arith.constant 80 : i32
          %mul3A_217 = arith.muli %add3A_215, %mul3A_216 : i32
          %add3A_218 = arith.addi %mul3A_2, %mul3A_217 : i32
          %dma_start3A_219 = tpu.memref_slice %arg2[%add3A_218] : memref<320000xi32, #tpu.memory_space<hbm>> -> memref<80xi32, #tpu.memory_space<hbm>>
          %dma_start3A_220 = tpu.memref_slice %arg2[%add3A_218] : memref<320000xi32, #tpu.memory_space<hbm>> -> memref<80xi32, #tpu.memory_space<hbm>>
          tpu.enqueue_dma source(%dma_start3A_220 : memref<80xi32, #tpu.memory_space<hbm>>) target(%arg10 : memref<80xi32, #tpu.memory_space<vmem>>) target_semaphore(%arg31 : memref<!tpu.dma_semaphore, #tpu.memory_space<semaphore_mem>>)
          %mul3A_221 = arith.constant 80 : i32
          %mul3A_222 = arith.muli %add3A_215, %mul3A_221 : i32
          %add3A_223 = arith.addi %mul3A_2, %mul3A_222 : i32
          %dma_start3A_224 = tpu.memref_slice %arg3[%add3A_223] : memref<320000xi32, #tpu.memory_space<hbm>> -> memref<80xi32, #tpu.memory_space<hbm>>
          %dma_start3A_225 = tpu.memref_slice %arg3[%add3A_223] : memref<320000xi32, #tpu.memory_space<hbm>> -> memref<80xi32, #tpu.memory_space<hbm>>
          tpu.enqueue_dma source(%dma_start3A_225 : memref<80xi32, #tpu.memory_space<hbm>>) target(%arg18 : memref<80xi32, #tpu.memory_space<vmem>>) target_semaphore(%arg39 : memref<!tpu.dma_semaphore, #tpu.memory_space<semaphore_mem>>)
        } else {
        }
        %add3A_207 = arith.constant 4 : i32
        %add3A_208 = arith.addi %add3A_169, %add3A_207 : i32
        %lt3A_209 = arith.constant 125 : i32
        %lt3A_210 = arith.cmpi slt, %add3A_208, %lt3A_209 : i32
        %convert_element_type3A_211 = arith.extui %lt3A_210 : i1 to i32
        %cond3A_212 = arith.constant 0 : i32
        %cond3A_213 = arith.cmpi ne, %convert_element_type3A_211, %cond3A_212 : i32
        scf.if %cond3A_213 {
          %add3A_214 = arith.constant 4 : i32
          %add3A_215 = arith.addi %add3A_169, %add3A_214 : i32
          %mul3A_216 = arith.constant 80 : i32
          %mul3A_217 = arith.muli %add3A_215, %mul3A_216 : i32
          %add3A_218 = arith.addi %mul3A_2, %mul3A_217 : i32
          %dma_wait3A_219 = tpu.memref_slice %arg2[%add3A_218] : memref<320000xi32, #tpu.memory_space<hbm>> -> memref<80xi32, #tpu.memory_space<hbm>>
          %dma_wait3A_220 = tpu.memref_slice %arg2[%add3A_218] : memref<320000xi32, #tpu.memory_space<hbm>> -> memref<80xi32, #tpu.memory_space<hbm>>
          tpu.wait_dma2 semaphore(%arg27 : memref<!tpu.dma_semaphore, #tpu.memory_space<semaphore_mem>>) src(%dma_wait3A_220 : memref<80xi32, #tpu.memory_space<hbm>>) dst(%arg6 : memref<80xi32, #tpu.memory_space<vmem>>)
          %mul3A_221 = arith.constant 80 : i32
          %mul3A_222 = arith.muli %add3A_215, %mul3A_221 : i32
          %add3A_223 = arith.addi %mul3A_2, %mul3A_222 : i32
          %dma_wait3A_224 = tpu.memref_slice %arg3[%add3A_223] : memref<320000xi32, #tpu.memory_space<hbm>> -> memref<80xi32, #tpu.memory_space<hbm>>
          %dma_wait3A_225 = tpu.memref_slice %arg3[%add3A_223] : memref<320000xi32, #tpu.memory_space<hbm>> -> memref<80xi32, #tpu.memory_space<hbm>>
          tpu.wait_dma2 semaphore(%arg35 : memref<!tpu.dma_semaphore, #tpu.memory_space<semaphore_mem>>) src(%dma_wait3A_225 : memref<80xi32, #tpu.memory_space<hbm>>) dst(%arg14 : memref<80xi32, #tpu.memory_space<vmem>>)
          %dma_start3A_226 = arith.constant 0 : i32
          %dma_start3A_227 = arith.constant 0 : i32
          %dma_start3A_228 = tpu.memref_slice %arg4[%dma_start3A_226, %dma_start3A_227] : memref<10000x128xf32, #tpu.memory_space<hbm>> -> memref<10000x128xf32, #tpu.memory_space<hbm>>
          tpu.enqueue_indirect_dma source(%dma_start3A_228 : memref<10000x128xf32, #tpu.memory_space<hbm>>) target(%arg22 : memref<80x128xf32, #tpu.memory_space<vmem>>) offsets(%arg6 : memref<80xi32, #tpu.memory_space<vmem>>) semaphore(%arg43 : memref<!tpu.dma_semaphore, #tpu.memory_space<semaphore_mem>>)
        } else {
        }
      } else {
      }
      %add3A_175 = arith.constant 5 : i32
      %add3A_176 = arith.addi %mul3A_142, %add3A_175 : i32
      %lt3A_177 = arith.constant 125 : i32
      %lt3A_178 = arith.cmpi slt, %add3A_176, %lt3A_177 : i32
      %convert_element_type3A_179 = arith.extui %lt3A_178 : i1 to i32
      %cond3A_180 = arith.constant 0 : i32
      %cond3A_181 = arith.cmpi ne, %convert_element_type3A_179, %cond3A_180 : i32
      scf.if %cond3A_181 {
        %dma_wait3A_197 = arith.constant 0 : i32
        %dma_wait3A_198 = arith.constant 0 : i32
        %dma_wait3A_199 = tpu.memref_slice %arg4[%dma_wait3A_197, %dma_wait3A_198] : memref<10000x128xf32, #tpu.memory_space<hbm>> -> memref<10000x128xf32, #tpu.memory_space<hbm>>
        tpu.wait_indirect_dma semaphore(%arg44 : memref<!tpu.dma_semaphore, #tpu.memory_space<semaphore_mem>>) src(%dma_wait3A_199 : memref<10000x128xf32, #tpu.memory_space<hbm>>) dst(%arg23 : memref<80x128xf32, #tpu.memory_space<vmem>>)
        "tpu.region"() ({
          %run_scoped3A = tpu.sem_alloc : memref<!tpu.dma_semaphore, #tpu.memory_space<semaphore_mem>>
          %dma_start3A_214 = arith.constant 0 : i32
          %dma_start3A_215 = arith.constant 0 : i32
          %dma_start3A_216 = tpu.memref_slice %arg26[%dma_start3A_214, %dma_start3A_215] : memref<10240x128xf32, #tpu.memory_space<vmem_shared>> -> memref<10240x128xf32, #tpu.memory_space<vmem_shared>>
          tpu.enqueue_indirect_dma source(%arg23 : memref<80x128xf32, #tpu.memory_space<vmem>>) target(%dma_start3A_216 : memref<10240x128xf32, #tpu.memory_space<vmem_shared>>) offsets(%arg19 : memref<80xi32, #tpu.memory_space<vmem>>) semaphore(%run_scoped3A : memref<!tpu.dma_semaphore, #tpu.memory_space<semaphore_mem>>) {add = true}
          %dma_wait3A_217 = arith.constant 0 : i32
          %dma_wait3A_218 = arith.constant 0 : i32
          %dma_wait3A_219 = tpu.memref_slice %arg26[%dma_wait3A_217, %dma_wait3A_218] : memref<10240x128xf32, #tpu.memory_space<vmem_shared>> -> memref<10240x128xf32, #tpu.memory_space<vmem_shared>>
          tpu.wait_indirect_dma semaphore(%run_scoped3A : memref<!tpu.dma_semaphore, #tpu.memory_space<semaphore_mem>>) src(%arg23 : memref<80x128xf32, #tpu.memory_space<vmem>>) dst(%dma_wait3A_219 : memref<10240x128xf32, #tpu.memory_space<vmem_shared>>)
          tpu.yield
        }) : () -> ()
        %add3A_200 = arith.constant 8 : i32
        %add3A_201 = arith.addi %add3A_176, %add3A_200 : i32
        %lt3A_202 = arith.constant 125 : i32
        %lt3A_203 = arith.cmpi slt, %add3A_201, %lt3A_202 : i32
        %convert_element_type3A_204 = arith.extui %lt3A_203 : i1 to i32
        %cond3A_205 = arith.constant 0 : i32
        %cond3A_206 = arith.cmpi ne, %convert_element_type3A_204, %cond3A_205 : i32
        scf.if %cond3A_206 {
          %add3A_214 = arith.constant 8 : i32
          %add3A_215 = arith.addi %add3A_176, %add3A_214 : i32
          %mul3A_216 = arith.constant 80 : i32
          %mul3A_217 = arith.muli %add3A_215, %mul3A_216 : i32
          %add3A_218 = arith.addi %mul3A_2, %mul3A_217 : i32
          %dma_start3A_219 = tpu.memref_slice %arg2[%add3A_218] : memref<320000xi32, #tpu.memory_space<hbm>> -> memref<80xi32, #tpu.memory_space<hbm>>
          %dma_start3A_220 = tpu.memref_slice %arg2[%add3A_218] : memref<320000xi32, #tpu.memory_space<hbm>> -> memref<80xi32, #tpu.memory_space<hbm>>
          tpu.enqueue_dma source(%dma_start3A_220 : memref<80xi32, #tpu.memory_space<hbm>>) target(%arg11 : memref<80xi32, #tpu.memory_space<vmem>>) target_semaphore(%arg32 : memref<!tpu.dma_semaphore, #tpu.memory_space<semaphore_mem>>)
          %mul3A_221 = arith.constant 80 : i32
          %mul3A_222 = arith.muli %add3A_215, %mul3A_221 : i32
          %add3A_223 = arith.addi %mul3A_2, %mul3A_222 : i32
          %dma_start3A_224 = tpu.memref_slice %arg3[%add3A_223] : memref<320000xi32, #tpu.memory_space<hbm>> -> memref<80xi32, #tpu.memory_space<hbm>>
          %dma_start3A_225 = tpu.memref_slice %arg3[%add3A_223] : memref<320000xi32, #tpu.memory_space<hbm>> -> memref<80xi32, #tpu.memory_space<hbm>>
          tpu.enqueue_dma source(%dma_start3A_225 : memref<80xi32, #tpu.memory_space<hbm>>) target(%arg19 : memref<80xi32, #tpu.memory_space<vmem>>) target_semaphore(%arg40 : memref<!tpu.dma_semaphore, #tpu.memory_space<semaphore_mem>>)
        } else {
        }
        %add3A_207 = arith.constant 4 : i32
        %add3A_208 = arith.addi %add3A_176, %add3A_207 : i32
        %lt3A_209 = arith.constant 125 : i32
        %lt3A_210 = arith.cmpi slt, %add3A_208, %lt3A_209 : i32
        %convert_element_type3A_211 = arith.extui %lt3A_210 : i1 to i32
        %cond3A_212 = arith.constant 0 : i32
        %cond3A_213 = arith.cmpi ne, %convert_element_type3A_211, %cond3A_212 : i32
        scf.if %cond3A_213 {
          %add3A_214 = arith.constant 4 : i32
          %add3A_215 = arith.addi %add3A_176, %add3A_214 : i32
          %mul3A_216 = arith.constant 80 : i32
          %mul3A_217 = arith.muli %add3A_215, %mul3A_216 : i32
          %add3A_218 = arith.addi %mul3A_2, %mul3A_217 : i32
          %dma_wait3A_219 = tpu.memref_slice %arg2[%add3A_218] : memref<320000xi32, #tpu.memory_space<hbm>> -> memref<80xi32, #tpu.memory_space<hbm>>
          %dma_wait3A_220 = tpu.memref_slice %arg2[%add3A_218] : memref<320000xi32, #tpu.memory_space<hbm>> -> memref<80xi32, #tpu.memory_space<hbm>>
          tpu.wait_dma2 semaphore(%arg28 : memref<!tpu.dma_semaphore, #tpu.memory_space<semaphore_mem>>) src(%dma_wait3A_220 : memref<80xi32, #tpu.memory_space<hbm>>) dst(%arg7 : memref<80xi32, #tpu.memory_space<vmem>>)
          %mul3A_221 = arith.constant 80 : i32
          %mul3A_222 = arith.muli %add3A_215, %mul3A_221 : i32
          %add3A_223 = arith.addi %mul3A_2, %mul3A_222 : i32
          %dma_wait3A_224 = tpu.memref_slice %arg3[%add3A_223] : memref<320000xi32, #tpu.memory_space<hbm>> -> memref<80xi32, #tpu.memory_space<hbm>>
          %dma_wait3A_225 = tpu.memref_slice %arg3[%add3A_223] : memref<320000xi32, #tpu.memory_space<hbm>> -> memref<80xi32, #tpu.memory_space<hbm>>
          tpu.wait_dma2 semaphore(%arg36 : memref<!tpu.dma_semaphore, #tpu.memory_space<semaphore_mem>>) src(%dma_wait3A_225 : memref<80xi32, #tpu.memory_space<hbm>>) dst(%arg15 : memref<80xi32, #tpu.memory_space<vmem>>)
          %dma_start3A_226 = arith.constant 0 : i32
          %dma_start3A_227 = arith.constant 0 : i32
          %dma_start3A_228 = tpu.memref_slice %arg4[%dma_start3A_226, %dma_start3A_227] : memref<10000x128xf32, #tpu.memory_space<hbm>> -> memref<10000x128xf32, #tpu.memory_space<hbm>>
          tpu.enqueue_indirect_dma source(%dma_start3A_228 : memref<10000x128xf32, #tpu.memory_space<hbm>>) target(%arg23 : memref<80x128xf32, #tpu.memory_space<vmem>>) offsets(%arg7 : memref<80xi32, #tpu.memory_space<vmem>>) semaphore(%arg44 : memref<!tpu.dma_semaphore, #tpu.memory_space<semaphore_mem>>)
        } else {
        }
      } else {
      }
      %add3A_182 = arith.constant 6 : i32
      %add3A_183 = arith.addi %mul3A_142, %add3A_182 : i32
      %lt3A_184 = arith.constant 125 : i32
      %lt3A_185 = arith.cmpi slt, %add3A_183, %lt3A_184 : i32
      %convert_element_type3A_186 = arith.extui %lt3A_185 : i1 to i32
      %cond3A_187 = arith.constant 0 : i32
      %cond3A_188 = arith.cmpi ne, %convert_element_type3A_186, %cond3A_187 : i32
      scf.if %cond3A_188 {
        %dma_wait3A_197 = arith.constant 0 : i32
        %dma_wait3A_198 = arith.constant 0 : i32
        %dma_wait3A_199 = tpu.memref_slice %arg4[%dma_wait3A_197, %dma_wait3A_198] : memref<10000x128xf32, #tpu.memory_space<hbm>> -> memref<10000x128xf32, #tpu.memory_space<hbm>>
        tpu.wait_indirect_dma semaphore(%arg45 : memref<!tpu.dma_semaphore, #tpu.memory_space<semaphore_mem>>) src(%dma_wait3A_199 : memref<10000x128xf32, #tpu.memory_space<hbm>>) dst(%arg24 : memref<80x128xf32, #tpu.memory_space<vmem>>)
        "tpu.region"() ({
          %run_scoped3A = tpu.sem_alloc : memref<!tpu.dma_semaphore, #tpu.memory_space<semaphore_mem>>
          %dma_start3A_214 = arith.constant 0 : i32
          %dma_start3A_215 = arith.constant 0 : i32
          %dma_start3A_216 = tpu.memref_slice %arg26[%dma_start3A_214, %dma_start3A_215] : memref<10240x128xf32, #tpu.memory_space<vmem_shared>> -> memref<10240x128xf32, #tpu.memory_space<vmem_shared>>
          tpu.enqueue_indirect_dma source(%arg24 : memref<80x128xf32, #tpu.memory_space<vmem>>) target(%dma_start3A_216 : memref<10240x128xf32, #tpu.memory_space<vmem_shared>>) offsets(%arg20 : memref<80xi32, #tpu.memory_space<vmem>>) semaphore(%run_scoped3A : memref<!tpu.dma_semaphore, #tpu.memory_space<semaphore_mem>>) {add = true}
          %dma_wait3A_217 = arith.constant 0 : i32
          %dma_wait3A_218 = arith.constant 0 : i32
          %dma_wait3A_219 = tpu.memref_slice %arg26[%dma_wait3A_217, %dma_wait3A_218] : memref<10240x128xf32, #tpu.memory_space<vmem_shared>> -> memref<10240x128xf32, #tpu.memory_space<vmem_shared>>
          tpu.wait_indirect_dma semaphore(%run_scoped3A : memref<!tpu.dma_semaphore, #tpu.memory_space<semaphore_mem>>) src(%arg24 : memref<80x128xf32, #tpu.memory_space<vmem>>) dst(%dma_wait3A_219 : memref<10240x128xf32, #tpu.memory_space<vmem_shared>>)
          tpu.yield
        }) : () -> ()
        %add3A_200 = arith.constant 8 : i32
        %add3A_201 = arith.addi %add3A_183, %add3A_200 : i32
        %lt3A_202 = arith.constant 125 : i32
        %lt3A_203 = arith.cmpi slt, %add3A_201, %lt3A_202 : i32
        %convert_element_type3A_204 = arith.extui %lt3A_203 : i1 to i32
        %cond3A_205 = arith.constant 0 : i32
        %cond3A_206 = arith.cmpi ne, %convert_element_type3A_204, %cond3A_205 : i32
        scf.if %cond3A_206 {
          %add3A_214 = arith.constant 8 : i32
          %add3A_215 = arith.addi %add3A_183, %add3A_214 : i32
          %mul3A_216 = arith.constant 80 : i32
          %mul3A_217 = arith.muli %add3A_215, %mul3A_216 : i32
          %add3A_218 = arith.addi %mul3A_2, %mul3A_217 : i32
          %dma_start3A_219 = tpu.memref_slice %arg2[%add3A_218] : memref<320000xi32, #tpu.memory_space<hbm>> -> memref<80xi32, #tpu.memory_space<hbm>>
          %dma_start3A_220 = tpu.memref_slice %arg2[%add3A_218] : memref<320000xi32, #tpu.memory_space<hbm>> -> memref<80xi32, #tpu.memory_space<hbm>>
          tpu.enqueue_dma source(%dma_start3A_220 : memref<80xi32, #tpu.memory_space<hbm>>) target(%arg12 : memref<80xi32, #tpu.memory_space<vmem>>) target_semaphore(%arg33 : memref<!tpu.dma_semaphore, #tpu.memory_space<semaphore_mem>>)
          %mul3A_221 = arith.constant 80 : i32
          %mul3A_222 = arith.muli %add3A_215, %mul3A_221 : i32
          %add3A_223 = arith.addi %mul3A_2, %mul3A_222 : i32
          %dma_start3A_224 = tpu.memref_slice %arg3[%add3A_223] : memref<320000xi32, #tpu.memory_space<hbm>> -> memref<80xi32, #tpu.memory_space<hbm>>
          %dma_start3A_225 = tpu.memref_slice %arg3[%add3A_223] : memref<320000xi32, #tpu.memory_space<hbm>> -> memref<80xi32, #tpu.memory_space<hbm>>
          tpu.enqueue_dma source(%dma_start3A_225 : memref<80xi32, #tpu.memory_space<hbm>>) target(%arg20 : memref<80xi32, #tpu.memory_space<vmem>>) target_semaphore(%arg41 : memref<!tpu.dma_semaphore, #tpu.memory_space<semaphore_mem>>)
        } else {
        }
        %add3A_207 = arith.constant 4 : i32
        %add3A_208 = arith.addi %add3A_183, %add3A_207 : i32
        %lt3A_209 = arith.constant 125 : i32
        %lt3A_210 = arith.cmpi slt, %add3A_208, %lt3A_209 : i32
        %convert_element_type3A_211 = arith.extui %lt3A_210 : i1 to i32
        %cond3A_212 = arith.constant 0 : i32
        %cond3A_213 = arith.cmpi ne, %convert_element_type3A_211, %cond3A_212 : i32
        scf.if %cond3A_213 {
          %add3A_214 = arith.constant 4 : i32
          %add3A_215 = arith.addi %add3A_183, %add3A_214 : i32
          %mul3A_216 = arith.constant 80 : i32
          %mul3A_217 = arith.muli %add3A_215, %mul3A_216 : i32
          %add3A_218 = arith.addi %mul3A_2, %mul3A_217 : i32
          %dma_wait3A_219 = tpu.memref_slice %arg2[%add3A_218] : memref<320000xi32, #tpu.memory_space<hbm>> -> memref<80xi32, #tpu.memory_space<hbm>>
          %dma_wait3A_220 = tpu.memref_slice %arg2[%add3A_218] : memref<320000xi32, #tpu.memory_space<hbm>> -> memref<80xi32, #tpu.memory_space<hbm>>
          tpu.wait_dma2 semaphore(%arg29 : memref<!tpu.dma_semaphore, #tpu.memory_space<semaphore_mem>>) src(%dma_wait3A_220 : memref<80xi32, #tpu.memory_space<hbm>>) dst(%arg8 : memref<80xi32, #tpu.memory_space<vmem>>)
          %mul3A_221 = arith.constant 80 : i32
          %mul3A_222 = arith.muli %add3A_215, %mul3A_221 : i32
          %add3A_223 = arith.addi %mul3A_2, %mul3A_222 : i32
          %dma_wait3A_224 = tpu.memref_slice %arg3[%add3A_223] : memref<320000xi32, #tpu.memory_space<hbm>> -> memref<80xi32, #tpu.memory_space<hbm>>
          %dma_wait3A_225 = tpu.memref_slice %arg3[%add3A_223] : memref<320000xi32, #tpu.memory_space<hbm>> -> memref<80xi32, #tpu.memory_space<hbm>>
          tpu.wait_dma2 semaphore(%arg37 : memref<!tpu.dma_semaphore, #tpu.memory_space<semaphore_mem>>) src(%dma_wait3A_225 : memref<80xi32, #tpu.memory_space<hbm>>) dst(%arg16 : memref<80xi32, #tpu.memory_space<vmem>>)
          %dma_start3A_226 = arith.constant 0 : i32
          %dma_start3A_227 = arith.constant 0 : i32
          %dma_start3A_228 = tpu.memref_slice %arg4[%dma_start3A_226, %dma_start3A_227] : memref<10000x128xf32, #tpu.memory_space<hbm>> -> memref<10000x128xf32, #tpu.memory_space<hbm>>
          tpu.enqueue_indirect_dma source(%dma_start3A_228 : memref<10000x128xf32, #tpu.memory_space<hbm>>) target(%arg24 : memref<80x128xf32, #tpu.memory_space<vmem>>) offsets(%arg8 : memref<80xi32, #tpu.memory_space<vmem>>) semaphore(%arg45 : memref<!tpu.dma_semaphore, #tpu.memory_space<semaphore_mem>>)
        } else {
        }
      } else {
      }
      %add3A_189 = arith.constant 7 : i32
      %add3A_190 = arith.addi %mul3A_142, %add3A_189 : i32
      %lt3A_191 = arith.constant 125 : i32
      %lt3A_192 = arith.cmpi slt, %add3A_190, %lt3A_191 : i32
      %convert_element_type3A_193 = arith.extui %lt3A_192 : i1 to i32
      %cond3A_194 = arith.constant 0 : i32
      %cond3A_195 = arith.cmpi ne, %convert_element_type3A_193, %cond3A_194 : i32
      scf.if %cond3A_195 {
        %dma_wait3A_197 = arith.constant 0 : i32
        %dma_wait3A_198 = arith.constant 0 : i32
        %dma_wait3A_199 = tpu.memref_slice %arg4[%dma_wait3A_197, %dma_wait3A_198] : memref<10000x128xf32, #tpu.memory_space<hbm>> -> memref<10000x128xf32, #tpu.memory_space<hbm>>
        tpu.wait_indirect_dma semaphore(%arg46 : memref<!tpu.dma_semaphore, #tpu.memory_space<semaphore_mem>>) src(%dma_wait3A_199 : memref<10000x128xf32, #tpu.memory_space<hbm>>) dst(%arg25 : memref<80x128xf32, #tpu.memory_space<vmem>>)
        "tpu.region"() ({
          %run_scoped3A = tpu.sem_alloc : memref<!tpu.dma_semaphore, #tpu.memory_space<semaphore_mem>>
          %dma_start3A_214 = arith.constant 0 : i32
          %dma_start3A_215 = arith.constant 0 : i32
          %dma_start3A_216 = tpu.memref_slice %arg26[%dma_start3A_214, %dma_start3A_215] : memref<10240x128xf32, #tpu.memory_space<vmem_shared>> -> memref<10240x128xf32, #tpu.memory_space<vmem_shared>>
          tpu.enqueue_indirect_dma source(%arg25 : memref<80x128xf32, #tpu.memory_space<vmem>>) target(%dma_start3A_216 : memref<10240x128xf32, #tpu.memory_space<vmem_shared>>) offsets(%arg21 : memref<80xi32, #tpu.memory_space<vmem>>) semaphore(%run_scoped3A : memref<!tpu.dma_semaphore, #tpu.memory_space<semaphore_mem>>) {add = true}
          %dma_wait3A_217 = arith.constant 0 : i32
          %dma_wait3A_218 = arith.constant 0 : i32
          %dma_wait3A_219 = tpu.memref_slice %arg26[%dma_wait3A_217, %dma_wait3A_218] : memref<10240x128xf32, #tpu.memory_space<vmem_shared>> -> memref<10240x128xf32, #tpu.memory_space<vmem_shared>>
          tpu.wait_indirect_dma semaphore(%run_scoped3A : memref<!tpu.dma_semaphore, #tpu.memory_space<semaphore_mem>>) src(%arg25 : memref<80x128xf32, #tpu.memory_space<vmem>>) dst(%dma_wait3A_219 : memref<10240x128xf32, #tpu.memory_space<vmem_shared>>)
          tpu.yield
        }) : () -> ()
        %add3A_200 = arith.constant 8 : i32
        %add3A_201 = arith.addi %add3A_190, %add3A_200 : i32
        %lt3A_202 = arith.constant 125 : i32
        %lt3A_203 = arith.cmpi slt, %add3A_201, %lt3A_202 : i32
        %convert_element_type3A_204 = arith.extui %lt3A_203 : i1 to i32
        %cond3A_205 = arith.constant 0 : i32
        %cond3A_206 = arith.cmpi ne, %convert_element_type3A_204, %cond3A_205 : i32
        scf.if %cond3A_206 {
          %add3A_214 = arith.constant 8 : i32
          %add3A_215 = arith.addi %add3A_190, %add3A_214 : i32
          %mul3A_216 = arith.constant 80 : i32
          %mul3A_217 = arith.muli %add3A_215, %mul3A_216 : i32
          %add3A_218 = arith.addi %mul3A_2, %mul3A_217 : i32
          %dma_start3A_219 = tpu.memref_slice %arg2[%add3A_218] : memref<320000xi32, #tpu.memory_space<hbm>> -> memref<80xi32, #tpu.memory_space<hbm>>
          %dma_start3A_220 = tpu.memref_slice %arg2[%add3A_218] : memref<320000xi32, #tpu.memory_space<hbm>> -> memref<80xi32, #tpu.memory_space<hbm>>
          tpu.enqueue_dma source(%dma_start3A_220 : memref<80xi32, #tpu.memory_space<hbm>>) target(%arg13 : memref<80xi32, #tpu.memory_space<vmem>>) target_semaphore(%arg34 : memref<!tpu.dma_semaphore, #tpu.memory_space<semaphore_mem>>)
          %mul3A_221 = arith.constant 80 : i32
          %mul3A_222 = arith.muli %add3A_215, %mul3A_221 : i32
          %add3A_223 = arith.addi %mul3A_2, %mul3A_222 : i32
          %dma_start3A_224 = tpu.memref_slice %arg3[%add3A_223] : memref<320000xi32, #tpu.memory_space<hbm>> -> memref<80xi32, #tpu.memory_space<hbm>>
          %dma_start3A_225 = tpu.memref_slice %arg3[%add3A_223] : memref<320000xi32, #tpu.memory_space<hbm>> -> memref<80xi32, #tpu.memory_space<hbm>>
          tpu.enqueue_dma source(%dma_start3A_225 : memref<80xi32, #tpu.memory_space<hbm>>) target(%arg21 : memref<80xi32, #tpu.memory_space<vmem>>) target_semaphore(%arg42 : memref<!tpu.dma_semaphore, #tpu.memory_space<semaphore_mem>>)
        } else {
        }
        %add3A_207 = arith.constant 4 : i32
        %add3A_208 = arith.addi %add3A_190, %add3A_207 : i32
        %lt3A_209 = arith.constant 125 : i32
        %lt3A_210 = arith.cmpi slt, %add3A_208, %lt3A_209 : i32
        %convert_element_type3A_211 = arith.extui %lt3A_210 : i1 to i32
        %cond3A_212 = arith.constant 0 : i32
        %cond3A_213 = arith.cmpi ne, %convert_element_type3A_211, %cond3A_212 : i32
        scf.if %cond3A_213 {
          %add3A_214 = arith.constant 4 : i32
          %add3A_215 = arith.addi %add3A_190, %add3A_214 : i32
          %mul3A_216 = arith.constant 80 : i32
          %mul3A_217 = arith.muli %add3A_215, %mul3A_216 : i32
          %add3A_218 = arith.addi %mul3A_2, %mul3A_217 : i32
          %dma_wait3A_219 = tpu.memref_slice %arg2[%add3A_218] : memref<320000xi32, #tpu.memory_space<hbm>> -> memref<80xi32, #tpu.memory_space<hbm>>
          %dma_wait3A_220 = tpu.memref_slice %arg2[%add3A_218] : memref<320000xi32, #tpu.memory_space<hbm>> -> memref<80xi32, #tpu.memory_space<hbm>>
          tpu.wait_dma2 semaphore(%arg30 : memref<!tpu.dma_semaphore, #tpu.memory_space<semaphore_mem>>) src(%dma_wait3A_220 : memref<80xi32, #tpu.memory_space<hbm>>) dst(%arg9 : memref<80xi32, #tpu.memory_space<vmem>>)
          %mul3A_221 = arith.constant 80 : i32
          %mul3A_222 = arith.muli %add3A_215, %mul3A_221 : i32
          %add3A_223 = arith.addi %mul3A_2, %mul3A_222 : i32
          %dma_wait3A_224 = tpu.memref_slice %arg3[%add3A_223] : memref<320000xi32, #tpu.memory_space<hbm>> -> memref<80xi32, #tpu.memory_space<hbm>>
          %dma_wait3A_225 = tpu.memref_slice %arg3[%add3A_223] : memref<320000xi32, #tpu.memory_space<hbm>> -> memref<80xi32, #tpu.memory_space<hbm>>
          tpu.wait_dma2 semaphore(%arg38 : memref<!tpu.dma_semaphore, #tpu.memory_space<semaphore_mem>>) src(%dma_wait3A_225 : memref<80xi32, #tpu.memory_space<hbm>>) dst(%arg17 : memref<80xi32, #tpu.memory_space<vmem>>)
          %dma_start3A_226 = arith.constant 0 : i32
          %dma_start3A_227 = arith.constant 0 : i32
          %dma_start3A_228 = tpu.memref_slice %arg4[%dma_start3A_226, %dma_start3A_227] : memref<10000x128xf32, #tpu.memory_space<hbm>> -> memref<10000x128xf32, #tpu.memory_space<hbm>>
          tpu.enqueue_indirect_dma source(%dma_start3A_228 : memref<10000x128xf32, #tpu.memory_space<hbm>>) target(%arg25 : memref<80x128xf32, #tpu.memory_space<vmem>>) offsets(%arg9 : memref<80xi32, #tpu.memory_space<vmem>>) semaphore(%arg46 : memref<!tpu.dma_semaphore, #tpu.memory_space<semaphore_mem>>)
        } else {
        }
      } else {
      }
      %scan3A_196 = arith.constant 0 : i32
      scf.yield %scan3A_196 : i32
    }
    %scan3A_130 = arith.constant 16 : i32
    %barrier3A_131 = arith.constant 0 : index
    tpu.barrier barrier_id(%barrier3A_131)
    %scan3A_132 = arith.constant 0 : i32
    %scan3A_133 = arith.constant 0 : i32
    %scan3A_134 = arith.constant 8 : i32
    %scan3A_135 = arith.addi %scan3A_133, %scan3A_134 : i32
    %scan3A_136 = arith.constant 1 : i32
    %scan3A_137 = scf.for %scan3A_139 = %scan3A_133 to %scan3A_135 step %scan3A_136 iter_args(%scan3A_140 = %scan3A_132) -> (i32)  : i32 {
      %mul3A_141 = arith.constant 80 : i32
      %mul3A_142 = arith.muli %scan3A_139, %mul3A_141 : i32
      %add3A_143 = arith.addi %mul3A_4, %mul3A_142 : i32
      %mul3A_144 = arith.constant 80 : i32
      %mul3A_145 = arith.muli %scan3A_139, %mul3A_144 : i32
      %add3A_146 = arith.addi %mul3A_4, %mul3A_145 : i32
      "tpu.region"() ({
        %run_scoped3A = tpu.sem_alloc : memref<!tpu.dma_semaphore, #tpu.memory_space<semaphore_mem>>
        %dma_start3A_148 = arith.constant 0 : i32
        %dma_start3A_149 = tpu.memref_slice %arg5[%arg0, %add3A_146, %dma_start3A_148] : memref<2x10240x128xf32, #tpu.memory_space<hbm>> -> memref<1x80x128xf32, #tpu.memory_space<hbm>>
        %dma_start3A_150 = tpu.memref_squeeze %dma_start3A_149 : memref<1x80x128xf32, #tpu.memory_space<hbm>> -> memref<80x128xf32, #tpu.memory_space<hbm>>
        %dma_start3A_151 = arith.constant 0 : i32
        %dma_start3A_152 = tpu.memref_slice %arg26[%add3A_143, %dma_start3A_151] : memref<10240x128xf32, #tpu.memory_space<vmem_shared>> -> memref<80x128xf32, #tpu.memory_space<vmem_shared>>
        tpu.enqueue_dma source(%dma_start3A_152 : memref<80x128xf32, #tpu.memory_space<vmem_shared>>) target(%dma_start3A_150 : memref<80x128xf32, #tpu.memory_space<hbm>>) target_semaphore(%run_scoped3A : memref<!tpu.dma_semaphore, #tpu.memory_space<semaphore_mem>>)
        %dma_wait3A_153 = arith.constant 0 : i32
        %dma_wait3A_154 = tpu.memref_slice %arg5[%arg0, %add3A_146, %dma_wait3A_153] : memref<2x10240x128xf32, #tpu.memory_space<hbm>> -> memref<1x80x128xf32, #tpu.memory_space<hbm>>
        %dma_wait3A_155 = tpu.memref_squeeze %dma_wait3A_154 : memref<1x80x128xf32, #tpu.memory_space<hbm>> -> memref<80x128xf32, #tpu.memory_space<hbm>>
        %dma_wait3A_156 = arith.constant 0 : i32
        %dma_wait3A_157 = tpu.memref_slice %arg26[%add3A_143, %dma_wait3A_156] : memref<10240x128xf32, #tpu.memory_space<vmem_shared>> -> memref<80x128xf32, #tpu.memory_space<vmem_shared>>
        tpu.wait_dma2 semaphore(%run_scoped3A : memref<!tpu.dma_semaphore, #tpu.memory_space<semaphore_mem>>) src(%dma_wait3A_157 : memref<80x128xf32, #tpu.memory_space<vmem_shared>>) dst(%dma_wait3A_155 : memref<80x128xf32, #tpu.memory_space<hbm>>)
        tpu.yield
      }) : () -> ()
      %scan3A_147 = arith.constant 0 : i32
      scf.yield %scan3A_147 : i32
    }
    %scan3A_138 = arith.constant 8 : i32
    return
  }
}

#map = affine_map<(d0, d1) -> (0)>
#map1 = affine_map<(d0, d1) -> (0, 0)>
#map2 = affine_map<(d0, d1) -> (0, 0, 0)>
module attributes {stable_mosaic.version = 14 : i64} {
  func.func @_scat(%arg0: i32, %arg1: i32, %arg2: memref<320000xi32, #tpu.memory_space<hbm>>, %arg3: memref<320000xi32, #tpu.memory_space<hbm>>, %arg4: memref<10000x128xf32, #tpu.memory_space<hbm>>, %arg5: memref<2x10240x128xf32, #tpu.memory_space<hbm>>, %arg6: memref<80xi32, #tpu.memory_space<vmem>>, %arg7: memref<80xi32, #tpu.memory_space<vmem>>, %arg8: memref<80xi32, #tpu.memory_space<vmem>>, %arg9: memref<80xi32, #tpu.memory_space<vmem>>, %arg10: memref<80xi32, #tpu.memory_space<vmem>>, %arg11: memref<80xi32, #tpu.memory_space<vmem>>, %arg12: memref<80xi32, #tpu.memory_space<vmem>>, %arg13: memref<80xi32, #tpu.memory_space<vmem>>, %arg14: memref<80xi32, #tpu.memory_space<vmem>>, %arg15: memref<80xi32, #tpu.memory_space<vmem>>, %arg16: memref<80xi32, #tpu.memory_space<vmem>>, %arg17: memref<80xi32, #tpu.memory_space<vmem>>, %arg18: memref<80xi32, #tpu.memory_space<vmem>>, %arg19: memref<80xi32, #tpu.memory_space<vmem>>, %arg20: memref<80xi32, #tpu.memory_space<vmem>>, %arg21: memref<80xi32, #tpu.memory_space<vmem>>, %arg22: memref<80x128xf32, #tpu.memory_space<vmem>>, %arg23: memref<80x128xf32, #tpu.memory_space<vmem>>, %arg24: memref<80x128xf32, #tpu.memory_space<vmem>>, %arg25: memref<80x128xf32, #tpu.memory_space<vmem>>, %arg26: memref<10240x128xf32, #tpu.memory_space<vmem_shared>>, %arg27: memref<!tpu.dma_semaphore, #tpu.memory_space<semaphore_mem>>, %arg28: memref<!tpu.dma_semaphore, #tpu.memory_space<semaphore_mem>>, %arg29: memref<!tpu.dma_semaphore, #tpu.memory_space<semaphore_mem>>, %arg30: memref<!tpu.dma_semaphore, #tpu.memory_space<semaphore_mem>>, %arg31: memref<!tpu.dma_semaphore, #tpu.memory_space<semaphore_mem>>, %arg32: memref<!tpu.dma_semaphore, #tpu.memory_space<semaphore_mem>>, %arg33: memref<!tpu.dma_semaphore, #tpu.memory_space<semaphore_mem>>, %arg34: memref<!tpu.dma_semaphore, #tpu.memory_space<semaphore_mem>>, %arg35: memref<!tpu.dma_semaphore, #tpu.memory_space<semaphore_mem>>, %arg36: memref<!tpu.dma_semaphore, #tpu.memory_space<semaphore_mem>>, %arg37: memref<!tpu.dma_semaphore, #tpu.memory_space<semaphore_mem>>, %arg38: memref<!tpu.dma_semaphore, #tpu.memory_space<semaphore_mem>>, %arg39: memref<!tpu.dma_semaphore, #tpu.memory_space<semaphore_mem>>, %arg40: memref<!tpu.dma_semaphore, #tpu.memory_space<semaphore_mem>>, %arg41: memref<!tpu.dma_semaphore, #tpu.memory_space<semaphore_mem>>, %arg42: memref<!tpu.dma_semaphore, #tpu.memory_space<semaphore_mem>>, %arg43: memref<!tpu.dma_semaphore, #tpu.memory_space<semaphore_mem>>, %arg44: memref<!tpu.dma_semaphore, #tpu.memory_space<semaphore_mem>>, %arg45: memref<!tpu.dma_semaphore, #tpu.memory_space<semaphore_mem>>, %arg46: memref<!tpu.dma_semaphore, #tpu.memory_space<semaphore_mem>>) attributes {dimension_semantics = [#tpu.dimension_semantics<core_parallel>, #tpu.dimension_semantics<subcore_parallel>], iteration_bounds = array<i64: 2, 16>, scalar_prefetch = 0 : i64, scratch_operands = 41 : i64, tpu.core_type = #tpu.core_type<sc_vector_subcore>, window_params = [{transform_indices = #map}, {transform_indices = #map}, {transform_indices = #map1}, {transform_indices = #map2}]} {
    %mul3A = arith.constant 2 : i32
    %mul3A_0 = arith.muli %arg1, %mul3A : i32
    %add3A = arith.addi %mul3A_0, %arg0 : i32
    %mul3A_1 = arith.constant 10000 : i32
    %mul3A_2 = arith.muli %add3A, %mul3A_1 : i32
    %mul3A_3 = arith.constant 640 : i32
    %mul3A_4 = arith.muli %arg1, %mul3A_3 : i32
    %scan3A = arith.constant 0 : i32
    %scan3A_5 = arith.constant 0 : i32
    %scan3A_6 = arith.constant 80 : i32
    %scan3A_7 = arith.addi %scan3A_5, %scan3A_6 : i32
    %scan3A_8 = arith.constant 2 : i32
    %scan3A_9 = scf.for %scan3A_139 = %scan3A_5 to %scan3A_7 step %scan3A_8 iter_args(%scan3A_140 = %scan3A) -> (i32)  : i32 {
      %broadcast_in_dim3A = arith.constant 0.000000e+00 : f32
      %broadcast_in_dim3A_141 = vector.broadcast %broadcast_in_dim3A : f32 to vector<16xf32>
      %swap3A = arith.index_cast %scan3A_139 : i32 to index
      %swap3A_142 = arith.constant 0 : index
      %swap3A_143 = tpu.vector_load %arg22[%swap3A, %swap3A_142] {strides = array<i32>} : memref<80x128xf32, #tpu.memory_space<vmem>>, vector<1x16xf32>,
      %swap3A_144 = vector.shape_cast %swap3A_143 : vector<1x16xf32> to vector<16xf32>
      %swap3A_145 = vector.shape_cast %broadcast_in_dim3A_141 : vector<16xf32> to vector<1x16xf32>
      tpu.vector_store %arg22[%swap3A, %swap3A_142], %swap3A_145 {strides = array<i32>} : memref<80x128xf32, #tpu.memory_space<vmem>>, vector<1x16xf32>,
      %broadcast_in_dim3A_146 = arith.constant 0.000000e+00 : f32
      %broadcast_in_dim3A_147 = vector.broadcast %broadcast_in_dim3A_146 : f32 to vector<16xf32>
      %swap3A_148 = arith.index_cast %scan3A_139 : i32 to index
      %swap3A_149 = arith.constant 16 : index
      %swap3A_150 = tpu.vector_load %arg22[%swap3A_148, %swap3A_149] {strides = array<i32>} : memref<80x128xf32, #tpu.memory_space<vmem>>, vector<1x16xf32>,
      %swap3A_151 = vector.shape_cast %swap3A_150 : vector<1x16xf32> to vector<16xf32>
      %swap3A_152 = vector.shape_cast %broadcast_in_dim3A_147 : vector<16xf32> to vector<1x16xf32>
      tpu.vector_store %arg22[%swap3A_148, %swap3A_149], %swap3A_152 {strides = array<i32>} : memref<80x128xf32, #tpu.memory_space<vmem>>, vector<1x16xf32>,
      %broadcast_in_dim3A_153 = arith.constant 0.000000e+00 : f32
      %broadcast_in_dim3A_154 = vector.broadcast %broadcast_in_dim3A_153 : f32 to vector<16xf32>
      %swap3A_155 = arith.index_cast %scan3A_139 : i32 to index
      %swap3A_156 = arith.constant 32 : index
      %swap3A_157 = tpu.vector_load %arg22[%swap3A_155, %swap3A_156] {strides = array<i32>} : memref<80x128xf32, #tpu.memory_space<vmem>>, vector<1x16xf32>,
      %swap3A_158 = vector.shape_cast %swap3A_157 : vector<1x16xf32> to vector<16xf32>
      %swap3A_159 = vector.shape_cast %broadcast_in_dim3A_154 : vector<16xf32> to vector<1x16xf32>
      tpu.vector_store %arg22[%swap3A_155, %swap3A_156], %swap3A_159 {strides = array<i32>} : memref<80x128xf32, #tpu.memory_space<vmem>>, vector<1x16xf32>,
      %broadcast_in_dim3A_160 = arith.constant 0.000000e+00 : f32
      %broadcast_in_dim3A_161 = vector.broadcast %broadcast_in_dim3A_160 : f32 to vector<16xf32>
      %swap3A_162 = arith.index_cast %scan3A_139 : i32 to index
      %swap3A_163 = arith.constant 48 : index
      %swap3A_164 = tpu.vector_load %arg22[%swap3A_162, %swap3A_163] {strides = array<i32>} : memref<80x128xf32, #tpu.memory_space<vmem>>, vector<1x16xf32>,
      %swap3A_165 = vector.shape_cast %swap3A_164 : vector<1x16xf32> to vector<16xf32>
      %swap3A_166 = vector.shape_cast %broadcast_in_dim3A_161 : vector<16xf32> to vector<1x16xf32>
      tpu.vector_store %arg22[%swap3A_162, %swap3A_163], %swap3A_166 {strides = array<i32>} : memref<80x128xf32, #tpu.memory_space<vmem>>, vector<1x16xf32>,
      %broadcast_in_dim3A_167 = arith.constant 0.000000e+00 : f32
      %broadcast_in_dim3A_168 = vector.broadcast %broadcast_in_dim3A_167 : f32 to vector<16xf32>
      %swap3A_169 = arith.index_cast %scan3A_139 : i32 to index
      %swap3A_170 = arith.constant 64 : index
      %swap3A_171 = tpu.vector_load %arg22[%swap3A_169, %swap3A_170] {strides = array<i32>} : memref<80x128xf32, #tpu.memory_space<vmem>>, vector<1x16xf32>,
      %swap3A_172 = vector.shape_cast %swap3A_171 : vector<1x16xf32> to vector<16xf32>
      %swap3A_173 = vector.shape_cast %broadcast_in_dim3A_168 : vector<16xf32> to vector<1x16xf32>
      tpu.vector_store %arg22[%swap3A_169, %swap3A_170], %swap3A_173 {strides = array<i32>} : memref<80x128xf32, #tpu.memory_space<vmem>>, vector<1x16xf32>,
      %broadcast_in_dim3A_174 = arith.constant 0.000000e+00 : f32
      %broadcast_in_dim3A_175 = vector.broadcast %broadcast_in_dim3A_174 : f32 to vector<16xf32>
      %swap3A_176 = arith.index_cast %scan3A_139 : i32 to index
      %swap3A_177 = arith.constant 80 : index
      %swap3A_178 = tpu.vector_load %arg22[%swap3A_176, %swap3A_177] {strides = array<i32>} : memref<80x128xf32, #tpu.memory_space<vmem>>, vector<1x16xf32>,
      %swap3A_179 = vector.shape_cast %swap3A_178 : vector<1x16xf32> to vector<16xf32>
      %swap3A_180 = vector.shape_cast %broadcast_in_dim3A_175 : vector<16xf32> to vector<1x16xf32>
      tpu.vector_store %arg22[%swap3A_176, %swap3A_177], %swap3A_180 {strides = array<i32>} : memref<80x128xf32, #tpu.memory_space<vmem>>, vector<1x16xf32>,
      %broadcast_in_dim3A_181 = arith.constant 0.000000e+00 : f32
      %broadcast_in_dim3A_182 = vector.broadcast %broadcast_in_dim3A_181 : f32 to vector<16xf32>
      %swap3A_183 = arith.index_cast %scan3A_139 : i32 to index
      %swap3A_184 = arith.constant 96 : index
      %swap3A_185 = tpu.vector_load %arg22[%swap3A_183, %swap3A_184] {strides = array<i32>} : memref<80x128xf32, #tpu.memory_space<vmem>>, vector<1x16xf32>,
      %swap3A_186 = vector.shape_cast %swap3A_185 : vector<1x16xf32> to vector<16xf32>
      %swap3A_187 = vector.shape_cast %broadcast_in_dim3A_182 : vector<16xf32> to vector<1x16xf32>
      tpu.vector_store %arg22[%swap3A_183, %swap3A_184], %swap3A_187 {strides = array<i32>} : memref<80x128xf32, #tpu.memory_space<vmem>>, vector<1x16xf32>,
      %broadcast_in_dim3A_188 = arith.constant 0.000000e+00 : f32
      %broadcast_in_dim3A_189 = vector.broadcast %broadcast_in_dim3A_188 : f32 to vector<16xf32>
      %swap3A_190 = arith.index_cast %scan3A_139 : i32 to index
      %swap3A_191 = arith.constant 112 : index
      %swap3A_192 = tpu.vector_load %arg22[%swap3A_190, %swap3A_191] {strides = array<i32>} : memref<80x128xf32, #tpu.memory_space<vmem>>, vector<1x16xf32>,
      %swap3A_193 = vector.shape_cast %swap3A_192 : vector<1x16xf32> to vector<16xf32>
      %swap3A_194 = vector.shape_cast %broadcast_in_dim3A_189 : vector<16xf32> to vector<1x16xf32>
      tpu.vector_store %arg22[%swap3A_190, %swap3A_191], %swap3A_194 {strides = array<i32>} : memref<80x128xf32, #tpu.memory_space<vmem>>, vector<1x16xf32>,
      %scan3A_195 = arith.constant 0 : i32
      %scan3A_196 = arith.constant 1 : i32
      %scan3A_197 = arith.addi %scan3A_139, %scan3A_196 : i32
      %broadcast_in_dim3A_198 = arith.constant 0.000000e+00 : f32
      %broadcast_in_dim3A_199 = vector.broadcast %broadcast_in_dim3A_198 : f32 to vector<16xf32>
      %swap3A_200 = arith.index_cast %scan3A_197 : i32 to index
      %swap3A_201 = arith.constant 0 : index
      %swap3A_202 = tpu.vector_load %arg22[%swap3A_200, %swap3A_201] {strides = array<i32>} : memref<80x128xf32, #tpu.memory_space<vmem>>, vector<1x16xf32>,
      %swap3A_203 = vector.shape_cast %swap3A_202 : vector<1x16xf32> to vector<16xf32>
      %swap3A_204 = vector.shape_cast %broadcast_in_dim3A_199 : vector<16xf32> to vector<1x16xf32>
      tpu.vector_store %arg22[%swap3A_200, %swap3A_201], %swap3A_204 {strides = array<i32>} : memref<80x128xf32, #tpu.memory_space<vmem>>, vector<1x16xf32>,
      %broadcast_in_dim3A_205 = arith.constant 0.000000e+00 : f32
      %broadcast_in_dim3A_206 = vector.broadcast %broadcast_in_dim3A_205 : f32 to vector<16xf32>
      %swap3A_207 = arith.index_cast %scan3A_197 : i32 to index
      %swap3A_208 = arith.constant 16 : index
      %swap3A_209 = tpu.vector_load %arg22[%swap3A_207, %swap3A_208] {strides = array<i32>} : memref<80x128xf32, #tpu.memory_space<vmem>>, vector<1x16xf32>,
      %swap3A_210 = vector.shape_cast %swap3A_209 : vector<1x16xf32> to vector<16xf32>
      %swap3A_211 = vector.shape_cast %broadcast_in_dim3A_206 : vector<16xf32> to vector<1x16xf32>
      tpu.vector_store %arg22[%swap3A_207, %swap3A_208], %swap3A_211 {strides = array<i32>} : memref<80x128xf32, #tpu.memory_space<vmem>>, vector<1x16xf32>,
      %broadcast_in_dim3A_212 = arith.constant 0.000000e+00 : f32
      %broadcast_in_dim3A_213 = vector.broadcast %broadcast_in_dim3A_212 : f32 to vector<16xf32>
      %swap3A_214 = arith.index_cast %scan3A_197 : i32 to index
      %swap3A_215 = arith.constant 32 : index
      %swap3A_216 = tpu.vector_load %arg22[%swap3A_214, %swap3A_215] {strides = array<i32>} : memref<80x128xf32, #tpu.memory_space<vmem>>, vector<1x16xf32>,
      %swap3A_217 = vector.shape_cast %swap3A_216 : vector<1x16xf32> to vector<16xf32>
      %swap3A_218 = vector.shape_cast %broadcast_in_dim3A_213 : vector<16xf32> to vector<1x16xf32>
      tpu.vector_store %arg22[%swap3A_214, %swap3A_215], %swap3A_218 {strides = array<i32>} : memref<80x128xf32, #tpu.memory_space<vmem>>, vector<1x16xf32>,
      %broadcast_in_dim3A_219 = arith.constant 0.000000e+00 : f32
      %broadcast_in_dim3A_220 = vector.broadcast %broadcast_in_dim3A_219 : f32 to vector<16xf32>
      %swap3A_221 = arith.index_cast %scan3A_197 : i32 to index
      %swap3A_222 = arith.constant 48 : index
      %swap3A_223 = tpu.vector_load %arg22[%swap3A_221, %swap3A_222] {strides = array<i32>} : memref<80x128xf32, #tpu.memory_space<vmem>>, vector<1x16xf32>,
      %swap3A_224 = vector.shape_cast %swap3A_223 : vector<1x16xf32> to vector<16xf32>
      %swap3A_225 = vector.shape_cast %broadcast_in_dim3A_220 : vector<16xf32> to vector<1x16xf32>
      tpu.vector_store %arg22[%swap3A_221, %swap3A_222], %swap3A_225 {strides = array<i32>} : memref<80x128xf32, #tpu.memory_space<vmem>>, vector<1x16xf32>,
      %broadcast_in_dim3A_226 = arith.constant 0.000000e+00 : f32
      %broadcast_in_dim3A_227 = vector.broadcast %broadcast_in_dim3A_226 : f32 to vector<16xf32>
      %swap3A_228 = arith.index_cast %scan3A_197 : i32 to index
      %swap3A_229 = arith.constant 64 : index
      %swap3A_230 = tpu.vector_load %arg22[%swap3A_228, %swap3A_229] {strides = array<i32>} : memref<80x128xf32, #tpu.memory_space<vmem>>, vector<1x16xf32>,
      %swap3A_231 = vector.shape_cast %swap3A_230 : vector<1x16xf32> to vector<16xf32>
      %swap3A_232 = vector.shape_cast %broadcast_in_dim3A_227 : vector<16xf32> to vector<1x16xf32>
      tpu.vector_store %arg22[%swap3A_228, %swap3A_229], %swap3A_232 {strides = array<i32>} : memref<80x128xf32, #tpu.memory_space<vmem>>, vector<1x16xf32>,
      %broadcast_in_dim3A_233 = arith.constant 0.000000e+00 : f32
      %broadcast_in_dim3A_234 = vector.broadcast %broadcast_in_dim3A_233 : f32 to vector<16xf32>
      %swap3A_235 = arith.index_cast %scan3A_197 : i32 to index
      %swap3A_236 = arith.constant 80 : index
      %swap3A_237 = tpu.vector_load %arg22[%swap3A_235, %swap3A_236] {strides = array<i32>} : memref<80x128xf32, #tpu.memory_space<vmem>>, vector<1x16xf32>,
      %swap3A_238 = vector.shape_cast %swap3A_237 : vector<1x16xf32> to vector<16xf32>
      %swap3A_239 = vector.shape_cast %broadcast_in_dim3A_234 : vector<16xf32> to vector<1x16xf32>
      tpu.vector_store %arg22[%swap3A_235, %swap3A_236], %swap3A_239 {strides = array<i32>} : memref<80x128xf32, #tpu.memory_space<vmem>>, vector<1x16xf32>,
      %broadcast_in_dim3A_240 = arith.constant 0.000000e+00 : f32
      %broadcast_in_dim3A_241 = vector.broadcast %broadcast_in_dim3A_240 : f32 to vector<16xf32>
      %swap3A_242 = arith.index_cast %scan3A_197 : i32 to index
      %swap3A_243 = arith.constant 96 : index
      %swap3A_244 = tpu.vector_load %arg22[%swap3A_242, %swap3A_243] {strides = array<i32>} : memref<80x128xf32, #tpu.memory_space<vmem>>, vector<1x16xf32>,
      %swap3A_245 = vector.shape_cast %swap3A_244 : vector<1x16xf32> to vector<16xf32>
      %swap3A_246 = vector.shape_cast %broadcast_in_dim3A_241 : vector<16xf32> to vector<1x16xf32>
      tpu.vector_store %arg22[%swap3A_242, %swap3A_243], %swap3A_246 {strides = array<i32>} : memref<80x128xf32, #tpu.memory_space<vmem>>, vector<1x16xf32>,
      %broadcast_in_dim3A_247 = arith.constant 0.000000e+00 : f32
      %broadcast_in_dim3A_248 = vector.broadcast %broadcast_in_dim3A_247 : f32 to vector<16xf32>
      %swap3A_249 = arith.index_cast %scan3A_197 : i32 to index
      %swap3A_250 = arith.constant 112 : index
      %swap3A_251 = tpu.vector_load %arg22[%swap3A_249, %swap3A_250] {strides = array<i32>} : memref<80x128xf32, #tpu.memory_space<vmem>>, vector<1x16xf32>,
      %swap3A_252 = vector.shape_cast %swap3A_251 : vector<1x16xf32> to vector<16xf32>
      %swap3A_253 = vector.shape_cast %broadcast_in_dim3A_248 : vector<16xf32> to vector<1x16xf32>
      tpu.vector_store %arg22[%swap3A_249, %swap3A_250], %swap3A_253 {strides = array<i32>} : memref<80x128xf32, #tpu.memory_space<vmem>>, vector<1x16xf32>,
      %scan3A_254 = arith.constant 0 : i32
      scf.yield %scan3A_254 : i32
    }
    %scan3A_10 = arith.constant 80 : i32
    %scan3A_11 = arith.constant 0 : i32
    %scan3A_12 = arith.constant 0 : i32
    %scan3A_13 = arith.constant 8 : i32
    %scan3A_14 = arith.addi %scan3A_12, %scan3A_13 : i32
    %scan3A_15 = arith.constant 1 : i32
    %scan3A_16 = scf.for %scan3A_139 = %scan3A_12 to %scan3A_14 step %scan3A_15 iter_args(%scan3A_140 = %scan3A_11) -> (i32)  : i32 {
      %mul3A_141 = arith.constant 80 : i32
      %mul3A_142 = arith.muli %scan3A_139, %mul3A_141 : i32
      %add3A_143 = arith.addi %mul3A_4, %mul3A_142 : i32
      "tpu.region"() ({
        %run_scoped3A = tpu.sem_alloc : memref<!tpu.dma_semaphore, #tpu.memory_space<semaphore_mem>>
        %dma_start3A_145 = arith.constant 0 : i32
        %dma_start3A_146 = tpu.memref_slice %arg26[%add3A_143, %dma_start3A_145] : memref<10240x128xf32, #tpu.memory_space<vmem_shared>> -> memref<80x128xf32, #tpu.memory_space<vmem_shared>>
        %dma_start3A_147 = arith.constant 0 : i32
        %dma_start3A_148 = tpu.memref_slice %arg26[%add3A_143, %dma_start3A_147] : memref<10240x128xf32, #tpu.memory_space<vmem_shared>> -> memref<80x128xf32, #tpu.memory_space<vmem_shared>>
        tpu.enqueue_dma source(%arg22 : memref<80x128xf32, #tpu.memory_space<vmem>>) target(%dma_start3A_148 : memref<80x128xf32, #tpu.memory_space<vmem_shared>>) target_semaphore(%run_scoped3A : memref<!tpu.dma_semaphore, #tpu.memory_space<semaphore_mem>>)
        %dma_wait3A_149 = arith.constant 0 : i32
        %dma_wait3A_150 = tpu.memref_slice %arg26[%add3A_143, %dma_wait3A_149] : memref<10240x128xf32, #tpu.memory_space<vmem_shared>> -> memref<80x128xf32, #tpu.memory_space<vmem_shared>>
        %dma_wait3A_151 = arith.constant 0 : i32
        %dma_wait3A_152 = tpu.memref_slice %arg26[%add3A_143, %dma_wait3A_151] : memref<10240x128xf32, #tpu.memory_space<vmem_shared>> -> memref<80x128xf32, #tpu.memory_space<vmem_shared>>
        tpu.wait_dma2 semaphore(%run_scoped3A : memref<!tpu.dma_semaphore, #tpu.memory_space<semaphore_mem>>) src(%arg22 : memref<80x128xf32, #tpu.memory_space<vmem>>) dst(%dma_wait3A_152 : memref<80x128xf32, #tpu.memory_space<vmem_shared>>)
        tpu.yield
      }) : () -> ()
      %scan3A_144 = arith.constant 0 : i32
      scf.yield %scan3A_144 : i32
    }
    %scan3A_17 = arith.constant 8 : i32
    %barrier3A = arith.constant 0 : index
    tpu.barrier barrier_id(%barrier3A)
    %add3A_18 = arith.constant 0 : i32
    %add3A_19 = arith.addi %mul3A_2, %add3A_18 : i32
    %dma_start3A = tpu.memref_slice %arg2[%add3A_19] : memref<320000xi32, #tpu.memory_space<hbm>> -> memref<80xi32, #tpu.memory_space<hbm>>
    %dma_start3A_20 = tpu.memref_slice %arg2[%add3A_19] : memref<320000xi32, #tpu.memory_space<hbm>> -> memref<80xi32, #tpu.memory_space<hbm>>
    tpu.enqueue_dma source(%dma_start3A_20 : memref<80xi32, #tpu.memory_space<hbm>>) target(%arg6 : memref<80xi32, #tpu.memory_space<vmem>>) target_semaphore(%arg27 : memref<!tpu.dma_semaphore, #tpu.memory_space<semaphore_mem>>)
    %add3A_21 = arith.constant 0 : i32
    %add3A_22 = arith.addi %mul3A_2, %add3A_21 : i32
    %dma_start3A_23 = tpu.memref_slice %arg3[%add3A_22] : memref<320000xi32, #tpu.memory_space<hbm>> -> memref<80xi32, #tpu.memory_space<hbm>>
    %dma_start3A_24 = tpu.memref_slice %arg3[%add3A_22] : memref<320000xi32, #tpu.memory_space<hbm>> -> memref<80xi32, #tpu.memory_space<hbm>>
    tpu.enqueue_dma source(%dma_start3A_24 : memref<80xi32, #tpu.memory_space<hbm>>) target(%arg14 : memref<80xi32, #tpu.memory_space<vmem>>) target_semaphore(%arg35 : memref<!tpu.dma_semaphore, #tpu.memory_space<semaphore_mem>>)
    %add3A_25 = arith.constant 80 : i32
    %add3A_26 = arith.addi %mul3A_2, %add3A_25 : i32
    %dma_start3A_27 = tpu.memref_slice %arg2[%add3A_26] : memref<320000xi32, #tpu.memory_space<hbm>> -> memref<80xi32, #tpu.memory_space<hbm>>
    %dma_start3A_28 = tpu.memref_slice %arg2[%add3A_26] : memref<320000xi32, #tpu.memory_space<hbm>> -> memref<80xi32, #tpu.memory_space<hbm>>
    tpu.enqueue_dma source(%dma_start3A_28 : memref<80xi32, #tpu.memory_space<hbm>>) target(%arg7 : memref<80xi32, #tpu.memory_space<vmem>>) target_semaphore(%arg28 : memref<!tpu.dma_semaphore, #tpu.memory_space<semaphore_mem>>)
    %add3A_29 = arith.constant 80 : i32
    %add3A_30 = arith.addi %mul3A_2, %add3A_29 : i32
    %dma_start3A_31 = tpu.memref_slice %arg3[%add3A_30] : memref<320000xi32, #tpu.memory_space<hbm>> -> memref<80xi32, #tpu.memory_space<hbm>>
    %dma_start3A_32 = tpu.memref_slice %arg3[%add3A_30] : memref<320000xi32, #tpu.memory_space<hbm>> -> memref<80xi32, #tpu.memory_space<hbm>>
    tpu.enqueue_dma source(%dma_start3A_32 : memref<80xi32, #tpu.memory_space<hbm>>) target(%arg15 : memref<80xi32, #tpu.memory_space<vmem>>) target_semaphore(%arg36 : memref<!tpu.dma_semaphore, #tpu.memory_space<semaphore_mem>>)
    %add3A_33 = arith.constant 160 : i32
    %add3A_34 = arith.addi %mul3A_2, %add3A_33 : i32
    %dma_start3A_35 = tpu.memref_slice %arg2[%add3A_34] : memref<320000xi32, #tpu.memory_space<hbm>> -> memref<80xi32, #tpu.memory_space<hbm>>
    %dma_start3A_36 = tpu.memref_slice %arg2[%add3A_34] : memref<320000xi32, #tpu.memory_space<hbm>> -> memref<80xi32, #tpu.memory_space<hbm>>
    tpu.enqueue_dma source(%dma_start3A_36 : memref<80xi32, #tpu.memory_space<hbm>>) target(%arg8 : memref<80xi32, #tpu.memory_space<vmem>>) target_semaphore(%arg29 : memref<!tpu.dma_semaphore, #tpu.memory_space<semaphore_mem>>)
    %add3A_37 = arith.constant 160 : i32
    %add3A_38 = arith.addi %mul3A_2, %add3A_37 : i32
    %dma_start3A_39 = tpu.memref_slice %arg3[%add3A_38] : memref<320000xi32, #tpu.memory_space<hbm>> -> memref<80xi32, #tpu.memory_space<hbm>>
    %dma_start3A_40 = tpu.memref_slice %arg3[%add3A_38] : memref<320000xi32, #tpu.memory_space<hbm>> -> memref<80xi32, #tpu.memory_space<hbm>>
    tpu.enqueue_dma source(%dma_start3A_40 : memref<80xi32, #tpu.memory_space<hbm>>) target(%arg16 : memref<80xi32, #tpu.memory_space<vmem>>) target_semaphore(%arg37 : memref<!tpu.dma_semaphore, #tpu.memory_space<semaphore_mem>>)
    %add3A_41 = arith.constant 240 : i32
    %add3A_42 = arith.addi %mul3A_2, %add3A_41 : i32
    %dma_start3A_43 = tpu.memref_slice %arg2[%add3A_42] : memref<320000xi32, #tpu.memory_space<hbm>> -> memref<80xi32, #tpu.memory_space<hbm>>
    %dma_start3A_44 = tpu.memref_slice %arg2[%add3A_42] : memref<320000xi32, #tpu.memory_space<hbm>> -> memref<80xi32, #tpu.memory_space<hbm>>
    tpu.enqueue_dma source(%dma_start3A_44 : memref<80xi32, #tpu.memory_space<hbm>>) target(%arg9 : memref<80xi32, #tpu.memory_space<vmem>>) target_semaphore(%arg30 : memref<!tpu.dma_semaphore, #tpu.memory_space<semaphore_mem>>)
    %add3A_45 = arith.constant 240 : i32
    %add3A_46 = arith.addi %mul3A_2, %add3A_45 : i32
    %dma_start3A_47 = tpu.memref_slice %arg3[%add3A_46] : memref<320000xi32, #tpu.memory_space<hbm>> -> memref<80xi32, #tpu.memory_space<hbm>>
    %dma_start3A_48 = tpu.memref_slice %arg3[%add3A_46] : memref<320000xi32, #tpu.memory_space<hbm>> -> memref<80xi32, #tpu.memory_space<hbm>>
    tpu.enqueue_dma source(%dma_start3A_48 : memref<80xi32, #tpu.memory_space<hbm>>) target(%arg17 : memref<80xi32, #tpu.memory_space<vmem>>) target_semaphore(%arg38 : memref<!tpu.dma_semaphore, #tpu.memory_space<semaphore_mem>>)
    %add3A_49 = arith.constant 320 : i32
    %add3A_50 = arith.addi %mul3A_2, %add3A_49 : i32
    %dma_start3A_51 = tpu.memref_slice %arg2[%add3A_50] : memref<320000xi32, #tpu.memory_space<hbm>> -> memref<80xi32, #tpu.memory_space<hbm>>
    %dma_start3A_52 = tpu.memref_slice %arg2[%add3A_50] : memref<320000xi32, #tpu.memory_space<hbm>> -> memref<80xi32, #tpu.memory_space<hbm>>
    tpu.enqueue_dma source(%dma_start3A_52 : memref<80xi32, #tpu.memory_space<hbm>>) target(%arg10 : memref<80xi32, #tpu.memory_space<vmem>>) target_semaphore(%arg31 : memref<!tpu.dma_semaphore, #tpu.memory_space<semaphore_mem>>)
    %add3A_53 = arith.constant 320 : i32
    %add3A_54 = arith.addi %mul3A_2, %add3A_53 : i32
    %dma_start3A_55 = tpu.memref_slice %arg3[%add3A_54] : memref<320000xi32, #tpu.memory_space<hbm>> -> memref<80xi32, #tpu.memory_space<hbm>>
    %dma_start3A_56 = tpu.memref_slice %arg3[%add3A_54] : memref<320000xi32, #tpu.memory_space<hbm>> -> memref<80xi32, #tpu.memory_space<hbm>>
    tpu.enqueue_dma source(%dma_start3A_56 : memref<80xi32, #tpu.memory_space<hbm>>) target(%arg18 : memref<80xi32, #tpu.memory_space<vmem>>) target_semaphore(%arg39 : memref<!tpu.dma_semaphore, #tpu.memory_space<semaphore_mem>>)
    %add3A_57 = arith.constant 400 : i32
    %add3A_58 = arith.addi %mul3A_2, %add3A_57 : i32
    %dma_start3A_59 = tpu.memref_slice %arg2[%add3A_58] : memref<320000xi32, #tpu.memory_space<hbm>> -> memref<80xi32, #tpu.memory_space<hbm>>
    %dma_start3A_60 = tpu.memref_slice %arg2[%add3A_58] : memref<320000xi32, #tpu.memory_space<hbm>> -> memref<80xi32, #tpu.memory_space<hbm>>
    tpu.enqueue_dma source(%dma_start3A_60 : memref<80xi32, #tpu.memory_space<hbm>>) target(%arg11 : memref<80xi32, #tpu.memory_space<vmem>>) target_semaphore(%arg32 : memref<!tpu.dma_semaphore, #tpu.memory_space<semaphore_mem>>)
    %add3A_61 = arith.constant 400 : i32
    %add3A_62 = arith.addi %mul3A_2, %add3A_61 : i32
    %dma_start3A_63 = tpu.memref_slice %arg3[%add3A_62] : memref<320000xi32, #tpu.memory_space<hbm>> -> memref<80xi32, #tpu.memory_space<hbm>>
    %dma_start3A_64 = tpu.memref_slice %arg3[%add3A_62] : memref<320000xi32, #tpu.memory_space<hbm>> -> memref<80xi32, #tpu.memory_space<hbm>>
    tpu.enqueue_dma source(%dma_start3A_64 : memref<80xi32, #tpu.memory_space<hbm>>) target(%arg19 : memref<80xi32, #tpu.memory_space<vmem>>) target_semaphore(%arg40 : memref<!tpu.dma_semaphore, #tpu.memory_space<semaphore_mem>>)
    %add3A_65 = arith.constant 480 : i32
    %add3A_66 = arith.addi %mul3A_2, %add3A_65 : i32
    %dma_start3A_67 = tpu.memref_slice %arg2[%add3A_66] : memref<320000xi32, #tpu.memory_space<hbm>> -> memref<80xi32, #tpu.memory_space<hbm>>
    %dma_start3A_68 = tpu.memref_slice %arg2[%add3A_66] : memref<320000xi32, #tpu.memory_space<hbm>> -> memref<80xi32, #tpu.memory_space<hbm>>
    tpu.enqueue_dma source(%dma_start3A_68 : memref<80xi32, #tpu.memory_space<hbm>>) target(%arg12 : memref<80xi32, #tpu.memory_space<vmem>>) target_semaphore(%arg33 : memref<!tpu.dma_semaphore, #tpu.memory_space<semaphore_mem>>)
    %add3A_69 = arith.constant 480 : i32
    %add3A_70 = arith.addi %mul3A_2, %add3A_69 : i32
    %dma_start3A_71 = tpu.memref_slice %arg3[%add3A_70] : memref<320000xi32, #tpu.memory_space<hbm>> -> memref<80xi32, #tpu.memory_space<hbm>>
    %dma_start3A_72 = tpu.memref_slice %arg3[%add3A_70] : memref<320000xi32, #tpu.memory_space<hbm>> -> memref<80xi32, #tpu.memory_space<hbm>>
    tpu.enqueue_dma source(%dma_start3A_72 : memref<80xi32, #tpu.memory_space<hbm>>) target(%arg20 : memref<80xi32, #tpu.memory_space<vmem>>) target_semaphore(%arg41 : memref<!tpu.dma_semaphore, #tpu.memory_space<semaphore_mem>>)
    %add3A_73 = arith.constant 560 : i32
    %add3A_74 = arith.addi %mul3A_2, %add3A_73 : i32
    %dma_start3A_75 = tpu.memref_slice %arg2[%add3A_74] : memref<320000xi32, #tpu.memory_space<hbm>> -> memref<80xi32, #tpu.memory_space<hbm>>
    %dma_start3A_76 = tpu.memref_slice %arg2[%add3A_74] : memref<320000xi32, #tpu.memory_space<hbm>> -> memref<80xi32, #tpu.memory_space<hbm>>
    tpu.enqueue_dma source(%dma_start3A_76 : memref<80xi32, #tpu.memory_space<hbm>>) target(%arg13 : memref<80xi32, #tpu.memory_space<vmem>>) target_semaphore(%arg34 : memref<!tpu.dma_semaphore, #tpu.memory_space<semaphore_mem>>)
    %add3A_77 = arith.constant 560 : i32
    %add3A_78 = arith.addi %mul3A_2, %add3A_77 : i32
    %dma_start3A_79 = tpu.memref_slice %arg3[%add3A_78] : memref<320000xi32, #tpu.memory_space<hbm>> -> memref<80xi32, #tpu.memory_space<hbm>>
    %dma_start3A_80 = tpu.memref_slice %arg3[%add3A_78] : memref<320000xi32, #tpu.memory_space<hbm>> -> memref<80xi32, #tpu.memory_space<hbm>>
    tpu.enqueue_dma source(%dma_start3A_80 : memref<80xi32, #tpu.memory_space<hbm>>) target(%arg21 : memref<80xi32, #tpu.memory_space<vmem>>) target_semaphore(%arg42 : memref<!tpu.dma_semaphore, #tpu.memory_space<semaphore_mem>>)
    %add3A_81 = arith.constant 0 : i32
    %add3A_82 = arith.addi %mul3A_2, %add3A_81 : i32
    %dma_wait3A = tpu.memref_slice %arg2[%add3A_82] : memref<320000xi32, #tpu.memory_space<hbm>> -> memref<80xi32, #tpu.memory_space<hbm>>
    %dma_wait3A_83 = tpu.memref_slice %arg2[%add3A_82] : memref<320000xi32, #tpu.memory_space<hbm>> -> memref<80xi32, #tpu.memory_space<hbm>>
    tpu.wait_dma2 semaphore(%arg27 : memref<!tpu.dma_semaphore, #tpu.memory_space<semaphore_mem>>) src(%dma_wait3A_83 : memref<80xi32, #tpu.memory_space<hbm>>) dst(%arg6 : memref<80xi32, #tpu.memory_space<vmem>>)
    %add3A_84 = arith.constant 0 : i32
    %add3A_85 = arith.addi %mul3A_2, %add3A_84 : i32
    %dma_wait3A_86 = tpu.memref_slice %arg3[%add3A_85] : memref<320000xi32, #tpu.memory_space<hbm>> -> memref<80xi32, #tpu.memory_space<hbm>>
    %dma_wait3A_87 = tpu.memref_slice %arg3[%add3A_85] : memref<320000xi32, #tpu.memory_space<hbm>> -> memref<80xi32, #tpu.memory_space<hbm>>
    tpu.wait_dma2 semaphore(%arg35 : memref<!tpu.dma_semaphore, #tpu.memory_space<semaphore_mem>>) src(%dma_wait3A_87 : memref<80xi32, #tpu.memory_space<hbm>>) dst(%arg14 : memref<80xi32, #tpu.memory_space<vmem>>)
    %dma_start3A_88 = arith.constant 0 : i32
    %dma_start3A_89 = arith.constant 0 : i32
    %dma_start3A_90 = tpu.memref_slice %arg4[%dma_start3A_88, %dma_start3A_89] : memref<10000x128xf32, #tpu.memory_space<hbm>> -> memref<10000x128xf32, #tpu.memory_space<hbm>>
    tpu.enqueue_indirect_dma source(%dma_start3A_90 : memref<10000x128xf32, #tpu.memory_space<hbm>>) target(%arg22 : memref<80x128xf32, #tpu.memory_space<vmem>>) offsets(%arg6 : memref<80xi32, #tpu.memory_space<vmem>>) semaphore(%arg43 : memref<!tpu.dma_semaphore, #tpu.memory_space<semaphore_mem>>)
    %add3A_91 = arith.constant 80 : i32
    %add3A_92 = arith.addi %mul3A_2, %add3A_91 : i32
    %dma_wait3A_93 = tpu.memref_slice %arg2[%add3A_92] : memref<320000xi32, #tpu.memory_space<hbm>> -> memref<80xi32, #tpu.memory_space<hbm>>
    %dma_wait3A_94 = tpu.memref_slice %arg2[%add3A_92] : memref<320000xi32, #tpu.memory_space<hbm>> -> memref<80xi32, #tpu.memory_space<hbm>>
    tpu.wait_dma2 semaphore(%arg28 : memref<!tpu.dma_semaphore, #tpu.memory_space<semaphore_mem>>) src(%dma_wait3A_94 : memref<80xi32, #tpu.memory_space<hbm>>) dst(%arg7 : memref<80xi32, #tpu.memory_space<vmem>>)
    %add3A_95 = arith.constant 80 : i32
    %add3A_96 = arith.addi %mul3A_2, %add3A_95 : i32
    %dma_wait3A_97 = tpu.memref_slice %arg3[%add3A_96] : memref<320000xi32, #tpu.memory_space<hbm>> -> memref<80xi32, #tpu.memory_space<hbm>>
    %dma_wait3A_98 = tpu.memref_slice %arg3[%add3A_96] : memref<320000xi32, #tpu.memory_space<hbm>> -> memref<80xi32, #tpu.memory_space<hbm>>
    tpu.wait_dma2 semaphore(%arg36 : memref<!tpu.dma_semaphore, #tpu.memory_space<semaphore_mem>>) src(%dma_wait3A_98 : memref<80xi32, #tpu.memory_space<hbm>>) dst(%arg15 : memref<80xi32, #tpu.memory_space<vmem>>)
    %dma_start3A_99 = arith.constant 0 : i32
    %dma_start3A_100 = arith.constant 0 : i32
    %dma_start3A_101 = tpu.memref_slice %arg4[%dma_start3A_99, %dma_start3A_100] : memref<10000x128xf32, #tpu.memory_space<hbm>> -> memref<10000x128xf32, #tpu.memory_space<hbm>>
    tpu.enqueue_indirect_dma source(%dma_start3A_101 : memref<10000x128xf32, #tpu.memory_space<hbm>>) target(%arg23 : memref<80x128xf32, #tpu.memory_space<vmem>>) offsets(%arg7 : memref<80xi32, #tpu.memory_space<vmem>>) semaphore(%arg44 : memref<!tpu.dma_semaphore, #tpu.memory_space<semaphore_mem>>)
    %add3A_102 = arith.constant 160 : i32
    %add3A_103 = arith.addi %mul3A_2, %add3A_102 : i32
    %dma_wait3A_104 = tpu.memref_slice %arg2[%add3A_103] : memref<320000xi32, #tpu.memory_space<hbm>> -> memref<80xi32, #tpu.memory_space<hbm>>
    %dma_wait3A_105 = tpu.memref_slice %arg2[%add3A_103] : memref<320000xi32, #tpu.memory_space<hbm>> -> memref<80xi32, #tpu.memory_space<hbm>>
    tpu.wait_dma2 semaphore(%arg29 : memref<!tpu.dma_semaphore, #tpu.memory_space<semaphore_mem>>) src(%dma_wait3A_105 : memref<80xi32, #tpu.memory_space<hbm>>) dst(%arg8 : memref<80xi32, #tpu.memory_space<vmem>>)
    %add3A_106 = arith.constant 160 : i32
    %add3A_107 = arith.addi %mul3A_2, %add3A_106 : i32
    %dma_wait3A_108 = tpu.memref_slice %arg3[%add3A_107] : memref<320000xi32, #tpu.memory_space<hbm>> -> memref<80xi32, #tpu.memory_space<hbm>>
    %dma_wait3A_109 = tpu.memref_slice %arg3[%add3A_107] : memref<320000xi32, #tpu.memory_space<hbm>> -> memref<80xi32, #tpu.memory_space<hbm>>
    tpu.wait_dma2 semaphore(%arg37 : memref<!tpu.dma_semaphore, #tpu.memory_space<semaphore_mem>>) src(%dma_wait3A_109 : memref<80xi32, #tpu.memory_space<hbm>>) dst(%arg16 : memref<80xi32, #tpu.memory_space<vmem>>)
    %dma_start3A_110 = arith.constant 0 : i32
    %dma_start3A_111 = arith.constant 0 : i32
    %dma_start3A_112 = tpu.memref_slice %arg4[%dma_start3A_110, %dma_start3A_111] : memref<10000x128xf32, #tpu.memory_space<hbm>> -> memref<10000x128xf32, #tpu.memory_space<hbm>>
    tpu.enqueue_indirect_dma source(%dma_start3A_112 : memref<10000x128xf32, #tpu.memory_space<hbm>>) target(%arg24 : memref<80x128xf32, #tpu.memory_space<vmem>>) offsets(%arg8 : memref<80xi32, #tpu.memory_space<vmem>>) semaphore(%arg45 : memref<!tpu.dma_semaphore, #tpu.memory_space<semaphore_mem>>)
    %add3A_113 = arith.constant 240 : i32
    %add3A_114 = arith.addi %mul3A_2, %add3A_113 : i32
    %dma_wait3A_115 = tpu.memref_slice %arg2[%add3A_114] : memref<320000xi32, #tpu.memory_space<hbm>> -> memref<80xi32, #tpu.memory_space<hbm>>
    %dma_wait3A_116 = tpu.memref_slice %arg2[%add3A_114] : memref<320000xi32, #tpu.memory_space<hbm>> -> memref<80xi32, #tpu.memory_space<hbm>>
    tpu.wait_dma2 semaphore(%arg30 : memref<!tpu.dma_semaphore, #tpu.memory_space<semaphore_mem>>) src(%dma_wait3A_116 : memref<80xi32, #tpu.memory_space<hbm>>) dst(%arg9 : memref<80xi32, #tpu.memory_space<vmem>>)
    %add3A_117 = arith.constant 240 : i32
    %add3A_118 = arith.addi %mul3A_2, %add3A_117 : i32
    %dma_wait3A_119 = tpu.memref_slice %arg3[%add3A_118] : memref<320000xi32, #tpu.memory_space<hbm>> -> memref<80xi32, #tpu.memory_space<hbm>>
    %dma_wait3A_120 = tpu.memref_slice %arg3[%add3A_118] : memref<320000xi32, #tpu.memory_space<hbm>> -> memref<80xi32, #tpu.memory_space<hbm>>
    tpu.wait_dma2 semaphore(%arg38 : memref<!tpu.dma_semaphore, #tpu.memory_space<semaphore_mem>>) src(%dma_wait3A_120 : memref<80xi32, #tpu.memory_space<hbm>>) dst(%arg17 : memref<80xi32, #tpu.memory_space<vmem>>)
    %dma_start3A_121 = arith.constant 0 : i32
    %dma_start3A_122 = arith.constant 0 : i32
    %dma_start3A_123 = tpu.memref_slice %arg4[%dma_start3A_121, %dma_start3A_122] : memref<10000x128xf32, #tpu.memory_space<hbm>> -> memref<10000x128xf32, #tpu.memory_space<hbm>>
    tpu.enqueue_indirect_dma source(%dma_start3A_123 : memref<10000x128xf32, #tpu.memory_space<hbm>>) target(%arg25 : memref<80x128xf32, #tpu.memory_space<vmem>>) offsets(%arg9 : memref<80xi32, #tpu.memory_space<vmem>>) semaphore(%arg46 : memref<!tpu.dma_semaphore, #tpu.memory_space<semaphore_mem>>)
    %scan3A_124 = arith.constant 0 : i32
    %scan3A_125 = arith.constant 0 : i32
    %scan3A_126 = arith.constant 16 : i32
    %scan3A_127 = arith.addi %scan3A_125, %scan3A_126 : i32
    %scan3A_128 = arith.constant 1 : i32
    %scan3A_129 = scf.for %scan3A_139 = %scan3A_125 to %scan3A_127 step %scan3A_128 iter_args(%scan3A_140 = %scan3A_124) -> (i32)  : i32 {
      %mul3A_141 = arith.constant 8 : i32
      %mul3A_142 = arith.muli %mul3A_141, %scan3A_139 : i32
      %add3A_143 = arith.constant 0 : i32
      %add3A_144 = arith.addi %mul3A_142, %add3A_143 : i32
      %lt3A = arith.constant 125 : i32
      %lt3A_145 = arith.cmpi slt, %add3A_144, %lt3A : i32
      %convert_element_type3A = arith.extui %lt3A_145 : i1 to i32
      %cond3A = arith.constant 0 : i32
      %cond3A_146 = arith.cmpi ne, %convert_element_type3A, %cond3A : i32
      scf.if %cond3A_146 {
        %dma_wait3A_197 = arith.constant 0 : i32
        %dma_wait3A_198 = arith.constant 0 : i32
        %dma_wait3A_199 = tpu.memref_slice %arg4[%dma_wait3A_197, %dma_wait3A_198] : memref<10000x128xf32, #tpu.memory_space<hbm>> -> memref<10000x128xf32, #tpu.memory_space<hbm>>
        tpu.wait_indirect_dma semaphore(%arg43 : memref<!tpu.dma_semaphore, #tpu.memory_space<semaphore_mem>>) src(%dma_wait3A_199 : memref<10000x128xf32, #tpu.memory_space<hbm>>) dst(%arg22 : memref<80x128xf32, #tpu.memory_space<vmem>>)
        "tpu.region"() ({
          %run_scoped3A = tpu.sem_alloc : memref<!tpu.dma_semaphore, #tpu.memory_space<semaphore_mem>>
          %dma_start3A_214 = arith.constant 0 : i32
          %dma_start3A_215 = arith.constant 0 : i32
          %dma_start3A_216 = tpu.memref_slice %arg26[%dma_start3A_214, %dma_start3A_215] : memref<10240x128xf32, #tpu.memory_space<vmem_shared>> -> memref<10240x128xf32, #tpu.memory_space<vmem_shared>>
          tpu.enqueue_indirect_dma source(%arg22 : memref<80x128xf32, #tpu.memory_space<vmem>>) target(%dma_start3A_216 : memref<10240x128xf32, #tpu.memory_space<vmem_shared>>) offsets(%arg14 : memref<80xi32, #tpu.memory_space<vmem>>) semaphore(%run_scoped3A : memref<!tpu.dma_semaphore, #tpu.memory_space<semaphore_mem>>) {add = true}
          %dma_wait3A_217 = arith.constant 0 : i32
          %dma_wait3A_218 = arith.constant 0 : i32
          %dma_wait3A_219 = tpu.memref_slice %arg26[%dma_wait3A_217, %dma_wait3A_218] : memref<10240x128xf32, #tpu.memory_space<vmem_shared>> -> memref<10240x128xf32, #tpu.memory_space<vmem_shared>>
          tpu.wait_indirect_dma semaphore(%run_scoped3A : memref<!tpu.dma_semaphore, #tpu.memory_space<semaphore_mem>>) src(%arg22 : memref<80x128xf32, #tpu.memory_space<vmem>>) dst(%dma_wait3A_219 : memref<10240x128xf32, #tpu.memory_space<vmem_shared>>)
          tpu.yield
        }) : () -> ()
        %add3A_200 = arith.constant 8 : i32
        %add3A_201 = arith.addi %add3A_144, %add3A_200 : i32
        %lt3A_202 = arith.constant 125 : i32
        %lt3A_203 = arith.cmpi slt, %add3A_201, %lt3A_202 : i32
        %convert_element_type3A_204 = arith.extui %lt3A_203 : i1 to i32
        %cond3A_205 = arith.constant 0 : i32
        %cond3A_206 = arith.cmpi ne, %convert_element_type3A_204, %cond3A_205 : i32
        scf.if %cond3A_206 {
          %add3A_214 = arith.constant 8 : i32
          %add3A_215 = arith.addi %add3A_144, %add3A_214 : i32
          %mul3A_216 = arith.constant 80 : i32
          %mul3A_217 = arith.muli %add3A_215, %mul3A_216 : i32
          %add3A_218 = arith.addi %mul3A_2, %mul3A_217 : i32
          %dma_start3A_219 = tpu.memref_slice %arg2[%add3A_218] : memref<320000xi32, #tpu.memory_space<hbm>> -> memref<80xi32, #tpu.memory_space<hbm>>
          %dma_start3A_220 = tpu.memref_slice %arg2[%add3A_218] : memref<320000xi32, #tpu.memory_space<hbm>> -> memref<80xi32, #tpu.memory_space<hbm>>
          tpu.enqueue_dma source(%dma_start3A_220 : memref<80xi32, #tpu.memory_space<hbm>>) target(%arg6 : memref<80xi32, #tpu.memory_space<vmem>>) target_semaphore(%arg27 : memref<!tpu.dma_semaphore, #tpu.memory_space<semaphore_mem>>)
          %mul3A_221 = arith.constant 80 : i32
          %mul3A_222 = arith.muli %add3A_215, %mul3A_221 : i32
          %add3A_223 = arith.addi %mul3A_2, %mul3A_222 : i32
          %dma_start3A_224 = tpu.memref_slice %arg3[%add3A_223] : memref<320000xi32, #tpu.memory_space<hbm>> -> memref<80xi32, #tpu.memory_space<hbm>>
          %dma_start3A_225 = tpu.memref_slice %arg3[%add3A_223] : memref<320000xi32, #tpu.memory_space<hbm>> -> memref<80xi32, #tpu.memory_space<hbm>>
          tpu.enqueue_dma source(%dma_start3A_225 : memref<80xi32, #tpu.memory_space<hbm>>) target(%arg14 : memref<80xi32, #tpu.memory_space<vmem>>) target_semaphore(%arg35 : memref<!tpu.dma_semaphore, #tpu.memory_space<semaphore_mem>>)
        } else {
        }
        %add3A_207 = arith.constant 4 : i32
        %add3A_208 = arith.addi %add3A_144, %add3A_207 : i32
        %lt3A_209 = arith.constant 125 : i32
        %lt3A_210 = arith.cmpi slt, %add3A_208, %lt3A_209 : i32
        %convert_element_type3A_211 = arith.extui %lt3A_210 : i1 to i32
        %cond3A_212 = arith.constant 0 : i32
        %cond3A_213 = arith.cmpi ne, %convert_element_type3A_211, %cond3A_212 : i32
        scf.if %cond3A_213 {
          %add3A_214 = arith.constant 4 : i32
          %add3A_215 = arith.addi %add3A_144, %add3A_214 : i32
          %mul3A_216 = arith.constant 80 : i32
          %mul3A_217 = arith.muli %add3A_215, %mul3A_216 : i32
          %add3A_218 = arith.addi %mul3A_2, %mul3A_217 : i32
          %dma_wait3A_219 = tpu.memref_slice %arg2[%add3A_218] : memref<320000xi32, #tpu.memory_space<hbm>> -> memref<80xi32, #tpu.memory_space<hbm>>
          %dma_wait3A_220 = tpu.memref_slice %arg2[%add3A_218] : memref<320000xi32, #tpu.memory_space<hbm>> -> memref<80xi32, #tpu.memory_space<hbm>>
          tpu.wait_dma2 semaphore(%arg31 : memref<!tpu.dma_semaphore, #tpu.memory_space<semaphore_mem>>) src(%dma_wait3A_220 : memref<80xi32, #tpu.memory_space<hbm>>) dst(%arg10 : memref<80xi32, #tpu.memory_space<vmem>>)
          %mul3A_221 = arith.constant 80 : i32
          %mul3A_222 = arith.muli %add3A_215, %mul3A_221 : i32
          %add3A_223 = arith.addi %mul3A_2, %mul3A_222 : i32
          %dma_wait3A_224 = tpu.memref_slice %arg3[%add3A_223] : memref<320000xi32, #tpu.memory_space<hbm>> -> memref<80xi32, #tpu.memory_space<hbm>>
          %dma_wait3A_225 = tpu.memref_slice %arg3[%add3A_223] : memref<320000xi32, #tpu.memory_space<hbm>> -> memref<80xi32, #tpu.memory_space<hbm>>
          tpu.wait_dma2 semaphore(%arg39 : memref<!tpu.dma_semaphore, #tpu.memory_space<semaphore_mem>>) src(%dma_wait3A_225 : memref<80xi32, #tpu.memory_space<hbm>>) dst(%arg18 : memref<80xi32, #tpu.memory_space<vmem>>)
          %dma_start3A_226 = arith.constant 0 : i32
          %dma_start3A_227 = arith.constant 0 : i32
          %dma_start3A_228 = tpu.memref_slice %arg4[%dma_start3A_226, %dma_start3A_227] : memref<10000x128xf32, #tpu.memory_space<hbm>> -> memref<10000x128xf32, #tpu.memory_space<hbm>>
          tpu.enqueue_indirect_dma source(%dma_start3A_228 : memref<10000x128xf32, #tpu.memory_space<hbm>>) target(%arg22 : memref<80x128xf32, #tpu.memory_space<vmem>>) offsets(%arg10 : memref<80xi32, #tpu.memory_space<vmem>>) semaphore(%arg43 : memref<!tpu.dma_semaphore, #tpu.memory_space<semaphore_mem>>)
        } else {
        }
      } else {
      }
      %add3A_147 = arith.constant 1 : i32
      %add3A_148 = arith.addi %mul3A_142, %add3A_147 : i32
      %lt3A_149 = arith.constant 125 : i32
      %lt3A_150 = arith.cmpi slt, %add3A_148, %lt3A_149 : i32
      %convert_element_type3A_151 = arith.extui %lt3A_150 : i1 to i32
      %cond3A_152 = arith.constant 0 : i32
      %cond3A_153 = arith.cmpi ne, %convert_element_type3A_151, %cond3A_152 : i32
      scf.if %cond3A_153 {
        %dma_wait3A_197 = arith.constant 0 : i32
        %dma_wait3A_198 = arith.constant 0 : i32
        %dma_wait3A_199 = tpu.memref_slice %arg4[%dma_wait3A_197, %dma_wait3A_198] : memref<10000x128xf32, #tpu.memory_space<hbm>> -> memref<10000x128xf32, #tpu.memory_space<hbm>>
        tpu.wait_indirect_dma semaphore(%arg44 : memref<!tpu.dma_semaphore, #tpu.memory_space<semaphore_mem>>) src(%dma_wait3A_199 : memref<10000x128xf32, #tpu.memory_space<hbm>>) dst(%arg23 : memref<80x128xf32, #tpu.memory_space<vmem>>)
        "tpu.region"() ({
          %run_scoped3A = tpu.sem_alloc : memref<!tpu.dma_semaphore, #tpu.memory_space<semaphore_mem>>
          %dma_start3A_214 = arith.constant 0 : i32
          %dma_start3A_215 = arith.constant 0 : i32
          %dma_start3A_216 = tpu.memref_slice %arg26[%dma_start3A_214, %dma_start3A_215] : memref<10240x128xf32, #tpu.memory_space<vmem_shared>> -> memref<10240x128xf32, #tpu.memory_space<vmem_shared>>
          tpu.enqueue_indirect_dma source(%arg23 : memref<80x128xf32, #tpu.memory_space<vmem>>) target(%dma_start3A_216 : memref<10240x128xf32, #tpu.memory_space<vmem_shared>>) offsets(%arg15 : memref<80xi32, #tpu.memory_space<vmem>>) semaphore(%run_scoped3A : memref<!tpu.dma_semaphore, #tpu.memory_space<semaphore_mem>>) {add = true}
          %dma_wait3A_217 = arith.constant 0 : i32
          %dma_wait3A_218 = arith.constant 0 : i32
          %dma_wait3A_219 = tpu.memref_slice %arg26[%dma_wait3A_217, %dma_wait3A_218] : memref<10240x128xf32, #tpu.memory_space<vmem_shared>> -> memref<10240x128xf32, #tpu.memory_space<vmem_shared>>
          tpu.wait_indirect_dma semaphore(%run_scoped3A : memref<!tpu.dma_semaphore, #tpu.memory_space<semaphore_mem>>) src(%arg23 : memref<80x128xf32, #tpu.memory_space<vmem>>) dst(%dma_wait3A_219 : memref<10240x128xf32, #tpu.memory_space<vmem_shared>>)
          tpu.yield
        }) : () -> ()
        %add3A_200 = arith.constant 8 : i32
        %add3A_201 = arith.addi %add3A_148, %add3A_200 : i32
        %lt3A_202 = arith.constant 125 : i32
        %lt3A_203 = arith.cmpi slt, %add3A_201, %lt3A_202 : i32
        %convert_element_type3A_204 = arith.extui %lt3A_203 : i1 to i32
        %cond3A_205 = arith.constant 0 : i32
        %cond3A_206 = arith.cmpi ne, %convert_element_type3A_204, %cond3A_205 : i32
        scf.if %cond3A_206 {
          %add3A_214 = arith.constant 8 : i32
          %add3A_215 = arith.addi %add3A_148, %add3A_214 : i32
          %mul3A_216 = arith.constant 80 : i32
          %mul3A_217 = arith.muli %add3A_215, %mul3A_216 : i32
          %add3A_218 = arith.addi %mul3A_2, %mul3A_217 : i32
          %dma_start3A_219 = tpu.memref_slice %arg2[%add3A_218] : memref<320000xi32, #tpu.memory_space<hbm>> -> memref<80xi32, #tpu.memory_space<hbm>>
          %dma_start3A_220 = tpu.memref_slice %arg2[%add3A_218] : memref<320000xi32, #tpu.memory_space<hbm>> -> memref<80xi32, #tpu.memory_space<hbm>>
          tpu.enqueue_dma source(%dma_start3A_220 : memref<80xi32, #tpu.memory_space<hbm>>) target(%arg7 : memref<80xi32, #tpu.memory_space<vmem>>) target_semaphore(%arg28 : memref<!tpu.dma_semaphore, #tpu.memory_space<semaphore_mem>>)
          %mul3A_221 = arith.constant 80 : i32
          %mul3A_222 = arith.muli %add3A_215, %mul3A_221 : i32
          %add3A_223 = arith.addi %mul3A_2, %mul3A_222 : i32
          %dma_start3A_224 = tpu.memref_slice %arg3[%add3A_223] : memref<320000xi32, #tpu.memory_space<hbm>> -> memref<80xi32, #tpu.memory_space<hbm>>
          %dma_start3A_225 = tpu.memref_slice %arg3[%add3A_223] : memref<320000xi32, #tpu.memory_space<hbm>> -> memref<80xi32, #tpu.memory_space<hbm>>
          tpu.enqueue_dma source(%dma_start3A_225 : memref<80xi32, #tpu.memory_space<hbm>>) target(%arg15 : memref<80xi32, #tpu.memory_space<vmem>>) target_semaphore(%arg36 : memref<!tpu.dma_semaphore, #tpu.memory_space<semaphore_mem>>)
        } else {
        }
        %add3A_207 = arith.constant 4 : i32
        %add3A_208 = arith.addi %add3A_148, %add3A_207 : i32
        %lt3A_209 = arith.constant 125 : i32
        %lt3A_210 = arith.cmpi slt, %add3A_208, %lt3A_209 : i32
        %convert_element_type3A_211 = arith.extui %lt3A_210 : i1 to i32
        %cond3A_212 = arith.constant 0 : i32
        %cond3A_213 = arith.cmpi ne, %convert_element_type3A_211, %cond3A_212 : i32
        scf.if %cond3A_213 {
          %add3A_214 = arith.constant 4 : i32
          %add3A_215 = arith.addi %add3A_148, %add3A_214 : i32
          %mul3A_216 = arith.constant 80 : i32
          %mul3A_217 = arith.muli %add3A_215, %mul3A_216 : i32
          %add3A_218 = arith.addi %mul3A_2, %mul3A_217 : i32
          %dma_wait3A_219 = tpu.memref_slice %arg2[%add3A_218] : memref<320000xi32, #tpu.memory_space<hbm>> -> memref<80xi32, #tpu.memory_space<hbm>>
          %dma_wait3A_220 = tpu.memref_slice %arg2[%add3A_218] : memref<320000xi32, #tpu.memory_space<hbm>> -> memref<80xi32, #tpu.memory_space<hbm>>
          tpu.wait_dma2 semaphore(%arg32 : memref<!tpu.dma_semaphore, #tpu.memory_space<semaphore_mem>>) src(%dma_wait3A_220 : memref<80xi32, #tpu.memory_space<hbm>>) dst(%arg11 : memref<80xi32, #tpu.memory_space<vmem>>)
          %mul3A_221 = arith.constant 80 : i32
          %mul3A_222 = arith.muli %add3A_215, %mul3A_221 : i32
          %add3A_223 = arith.addi %mul3A_2, %mul3A_222 : i32
          %dma_wait3A_224 = tpu.memref_slice %arg3[%add3A_223] : memref<320000xi32, #tpu.memory_space<hbm>> -> memref<80xi32, #tpu.memory_space<hbm>>
          %dma_wait3A_225 = tpu.memref_slice %arg3[%add3A_223] : memref<320000xi32, #tpu.memory_space<hbm>> -> memref<80xi32, #tpu.memory_space<hbm>>
          tpu.wait_dma2 semaphore(%arg40 : memref<!tpu.dma_semaphore, #tpu.memory_space<semaphore_mem>>) src(%dma_wait3A_225 : memref<80xi32, #tpu.memory_space<hbm>>) dst(%arg19 : memref<80xi32, #tpu.memory_space<vmem>>)
          %dma_start3A_226 = arith.constant 0 : i32
          %dma_start3A_227 = arith.constant 0 : i32
          %dma_start3A_228 = tpu.memref_slice %arg4[%dma_start3A_226, %dma_start3A_227] : memref<10000x128xf32, #tpu.memory_space<hbm>> -> memref<10000x128xf32, #tpu.memory_space<hbm>>
          tpu.enqueue_indirect_dma source(%dma_start3A_228 : memref<10000x128xf32, #tpu.memory_space<hbm>>) target(%arg23 : memref<80x128xf32, #tpu.memory_space<vmem>>) offsets(%arg11 : memref<80xi32, #tpu.memory_space<vmem>>) semaphore(%arg44 : memref<!tpu.dma_semaphore, #tpu.memory_space<semaphore_mem>>)
        } else {
        }
      } else {
      }
      %add3A_154 = arith.constant 2 : i32
      %add3A_155 = arith.addi %mul3A_142, %add3A_154 : i32
      %lt3A_156 = arith.constant 125 : i32
      %lt3A_157 = arith.cmpi slt, %add3A_155, %lt3A_156 : i32
      %convert_element_type3A_158 = arith.extui %lt3A_157 : i1 to i32
      %cond3A_159 = arith.constant 0 : i32
      %cond3A_160 = arith.cmpi ne, %convert_element_type3A_158, %cond3A_159 : i32
      scf.if %cond3A_160 {
        %dma_wait3A_197 = arith.constant 0 : i32
        %dma_wait3A_198 = arith.constant 0 : i32
        %dma_wait3A_199 = tpu.memref_slice %arg4[%dma_wait3A_197, %dma_wait3A_198] : memref<10000x128xf32, #tpu.memory_space<hbm>> -> memref<10000x128xf32, #tpu.memory_space<hbm>>
        tpu.wait_indirect_dma semaphore(%arg45 : memref<!tpu.dma_semaphore, #tpu.memory_space<semaphore_mem>>) src(%dma_wait3A_199 : memref<10000x128xf32, #tpu.memory_space<hbm>>) dst(%arg24 : memref<80x128xf32, #tpu.memory_space<vmem>>)
        "tpu.region"() ({
          %run_scoped3A = tpu.sem_alloc : memref<!tpu.dma_semaphore, #tpu.memory_space<semaphore_mem>>
          %dma_start3A_214 = arith.constant 0 : i32
          %dma_start3A_215 = arith.constant 0 : i32
          %dma_start3A_216 = tpu.memref_slice %arg26[%dma_start3A_214, %dma_start3A_215] : memref<10240x128xf32, #tpu.memory_space<vmem_shared>> -> memref<10240x128xf32, #tpu.memory_space<vmem_shared>>
          tpu.enqueue_indirect_dma source(%arg24 : memref<80x128xf32, #tpu.memory_space<vmem>>) target(%dma_start3A_216 : memref<10240x128xf32, #tpu.memory_space<vmem_shared>>) offsets(%arg16 : memref<80xi32, #tpu.memory_space<vmem>>) semaphore(%run_scoped3A : memref<!tpu.dma_semaphore, #tpu.memory_space<semaphore_mem>>) {add = true}
          %dma_wait3A_217 = arith.constant 0 : i32
          %dma_wait3A_218 = arith.constant 0 : i32
          %dma_wait3A_219 = tpu.memref_slice %arg26[%dma_wait3A_217, %dma_wait3A_218] : memref<10240x128xf32, #tpu.memory_space<vmem_shared>> -> memref<10240x128xf32, #tpu.memory_space<vmem_shared>>
          tpu.wait_indirect_dma semaphore(%run_scoped3A : memref<!tpu.dma_semaphore, #tpu.memory_space<semaphore_mem>>) src(%arg24 : memref<80x128xf32, #tpu.memory_space<vmem>>) dst(%dma_wait3A_219 : memref<10240x128xf32, #tpu.memory_space<vmem_shared>>)
          tpu.yield
        }) : () -> ()
        %add3A_200 = arith.constant 8 : i32
        %add3A_201 = arith.addi %add3A_155, %add3A_200 : i32
        %lt3A_202 = arith.constant 125 : i32
        %lt3A_203 = arith.cmpi slt, %add3A_201, %lt3A_202 : i32
        %convert_element_type3A_204 = arith.extui %lt3A_203 : i1 to i32
        %cond3A_205 = arith.constant 0 : i32
        %cond3A_206 = arith.cmpi ne, %convert_element_type3A_204, %cond3A_205 : i32
        scf.if %cond3A_206 {
          %add3A_214 = arith.constant 8 : i32
          %add3A_215 = arith.addi %add3A_155, %add3A_214 : i32
          %mul3A_216 = arith.constant 80 : i32
          %mul3A_217 = arith.muli %add3A_215, %mul3A_216 : i32
          %add3A_218 = arith.addi %mul3A_2, %mul3A_217 : i32
          %dma_start3A_219 = tpu.memref_slice %arg2[%add3A_218] : memref<320000xi32, #tpu.memory_space<hbm>> -> memref<80xi32, #tpu.memory_space<hbm>>
          %dma_start3A_220 = tpu.memref_slice %arg2[%add3A_218] : memref<320000xi32, #tpu.memory_space<hbm>> -> memref<80xi32, #tpu.memory_space<hbm>>
          tpu.enqueue_dma source(%dma_start3A_220 : memref<80xi32, #tpu.memory_space<hbm>>) target(%arg8 : memref<80xi32, #tpu.memory_space<vmem>>) target_semaphore(%arg29 : memref<!tpu.dma_semaphore, #tpu.memory_space<semaphore_mem>>)
          %mul3A_221 = arith.constant 80 : i32
          %mul3A_222 = arith.muli %add3A_215, %mul3A_221 : i32
          %add3A_223 = arith.addi %mul3A_2, %mul3A_222 : i32
          %dma_start3A_224 = tpu.memref_slice %arg3[%add3A_223] : memref<320000xi32, #tpu.memory_space<hbm>> -> memref<80xi32, #tpu.memory_space<hbm>>
          %dma_start3A_225 = tpu.memref_slice %arg3[%add3A_223] : memref<320000xi32, #tpu.memory_space<hbm>> -> memref<80xi32, #tpu.memory_space<hbm>>
          tpu.enqueue_dma source(%dma_start3A_225 : memref<80xi32, #tpu.memory_space<hbm>>) target(%arg16 : memref<80xi32, #tpu.memory_space<vmem>>) target_semaphore(%arg37 : memref<!tpu.dma_semaphore, #tpu.memory_space<semaphore_mem>>)
        } else {
        }
        %add3A_207 = arith.constant 4 : i32
        %add3A_208 = arith.addi %add3A_155, %add3A_207 : i32
        %lt3A_209 = arith.constant 125 : i32
        %lt3A_210 = arith.cmpi slt, %add3A_208, %lt3A_209 : i32
        %convert_element_type3A_211 = arith.extui %lt3A_210 : i1 to i32
        %cond3A_212 = arith.constant 0 : i32
        %cond3A_213 = arith.cmpi ne, %convert_element_type3A_211, %cond3A_212 : i32
        scf.if %cond3A_213 {
          %add3A_214 = arith.constant 4 : i32
          %add3A_215 = arith.addi %add3A_155, %add3A_214 : i32
          %mul3A_216 = arith.constant 80 : i32
          %mul3A_217 = arith.muli %add3A_215, %mul3A_216 : i32
          %add3A_218 = arith.addi %mul3A_2, %mul3A_217 : i32
          %dma_wait3A_219 = tpu.memref_slice %arg2[%add3A_218] : memref<320000xi32, #tpu.memory_space<hbm>> -> memref<80xi32, #tpu.memory_space<hbm>>
          %dma_wait3A_220 = tpu.memref_slice %arg2[%add3A_218] : memref<320000xi32, #tpu.memory_space<hbm>> -> memref<80xi32, #tpu.memory_space<hbm>>
          tpu.wait_dma2 semaphore(%arg33 : memref<!tpu.dma_semaphore, #tpu.memory_space<semaphore_mem>>) src(%dma_wait3A_220 : memref<80xi32, #tpu.memory_space<hbm>>) dst(%arg12 : memref<80xi32, #tpu.memory_space<vmem>>)
          %mul3A_221 = arith.constant 80 : i32
          %mul3A_222 = arith.muli %add3A_215, %mul3A_221 : i32
          %add3A_223 = arith.addi %mul3A_2, %mul3A_222 : i32
          %dma_wait3A_224 = tpu.memref_slice %arg3[%add3A_223] : memref<320000xi32, #tpu.memory_space<hbm>> -> memref<80xi32, #tpu.memory_space<hbm>>
          %dma_wait3A_225 = tpu.memref_slice %arg3[%add3A_223] : memref<320000xi32, #tpu.memory_space<hbm>> -> memref<80xi32, #tpu.memory_space<hbm>>
          tpu.wait_dma2 semaphore(%arg41 : memref<!tpu.dma_semaphore, #tpu.memory_space<semaphore_mem>>) src(%dma_wait3A_225 : memref<80xi32, #tpu.memory_space<hbm>>) dst(%arg20 : memref<80xi32, #tpu.memory_space<vmem>>)
          %dma_start3A_226 = arith.constant 0 : i32
          %dma_start3A_227 = arith.constant 0 : i32
          %dma_start3A_228 = tpu.memref_slice %arg4[%dma_start3A_226, %dma_start3A_227] : memref<10000x128xf32, #tpu.memory_space<hbm>> -> memref<10000x128xf32, #tpu.memory_space<hbm>>
          tpu.enqueue_indirect_dma source(%dma_start3A_228 : memref<10000x128xf32, #tpu.memory_space<hbm>>) target(%arg24 : memref<80x128xf32, #tpu.memory_space<vmem>>) offsets(%arg12 : memref<80xi32, #tpu.memory_space<vmem>>) semaphore(%arg45 : memref<!tpu.dma_semaphore, #tpu.memory_space<semaphore_mem>>)
        } else {
        }
      } else {
      }
      %add3A_161 = arith.constant 3 : i32
      %add3A_162 = arith.addi %mul3A_142, %add3A_161 : i32
      %lt3A_163 = arith.constant 125 : i32
      %lt3A_164 = arith.cmpi slt, %add3A_162, %lt3A_163 : i32
      %convert_element_type3A_165 = arith.extui %lt3A_164 : i1 to i32
      %cond3A_166 = arith.constant 0 : i32
      %cond3A_167 = arith.cmpi ne, %convert_element_type3A_165, %cond3A_166 : i32
      scf.if %cond3A_167 {
        %dma_wait3A_197 = arith.constant 0 : i32
        %dma_wait3A_198 = arith.constant 0 : i32
        %dma_wait3A_199 = tpu.memref_slice %arg4[%dma_wait3A_197, %dma_wait3A_198] : memref<10000x128xf32, #tpu.memory_space<hbm>> -> memref<10000x128xf32, #tpu.memory_space<hbm>>
        tpu.wait_indirect_dma semaphore(%arg46 : memref<!tpu.dma_semaphore, #tpu.memory_space<semaphore_mem>>) src(%dma_wait3A_199 : memref<10000x128xf32, #tpu.memory_space<hbm>>) dst(%arg25 : memref<80x128xf32, #tpu.memory_space<vmem>>)
        "tpu.region"() ({
          %run_scoped3A = tpu.sem_alloc : memref<!tpu.dma_semaphore, #tpu.memory_space<semaphore_mem>>
          %dma_start3A_214 = arith.constant 0 : i32
          %dma_start3A_215 = arith.constant 0 : i32
          %dma_start3A_216 = tpu.memref_slice %arg26[%dma_start3A_214, %dma_start3A_215] : memref<10240x128xf32, #tpu.memory_space<vmem_shared>> -> memref<10240x128xf32, #tpu.memory_space<vmem_shared>>
          tpu.enqueue_indirect_dma source(%arg25 : memref<80x128xf32, #tpu.memory_space<vmem>>) target(%dma_start3A_216 : memref<10240x128xf32, #tpu.memory_space<vmem_shared>>) offsets(%arg17 : memref<80xi32, #tpu.memory_space<vmem>>) semaphore(%run_scoped3A : memref<!tpu.dma_semaphore, #tpu.memory_space<semaphore_mem>>) {add = true}
          %dma_wait3A_217 = arith.constant 0 : i32
          %dma_wait3A_218 = arith.constant 0 : i32
          %dma_wait3A_219 = tpu.memref_slice %arg26[%dma_wait3A_217, %dma_wait3A_218] : memref<10240x128xf32, #tpu.memory_space<vmem_shared>> -> memref<10240x128xf32, #tpu.memory_space<vmem_shared>>
          tpu.wait_indirect_dma semaphore(%run_scoped3A : memref<!tpu.dma_semaphore, #tpu.memory_space<semaphore_mem>>) src(%arg25 : memref<80x128xf32, #tpu.memory_space<vmem>>) dst(%dma_wait3A_219 : memref<10240x128xf32, #tpu.memory_space<vmem_shared>>)
          tpu.yield
        }) : () -> ()
        %add3A_200 = arith.constant 8 : i32
        %add3A_201 = arith.addi %add3A_162, %add3A_200 : i32
        %lt3A_202 = arith.constant 125 : i32
        %lt3A_203 = arith.cmpi slt, %add3A_201, %lt3A_202 : i32
        %convert_element_type3A_204 = arith.extui %lt3A_203 : i1 to i32
        %cond3A_205 = arith.constant 0 : i32
        %cond3A_206 = arith.cmpi ne, %convert_element_type3A_204, %cond3A_205 : i32
        scf.if %cond3A_206 {
          %add3A_214 = arith.constant 8 : i32
          %add3A_215 = arith.addi %add3A_162, %add3A_214 : i32
          %mul3A_216 = arith.constant 80 : i32
          %mul3A_217 = arith.muli %add3A_215, %mul3A_216 : i32
          %add3A_218 = arith.addi %mul3A_2, %mul3A_217 : i32
          %dma_start3A_219 = tpu.memref_slice %arg2[%add3A_218] : memref<320000xi32, #tpu.memory_space<hbm>> -> memref<80xi32, #tpu.memory_space<hbm>>
          %dma_start3A_220 = tpu.memref_slice %arg2[%add3A_218] : memref<320000xi32, #tpu.memory_space<hbm>> -> memref<80xi32, #tpu.memory_space<hbm>>
          tpu.enqueue_dma source(%dma_start3A_220 : memref<80xi32, #tpu.memory_space<hbm>>) target(%arg9 : memref<80xi32, #tpu.memory_space<vmem>>) target_semaphore(%arg30 : memref<!tpu.dma_semaphore, #tpu.memory_space<semaphore_mem>>)
          %mul3A_221 = arith.constant 80 : i32
          %mul3A_222 = arith.muli %add3A_215, %mul3A_221 : i32
          %add3A_223 = arith.addi %mul3A_2, %mul3A_222 : i32
          %dma_start3A_224 = tpu.memref_slice %arg3[%add3A_223] : memref<320000xi32, #tpu.memory_space<hbm>> -> memref<80xi32, #tpu.memory_space<hbm>>
          %dma_start3A_225 = tpu.memref_slice %arg3[%add3A_223] : memref<320000xi32, #tpu.memory_space<hbm>> -> memref<80xi32, #tpu.memory_space<hbm>>
          tpu.enqueue_dma source(%dma_start3A_225 : memref<80xi32, #tpu.memory_space<hbm>>) target(%arg17 : memref<80xi32, #tpu.memory_space<vmem>>) target_semaphore(%arg38 : memref<!tpu.dma_semaphore, #tpu.memory_space<semaphore_mem>>)
        } else {
        }
        %add3A_207 = arith.constant 4 : i32
        %add3A_208 = arith.addi %add3A_162, %add3A_207 : i32
        %lt3A_209 = arith.constant 125 : i32
        %lt3A_210 = arith.cmpi slt, %add3A_208, %lt3A_209 : i32
        %convert_element_type3A_211 = arith.extui %lt3A_210 : i1 to i32
        %cond3A_212 = arith.constant 0 : i32
        %cond3A_213 = arith.cmpi ne, %convert_element_type3A_211, %cond3A_212 : i32
        scf.if %cond3A_213 {
          %add3A_214 = arith.constant 4 : i32
          %add3A_215 = arith.addi %add3A_162, %add3A_214 : i32
          %mul3A_216 = arith.constant 80 : i32
          %mul3A_217 = arith.muli %add3A_215, %mul3A_216 : i32
          %add3A_218 = arith.addi %mul3A_2, %mul3A_217 : i32
          %dma_wait3A_219 = tpu.memref_slice %arg2[%add3A_218] : memref<320000xi32, #tpu.memory_space<hbm>> -> memref<80xi32, #tpu.memory_space<hbm>>
          %dma_wait3A_220 = tpu.memref_slice %arg2[%add3A_218] : memref<320000xi32, #tpu.memory_space<hbm>> -> memref<80xi32, #tpu.memory_space<hbm>>
          tpu.wait_dma2 semaphore(%arg34 : memref<!tpu.dma_semaphore, #tpu.memory_space<semaphore_mem>>) src(%dma_wait3A_220 : memref<80xi32, #tpu.memory_space<hbm>>) dst(%arg13 : memref<80xi32, #tpu.memory_space<vmem>>)
          %mul3A_221 = arith.constant 80 : i32
          %mul3A_222 = arith.muli %add3A_215, %mul3A_221 : i32
          %add3A_223 = arith.addi %mul3A_2, %mul3A_222 : i32
          %dma_wait3A_224 = tpu.memref_slice %arg3[%add3A_223] : memref<320000xi32, #tpu.memory_space<hbm>> -> memref<80xi32, #tpu.memory_space<hbm>>
          %dma_wait3A_225 = tpu.memref_slice %arg3[%add3A_223] : memref<320000xi32, #tpu.memory_space<hbm>> -> memref<80xi32, #tpu.memory_space<hbm>>
          tpu.wait_dma2 semaphore(%arg42 : memref<!tpu.dma_semaphore, #tpu.memory_space<semaphore_mem>>) src(%dma_wait3A_225 : memref<80xi32, #tpu.memory_space<hbm>>) dst(%arg21 : memref<80xi32, #tpu.memory_space<vmem>>)
          %dma_start3A_226 = arith.constant 0 : i32
          %dma_start3A_227 = arith.constant 0 : i32
          %dma_start3A_228 = tpu.memref_slice %arg4[%dma_start3A_226, %dma_start3A_227] : memref<10000x128xf32, #tpu.memory_space<hbm>> -> memref<10000x128xf32, #tpu.memory_space<hbm>>
          tpu.enqueue_indirect_dma source(%dma_start3A_228 : memref<10000x128xf32, #tpu.memory_space<hbm>>) target(%arg25 : memref<80x128xf32, #tpu.memory_space<vmem>>) offsets(%arg13 : memref<80xi32, #tpu.memory_space<vmem>>) semaphore(%arg46 : memref<!tpu.dma_semaphore, #tpu.memory_space<semaphore_mem>>)
        } else {
        }
      } else {
      }
      %add3A_168 = arith.constant 4 : i32
      %add3A_169 = arith.addi %mul3A_142, %add3A_168 : i32
      %lt3A_170 = arith.constant 125 : i32
      %lt3A_171 = arith.cmpi slt, %add3A_169, %lt3A_170 : i32
      %convert_element_type3A_172 = arith.extui %lt3A_171 : i1 to i32
      %cond3A_173 = arith.constant 0 : i32
      %cond3A_174 = arith.cmpi ne, %convert_element_type3A_172, %cond3A_173 : i32
      scf.if %cond3A_174 {
        %dma_wait3A_197 = arith.constant 0 : i32
        %dma_wait3A_198 = arith.constant 0 : i32
        %dma_wait3A_199 = tpu.memref_slice %arg4[%dma_wait3A_197, %dma_wait3A_198] : memref<10000x128xf32, #tpu.memory_space<hbm>> -> memref<10000x128xf32, #tpu.memory_space<hbm>>
        tpu.wait_indirect_dma semaphore(%arg43 : memref<!tpu.dma_semaphore, #tpu.memory_space<semaphore_mem>>) src(%dma_wait3A_199 : memref<10000x128xf32, #tpu.memory_space<hbm>>) dst(%arg22 : memref<80x128xf32, #tpu.memory_space<vmem>>)
        "tpu.region"() ({
          %run_scoped3A = tpu.sem_alloc : memref<!tpu.dma_semaphore, #tpu.memory_space<semaphore_mem>>
          %dma_start3A_214 = arith.constant 0 : i32
          %dma_start3A_215 = arith.constant 0 : i32
          %dma_start3A_216 = tpu.memref_slice %arg26[%dma_start3A_214, %dma_start3A_215] : memref<10240x128xf32, #tpu.memory_space<vmem_shared>> -> memref<10240x128xf32, #tpu.memory_space<vmem_shared>>
          tpu.enqueue_indirect_dma source(%arg22 : memref<80x128xf32, #tpu.memory_space<vmem>>) target(%dma_start3A_216 : memref<10240x128xf32, #tpu.memory_space<vmem_shared>>) offsets(%arg18 : memref<80xi32, #tpu.memory_space<vmem>>) semaphore(%run_scoped3A : memref<!tpu.dma_semaphore, #tpu.memory_space<semaphore_mem>>) {add = true}
          %dma_wait3A_217 = arith.constant 0 : i32
          %dma_wait3A_218 = arith.constant 0 : i32
          %dma_wait3A_219 = tpu.memref_slice %arg26[%dma_wait3A_217, %dma_wait3A_218] : memref<10240x128xf32, #tpu.memory_space<vmem_shared>> -> memref<10240x128xf32, #tpu.memory_space<vmem_shared>>
          tpu.wait_indirect_dma semaphore(%run_scoped3A : memref<!tpu.dma_semaphore, #tpu.memory_space<semaphore_mem>>) src(%arg22 : memref<80x128xf32, #tpu.memory_space<vmem>>) dst(%dma_wait3A_219 : memref<10240x128xf32, #tpu.memory_space<vmem_shared>>)
          tpu.yield
        }) : () -> ()
        %add3A_200 = arith.constant 8 : i32
        %add3A_201 = arith.addi %add3A_169, %add3A_200 : i32
        %lt3A_202 = arith.constant 125 : i32
        %lt3A_203 = arith.cmpi slt, %add3A_201, %lt3A_202 : i32
        %convert_element_type3A_204 = arith.extui %lt3A_203 : i1 to i32
        %cond3A_205 = arith.constant 0 : i32
        %cond3A_206 = arith.cmpi ne, %convert_element_type3A_204, %cond3A_205 : i32
        scf.if %cond3A_206 {
          %add3A_214 = arith.constant 8 : i32
          %add3A_215 = arith.addi %add3A_169, %add3A_214 : i32
          %mul3A_216 = arith.constant 80 : i32
          %mul3A_217 = arith.muli %add3A_215, %mul3A_216 : i32
          %add3A_218 = arith.addi %mul3A_2, %mul3A_217 : i32
          %dma_start3A_219 = tpu.memref_slice %arg2[%add3A_218] : memref<320000xi32, #tpu.memory_space<hbm>> -> memref<80xi32, #tpu.memory_space<hbm>>
          %dma_start3A_220 = tpu.memref_slice %arg2[%add3A_218] : memref<320000xi32, #tpu.memory_space<hbm>> -> memref<80xi32, #tpu.memory_space<hbm>>
          tpu.enqueue_dma source(%dma_start3A_220 : memref<80xi32, #tpu.memory_space<hbm>>) target(%arg10 : memref<80xi32, #tpu.memory_space<vmem>>) target_semaphore(%arg31 : memref<!tpu.dma_semaphore, #tpu.memory_space<semaphore_mem>>)
          %mul3A_221 = arith.constant 80 : i32
          %mul3A_222 = arith.muli %add3A_215, %mul3A_221 : i32
          %add3A_223 = arith.addi %mul3A_2, %mul3A_222 : i32
          %dma_start3A_224 = tpu.memref_slice %arg3[%add3A_223] : memref<320000xi32, #tpu.memory_space<hbm>> -> memref<80xi32, #tpu.memory_space<hbm>>
          %dma_start3A_225 = tpu.memref_slice %arg3[%add3A_223] : memref<320000xi32, #tpu.memory_space<hbm>> -> memref<80xi32, #tpu.memory_space<hbm>>
          tpu.enqueue_dma source(%dma_start3A_225 : memref<80xi32, #tpu.memory_space<hbm>>) target(%arg18 : memref<80xi32, #tpu.memory_space<vmem>>) target_semaphore(%arg39 : memref<!tpu.dma_semaphore, #tpu.memory_space<semaphore_mem>>)
        } else {
        }
        %add3A_207 = arith.constant 4 : i32
        %add3A_208 = arith.addi %add3A_169, %add3A_207 : i32
        %lt3A_209 = arith.constant 125 : i32
        %lt3A_210 = arith.cmpi slt, %add3A_208, %lt3A_209 : i32
        %convert_element_type3A_211 = arith.extui %lt3A_210 : i1 to i32
        %cond3A_212 = arith.constant 0 : i32
        %cond3A_213 = arith.cmpi ne, %convert_element_type3A_211, %cond3A_212 : i32
        scf.if %cond3A_213 {
          %add3A_214 = arith.constant 4 : i32
          %add3A_215 = arith.addi %add3A_169, %add3A_214 : i32
          %mul3A_216 = arith.constant 80 : i32
          %mul3A_217 = arith.muli %add3A_215, %mul3A_216 : i32
          %add3A_218 = arith.addi %mul3A_2, %mul3A_217 : i32
          %dma_wait3A_219 = tpu.memref_slice %arg2[%add3A_218] : memref<320000xi32, #tpu.memory_space<hbm>> -> memref<80xi32, #tpu.memory_space<hbm>>
          %dma_wait3A_220 = tpu.memref_slice %arg2[%add3A_218] : memref<320000xi32, #tpu.memory_space<hbm>> -> memref<80xi32, #tpu.memory_space<hbm>>
          tpu.wait_dma2 semaphore(%arg27 : memref<!tpu.dma_semaphore, #tpu.memory_space<semaphore_mem>>) src(%dma_wait3A_220 : memref<80xi32, #tpu.memory_space<hbm>>) dst(%arg6 : memref<80xi32, #tpu.memory_space<vmem>>)
          %mul3A_221 = arith.constant 80 : i32
          %mul3A_222 = arith.muli %add3A_215, %mul3A_221 : i32
          %add3A_223 = arith.addi %mul3A_2, %mul3A_222 : i32
          %dma_wait3A_224 = tpu.memref_slice %arg3[%add3A_223] : memref<320000xi32, #tpu.memory_space<hbm>> -> memref<80xi32, #tpu.memory_space<hbm>>
          %dma_wait3A_225 = tpu.memref_slice %arg3[%add3A_223] : memref<320000xi32, #tpu.memory_space<hbm>> -> memref<80xi32, #tpu.memory_space<hbm>>
          tpu.wait_dma2 semaphore(%arg35 : memref<!tpu.dma_semaphore, #tpu.memory_space<semaphore_mem>>) src(%dma_wait3A_225 : memref<80xi32, #tpu.memory_space<hbm>>) dst(%arg14 : memref<80xi32, #tpu.memory_space<vmem>>)
          %dma_start3A_226 = arith.constant 0 : i32
          %dma_start3A_227 = arith.constant 0 : i32
          %dma_start3A_228 = tpu.memref_slice %arg4[%dma_start3A_226, %dma_start3A_227] : memref<10000x128xf32, #tpu.memory_space<hbm>> -> memref<10000x128xf32, #tpu.memory_space<hbm>>
          tpu.enqueue_indirect_dma source(%dma_start3A_228 : memref<10000x128xf32, #tpu.memory_space<hbm>>) target(%arg22 : memref<80x128xf32, #tpu.memory_space<vmem>>) offsets(%arg6 : memref<80xi32, #tpu.memory_space<vmem>>) semaphore(%arg43 : memref<!tpu.dma_semaphore, #tpu.memory_space<semaphore_mem>>)
        } else {
        }
      } else {
      }
      %add3A_175 = arith.constant 5 : i32
      %add3A_176 = arith.addi %mul3A_142, %add3A_175 : i32
      %lt3A_177 = arith.constant 125 : i32
      %lt3A_178 = arith.cmpi slt, %add3A_176, %lt3A_177 : i32
      %convert_element_type3A_179 = arith.extui %lt3A_178 : i1 to i32
      %cond3A_180 = arith.constant 0 : i32
      %cond3A_181 = arith.cmpi ne, %convert_element_type3A_179, %cond3A_180 : i32
      scf.if %cond3A_181 {
        %dma_wait3A_197 = arith.constant 0 : i32
        %dma_wait3A_198 = arith.constant 0 : i32
        %dma_wait3A_199 = tpu.memref_slice %arg4[%dma_wait3A_197, %dma_wait3A_198] : memref<10000x128xf32, #tpu.memory_space<hbm>> -> memref<10000x128xf32, #tpu.memory_space<hbm>>
        tpu.wait_indirect_dma semaphore(%arg44 : memref<!tpu.dma_semaphore, #tpu.memory_space<semaphore_mem>>) src(%dma_wait3A_199 : memref<10000x128xf32, #tpu.memory_space<hbm>>) dst(%arg23 : memref<80x128xf32, #tpu.memory_space<vmem>>)
        "tpu.region"() ({
          %run_scoped3A = tpu.sem_alloc : memref<!tpu.dma_semaphore, #tpu.memory_space<semaphore_mem>>
          %dma_start3A_214 = arith.constant 0 : i32
          %dma_start3A_215 = arith.constant 0 : i32
          %dma_start3A_216 = tpu.memref_slice %arg26[%dma_start3A_214, %dma_start3A_215] : memref<10240x128xf32, #tpu.memory_space<vmem_shared>> -> memref<10240x128xf32, #tpu.memory_space<vmem_shared>>
          tpu.enqueue_indirect_dma source(%arg23 : memref<80x128xf32, #tpu.memory_space<vmem>>) target(%dma_start3A_216 : memref<10240x128xf32, #tpu.memory_space<vmem_shared>>) offsets(%arg19 : memref<80xi32, #tpu.memory_space<vmem>>) semaphore(%run_scoped3A : memref<!tpu.dma_semaphore, #tpu.memory_space<semaphore_mem>>) {add = true}
          %dma_wait3A_217 = arith.constant 0 : i32
          %dma_wait3A_218 = arith.constant 0 : i32
          %dma_wait3A_219 = tpu.memref_slice %arg26[%dma_wait3A_217, %dma_wait3A_218] : memref<10240x128xf32, #tpu.memory_space<vmem_shared>> -> memref<10240x128xf32, #tpu.memory_space<vmem_shared>>
          tpu.wait_indirect_dma semaphore(%run_scoped3A : memref<!tpu.dma_semaphore, #tpu.memory_space<semaphore_mem>>) src(%arg23 : memref<80x128xf32, #tpu.memory_space<vmem>>) dst(%dma_wait3A_219 : memref<10240x128xf32, #tpu.memory_space<vmem_shared>>)
          tpu.yield
        }) : () -> ()
        %add3A_200 = arith.constant 8 : i32
        %add3A_201 = arith.addi %add3A_176, %add3A_200 : i32
        %lt3A_202 = arith.constant 125 : i32
        %lt3A_203 = arith.cmpi slt, %add3A_201, %lt3A_202 : i32
        %convert_element_type3A_204 = arith.extui %lt3A_203 : i1 to i32
        %cond3A_205 = arith.constant 0 : i32
        %cond3A_206 = arith.cmpi ne, %convert_element_type3A_204, %cond3A_205 : i32
        scf.if %cond3A_206 {
          %add3A_214 = arith.constant 8 : i32
          %add3A_215 = arith.addi %add3A_176, %add3A_214 : i32
          %mul3A_216 = arith.constant 80 : i32
          %mul3A_217 = arith.muli %add3A_215, %mul3A_216 : i32
          %add3A_218 = arith.addi %mul3A_2, %mul3A_217 : i32
          %dma_start3A_219 = tpu.memref_slice %arg2[%add3A_218] : memref<320000xi32, #tpu.memory_space<hbm>> -> memref<80xi32, #tpu.memory_space<hbm>>
          %dma_start3A_220 = tpu.memref_slice %arg2[%add3A_218] : memref<320000xi32, #tpu.memory_space<hbm>> -> memref<80xi32, #tpu.memory_space<hbm>>
          tpu.enqueue_dma source(%dma_start3A_220 : memref<80xi32, #tpu.memory_space<hbm>>) target(%arg11 : memref<80xi32, #tpu.memory_space<vmem>>) target_semaphore(%arg32 : memref<!tpu.dma_semaphore, #tpu.memory_space<semaphore_mem>>)
          %mul3A_221 = arith.constant 80 : i32
          %mul3A_222 = arith.muli %add3A_215, %mul3A_221 : i32
          %add3A_223 = arith.addi %mul3A_2, %mul3A_222 : i32
          %dma_start3A_224 = tpu.memref_slice %arg3[%add3A_223] : memref<320000xi32, #tpu.memory_space<hbm>> -> memref<80xi32, #tpu.memory_space<hbm>>
          %dma_start3A_225 = tpu.memref_slice %arg3[%add3A_223] : memref<320000xi32, #tpu.memory_space<hbm>> -> memref<80xi32, #tpu.memory_space<hbm>>
          tpu.enqueue_dma source(%dma_start3A_225 : memref<80xi32, #tpu.memory_space<hbm>>) target(%arg19 : memref<80xi32, #tpu.memory_space<vmem>>) target_semaphore(%arg40 : memref<!tpu.dma_semaphore, #tpu.memory_space<semaphore_mem>>)
        } else {
        }
        %add3A_207 = arith.constant 4 : i32
        %add3A_208 = arith.addi %add3A_176, %add3A_207 : i32
        %lt3A_209 = arith.constant 125 : i32
        %lt3A_210 = arith.cmpi slt, %add3A_208, %lt3A_209 : i32
        %convert_element_type3A_211 = arith.extui %lt3A_210 : i1 to i32
        %cond3A_212 = arith.constant 0 : i32
        %cond3A_213 = arith.cmpi ne, %convert_element_type3A_211, %cond3A_212 : i32
        scf.if %cond3A_213 {
          %add3A_214 = arith.constant 4 : i32
          %add3A_215 = arith.addi %add3A_176, %add3A_214 : i32
          %mul3A_216 = arith.constant 80 : i32
          %mul3A_217 = arith.muli %add3A_215, %mul3A_216 : i32
          %add3A_218 = arith.addi %mul3A_2, %mul3A_217 : i32
          %dma_wait3A_219 = tpu.memref_slice %arg2[%add3A_218] : memref<320000xi32, #tpu.memory_space<hbm>> -> memref<80xi32, #tpu.memory_space<hbm>>
          %dma_wait3A_220 = tpu.memref_slice %arg2[%add3A_218] : memref<320000xi32, #tpu.memory_space<hbm>> -> memref<80xi32, #tpu.memory_space<hbm>>
          tpu.wait_dma2 semaphore(%arg28 : memref<!tpu.dma_semaphore, #tpu.memory_space<semaphore_mem>>) src(%dma_wait3A_220 : memref<80xi32, #tpu.memory_space<hbm>>) dst(%arg7 : memref<80xi32, #tpu.memory_space<vmem>>)
          %mul3A_221 = arith.constant 80 : i32
          %mul3A_222 = arith.muli %add3A_215, %mul3A_221 : i32
          %add3A_223 = arith.addi %mul3A_2, %mul3A_222 : i32
          %dma_wait3A_224 = tpu.memref_slice %arg3[%add3A_223] : memref<320000xi32, #tpu.memory_space<hbm>> -> memref<80xi32, #tpu.memory_space<hbm>>
          %dma_wait3A_225 = tpu.memref_slice %arg3[%add3A_223] : memref<320000xi32, #tpu.memory_space<hbm>> -> memref<80xi32, #tpu.memory_space<hbm>>
          tpu.wait_dma2 semaphore(%arg36 : memref<!tpu.dma_semaphore, #tpu.memory_space<semaphore_mem>>) src(%dma_wait3A_225 : memref<80xi32, #tpu.memory_space<hbm>>) dst(%arg15 : memref<80xi32, #tpu.memory_space<vmem>>)
          %dma_start3A_226 = arith.constant 0 : i32
          %dma_start3A_227 = arith.constant 0 : i32
          %dma_start3A_228 = tpu.memref_slice %arg4[%dma_start3A_226, %dma_start3A_227] : memref<10000x128xf32, #tpu.memory_space<hbm>> -> memref<10000x128xf32, #tpu.memory_space<hbm>>
          tpu.enqueue_indirect_dma source(%dma_start3A_228 : memref<10000x128xf32, #tpu.memory_space<hbm>>) target(%arg23 : memref<80x128xf32, #tpu.memory_space<vmem>>) offsets(%arg7 : memref<80xi32, #tpu.memory_space<vmem>>) semaphore(%arg44 : memref<!tpu.dma_semaphore, #tpu.memory_space<semaphore_mem>>)
        } else {
        }
      } else {
      }
      %add3A_182 = arith.constant 6 : i32
      %add3A_183 = arith.addi %mul3A_142, %add3A_182 : i32
      %lt3A_184 = arith.constant 125 : i32
      %lt3A_185 = arith.cmpi slt, %add3A_183, %lt3A_184 : i32
      %convert_element_type3A_186 = arith.extui %lt3A_185 : i1 to i32
      %cond3A_187 = arith.constant 0 : i32
      %cond3A_188 = arith.cmpi ne, %convert_element_type3A_186, %cond3A_187 : i32
      scf.if %cond3A_188 {
        %dma_wait3A_197 = arith.constant 0 : i32
        %dma_wait3A_198 = arith.constant 0 : i32
        %dma_wait3A_199 = tpu.memref_slice %arg4[%dma_wait3A_197, %dma_wait3A_198] : memref<10000x128xf32, #tpu.memory_space<hbm>> -> memref<10000x128xf32, #tpu.memory_space<hbm>>
        tpu.wait_indirect_dma semaphore(%arg45 : memref<!tpu.dma_semaphore, #tpu.memory_space<semaphore_mem>>) src(%dma_wait3A_199 : memref<10000x128xf32, #tpu.memory_space<hbm>>) dst(%arg24 : memref<80x128xf32, #tpu.memory_space<vmem>>)
        "tpu.region"() ({
          %run_scoped3A = tpu.sem_alloc : memref<!tpu.dma_semaphore, #tpu.memory_space<semaphore_mem>>
          %dma_start3A_214 = arith.constant 0 : i32
          %dma_start3A_215 = arith.constant 0 : i32
          %dma_start3A_216 = tpu.memref_slice %arg26[%dma_start3A_214, %dma_start3A_215] : memref<10240x128xf32, #tpu.memory_space<vmem_shared>> -> memref<10240x128xf32, #tpu.memory_space<vmem_shared>>
          tpu.enqueue_indirect_dma source(%arg24 : memref<80x128xf32, #tpu.memory_space<vmem>>) target(%dma_start3A_216 : memref<10240x128xf32, #tpu.memory_space<vmem_shared>>) offsets(%arg20 : memref<80xi32, #tpu.memory_space<vmem>>) semaphore(%run_scoped3A : memref<!tpu.dma_semaphore, #tpu.memory_space<semaphore_mem>>) {add = true}
          %dma_wait3A_217 = arith.constant 0 : i32
          %dma_wait3A_218 = arith.constant 0 : i32
          %dma_wait3A_219 = tpu.memref_slice %arg26[%dma_wait3A_217, %dma_wait3A_218] : memref<10240x128xf32, #tpu.memory_space<vmem_shared>> -> memref<10240x128xf32, #tpu.memory_space<vmem_shared>>
          tpu.wait_indirect_dma semaphore(%run_scoped3A : memref<!tpu.dma_semaphore, #tpu.memory_space<semaphore_mem>>) src(%arg24 : memref<80x128xf32, #tpu.memory_space<vmem>>) dst(%dma_wait3A_219 : memref<10240x128xf32, #tpu.memory_space<vmem_shared>>)
          tpu.yield
        }) : () -> ()
        %add3A_200 = arith.constant 8 : i32
        %add3A_201 = arith.addi %add3A_183, %add3A_200 : i32
        %lt3A_202 = arith.constant 125 : i32
        %lt3A_203 = arith.cmpi slt, %add3A_201, %lt3A_202 : i32
        %convert_element_type3A_204 = arith.extui %lt3A_203 : i1 to i32
        %cond3A_205 = arith.constant 0 : i32
        %cond3A_206 = arith.cmpi ne, %convert_element_type3A_204, %cond3A_205 : i32
        scf.if %cond3A_206 {
          %add3A_214 = arith.constant 8 : i32
          %add3A_215 = arith.addi %add3A_183, %add3A_214 : i32
          %mul3A_216 = arith.constant 80 : i32
          %mul3A_217 = arith.muli %add3A_215, %mul3A_216 : i32
          %add3A_218 = arith.addi %mul3A_2, %mul3A_217 : i32
          %dma_start3A_219 = tpu.memref_slice %arg2[%add3A_218] : memref<320000xi32, #tpu.memory_space<hbm>> -> memref<80xi32, #tpu.memory_space<hbm>>
          %dma_start3A_220 = tpu.memref_slice %arg2[%add3A_218] : memref<320000xi32, #tpu.memory_space<hbm>> -> memref<80xi32, #tpu.memory_space<hbm>>
          tpu.enqueue_dma source(%dma_start3A_220 : memref<80xi32, #tpu.memory_space<hbm>>) target(%arg12 : memref<80xi32, #tpu.memory_space<vmem>>) target_semaphore(%arg33 : memref<!tpu.dma_semaphore, #tpu.memory_space<semaphore_mem>>)
          %mul3A_221 = arith.constant 80 : i32
          %mul3A_222 = arith.muli %add3A_215, %mul3A_221 : i32
          %add3A_223 = arith.addi %mul3A_2, %mul3A_222 : i32
          %dma_start3A_224 = tpu.memref_slice %arg3[%add3A_223] : memref<320000xi32, #tpu.memory_space<hbm>> -> memref<80xi32, #tpu.memory_space<hbm>>
          %dma_start3A_225 = tpu.memref_slice %arg3[%add3A_223] : memref<320000xi32, #tpu.memory_space<hbm>> -> memref<80xi32, #tpu.memory_space<hbm>>
          tpu.enqueue_dma source(%dma_start3A_225 : memref<80xi32, #tpu.memory_space<hbm>>) target(%arg20 : memref<80xi32, #tpu.memory_space<vmem>>) target_semaphore(%arg41 : memref<!tpu.dma_semaphore, #tpu.memory_space<semaphore_mem>>)
        } else {
        }
        %add3A_207 = arith.constant 4 : i32
        %add3A_208 = arith.addi %add3A_183, %add3A_207 : i32
        %lt3A_209 = arith.constant 125 : i32
        %lt3A_210 = arith.cmpi slt, %add3A_208, %lt3A_209 : i32
        %convert_element_type3A_211 = arith.extui %lt3A_210 : i1 to i32
        %cond3A_212 = arith.constant 0 : i32
        %cond3A_213 = arith.cmpi ne, %convert_element_type3A_211, %cond3A_212 : i32
        scf.if %cond3A_213 {
          %add3A_214 = arith.constant 4 : i32
          %add3A_215 = arith.addi %add3A_183, %add3A_214 : i32
          %mul3A_216 = arith.constant 80 : i32
          %mul3A_217 = arith.muli %add3A_215, %mul3A_216 : i32
          %add3A_218 = arith.addi %mul3A_2, %mul3A_217 : i32
          %dma_wait3A_219 = tpu.memref_slice %arg2[%add3A_218] : memref<320000xi32, #tpu.memory_space<hbm>> -> memref<80xi32, #tpu.memory_space<hbm>>
          %dma_wait3A_220 = tpu.memref_slice %arg2[%add3A_218] : memref<320000xi32, #tpu.memory_space<hbm>> -> memref<80xi32, #tpu.memory_space<hbm>>
          tpu.wait_dma2 semaphore(%arg29 : memref<!tpu.dma_semaphore, #tpu.memory_space<semaphore_mem>>) src(%dma_wait3A_220 : memref<80xi32, #tpu.memory_space<hbm>>) dst(%arg8 : memref<80xi32, #tpu.memory_space<vmem>>)
          %mul3A_221 = arith.constant 80 : i32
          %mul3A_222 = arith.muli %add3A_215, %mul3A_221 : i32
          %add3A_223 = arith.addi %mul3A_2, %mul3A_222 : i32
          %dma_wait3A_224 = tpu.memref_slice %arg3[%add3A_223] : memref<320000xi32, #tpu.memory_space<hbm>> -> memref<80xi32, #tpu.memory_space<hbm>>
          %dma_wait3A_225 = tpu.memref_slice %arg3[%add3A_223] : memref<320000xi32, #tpu.memory_space<hbm>> -> memref<80xi32, #tpu.memory_space<hbm>>
          tpu.wait_dma2 semaphore(%arg37 : memref<!tpu.dma_semaphore, #tpu.memory_space<semaphore_mem>>) src(%dma_wait3A_225 : memref<80xi32, #tpu.memory_space<hbm>>) dst(%arg16 : memref<80xi32, #tpu.memory_space<vmem>>)
          %dma_start3A_226 = arith.constant 0 : i32
          %dma_start3A_227 = arith.constant 0 : i32
          %dma_start3A_228 = tpu.memref_slice %arg4[%dma_start3A_226, %dma_start3A_227] : memref<10000x128xf32, #tpu.memory_space<hbm>> -> memref<10000x128xf32, #tpu.memory_space<hbm>>
          tpu.enqueue_indirect_dma source(%dma_start3A_228 : memref<10000x128xf32, #tpu.memory_space<hbm>>) target(%arg24 : memref<80x128xf32, #tpu.memory_space<vmem>>) offsets(%arg8 : memref<80xi32, #tpu.memory_space<vmem>>) semaphore(%arg45 : memref<!tpu.dma_semaphore, #tpu.memory_space<semaphore_mem>>)
        } else {
        }
      } else {
      }
      %add3A_189 = arith.constant 7 : i32
      %add3A_190 = arith.addi %mul3A_142, %add3A_189 : i32
      %lt3A_191 = arith.constant 125 : i32
      %lt3A_192 = arith.cmpi slt, %add3A_190, %lt3A_191 : i32
      %convert_element_type3A_193 = arith.extui %lt3A_192 : i1 to i32
      %cond3A_194 = arith.constant 0 : i32
      %cond3A_195 = arith.cmpi ne, %convert_element_type3A_193, %cond3A_194 : i32
      scf.if %cond3A_195 {
        %dma_wait3A_197 = arith.constant 0 : i32
        %dma_wait3A_198 = arith.constant 0 : i32
        %dma_wait3A_199 = tpu.memref_slice %arg4[%dma_wait3A_197, %dma_wait3A_198] : memref<10000x128xf32, #tpu.memory_space<hbm>> -> memref<10000x128xf32, #tpu.memory_space<hbm>>
        tpu.wait_indirect_dma semaphore(%arg46 : memref<!tpu.dma_semaphore, #tpu.memory_space<semaphore_mem>>) src(%dma_wait3A_199 : memref<10000x128xf32, #tpu.memory_space<hbm>>) dst(%arg25 : memref<80x128xf32, #tpu.memory_space<vmem>>)
        "tpu.region"() ({
          %run_scoped3A = tpu.sem_alloc : memref<!tpu.dma_semaphore, #tpu.memory_space<semaphore_mem>>
          %dma_start3A_214 = arith.constant 0 : i32
          %dma_start3A_215 = arith.constant 0 : i32
          %dma_start3A_216 = tpu.memref_slice %arg26[%dma_start3A_214, %dma_start3A_215] : memref<10240x128xf32, #tpu.memory_space<vmem_shared>> -> memref<10240x128xf32, #tpu.memory_space<vmem_shared>>
          tpu.enqueue_indirect_dma source(%arg25 : memref<80x128xf32, #tpu.memory_space<vmem>>) target(%dma_start3A_216 : memref<10240x128xf32, #tpu.memory_space<vmem_shared>>) offsets(%arg21 : memref<80xi32, #tpu.memory_space<vmem>>) semaphore(%run_scoped3A : memref<!tpu.dma_semaphore, #tpu.memory_space<semaphore_mem>>) {add = true}
          %dma_wait3A_217 = arith.constant 0 : i32
          %dma_wait3A_218 = arith.constant 0 : i32
          %dma_wait3A_219 = tpu.memref_slice %arg26[%dma_wait3A_217, %dma_wait3A_218] : memref<10240x128xf32, #tpu.memory_space<vmem_shared>> -> memref<10240x128xf32, #tpu.memory_space<vmem_shared>>
          tpu.wait_indirect_dma semaphore(%run_scoped3A : memref<!tpu.dma_semaphore, #tpu.memory_space<semaphore_mem>>) src(%arg25 : memref<80x128xf32, #tpu.memory_space<vmem>>) dst(%dma_wait3A_219 : memref<10240x128xf32, #tpu.memory_space<vmem_shared>>)
          tpu.yield
        }) : () -> ()
        %add3A_200 = arith.constant 8 : i32
        %add3A_201 = arith.addi %add3A_190, %add3A_200 : i32
        %lt3A_202 = arith.constant 125 : i32
        %lt3A_203 = arith.cmpi slt, %add3A_201, %lt3A_202 : i32
        %convert_element_type3A_204 = arith.extui %lt3A_203 : i1 to i32
        %cond3A_205 = arith.constant 0 : i32
        %cond3A_206 = arith.cmpi ne, %convert_element_type3A_204, %cond3A_205 : i32
        scf.if %cond3A_206 {
          %add3A_214 = arith.constant 8 : i32
          %add3A_215 = arith.addi %add3A_190, %add3A_214 : i32
          %mul3A_216 = arith.constant 80 : i32
          %mul3A_217 = arith.muli %add3A_215, %mul3A_216 : i32
          %add3A_218 = arith.addi %mul3A_2, %mul3A_217 : i32
          %dma_start3A_219 = tpu.memref_slice %arg2[%add3A_218] : memref<320000xi32, #tpu.memory_space<hbm>> -> memref<80xi32, #tpu.memory_space<hbm>>
          %dma_start3A_220 = tpu.memref_slice %arg2[%add3A_218] : memref<320000xi32, #tpu.memory_space<hbm>> -> memref<80xi32, #tpu.memory_space<hbm>>
          tpu.enqueue_dma source(%dma_start3A_220 : memref<80xi32, #tpu.memory_space<hbm>>) target(%arg13 : memref<80xi32, #tpu.memory_space<vmem>>) target_semaphore(%arg34 : memref<!tpu.dma_semaphore, #tpu.memory_space<semaphore_mem>>)
          %mul3A_221 = arith.constant 80 : i32
          %mul3A_222 = arith.muli %add3A_215, %mul3A_221 : i32
          %add3A_223 = arith.addi %mul3A_2, %mul3A_222 : i32
          %dma_start3A_224 = tpu.memref_slice %arg3[%add3A_223] : memref<320000xi32, #tpu.memory_space<hbm>> -> memref<80xi32, #tpu.memory_space<hbm>>
          %dma_start3A_225 = tpu.memref_slice %arg3[%add3A_223] : memref<320000xi32, #tpu.memory_space<hbm>> -> memref<80xi32, #tpu.memory_space<hbm>>
          tpu.enqueue_dma source(%dma_start3A_225 : memref<80xi32, #tpu.memory_space<hbm>>) target(%arg21 : memref<80xi32, #tpu.memory_space<vmem>>) target_semaphore(%arg42 : memref<!tpu.dma_semaphore, #tpu.memory_space<semaphore_mem>>)
        } else {
        }
        %add3A_207 = arith.constant 4 : i32
        %add3A_208 = arith.addi %add3A_190, %add3A_207 : i32
        %lt3A_209 = arith.constant 125 : i32
        %lt3A_210 = arith.cmpi slt, %add3A_208, %lt3A_209 : i32
        %convert_element_type3A_211 = arith.extui %lt3A_210 : i1 to i32
        %cond3A_212 = arith.constant 0 : i32
        %cond3A_213 = arith.cmpi ne, %convert_element_type3A_211, %cond3A_212 : i32
        scf.if %cond3A_213 {
          %add3A_214 = arith.constant 4 : i32
          %add3A_215 = arith.addi %add3A_190, %add3A_214 : i32
          %mul3A_216 = arith.constant 80 : i32
          %mul3A_217 = arith.muli %add3A_215, %mul3A_216 : i32
          %add3A_218 = arith.addi %mul3A_2, %mul3A_217 : i32
          %dma_wait3A_219 = tpu.memref_slice %arg2[%add3A_218] : memref<320000xi32, #tpu.memory_space<hbm>> -> memref<80xi32, #tpu.memory_space<hbm>>
          %dma_wait3A_220 = tpu.memref_slice %arg2[%add3A_218] : memref<320000xi32, #tpu.memory_space<hbm>> -> memref<80xi32, #tpu.memory_space<hbm>>
          tpu.wait_dma2 semaphore(%arg30 : memref<!tpu.dma_semaphore, #tpu.memory_space<semaphore_mem>>) src(%dma_wait3A_220 : memref<80xi32, #tpu.memory_space<hbm>>) dst(%arg9 : memref<80xi32, #tpu.memory_space<vmem>>)
          %mul3A_221 = arith.constant 80 : i32
          %mul3A_222 = arith.muli %add3A_215, %mul3A_221 : i32
          %add3A_223 = arith.addi %mul3A_2, %mul3A_222 : i32
          %dma_wait3A_224 = tpu.memref_slice %arg3[%add3A_223] : memref<320000xi32, #tpu.memory_space<hbm>> -> memref<80xi32, #tpu.memory_space<hbm>>
          %dma_wait3A_225 = tpu.memref_slice %arg3[%add3A_223] : memref<320000xi32, #tpu.memory_space<hbm>> -> memref<80xi32, #tpu.memory_space<hbm>>
          tpu.wait_dma2 semaphore(%arg38 : memref<!tpu.dma_semaphore, #tpu.memory_space<semaphore_mem>>) src(%dma_wait3A_225 : memref<80xi32, #tpu.memory_space<hbm>>) dst(%arg17 : memref<80xi32, #tpu.memory_space<vmem>>)
          %dma_start3A_226 = arith.constant 0 : i32
          %dma_start3A_227 = arith.constant 0 : i32
          %dma_start3A_228 = tpu.memref_slice %arg4[%dma_start3A_226, %dma_start3A_227] : memref<10000x128xf32, #tpu.memory_space<hbm>> -> memref<10000x128xf32, #tpu.memory_space<hbm>>
          tpu.enqueue_indirect_dma source(%dma_start3A_228 : memref<10000x128xf32, #tpu.memory_space<hbm>>) target(%arg25 : memref<80x128xf32, #tpu.memory_space<vmem>>) offsets(%arg9 : memref<80xi32, #tpu.memory_space<vmem>>) semaphore(%arg46 : memref<!tpu.dma_semaphore, #tpu.memory_space<semaphore_mem>>)
        } else {
        }
      } else {
      }
      %scan3A_196 = arith.constant 0 : i32
      scf.yield %scan3A_196 : i32
    }
    %scan3A_130 = arith.constant 16 : i32
    %barrier3A_131 = arith.constant 0 : index
    tpu.barrier barrier_id(%barrier3A_131)
    %scan3A_132 = arith.constant 0 : i32
    %scan3A_133 = arith.constant 0 : i32
    %scan3A_134 = arith.constant 8 : i32
    %scan3A_135 = arith.addi %scan3A_133, %scan3A_134 : i32
    %scan3A_136 = arith.constant 1 : i32
    %scan3A_137 = scf.for %scan3A_139 = %scan3A_133 to %scan3A_135 step %scan3A_136 iter_args(%scan3A_140 = %scan3A_132) -> (i32)  : i32 {
      %mul3A_141 = arith.constant 80 : i32
      %mul3A_142 = arith.muli %scan3A_139, %mul3A_141 : i32
      %add3A_143 = arith.addi %mul3A_4, %mul3A_142 : i32
      %mul3A_144 = arith.constant 80 : i32
      %mul3A_145 = arith.muli %scan3A_139, %mul3A_144 : i32
      %add3A_146 = arith.addi %mul3A_4, %mul3A_145 : i32
      "tpu.region"() ({
        %run_scoped3A = tpu.sem_alloc : memref<!tpu.dma_semaphore, #tpu.memory_space<semaphore_mem>>
        %dma_start3A_148 = arith.constant 0 : i32
        %dma_start3A_149 = tpu.memref_slice %arg5[%arg0, %add3A_146, %dma_start3A_148] : memref<2x10240x128xf32, #tpu.memory_space<hbm>> -> memref<1x80x128xf32, #tpu.memory_space<hbm>>
        %dma_start3A_150 = tpu.memref_squeeze %dma_start3A_149 : memref<1x80x128xf32, #tpu.memory_space<hbm>> -> memref<80x128xf32, #tpu.memory_space<hbm>>
        %dma_start3A_151 = arith.constant 0 : i32
        %dma_start3A_152 = tpu.memref_slice %arg26[%add3A_143, %dma_start3A_151] : memref<10240x128xf32, #tpu.memory_space<vmem_shared>> -> memref<80x128xf32, #tpu.memory_space<vmem_shared>>
        tpu.enqueue_dma source(%dma_start3A_152 : memref<80x128xf32, #tpu.memory_space<vmem_shared>>) target(%dma_start3A_150 : memref<80x128xf32, #tpu.memory_space<hbm>>) target_semaphore(%run_scoped3A : memref<!tpu.dma_semaphore, #tpu.memory_space<semaphore_mem>>)
        %dma_wait3A_153 = arith.constant 0 : i32
        %dma_wait3A_154 = tpu.memref_slice %arg5[%arg0, %add3A_146, %dma_wait3A_153] : memref<2x10240x128xf32, #tpu.memory_space<hbm>> -> memref<1x80x128xf32, #tpu.memory_space<hbm>>
        %dma_wait3A_155 = tpu.memref_squeeze %dma_wait3A_154 : memref<1x80x128xf32, #tpu.memory_space<hbm>> -> memref<80x128xf32, #tpu.memory_space<hbm>>
        %dma_wait3A_156 = arith.constant 0 : i32
        %dma_wait3A_157 = tpu.memref_slice %arg26[%add3A_143, %dma_wait3A_156] : memref<10240x128xf32, #tpu.memory_space<vmem_shared>> -> memref<80x128xf32, #tpu.memory_space<vmem_shared>>
        tpu.wait_dma2 semaphore(%run_scoped3A : memref<!tpu.dma_semaphore, #tpu.memory_space<semaphore_mem>>) src(%dma_wait3A_157 : memref<80x128xf32, #tpu.memory_space<vmem_shared>>) dst(%dma_wait3A_155 : memref<80x128xf32, #tpu.memory_space<hbm>>)
        tpu.yield
      }) : () -> ()
      %scan3A_147 = arith.constant 0 : i32
      scf.yield %scan3A_147 : i32
    }
    %scan3A_138 = arith.constant 8 : i32
    return
  }
}

module attributes {stable_mosaic.version = 14 : i64} {
  func.func @_mm_body(%arg0: memref<10000x128xf32, #tpu.memory_space<vmem>>, %arg1: memref<128x128xf32, #tpu.memory_space<vmem>>, %arg2: memref<10000x128xf32, #tpu.memory_space<vmem>>) attributes {dimension_semantics = [], scalar_prefetch = 0 : i64, scratch_operands = 0 : i64, tpu.core_type = #tpu.core_type<tc>} {
    %get3A = arith.constant 0 : index
    %get3A_0 = arith.constant 0 : index
    %get3A_1 = vector.load %arg0[%get3A, %get3A_0] : memref<10000x128xf32, #tpu.memory_space<vmem>>, vector<10000x128xf32>
    %get3A_2 = arith.constant 0 : index
    %get3A_3 = arith.constant 0 : index
    %get3A_4 = vector.load %arg1[%get3A_2, %get3A_3] : memref<128x128xf32, #tpu.memory_space<vmem>>, vector<128x128xf32>
    %dot_general3A = arith.constant dense<0.000000e+00> : vector<10000x128xf32>
    %dot_general3A_5 = tpu.matmul %get3A_1, %get3A_4, %dot_general3A {dimension_numbers = #tpu.dot_dimension_numbers<[1], [0], [0], [1], [0, 0, 1, 1], [], []>, transpose_lhs_hint = false} : vector<10000x128xf32>, vector<128x128xf32>, vector<10000x128xf32> -> vector<10000x128xf32>
    %swap3A = arith.constant 0 : index
    %swap3A_6 = arith.constant 0 : index
    %swap3A_7 = vector.load %arg2[%swap3A, %swap3A_6] : memref<10000x128xf32, #tpu.memory_space<vmem>>, vector<10000x128xf32>
    tpu.vector_store %arg2[%swap3A, %swap3A_6], %dot_general3A_5 {strides = array<i32>} : memref<10000x128xf32, #tpu.memory_space<vmem>>, vector<10000x128xf32>,
    return
  }
}

module attributes {stable_mosaic.version = 14 : i64} {
  func.func @_scale_body(%arg0: memref<10000x128xf32, #tpu.memory_space<vmem>>, %arg1: memref<10000x1xf32, #tpu.memory_space<vmem>>, %arg2: memref<10000x1xf32, #tpu.memory_space<vmem>>, %arg3: memref<10000x128xf32, #tpu.memory_space<vmem>>) attributes {dimension_semantics = [], scalar_prefetch = 0 : i64, scratch_operands = 0 : i64, tpu.core_type = #tpu.core_type<tc>} {
    %get3A = arith.constant 0 : index
    %get3A_0 = arith.constant 0 : index
    %get3A_1 = vector.load %arg1[%get3A, %get3A_0] : memref<10000x1xf32, #tpu.memory_space<vmem>>, vector<10000x1xf32>
    %get3A_2 = arith.constant 0 : index
    %get3A_3 = arith.constant 0 : index
    %get3A_4 = vector.load %arg2[%get3A_2, %get3A_3] : memref<10000x1xf32, #tpu.memory_space<vmem>>, vector<10000x1xf32>
    %add3A = arith.addf %get3A_1, %get3A_4 : vector<10000x1xf32>
    %add3A_5 = arith.constant 1.000000e+00 : f32
    %add3A_6 = vector.broadcast %add3A_5 : f32 to vector<10000x1xf32>
    %add3A_7 = arith.addf %add3A, %add3A_6 : vector<10000x1xf32>
    %max3A = arith.constant 9.99999996E-13 : f32
    %max3A_8 = vector.broadcast %max3A : f32 to vector<10000x1xf32>
    %max3A_9 = arith.maximumf %add3A_7, %max3A_8 : vector<10000x1xf32>
    %rsqrt3A = math.rsqrt %max3A_9 : vector<10000x1xf32>
    %get3A_10 = arith.constant 0 : index
    %get3A_11 = arith.constant 0 : index
    %get3A_12 = vector.load %arg0[%get3A_10, %get3A_11] : memref<10000x128xf32, #tpu.memory_space<vmem>>, vector<10000x128xf32>
    %mul3A = vector.broadcast %rsqrt3A : vector<10000x1xf32> to vector<10000x128xf32>
    %mul3A_13 = arith.mulf %mul3A, %get3A_12 : vector<10000x128xf32>
    %swap3A = arith.constant 0 : index
    %swap3A_14 = arith.constant 0 : index
    %swap3A_15 = vector.load %arg3[%swap3A, %swap3A_14] : memref<10000x128xf32, #tpu.memory_space<vmem>>, vector<10000x128xf32>
    tpu.vector_store %arg3[%swap3A, %swap3A_14], %mul3A_13 {strides = array<i32>} : memref<10000x128xf32, #tpu.memory_space<vmem>>, vector<10000x128xf32>,
    return
  }
}

module attributes {stable_mosaic.version = 14 : i64} {
  func.func @_comb_body(%arg0: memref<2x10240x128xf32, #tpu.memory_space<vmem>>, %arg1: memref<10000x128xf32, #tpu.memory_space<vmem>>, %arg2: memref<10000x1xf32, #tpu.memory_space<vmem>>, %arg3: memref<10000x1xf32, #tpu.memory_space<vmem>>, %arg4: memref<1x64xf32, #tpu.memory_space<vmem>>, %arg5: memref<1x64xf32, #tpu.memory_space<vmem>>, %arg6: memref<1x64xf32, #tpu.memory_space<vmem>>, %arg7: memref<64x128xf32, #tpu.memory_space<vmem>>, %arg8: memref<10000x128xf32, #tpu.memory_space<vmem>>) attributes {dimension_semantics = [], scalar_prefetch = 0 : i64, scratch_operands = 0 : i64, tpu.core_type = #tpu.core_type<tc>} {
    %get3A = arith.constant 0 : index
    %get3A_0 = arith.constant 0 : index
    %get3A_1 = vector.load %arg2[%get3A, %get3A_0] : memref<10000x1xf32, #tpu.memory_space<vmem>>, vector<10000x1xf32>
    %get3A_2 = arith.constant 0 : index
    %get3A_3 = arith.constant 0 : index
    %get3A_4 = vector.load %arg3[%get3A_2, %get3A_3] : memref<10000x1xf32, #tpu.memory_space<vmem>>, vector<10000x1xf32>
    %add3A = arith.addf %get3A_1, %get3A_4 : vector<10000x1xf32>
    %add3A_5 = arith.constant 1.000000e+00 : f32
    %add3A_6 = vector.broadcast %add3A_5 : f32 to vector<10000x1xf32>
    %add3A_7 = arith.addf %add3A, %add3A_6 : vector<10000x1xf32>
    %max3A = arith.constant 9.99999996E-13 : f32
    %max3A_8 = vector.broadcast %max3A : f32 to vector<10000x1xf32>
    %max3A_9 = arith.maximumf %add3A_7, %max3A_8 : vector<10000x1xf32>
    %rsqrt3A = math.rsqrt %max3A_9 : vector<10000x1xf32>
    %get3A_10 = arith.constant 0 : index
    %get3A_11 = arith.constant 0 : index
    %get3A_12 = arith.constant 0 : index
    %get3A_13 = vector.load %arg0[%get3A_10, %get3A_11, %get3A_12] : memref<2x10240x128xf32, #tpu.memory_space<vmem>>, vector<2x10240x128xf32>
    %slice3A = vector.extract_strided_slice %get3A_13 {offsets = [0, 0, 0], sizes = [1, 10000, 64], strides = [1, 1, 1]} : vector<2x10240x128xf32> to vector<1x10000x64xf32>
    %squeeze3A = vector.shape_cast %slice3A : vector<1x10000x64xf32> to vector<10000x64xf32>
    %slice3A_14 = vector.extract_strided_slice %get3A_13 {offsets = [1, 0, 0], sizes = [1, 10000, 64], strides = [1, 1, 1]} : vector<2x10240x128xf32> to vector<1x10000x64xf32>
    %squeeze3A_15 = vector.shape_cast %slice3A_14 : vector<1x10000x64xf32> to vector<10000x64xf32>
    %add3A_16 = arith.addf %squeeze3A, %squeeze3A_15 : vector<10000x64xf32>
    %get3A_17 = arith.constant 0 : index
    %get3A_18 = arith.constant 0 : index
    %get3A_19 = vector.load %arg1[%get3A_17, %get3A_18] : memref<10000x128xf32, #tpu.memory_space<vmem>>, vector<10000x128xf32>
    %slice3A_20 = vector.extract_strided_slice %get3A_19 {offsets = [0, 0], sizes = [10000, 64], strides = [1, 1]} : vector<10000x128xf32> to vector<10000x64xf32>
    %add3A_21 = arith.addf %add3A_16, %slice3A_20 : vector<10000x64xf32>
    %mul3A = vector.broadcast %rsqrt3A : vector<10000x1xf32> to vector<10000x64xf32>
    %mul3A_22 = arith.mulf %mul3A, %add3A_21 : vector<10000x64xf32>
    %get3A_23 = arith.constant 0 : index
    %get3A_24 = arith.constant 0 : index
    %get3A_25 = vector.load %arg4[%get3A_23, %get3A_24] : memref<1x64xf32, #tpu.memory_space<vmem>>, vector<1x64xf32>
    %add3A_26 = vector.broadcast %get3A_25 : vector<1x64xf32> to vector<10000x64xf32>
    %add3A_27 = arith.addf %mul3A_22, %add3A_26 : vector<10000x64xf32>
    %reduce_sum3A = arith.constant dense<0.000000e+00> : vector<64xf32>
    %reduce_sum3A_28 = vector.multi_reduction <add>, %add3A_27, %reduce_sum3A [0] : vector<10000x64xf32> to vector<64xf32>
    %broadcast_in_dim3A = vector.shape_cast %reduce_sum3A_28 : vector<64xf32> to vector<1x64xf32>
    %div3A = arith.constant 1.000000e+04 : f32
    %div3A_29 = vector.broadcast %div3A : f32 to vector<1x64xf32>
    %div3A_30 = arith.divf %broadcast_in_dim3A, %div3A_29 : vector<1x64xf32>
    %sub3A = vector.broadcast %div3A_30 : vector<1x64xf32> to vector<10000x64xf32>
    %sub3A_31 = arith.subf %add3A_27, %sub3A : vector<10000x64xf32>
    %mul3A_32 = arith.mulf %sub3A_31, %sub3A_31 : vector<10000x64xf32>
    %reduce_sum3A_33 = arith.constant dense<0.000000e+00> : vector<64xf32>
    %reduce_sum3A_34 = vector.multi_reduction <add>, %mul3A_32, %reduce_sum3A_33 [0] : vector<10000x64xf32> to vector<64xf32>
    %broadcast_in_dim3A_35 = vector.shape_cast %reduce_sum3A_34 : vector<64xf32> to vector<1x64xf32>
    %div3A_36 = arith.constant 1.000000e+04 : f32
    %div3A_37 = vector.broadcast %div3A_36 : f32 to vector<1x64xf32>
    %div3A_38 = arith.divf %broadcast_in_dim3A_35, %div3A_37 : vector<1x64xf32>
    %add3A_39 = arith.constant 9.99999974E-6 : f32
    %add3A_40 = vector.broadcast %add3A_39 : f32 to vector<1x64xf32>
    %add3A_41 = arith.addf %div3A_38, %add3A_40 : vector<1x64xf32>
    %rsqrt3A_42 = math.rsqrt %add3A_41 : vector<1x64xf32>
    %mul3A_43 = vector.broadcast %rsqrt3A_42 : vector<1x64xf32> to vector<10000x64xf32>
    %mul3A_44 = arith.mulf %sub3A_31, %mul3A_43 : vector<10000x64xf32>
    %get3A_45 = arith.constant 0 : index
    %get3A_46 = arith.constant 0 : index
    %get3A_47 = vector.load %arg5[%get3A_45, %get3A_46] : memref<1x64xf32, #tpu.memory_space<vmem>>, vector<1x64xf32>
    %mul3A_48 = vector.broadcast %get3A_47 : vector<1x64xf32> to vector<10000x64xf32>
    %mul3A_49 = arith.mulf %mul3A_44, %mul3A_48 : vector<10000x64xf32>
    %get3A_50 = arith.constant 0 : index
    %get3A_51 = arith.constant 0 : index
    %get3A_52 = vector.load %arg6[%get3A_50, %get3A_51] : memref<1x64xf32, #tpu.memory_space<vmem>>, vector<1x64xf32>
    %add3A_53 = vector.broadcast %get3A_52 : vector<1x64xf32> to vector<10000x64xf32>
    %add3A_54 = arith.addf %mul3A_49, %add3A_53 : vector<10000x64xf32>
    %max3A_55 = arith.constant 0.000000e+00 : f32
    %max3A_56 = vector.broadcast %max3A_55 : f32 to vector<10000x64xf32>
    %max3A_57 = arith.maximumf %add3A_54, %max3A_56 : vector<10000x64xf32>
    %get3A_58 = arith.constant 0 : index
    %get3A_59 = arith.constant 0 : index
    %get3A_60 = vector.load %arg7[%get3A_58, %get3A_59] : memref<64x128xf32, #tpu.memory_space<vmem>>, vector<64x128xf32>
    %dot_general3A = arith.constant dense<0.000000e+00> : vector<10000x128xf32>
    %dot_general3A_61 = tpu.matmul %max3A_57, %get3A_60, %dot_general3A {dimension_numbers = #tpu.dot_dimension_numbers<[1], [0], [0], [1], [0, 0, 1, 1], [], []>, transpose_lhs_hint = false} : vector<10000x64xf32>, vector<64x128xf32>, vector<10000x128xf32> -> vector<10000x128xf32>
    %mul3A_62 = vector.broadcast %rsqrt3A : vector<10000x1xf32> to vector<10000x128xf32>
    %mul3A_63 = arith.mulf %mul3A_62, %dot_general3A_61 : vector<10000x128xf32>
    %swap3A = arith.constant 0 : index
    %swap3A_64 = arith.constant 0 : index
    %swap3A_65 = vector.load %arg8[%swap3A, %swap3A_64] : memref<10000x128xf32, #tpu.memory_space<vmem>>, vector<10000x128xf32>
    tpu.vector_store %arg8[%swap3A, %swap3A_64], %mul3A_63 {strides = array<i32>} : memref<10000x128xf32, #tpu.memory_space<vmem>>, vector<10000x128xf32>,
    return
  }
}

module attributes {stable_mosaic.version = 14 : i64} {
  func.func @_comb_last_body(%arg0: memref<2x10240x128xf32, #tpu.memory_space<vmem>>, %arg1: memref<10000x128xf32, #tpu.memory_space<vmem>>, %arg2: memref<10000x1xf32, #tpu.memory_space<vmem>>, %arg3: memref<10000x1xf32, #tpu.memory_space<vmem>>, %arg4: memref<1x64xf32, #tpu.memory_space<vmem>>, %arg5: memref<1x64xf32, #tpu.memory_space<vmem>>, %arg6: memref<1x64xf32, #tpu.memory_space<vmem>>, %arg7: memref<10000x64xf32, #tpu.memory_space<vmem>>) attributes {dimension_semantics = [], scalar_prefetch = 0 : i64, scratch_operands = 0 : i64, tpu.core_type = #tpu.core_type<tc>} {
    %get3A = arith.constant 0 : index
    %get3A_0 = arith.constant 0 : index
    %get3A_1 = vector.load %arg2[%get3A, %get3A_0] : memref<10000x1xf32, #tpu.memory_space<vmem>>, vector<10000x1xf32>
    %get3A_2 = arith.constant 0 : index
    %get3A_3 = arith.constant 0 : index
    %get3A_4 = vector.load %arg3[%get3A_2, %get3A_3] : memref<10000x1xf32, #tpu.memory_space<vmem>>, vector<10000x1xf32>
    %add3A = arith.addf %get3A_1, %get3A_4 : vector<10000x1xf32>
    %add3A_5 = arith.constant 1.000000e+00 : f32
    %add3A_6 = vector.broadcast %add3A_5 : f32 to vector<10000x1xf32>
    %add3A_7 = arith.addf %add3A, %add3A_6 : vector<10000x1xf32>
    %max3A = arith.constant 9.99999996E-13 : f32
    %max3A_8 = vector.broadcast %max3A : f32 to vector<10000x1xf32>
    %max3A_9 = arith.maximumf %add3A_7, %max3A_8 : vector<10000x1xf32>
    %rsqrt3A = math.rsqrt %max3A_9 : vector<10000x1xf32>
    %get3A_10 = arith.constant 0 : index
    %get3A_11 = arith.constant 0 : index
    %get3A_12 = arith.constant 0 : index
    %get3A_13 = vector.load %arg0[%get3A_10, %get3A_11, %get3A_12] : memref<2x10240x128xf32, #tpu.memory_space<vmem>>, vector<2x10240x128xf32>
    %slice3A = vector.extract_strided_slice %get3A_13 {offsets = [0, 0, 0], sizes = [1, 10000, 64], strides = [1, 1, 1]} : vector<2x10240x128xf32> to vector<1x10000x64xf32>
    %squeeze3A = vector.shape_cast %slice3A : vector<1x10000x64xf32> to vector<10000x64xf32>
    %slice3A_14 = vector.extract_strided_slice %get3A_13 {offsets = [1, 0, 0], sizes = [1, 10000, 64], strides = [1, 1, 1]} : vector<2x10240x128xf32> to vector<1x10000x64xf32>
    %squeeze3A_15 = vector.shape_cast %slice3A_14 : vector<1x10000x64xf32> to vector<10000x64xf32>
    %add3A_16 = arith.addf %squeeze3A, %squeeze3A_15 : vector<10000x64xf32>
    %get3A_17 = arith.constant 0 : index
    %get3A_18 = arith.constant 0 : index
    %get3A_19 = vector.load %arg1[%get3A_17, %get3A_18] : memref<10000x128xf32, #tpu.memory_space<vmem>>, vector<10000x128xf32>
    %slice3A_20 = vector.extract_strided_slice %get3A_19 {offsets = [0, 0], sizes = [10000, 64], strides = [1, 1]} : vector<10000x128xf32> to vector<10000x64xf32>
    %add3A_21 = arith.addf %add3A_16, %slice3A_20 : vector<10000x64xf32>
    %mul3A = vector.broadcast %rsqrt3A : vector<10000x1xf32> to vector<10000x64xf32>
    %mul3A_22 = arith.mulf %mul3A, %add3A_21 : vector<10000x64xf32>
    %get3A_23 = arith.constant 0 : index
    %get3A_24 = arith.constant 0 : index
    %get3A_25 = vector.load %arg4[%get3A_23, %get3A_24] : memref<1x64xf32, #tpu.memory_space<vmem>>, vector<1x64xf32>
    %add3A_26 = vector.broadcast %get3A_25 : vector<1x64xf32> to vector<10000x64xf32>
    %add3A_27 = arith.addf %mul3A_22, %add3A_26 : vector<10000x64xf32>
    %reduce_sum3A = arith.constant dense<0.000000e+00> : vector<64xf32>
    %reduce_sum3A_28 = vector.multi_reduction <add>, %add3A_27, %reduce_sum3A [0] : vector<10000x64xf32> to vector<64xf32>
    %broadcast_in_dim3A = vector.shape_cast %reduce_sum3A_28 : vector<64xf32> to vector<1x64xf32>
    %div3A = arith.constant 1.000000e+04 : f32
    %div3A_29 = vector.broadcast %div3A : f32 to vector<1x64xf32>
    %div3A_30 = arith.divf %broadcast_in_dim3A, %div3A_29 : vector<1x64xf32>
    %sub3A = vector.broadcast %div3A_30 : vector<1x64xf32> to vector<10000x64xf32>
    %sub3A_31 = arith.subf %add3A_27, %sub3A : vector<10000x64xf32>
    %mul3A_32 = arith.mulf %sub3A_31, %sub3A_31 : vector<10000x64xf32>
    %reduce_sum3A_33 = arith.constant dense<0.000000e+00> : vector<64xf32>
    %reduce_sum3A_34 = vector.multi_reduction <add>, %mul3A_32, %reduce_sum3A_33 [0] : vector<10000x64xf32> to vector<64xf32>
    %broadcast_in_dim3A_35 = vector.shape_cast %reduce_sum3A_34 : vector<64xf32> to vector<1x64xf32>
    %div3A_36 = arith.constant 1.000000e+04 : f32
    %div3A_37 = vector.broadcast %div3A_36 : f32 to vector<1x64xf32>
    %div3A_38 = arith.divf %broadcast_in_dim3A_35, %div3A_37 : vector<1x64xf32>
    %add3A_39 = arith.constant 9.99999974E-6 : f32
    %add3A_40 = vector.broadcast %add3A_39 : f32 to vector<1x64xf32>
    %add3A_41 = arith.addf %div3A_38, %add3A_40 : vector<1x64xf32>
    %rsqrt3A_42 = math.rsqrt %add3A_41 : vector<1x64xf32>
    %mul3A_43 = vector.broadcast %rsqrt3A_42 : vector<1x64xf32> to vector<10000x64xf32>
    %mul3A_44 = arith.mulf %sub3A_31, %mul3A_43 : vector<10000x64xf32>
    %get3A_45 = arith.constant 0 : index
    %get3A_46 = arith.constant 0 : index
    %get3A_47 = vector.load %arg5[%get3A_45, %get3A_46] : memref<1x64xf32, #tpu.memory_space<vmem>>, vector<1x64xf32>
    %mul3A_48 = vector.broadcast %get3A_47 : vector<1x64xf32> to vector<10000x64xf32>
    %mul3A_49 = arith.mulf %mul3A_44, %mul3A_48 : vector<10000x64xf32>
    %get3A_50 = arith.constant 0 : index
    %get3A_51 = arith.constant 0 : index
    %get3A_52 = vector.load %arg6[%get3A_50, %get3A_51] : memref<1x64xf32, #tpu.memory_space<vmem>>, vector<1x64xf32>
    %add3A_53 = vector.broadcast %get3A_52 : vector<1x64xf32> to vector<10000x64xf32>
    %add3A_54 = arith.addf %mul3A_49, %add3A_53 : vector<10000x64xf32>
    %max3A_55 = arith.constant 0.000000e+00 : f32
    %max3A_56 = vector.broadcast %max3A_55 : f32 to vector<10000x64xf32>
    %max3A_57 = arith.maximumf %add3A_54, %max3A_56 : vector<10000x64xf32>
    %swap3A = arith.constant 0 : index
    %swap3A_58 = arith.constant 0 : index
    %swap3A_59 = vector.load %arg7[%swap3A, %swap3A_58] : memref<10000x64xf32, #tpu.memory_space<vmem>>, vector<10000x64xf32>
    tpu.vector_store %arg7[%swap3A, %swap3A_58], %max3A_57 {strides = array<i32>} : memref<10000x64xf32, #tpu.memory_space<vmem>>, vector<10000x64xf32>,
    return
  }
}

</mosaic_0001>

<sc_bundles>
// kernel: kernel.12.cloned.1.call-start
scs
__scs_entry_jumppad:
0x0: {  	(pc) =	sbr.rel $0x88, $3  }
0x1: {  	(tag) =	ssettag $0x0;
	lr =	simm.s32 $0x1  }
0x2: {  	[smem:$0x3F97] =	sst lr;
	_ =	strace $0xD0000000  }
0x3: {  	_ = 	snop  }
0x4: {  	_ = 	snop  }
0x5: {  	_ = 	snop  }
0x6: {  	_ = 	snop  }
0x7: {  	_ = 	snop  }
__scs_overlays_trampoline_lowered:
0x8: {  	[smem:$0x3FA6] =	sst s0  }
0x9: {  	[smem:$0x3FA7] =	sst s1  }
0xa: {  	[smem:$0x3FA8] =	sst s2  }
0xb: {  	[smem:$0x3FA9] =	sst s3  }
0xc: {  	[smem:$0x3FAA] =	sst s4  }
0xd: {  	[smem:$0x3FAB] =	sst s5  }
0xe: {  	[smem:$0x3FAC] =	sst s6  }
0xf: {  	[smem:$0x3FAD] =	sst s7  }
0x10: {  	[smem:$0x3FAE] =	sst s8  }
0x11: {  	[smem:$0x3FAF] =	sst s9;
	s0 =	simm.s32 @!p0 $0x0  }
0x12: {  	s1 =	sld [smem:$0x3F95];
	s0 =	simm.s32 @p0 $0x1  }
0x13: {  	[smem:$0x3FB0] =	sst s0;
	s0 =	simm.s32 @!p1 $0x0  }
0x14: {  	s2 =	sld [smem:$0x3F94];
	s0 =	simm.s32 @p1 $0x1  }
0x15: {  	[smem:$0x3FB1] =	sst s0;
	s0 =	simm.s32 @!p2 $0x0  }
0x16: {  	s3 =	sld [smem:$0x3FDB];
	s0 =	simm.s32 @p2 $0x1  }
0x17: {  	s4 =	simm.s32 $0x1BF5;
	[smem:$0x3FB3] =	sst s0  }
0x18: {  	s0 =	sld [smem:$0x3F96];
	_ =	swait.ge [sflag:s4], $0x0  }
0x19: {  	s7 =	sld [smem:$0x3F97]  }
0x1a: {  	s8 =	sadd.s32 $0xFFFFE003, lr  }
0x1b: {  	s9 =	sadd.s32 $0xFFFFFEF7, lr;
	s5 =	simm.s32 $0xFFFFFFFF;
	p2 =	slt.u32 s8, $0xFFFFF086  }
0x1c: {  	p1 =	slt.u32 s9, $0xF7A;
	s5 =	simm.s32 @!p2 $0x0  }
0x1d: {  	s5 =	simm.s32 @p1 $0x1;
	p0 =	seq.s32 s7, s2  }
0x1e: {  	s7 =	smul.u32 @!p0 $0xF7A, s2;
	p2 =	seq.s32 @!p0 s5, $0x0  }
0x1f: {  	s9 =	smul.u32 $0xF7A, s1;
	s8 =	simm.s32 @!p0 $0x1BF5;
	p2 =	por !p2, p0  }
0x20: {  	[sflag:s8] =	ssyncset.s32 @!p0 $0xFFFFF086;
	s6 =	sadd.s32 @!p0 s3, s7;
	s7 =	simm.s32 @!p0 $0x108  }
0x21: {  	s3 =	sadd.s32 s3, s9;
	s6 =	sadd.s32 @!p0 $0x88, s6;
	s7 =	simm.s32 @p2 $0x1082  }
0x22: {  	[simem:s7], [sflag:s8] =	dma.local @!p0 [hbm:s6], $0xF7A  }
0x23: {  	s9 =	sor.u32 $0xD0000000, s2;
	s6 =	simm.s32 $0x108;
	_ =	swait.ge @!p0 [sflag:s8], $0x0  }
0x24: {  	s3 =	sadd.s32 $0x88, s3;
	s6 =	simm.s32 @!p1 $0x1082;
	[sflag:s4] =	ssyncset.s32 $0xFFFFF086  }
0x25: {  	[simem:s6], [sflag:s4] =	dma.local [hbm:s3], $0xF7A  }
0x26: {  	[smem:$0x3F97] =	sst s1;
	(tag) =	ssettag s2;
	_ =	strace s9  }
0x27: {  	s1 =	sld [smem:$0x3FA7]  }
0x28: {  	s2 =	sld [smem:$0x3FA8]  }
0x29: {  	s4 =	sld [smem:$0x3FAA]  }
0x2a: {  	p0 =	seq.s32 s5, $0x0;
	s5 =	sld [smem:$0x3FAB]  }
0x2b: {  	s6 =	sld [smem:$0x3FAC]  }
0x2c: {  	s7 =	sld [smem:$0x3FAD]  }
0x2d: {  	s3 =	simm.s32 $0x108;
	s8 =	sld [smem:$0x3FAE]  }
0x2e: {  	s3 =	simm.s32 @!p0 $0x1082;
	s9 =	sld [smem:$0x3FAF]  }
0x2f: {  	lr =	sadd.s32 s0, s3;
	s0 =	sld [smem:$0x3FA6]  }
0x30: {  	s3 =	sld [smem:$0x3FA9]  }
0x31: {  	[smem:$0x3FB2] =	sst s10  }
0x32: {  	s10 =	sld [smem:$0x3FB0];
	_ =	sdelay $0x3  }
0x33: {  	p0 =	seq.s32 s10, $0x1;
	s10 =	sld [smem:$0x3FB2];
	_ =	sdelay $0x3  }
0x34: {  	[smem:$0x3FB2] =	sst s10  }
0x35: {  	s10 =	sld [smem:$0x3FB1];
	_ =	sdelay $0x3  }
0x36: {  	p1 =	seq.s32 s10, $0x1;
	s10 =	sld [smem:$0x3FB2];
	_ =	sdelay $0x3  }
0x37: {  	[smem:$0x3FB2] =	sst s10  }
0x38: {  	s10 =	sld [smem:$0x3FB3]  }
0x39: {  	_ = 	snop;
	(pc) =	sbr.ind lr, $3  }
0x3a: {  	_ = 	snop  }
0x3b: {  	_ = 	snop  }
0x3c: {  	p2 =	seq.s32 s10, $0x1;
	s10 =	sld [smem:$0x3FB2]  }
0x3d: {  	_ =	shalt  }
0x3e: {  	_ =	shalt  }
0x3f: {  	_ =	shalt  }
0x40: {  	_ =	shalt  }
0x41: {  	_ =	shalt  }
0x42: {  	_ =	shalt  }
0x43: {  	_ =	shalt  }
0x44: {  	_ =	shalt  }
0x45: {  	_ =	shalt  }
0x46: {  	_ =	shalt  }
0x47: {  	_ =	shalt  }
0x48: {  	_ =	shalt  }
0x49: {  	_ =	shalt  }
0x4a: {  	_ =	shalt  }
0x4b: {  	_ =	shalt  }
0x4c: {  	_ =	shalt  }
0x4d: {  	_ =	shalt  }
0x4e: {  	_ =	shalt  }
0x4f: {  	_ =	shalt  }
0x50: {  	_ =	shalt  }
0x51: {  	_ =	shalt  }
0x52: {  	_ =	shalt  }
0x53: {  	_ =	shalt  }
0x54: {  	_ =	shalt  }
0x55: {  	_ =	shalt  }
0x56: {  	_ =	shalt  }
0x57: {  	_ =	shalt  }
0x58: {  	_ =	shalt  }
0x59: {  	_ =	shalt  }
0x5a: {  	_ =	shalt  }
0x5b: {  	_ =	shalt  }
0x5c: {  	_ =	shalt  }
0x5d: {  	_ =	shalt  }
0x5e: {  	_ =	shalt  }
0x5f: {  	_ =	shalt  }
0x60: {  	_ =	shalt  }
0x61: {  	_ =	shalt  }
0x62: {  	_ =	shalt  }
0x63: {  	_ =	shalt  }
0x64: {  	_ =	shalt  }
0x65: {  	_ =	shalt  }
0x66: {  	_ =	shalt  }
0x67: {  	_ =	shalt  }
0x68: {  	_ =	shalt  }
0x69: {  	_ =	shalt  }
0x6a: {  	_ =	shalt  }
0x6b: {  	_ =	shalt  }
0x6c: {  	_ =	shalt  }
0x6d: {  	_ =	shalt  }
0x6e: {  	_ =	shalt  }
0x6f: {  	_ =	shalt  }
0x70: {  	_ =	shalt  }
0x71: {  	_ =	shalt  }
0x72: {  	_ =	shalt  }
0x73: {  	_ =	shalt  }
0x74: {  	_ =	shalt  }
0x75: {  	_ =	shalt  }
0x76: {  	_ =	shalt  }
0x77: {  	_ =	shalt  }
0x78: {  	_ =	shalt  }
0x79: {  	_ =	shalt  }
0x7a: {  	_ =	shalt  }
0x7b: {  	_ =	shalt  }
0x7c: {  	_ =	shalt  }
0x7d: {  	_ =	shalt  }
0x7e: {  	_ =	shalt  }
0x7f: {  	_ =	shalt  }
0x80: {  	_ =	shalt  }
0x81: {  	_ =	shalt  }
0x82: {  	_ =	shalt  }
0x83: {  	_ =	shalt  }
0x84: {  	_ =	shalt  }
0x85: {  	_ =	shalt  }
0x86: {  	_ =	shalt  }
0x87: {  	_ =	shalt  }
.Lfunc_end0:
.L_simem_size_0:
called_computation.1_lowered:
.L_overlay_start_0:
0x88: {  	s2 =	sld [smem:$0x3FD9]  }
0x89: {  	s3 =	sld [smem:$0x3FFE];
	_ =	sdelay $0x1  }
0x8a: {  	s1 =	srdreg.scid  }
0x8b: {  	s0 =	sand.u32 $0x1, s1  }
0x8c: {  	s17 =	sshll.u32 s0, $0xA;
	s2 =	sadd.s32 s3, s2  }
0x8d: {  	s2 =	sadd.s32 s2, s17  }
0x8e: {  	[smem:$0x3FBE] =	sst s2  }
0x8f: {  	_ = 	snop  }
0x90: {  	s2 =	sld [smem:$0x3FD0];
	(tm) =	ssettm $0x1  }
0x91: {  	s18 =	sld [smem:$0x3FFB];
	_ =	sdelay $0x3  }
0x92: {  	_ =	strace s18  }
0x93: {  	s3 =	sld [smem:$0x3FFC];
	_ =	sdelay $0x3  }
0x94: {  	_ =	strace s3  }
0x95: {  	s3 =	sld [smem:$0x3FFD];
	_ =	sdelay $0x3  }
0x96: {  	_ =	strace s3  }
0x97: {  	_ =	strace $0x8FFFFFFF  }
0x98: {  	s19 =	sld [smem:$0x3FDB];
	_ =	sdelay $0x1  }
0x99: {  	s4 =	simm.s32 $_scs_section_size  }
0x9a: {  	s5 =	simm.s32 $_size__tile_overlayer_lowered;
	s6 =	simm.s32 $_tile_overlayer_lowered  }
0x9b: {  	s22 =	simm.s32 $0x1BFF;
	s21 =	sshll.u32 s6, $0x1;
	s3 =	sadd.s32 s4, s19  }
0x9c: {  	s7 =	simm.s32 $0x0;
	s20 =	sshll.u32 s5, $0x1;
	s5 =	sadd.s32 s21, s3  }
0x9d: {  	[timem:s7], [sflag:s22] =	dma.local [hbm:s5], s20  }
0x9e: {  	_ =	swait.ge [sflag:s22], s20  }
0x9f: {  	s4 =	ssub.s32 $0x0, s20;
	[sflag:s22] =	ssyncset.done $0x0  }
0xa0: {  	[sflag:s22] =	ssyncadd.s32 s4;
	_ =	sdelay $0x1  }
0xa1: {  	s23 =	simm.s32 $0x1B8B  }
0xa2: {  	_ =	swait.ge [sflag:s23], $0x1  }
0xa3: {  	[sflag:s23] =	ssyncset.done $0x0  }
0xa4: {  	s25 =	simm.s32 $0x1B8E;
	s24 =	sld [smem:$0x3FFE];
	[sflag:s23] =	ssyncadd.s32 $0xFFFFFFFF  }
0xa5: {  	s26 =	simm.s32 $execute0_lowered;
	[smem:$0x3FD2] =	sst s25  }
0xa6: {  	s5 =	sshll.u32 s26, $0x1;
	_ =	strace $0x80000049;
	[dreg:$0x1] =	wrdreg $0xFFFFFFFF  }
0xa7: {  	s28 =	simm.s32 $_size_execute0_lowered;
	s3 =	sadd.s32 s3, s5;
	[dreg:$0x0] =	wrdreg $0x0  }
0xa8: {  	s5 =	sshll.u32 s28, $0x1;
	[dreg:$0x2] =	wrdreg s3  }
0xa9: {  	[dreg:$0x3] =	wrdreg s5  }
0xaa: {  	[dreg:$0x4] =	wrdreg $0xC0  }
0xab: {  	_ =	task [dreg:s7], $0x5FFFF  }
0xac: {  	[dreg:$0x1] =	wrdreg $0xFFFFFFFF  }
0xad: {  	[dreg:$0x0] =	wrdreg $0x60  }
0xae: {  	[dreg:$0x2] =	wrdreg s24  }
0xaf: {  	[dreg:$0x3] =	wrdreg s2  }
0xb0: {  	[dreg:$0x4] =	wrdreg $0xA8000  }
0xb1: {  	[dreg:$0x5] =	wrdreg $0x9  }
0xb2: {  	_ =	task.clear_ibuf [dreg:s7], $0x6FFFF;
	_ =	strace $0x90000049  }
0xb3: {  	s29 =	simm.s32 $0x9;
	_ =	strace $0x8000004B  }
0xb4: {  	_ =	swait.ge [sflag:s29], $0x1  }
0xb5: {  	[sflag:s29] =	ssyncadd.s32 $0xFFFFFFFF  }
0xb6: {  	_ =	strace $0x9000004B  }
0xb7: {  	_ =	sfence  }
0xb8: {  	s30 =	sld [smem:$0x0];
	_ =	sdelay $0x2  }
0xb9: {  	s31 =	sshll.u32 s1, $0xD;
	s1 =	sshrl.u32 s1, $0x2  }
0xba: {  	s3 =	sand.u32 $0x4000, s31;
	s1 =	sadd.s32 s1, s30  }
0xbb: {  	s0 =	sor.u32 s3, s0;
	s1 =	sshll.u32 s1, $0x11  }
0xbc: {  	s0 =	sor.u32 s1, s0  }
0xbd: {  	s0 =	sadd.s32 $0x8F2B, s0  }
0xbe: {  	[sflag:s0] =	ssyncadd.remote.s32 $0x1  }
0xbf: {  	_ =	sfence.sel $0xFFFF  }
0xc0: {  	[dreg:$0x0] =	wrdreg $0xFFFFFFFF;
	(pc) =	sbr.abs _section_cstart, $3  }
0xc1: {  	[dreg:$0x1] =	wrdreg $0xFFFFFFFF  }
0xc2: {  	_ =	task.clear_ibuf [dreg:s7], $0x2FFFF;
	_ =	strace $0x9FFFFFFF  }
0xc3: {  	(tm) =	ssettm $0x7FFFFFFF  }
tec
execute0_lowered:
.L_overlay_start_1:
0x0: {  	(tag) =	ssettag $0x1  }
0x1: {  	s1 =	rddreg [dreg:$0x0]  }
0x2: {  	s18 =	rddreg [dreg:$0x1]  }
0x3: {  	s3 =	rddreg [dreg:$0x2];
	s19 =	stileid.u32  }
0x4: {  	s0 =	srdreg.scid;
	s6 =	smul.u32 $0x14000, s19  }
0x5: {  	s4 =	simm.s32 $0x0;
	s0 =	sand.u32 $0x1, s0;
	s22 =	smul.u32 $0x4E20, s19  }
0x6: {  	s5 =	sshll.u32 s19, $0x1;
	[smem:$0x7FF] =	sst s4;
	s2 =	smul.u32 $0x140000, s0  }
0x7: {  	s5 =	sor.u32 s0, s5;
	s7 =	ssub.s32 $0x2, s0;
	s0 =	smul.u32 $0x2710, s0  }
0x8: {  	s9 =	sadd.s32 $0x33600, s1;
	s5 =	smul.u32 $0x2710, s5;
	s10 =	sshrl.u32 s7, $0x1  }
0x9: {  	s11 =	sadd.s32 $0x7800, s6;
	s12 =	sadd.s32 $0xA000, s6;
	s13 =	sadd.s32 $0xC800, s6  }
0xa: {  	s15 =	sadd.s32 $0xF000, s6;
	s8 =	sadd.s32 s2, s6;
	s7 =	ssub.s32 s7, s10  }
0xb: {  	s10 =	sadd.s32 $0x5000, s6;
	s25 =	sadd.s32 s2, s11;
	s26 =	sadd.s32 s2, s12  }
0xc: {  	s17 =	sadd.s32 s2, s13;
	s21 =	sadd.s32 s2, s15;
	s8 =	sshrl.u32 s8, $0x3  }
0xd: {  	s5 =	sshrl.u32 s5, $0x3;
	s16 =	sadd.s32 s2, s10;
	s20 =	sshrl.u32 s17, $0x3  }
0xe: {  	s8 =	sadd.s32 s9, s8;
	s24 =	sshrl.u32 s16, $0x3;
	s16 =	sshrl.u32 s26, $0x3  }
0xf: {  	[dreg:$0x4] =	wrdreg s8;
	s8 =	sor.u32 $0x2800, s6;
	s16 =	sadd.s32 s9, s16  }
0x10: {  	s14 =	sadd.s32 s2, s8;
	[dreg:$0x8] =	wrdreg s16;
	s16 =	sshrl.u32 s21, $0x3  }
0x11: {  	s6 =	sadd.s32 $0x11800, s6;
	s14 =	sshrl.u32 s14, $0x3;
	s23 =	sadd.s32 s9, s16  }
0x12: {  	s2 =	sadd.s32 s2, s6;
	s14 =	sadd.s32 s9, s14;
	[dreg:$0xa] =	wrdreg s23  }
0x13: {  	s2 =	sshrl.u32 s2, $0x3;
	[dreg:$0x5] =	wrdreg s14;
	s14 =	sadd.s32 s9, s24  }
0x14: {  	s2 =	sadd.s32 s9, s2;
	[dreg:$0x6] =	wrdreg s14;
	s14 =	sshrl.u32 s25, $0x3  }
0x15: {  	[dreg:$0xb] =	wrdreg s2;
	s24 =	sadd.s32 $0xA, s5;
	s14 =	sadd.s32 s9, s14  }
0x16: {  	[dreg:$0x7] =	wrdreg s14;
	s14 =	sadd.s32 s9, s20;
	s9 =	sadd.s32 $0x2600, s1  }
0x17: {  	s2 =	sadd.s32 $0x14, s5;
	[dreg:$0x9] =	wrdreg s14;
	s25 =	sadd.s32 s9, s24  }
0x18: {  	s26 =	sadd.s32 s18, s24;
	_ =	strace $0x8000004A;
	[dreg:$0xc] =	wrdreg s25  }
0x19: {  	s17 =	sadd.s32 $0x1E, s5;
	s20 =	sadd.s32 s9, s2;
	[dreg:$0xd] =	wrdreg s26  }
0x1a: {  	s14 =	sadd.s32 $0xC400, s1;
	s1 =	sadd.s32 s18, s2;
	[dreg:$0xe] =	wrdreg s20  }
0x1b: {  	s21 =	sadd.s32 s9, s17;
	[dreg:$0xf] =	wrdreg s1  }
0x1c: {  	s0 =	sadd.s32 s0, s22;
	s22 =	sadd.s32 s18, s17;
	[dreg:$0x10] =	wrdreg s21  }
0x1d: {  	s30 =	simm.s32 $0x800;
	s17 =	sadd.s32 s9, s5;
	[dreg:$0x11] =	wrdreg s22  }
0x1e: {  	s23 =	sadd.s32 $0x28, s5;
	s2 =	smax.u32 s7, $0x1;
	[dreg:$0x16] =	wrdreg s17  }
0x1f: {  	s31 =	simm.s32 $0x15;
	s25 =	sadd.s32 s9, s23;
	[dreg:$0x1c] =	wrdreg s2  }
0x20: {  	s24 =	sadd.s32 $0x32, s5;
	s1 =	sadd.s32 s18, s23;
	[dreg:$0x12] =	wrdreg s25  }
0x21: {  	s29 =	simm.s32 $0x9;
	s26 =	sadd.s32 s9, s24;
	[dreg:$0x13] =	wrdreg s1  }
0x22: {  	s16 =	sadd.s32 s18, s24;
	s20 =	sadd.s32 s18, s5;
	[dreg:$0x14] =	wrdreg s26  }
0x23: {  	s21 =	sadd.s32 $0x3C, s5;
	s22 =	sadd.s32 $0x46, s5;
	[dreg:$0x15] =	wrdreg s16  }
0x24: {  	s23 =	smul.u32 $0x50000, s19;
	s19 =	sadd.s32 s13, s3;
	[dreg:$0x17] =	wrdreg s20  }
0x25: {  	s17 =	sadd.s32 $0x4B0, s0;
	s24 =	sadd.s32 s9, s21;
	[smem:$0x7ED] =	sst s19  }
0x26: {  	s5 =	sadd.s32 $0x460, s0;
	s1 =	sadd.s32 s18, s21;
	[dreg:$0x18] =	wrdreg s24  }
0x27: {  	s25 =	sadd.s32 s9, s22;
	s26 =	sadd.s32 s18, s22;
	[dreg:$0x19] =	wrdreg s1  }
0x28: {  	s21 =	sadd.s32 s8, s3;
	s22 =	sadd.s32 s10, s3;
	[dreg:$0x1a] =	wrdreg s25  }
0x29: {  	s16 =	sadd.s32 s12, s3;
	s10 =	sadd.s32 $0x3C0, s0;
	[dreg:$0x1b] =	wrdreg s26  }
0x2a: {  	s7 =	sshrl.u32 s23, $0x2;
	s23 =	sadd.s32 s11, s3;
	[smem:$0x7EC] =	sst s16  }
0x2b: {  	s24 =	sadd.s32 s15, s3;
	s1 =	sshrl.u32 s17, $0x3;
	s25 =	sadd.s32 s6, s3  }
0x2c: {  	s6 =	sshrl.u32 s5, $0x3;
	s11 =	sshrl.u32 s10, $0x3;
	[dreg:$0x1e] =	wrdreg s21  }
0x2d: {  	s15 =	sadd.s32 $0x370, s0;
	s17 =	sadd.s32 $0x320, s0;
	[dreg:$0x1f] =	wrdreg s22  }
0x2e: {  	s5 =	simm.s32 $0x50;
	s20 =	sadd.s32 s7, s3;
	[smem:$0x7EE] =	sst s24  }
0x2f: {  	[smem:$0x7EF] =	sst s25;
	s26 =	sadd.s32 s1, s18;
	s1 =	sadd.s32 s1, s9  }
0x30: {  	s7 =	sadd.s32 $0x410, s0;
	s8 =	sadd.s32 s6, s18;
	[smem:$0x7FD] =	sst s23  }
0x31: {  	s13 =	sadd.s32 s11, s18;
	s16 =	sshrl.u32 s15, $0x3;
	[smem:$0x7F0] =	sst s26  }
0x32: {  	s24 =	sadd.s32 $0x2D0, s0;
	s0 =	sadd.s32 $0x280, s0;
	[smem:$0x7F1] =	sst s1  }
0x33: {  	s15 =	simm.s32 $0x3000;
	s2 =	sshrl.u32 s7, $0x3;
	[smem:$0x7F2] =	sst s8  }
0x34: {  	s1 =	sadd.s32 s6, s9;
	[smem:$0x7F6] =	sst s13;
	s19 =	sadd.s32 s16, s18  }
0x35: {  	s25 =	sshrl.u32 s24, $0x3;
	s24 =	smov.u32 s9;
	[smem:$0x7FC] =	sst s0  }
0x36: {  	s7 =	simm.s32 $0x580;
	s8 =	simm.s32 $0x200;
	[dreg:$0x1d] =	wrdreg s20  }
0x37: {  	s0 =	simm.s32 $0x8000;
	s6 =	simm.s32 $0xD;
	[smem:$0x7F3] =	sst s1  }
0x38: {  	s13 =	simm.s32 $0x0;
	s12 =	sadd.s32 s2, s18;
	[smem:$0x7F8] =	sst s19  }
0x39: {  	s2 =	sadd.s32 s2, s9;
	s1 =	sadd.s32 s11, s9;
	[smem:$0x7F4] =	sst s12  }
0x3a: {  	s28 =	sadd.s32 s25, s9;
	s11 =	simm.s32 $0x1;
	[smem:$0x7F5] =	sst s2  }
0x3b: {  	[smem:$0x7F7] =	sst s1;
	s2 =	sshrl.u32 s17, $0x3;
	s1 =	sadd.s32 s16, s9  }
.Ltmp0:
0x3c: {  	s12 =	simm.s32 $0x14;
	s16 =	simm.s32 $0x8;
	(pc) =	sbr.rel .LBB2_1-.Ltmp0, $4  }
0x3d: {  	s17 =	simm.s32 $0x10;
	[smem:$0x7F9] =	sst s1;
	s26 =	sadd.s32 s2, s18  }
0x3e: {  	s2 =	sadd.s32 s2, s9;
	s9 =	simm.s32 $0x600;
	[smem:$0x7FA] =	sst s26  }
0x3f: {  	s1 =	simm.s32 $0x12;
	[smem:$0x7FB] =	sst s2;
	s26 =	sadd.s32 s25, s18  }
0x40: {  	v0 =	vimm.f32 $0.0e+00;
	s2 =	simm.s32 $0x11;
	s18 =	simm.s32 $0x5;
	s25 =	simm.s32 $0x180  }
.LBB2_8:
0x41: {  	_ =	swait.ge [sflag:s2], $0x2800  }
0x42: {  	[sflag:s2] =	ssyncset.done $0x0  }
0x43: {  	[sflag:s2] =	ssyncadd.s32 $0xFFFFD800  }
0x44: {  	[spmem:s3] =	stream.indirect.scatter.add.f32 [tilespmem:s30], [sflag:$0x15], $0x80, s9, s5, $0xb8;
	[tilespmem:$0x1E800] =	vst v63  }
0x45: {  	_ =	swait.ge [sflag:s31], $0x2800  }
0x46: {  	[sflag:s31] =	ssyncset.done $0x0  }
0x47: {  	[sflag:s31] =	ssyncadd.s32 $0xFFFFD800  }
0x48: {  	s10 =	stileid.u32;
	[bflag:$0x0] =	sbarrier.arrive $0xFFFF  }
0x49: {  	s10 =	sshll.u32 s10, $0x6;
	s20 =	rddreg [dreg:$0x1d]  }
0x4a: {  	s10 =	sor.u32 $0x1C15, s10;
	s19 =	rddreg [dreg:$0x4];
	s13 =	sshrl.u32 s20, $0x3  }
0x4b: {  	[hbm:s19], [sflag:s10] =	dma.local [spmem:s13], $0x500  }
0x4c: {  	_ =	swait.ge [sflag:s31], $0x500  }
0x4d: {  	[sflag:s31] =	ssyncset.done $0x0;
	s21 =	rddreg [dreg:$0x1e]  }
0x4e: {  	s23 =	rddreg [dreg:$0x5];
	[sflag:s31] =	ssyncadd.s32 $0xFFFFFB00;
	s22 =	sshrl.u32 s21, $0x3  }
0x4f: {  	[hbm:s23], [sflag:s10] =	dma.local [spmem:s22], $0x500  }
0x50: {  	_ =	swait.ge [sflag:s31], $0x500  }
0x51: {  	[sflag:s31] =	ssyncset.done $0x0;
	s22 =	rddreg [dreg:$0x1f]  }
0x52: {  	s23 =	rddreg [dreg:$0x6];
	[sflag:s31] =	ssyncadd.s32 $0xFFFFFB00;
	s19 =	sshrl.u32 s22, $0x3  }
0x53: {  	[hbm:s23], [sflag:s10] =	dma.local [spmem:s19], $0x500  }
0x54: {  	_ =	swait.ge [sflag:s31], $0x500  }
0x55: {  	s23 =	sld [smem:$0x7FD];
	_ =	sdelay $0x1  }
0x56: {  	[sflag:s31] =	ssyncset.done $0x0  }
0x57: {  	s19 =	rddreg [dreg:$0x7];
	[sflag:s31] =	ssyncadd.s32 $0xFFFFFB00;
	s13 =	sshrl.u32 s23, $0x3  }
0x58: {  	[hbm:s19], [sflag:s10] =	dma.local [spmem:s13], $0x500  }
0x59: {  	_ =	swait.ge [sflag:s31], $0x500  }
0x5a: {  	s19 =	sld [smem:$0x7EC];
	_ =	sdelay $0x1  }
0x5b: {  	[sflag:s31] =	ssyncset.done $0x0  }
0x5c: {  	[sflag:s31] =	ssyncadd.s32 $0xFFFFFB00;
	s13 =	sshrl.u32 s19, $0x3;
	s19 =	rddreg [dreg:$0x8]  }
0x5d: {  	[hbm:s19], [sflag:s10] =	dma.local [spmem:s13], $0x500  }
0x5e: {  	_ =	swait.ge [sflag:s31], $0x500  }
0x5f: {  	s19 =	sld [smem:$0x7ED];
	_ =	sdelay $0x1  }
0x60: {  	[sflag:s31] =	ssyncset.done $0x0  }
0x61: {  	[sflag:s31] =	ssyncadd.s32 $0xFFFFFB00;
	s13 =	sshrl.u32 s19, $0x3;
	s19 =	rddreg [dreg:$0x9]  }
0x62: {  	[hbm:s19], [sflag:s10] =	dma.local [spmem:s13], $0x500  }
0x63: {  	_ =	swait.ge [sflag:s31], $0x500  }
0x64: {  	s19 =	sld [smem:$0x7EE];
	_ =	sdelay $0x1  }
0x65: {  	[sflag:s31] =	ssyncset.done $0x0  }
0x66: {  	[sflag:s31] =	ssyncadd.s32 $0xFFFFFB00;
	s13 =	sshrl.u32 s19, $0x3;
	s19 =	rddreg [dreg:$0xa]  }
0x67: {  	[hbm:s19], [sflag:s10] =	dma.local [spmem:s13], $0x500  }
0x68: {  	_ =	swait.ge [sflag:s31], $0x500  }
0x69: {  	s19 =	sld [smem:$0x7EF];
	_ =	sdelay $0x1  }
0x6a: {  	[sflag:s31] =	ssyncset.done $0x0  }
0x6b: {  	[sflag:s31] =	ssyncadd.s32 $0xFFFFFB00;
	s13 =	sshrl.u32 s19, $0x3;
	s19 =	rddreg [dreg:$0xb]  }
0x6c: {  	[hbm:s19], [sflag:s10] =	dma.local [spmem:s13], $0x500  }
0x6d: {  	_ =	swait.ge [sflag:s31], $0x500  }
0x6e: {  	s10 =	sld [smem:$0x7EB];
	_ =	sdelay $0x2  }
0x6f: {  	s19 =	rddreg [dreg:$0x1c];
	s13 =	sadd.s32 $0x1, s10  }
0x70: {  	p0 =	sne.s32 s13, s19  }
.Ltmp1:
0x71: {  	_ = 	snop;
	(pc) =	sbr.rel @!p0 .LBB2_9-.Ltmp1, $3  }
0x72: {  	_ =	sdelay $0x1  }
0x73: {  	[sflag:s31] =	ssyncset.done $0x0  }
0x74: {  	[sflag:s31] =	ssyncadd.s32 $0xFFFFFB00  }
.LBB2_1:
0x75: {  	s10 =	simm.s32 $0x880  }
0x76: {  	[tilespmem:s10+$0xFFFFFF80] =	vst v0  }
0x77: {  	[tilespmem:s10+$0x70] =	vst v0  }
0x78: {  	[tilespmem:s10+$0x60] =	vst v0  }
0x79: {  	[tilespmem:s10+$0x50] =	vst v0  }
0x7a: {  	[tilespmem:s10+$0x40] =	vst v0  }
0x7b: {  	[tilespmem:s10+$0x30] =	vst v0  }
0x7c: {  	[tilespmem:s10+$0x20] =	vst v0  }
0x7d: {  	[tilespmem:s10+$0x10] =	vst v0  }
0x7e: {  	[tilespmem:s10+$0x0] =	vst v0  }
0x7f: {  	[tilespmem:s10+$0xFFFFFFF0] =	vst v0  }
0x80: {  	[tilespmem:s10+$0xFFFFFFE0] =	vst v0  }
0x81: {  	[tilespmem:s10+$0xFFFFFFD0] =	vst v0  }
0x82: {  	[tilespmem:s10+$0xFFFFFFC0] =	vst v0  }
0x83: {  	[tilespmem:s10+$0xFFFFFFB0] =	vst v0  }
0x84: {  	[smem:$0x7EB] =	sst s13;
	s13 =	simm.s32 $0x0;
	[tilespmem:s10+$0xFFFFFFA0] =	vst v0  }
.LBB2_2:
0x85: {  	s13 =	sadd.s32 $0x2, s13;
	[tilespmem:s10+$0xFFFFFF90] =	vst v0;
	s10 =	sadd.s32 $0x100, s10  }
0x86: {  	[tilespmem:s10+$0xFFFFFF80] =	vst v0;
	p0 =	slt.u32 s13, $0x4E  }
0x87: {  	[tilespmem:s10+$0x70] =	vst v0  }
0x88: {  	[tilespmem:s10+$0x60] =	vst v0  }
0x89: {  	[tilespmem:s10+$0x50] =	vst v0  }
0x8a: {  	[tilespmem:s10+$0x40] =	vst v0  }
0x8b: {  	[tilespmem:s10+$0x30] =	vst v0  }
0x8c: {  	[tilespmem:s10+$0x20] =	vst v0  }
0x8d: {  	[tilespmem:s10+$0x10] =	vst v0  }
0x8e: {  	[tilespmem:s10+$0x0] =	vst v0  }
0x8f: {  	[tilespmem:s10+$0xFFFFFFF0] =	vst v0  }
.Ltmp2:
0x90: {  	[tilespmem:s10+$0xFFFFFFE0] =	vst v0;
	(pc) =	sbr.rel @p0 .LBB2_2-.Ltmp2, $4  }
0x91: {  	[tilespmem:s10+$0xFFFFFFD0] =	vst v0  }
0x92: {  	[tilespmem:s10+$0xFFFFFFC0] =	vst v0  }
0x93: {  	[tilespmem:s10+$0xFFFFFFB0] =	vst v0  }
0x94: {  	[tilespmem:s10+$0xFFFFFFA0] =	vst v0  }
0x95: {  	[tilespmem:s10+$0xFFFFFF90] =	vst v0  }
0x96: {  	[spmem:s20] =	stream.linear.scatter [tilespmem:s30], [sflag:$0x15], $0x2800, $0x38;
	[tilespmem:$0x1E800] =	vst v63  }
0x97: {  	_ =	swait.ge [sflag:s31], $0x2800  }
0x98: {  	[sflag:s31] =	ssyncset.done $0x0  }
0x99: {  	[sflag:s31] =	ssyncadd.s32 $0xFFFFD800  }
0x9a: {  	[spmem:s21] =	stream.linear.scatter [tilespmem:s30], [sflag:$0x15], $0x2800, $0x38;
	[tilespmem:$0x1E800] =	vst v63  }
0x9b: {  	_ =	swait.ge [sflag:s31], $0x2800  }
0x9c: {  	[sflag:s31] =	ssyncset.done $0x0  }
0x9d: {  	[sflag:s31] =	ssyncadd.s32 $0xFFFFD800  }
0x9e: {  	[spmem:s22] =	stream.linear.scatter [tilespmem:s30], [sflag:$0x15], $0x2800, $0x38;
	[tilespmem:$0x1E800] =	vst v63  }
0x9f: {  	_ =	swait.ge [sflag:s31], $0x2800  }
0xa0: {  	[sflag:s31] =	ssyncset.done $0x0  }
0xa1: {  	[sflag:s31] =	ssyncadd.s32 $0xFFFFD800  }
0xa2: {  	[spmem:s23] =	stream.linear.scatter [tilespmem:s30], [sflag:$0x15], $0x2800, $0x38;
	[tilespmem:$0x1E800] =	vst v63  }
0xa3: {  	_ =	swait.ge [sflag:s31], $0x2800  }
0xa4: {  	s20 =	sld [smem:$0x7EC]  }
0xa5: {  	[sflag:s31] =	ssyncset.done $0x0  }
0xa6: {  	[sflag:s31] =	ssyncadd.s32 $0xFFFFD800  }
0xa7: {  	[spmem:s20] =	stream.linear.scatter [tilespmem:s30], [sflag:$0x15], $0x2800, $0x38;
	[tilespmem:$0x1E800] =	vst v63  }
0xa8: {  	_ =	swait.ge [sflag:s31], $0x2800  }
0xa9: {  	s21 =	sld [smem:$0x7ED]  }
0xaa: {  	[sflag:s31] =	ssyncset.done $0x0  }
0xab: {  	[sflag:s31] =	ssyncadd.s32 $0xFFFFD800  }
0xac: {  	[spmem:s21] =	stream.linear.scatter [tilespmem:s30], [sflag:$0x15], $0x2800, $0x38;
	[tilespmem:$0x1E800] =	vst v63  }
0xad: {  	_ =	swait.ge [sflag:s31], $0x2800  }
0xae: {  	s22 =	sld [smem:$0x7EE]  }
0xaf: {  	[sflag:s31] =	ssyncset.done $0x0  }
0xb0: {  	[sflag:s31] =	ssyncadd.s32 $0xFFFFD800  }
0xb1: {  	[spmem:s22] =	stream.linear.scatter [tilespmem:s30], [sflag:$0x15], $0x2800, $0x38;
	[tilespmem:$0x1E800] =	vst v63  }
0xb2: {  	_ =	swait.ge [sflag:s31], $0x2800  }
0xb3: {  	s23 =	sld [smem:$0x7EF]  }
0xb4: {  	[sflag:s31] =	ssyncset.done $0x0  }
0xb5: {  	[sflag:s31] =	ssyncadd.s32 $0xFFFFD800  }
0xb6: {  	[spmem:s23] =	stream.linear.scatter [tilespmem:s30], [sflag:$0x15], $0x2800, $0x38;
	[tilespmem:$0x1E800] =	vst v63  }
0xb7: {  	_ =	swait.ge [sflag:s31], $0x2800  }
0xb8: {  	[sflag:s31] =	ssyncset.done $0x0  }
0xb9: {  	[sflag:s31] =	ssyncadd.s32 $0xFFFFD800  }
0xba: {  	[bflag:$0x0] =	sbarrier.arrive $0xFFFF  }
0xbb: {  	s19 =	simm.s32 $0x0;
	s13 =	rddreg [dreg:$0x16]  }
0xbc: {  	[tilespmem:s19], [sflag:$0x1] =	stream.linear.gather [hbm4b:s13+s19], $0x50, $0x38;
	[tilespmem:$0x1E800] =	vst v63  }
0xbd: {  	s20 =	rddreg [dreg:$0x17];
	s13 =	simm.s32 $0x400  }
0xbe: {  	[tilespmem:s13], [sflag:$0x9] =	stream.linear.gather [hbm4b:s20+s19], $0x50, $0x38;
	[tilespmem:$0x1E800] =	vst v63  }
0xbf: {  	s21 =	rddreg [dreg:$0xc];
	s13 =	simm.s32 $0x80  }
0xc0: {  	[tilespmem:s13], [sflag:$0x2] =	stream.linear.gather [hbm4b:s21+s19], $0x50, $0x38;
	[tilespmem:$0x1E800] =	vst v63  }
0xc1: {  	s23 =	simm.s32 $0x480;
	s22 =	rddreg [dreg:$0xd]  }
0xc2: {  	[tilespmem:s23], [sflag:$0xA] =	stream.linear.gather [hbm4b:s22+s19], $0x50, $0x38;
	[tilespmem:$0x1E800] =	vst v63  }
0xc3: {  	s20 =	simm.s32 $0x100;
	s21 =	rddreg [dreg:$0xe]  }
0xc4: {  	[tilespmem:s20], [sflag:$0x3] =	stream.linear.gather [hbm4b:s21+s19], $0x50, $0x38;
	[tilespmem:$0x1E800] =	vst v63  }
0xc5: {  	s22 =	rddreg [dreg:$0xf];
	s23 =	simm.s32 $0x500  }
0xc6: {  	[tilespmem:s23], [sflag:$0xB] =	stream.linear.gather [hbm4b:s22+s19], $0x50, $0x38;
	[tilespmem:$0x1E800] =	vst v63  }
0xc7: {  	s21 =	simm.s32 $0x180;
	s22 =	rddreg [dreg:$0x10]  }
0xc8: {  	[tilespmem:s21], [sflag:$0x4] =	stream.linear.gather [hbm4b:s22+s19], $0x50, $0x38;
	[tilespmem:$0x1E800] =	vst v63  }
0xc9: {  	s23 =	rddreg [dreg:$0x11]  }
0xca: {  	[tilespmem:s7], [sflag:$0xC] =	stream.linear.gather [hbm4b:s23+s19], $0x50, $0x38;
	[tilespmem:$0x1E800] =	vst v63  }
0xcb: {  	s22 =	rddreg [dreg:$0x12]  }
0xcc: {  	[tilespmem:s8], [sflag:$0x5] =	stream.linear.gather [hbm4b:s22+s19], $0x50, $0x38;
	[tilespmem:$0x1E800] =	vst v63  }
0xcd: {  	s23 =	rddreg [dreg:$0x13]  }
0xce: {  	[tilespmem:s9], [sflag:$0xD] =	stream.linear.gather [hbm4b:s23+s19], $0x50, $0x38;
	[tilespmem:$0x1E800] =	vst v63  }
0xcf: {  	s22 =	rddreg [dreg:$0x14];
	s23 =	simm.s32 $0x280  }
0xd0: {  	[tilespmem:s23], [sflag:$0x6] =	stream.linear.gather [hbm4b:s22+s19], $0x50, $0x38;
	[tilespmem:$0x1E800] =	vst v63  }
0xd1: {  	s22 =	rddreg [dreg:$0x15];
	s23 =	simm.s32 $0x680  }
0xd2: {  	[tilespmem:s23], [sflag:$0xE] =	stream.linear.gather [hbm4b:s22+s19], $0x50, $0x38;
	[tilespmem:$0x1E800] =	vst v63  }
0xd3: {  	s22 =	rddreg [dreg:$0x18];
	s23 =	simm.s32 $0x300  }
0xd4: {  	[tilespmem:s23], [sflag:$0x7] =	stream.linear.gather [hbm4b:s22+s19], $0x50, $0x38;
	[tilespmem:$0x1E800] =	vst v63  }
0xd5: {  	s22 =	rddreg [dreg:$0x19];
	s23 =	simm.s32 $0x700  }
0xd6: {  	[tilespmem:s23], [sflag:$0xF] =	stream.linear.gather [hbm4b:s22+s19], $0x50, $0x38;
	[tilespmem:$0x1E800] =	vst v63  }
0xd7: {  	s22 =	rddreg [dreg:$0x1a];
	s23 =	simm.s32 $0x380  }
0xd8: {  	[tilespmem:s23], [sflag:$0x8] =	stream.linear.gather [hbm4b:s22+s19], $0x50, $0x38;
	[tilespmem:$0x1E800] =	vst v63  }
0xd9: {  	s22 =	rddreg [dreg:$0x1b];
	s23 =	simm.s32 $0x780  }
0xda: {  	[tilespmem:s23], [sflag:$0x10] =	stream.linear.gather [hbm4b:s22+s19], $0x50, $0x38;
	[tilespmem:$0x1E800] =	vst v63  }
0xdb: {  	_ =	swait.ge [sflag:s11], $0x50  }
0xdc: {  	[sflag:s11] =	ssyncset.done $0x0  }
0xdd: {  	[sflag:s11] =	ssyncadd.s32 $0xFFFFFFB0  }
0xde: {  	_ =	swait.ge [sflag:s29], $0x50  }
0xdf: {  	[sflag:s29] =	ssyncset.done $0x0  }
0xe0: {  	s22 =	simm.s32 $0x2;
	[sflag:s29] =	ssyncadd.s32 $0xFFFFFFB0  }
0xe1: {  	[tilespmem:s30], [sflag:$0x11] =	stream.indirect.gather [hbm4b:s14+s5], $0x80, s19, s5, $0xb8;
	[tilespmem:$0x1E800] =	vst v63  }
0xe2: {  	_ =	swait.ge [sflag:s22], $0x50  }
0xe3: {  	[sflag:s22] =	ssyncset.done $0x0  }
0xe4: {  	s23 =	simm.s32 $0xA;
	[sflag:s22] =	ssyncadd.s32 $0xFFFFFFB0  }
0xe5: {  	_ =	swait.ge [sflag:s23], $0x50  }
0xe6: {  	[sflag:s23] =	ssyncset.done $0x0  }
0xe7: {  	s22 =	simm.s32 $0x3;
	[sflag:s23] =	ssyncadd.s32 $0xFFFFFFB0  }
0xe8: {  	[tilespmem:s15], [sflag:$0x12] =	stream.indirect.gather [hbm4b:s14+s5], $0x80, s13, s5, $0xb8;
	[tilespmem:$0x1E800] =	vst v63  }
0xe9: {  	_ =	swait.ge [sflag:s22], $0x50  }
0xea: {  	[sflag:s22] =	ssyncset.done $0x0  }
0xeb: {  	s23 =	simm.s32 $0xB;
	[sflag:s22] =	ssyncadd.s32 $0xFFFFFFB0  }
0xec: {  	_ =	swait.ge [sflag:s23], $0x50  }
0xed: {  	[sflag:s23] =	ssyncset.done $0x0  }
0xee: {  	s13 =	simm.s32 $0x5800;
	s22 =	simm.s32 $0x4;
	[sflag:s23] =	ssyncadd.s32 $0xFFFFFFB0  }
0xef: {  	[tilespmem:s13], [sflag:$0x13] =	stream.indirect.gather [hbm4b:s14+s5], $0x80, s20, s5, $0xb8;
	[tilespmem:$0x1E800] =	vst v63  }
0xf0: {  	_ =	swait.ge [sflag:s22], $0x50  }
0xf1: {  	[sflag:s22] =	ssyncset.done $0x0  }
.Ltmp3:
0xf2: {  	s23 =	simm.s32 $0xC;
	[sflag:s22] =	ssyncadd.s32 $0xFFFFFFB0;
	(pc) =	sbr.rel .LBB2_4-.Ltmp3, $4  }
0xf3: {  	_ =	swait.ge [sflag:s23], $0x50  }
0xf4: {  	[sflag:s23] =	ssyncset.done $0x0  }
0xf5: {  	s13 =	simm.s32 $0x0;
	s10 =	sld [smem:$0x7FC];
	[sflag:s23] =	ssyncadd.s32 $0xFFFFFFB0  }
0xf6: {  	[tilespmem:s0], [sflag:$0x14] =	stream.indirect.gather [hbm4b:s14+s5], $0x80, s21, s5, $0xb8;
	[tilespmem:$0x1E800] =	vst v63  }
.LBB2_7:
0xf7: {  	_ = 	snop  }
0xf8: {  	s13 =	sadd.s32 $0x1, s13;
	s19 =	sadd.s32 $0x50, s19;
	s10 =	sadd.s32 $0x280, s10  }
.LBB2_4:
0xf9: {  	_ =	swait.ge [sflag:s2], $0x2800  }
0xfa: {  	[sflag:s2] =	ssyncset.done $0x0  }
0xfb: {  	s20 =	simm.s32 $0x400;
	[sflag:s2] =	ssyncadd.s32 $0xFFFFD800  }
0xfc: {  	[spmem:s3] =	stream.indirect.scatter.add.f32 [tilespmem:s30], [sflag:$0x15], $0x80, s20, s5, $0xb8;
	[tilespmem:$0x1E800] =	vst v63  }
0xfd: {  	p0 =	seq.s32 s19, $0x4B0;
	_ =	swait.ge [sflag:s31], $0x2800  }
0xfe: {  	s21 =	sshrl.u32 @!p0 s10, $0x3;
	[sflag:s31] =	ssyncset.done $0x0  }
0xff: {  	s22 =	sadd.s32 @!p0 s24, s21;
	s20 =	simm.s32 @!p0 $0x0;
	[sflag:s31] =	ssyncadd.s32 $0xFFFFD800  }
0x100: {  	[tilespmem:s20], [sflag:$0x1] =	stream.linear.gather @!p0 [hbm4b:s22+s20], $0x50, $0x38;
	[tilespmem:$0x1E800] =	vst v63  }
0x101: {  	s22 =	rddreg [dreg:$0x1]  }
0x102: {  	s21 =	sadd.s32 @!p0 s22, s21;
	s22 =	simm.s32 @!p0 $0x400  }
0x103: {  	[tilespmem:s22], [sflag:$0x9] =	stream.linear.gather @!p0 [hbm4b:s21+s20], $0x50, $0x38;
	[tilespmem:$0x1E800] =	vst v63  }
0x104: {  	_ =	swait.ge [sflag:s18], $0x50  }
0x105: {  	[sflag:s18] =	ssyncset.done $0x0  }
0x106: {  	[sflag:s18] =	ssyncadd.s32 $0xFFFFFFB0  }
0x107: {  	_ =	swait.ge [sflag:s6], $0x50  }
0x108: {  	[sflag:s6] =	ssyncset.done $0x0  }
0x109: {  	[sflag:s6] =	ssyncadd.s32 $0xFFFFFFB0  }
0x10a: {  	[tilespmem:s30], [sflag:$0x11] =	stream.indirect.gather [hbm4b:s14+s5], $0x80, s8, s5, $0xb8;
	[tilespmem:$0x1E800] =	vst v63  }
0x10b: {  	_ =	swait.ge [sflag:s1], $0x2800  }
0x10c: {  	[sflag:s1] =	ssyncset.done $0x0  }
0x10d: {  	s23 =	simm.s32 $0x480;
	[sflag:s1] =	ssyncadd.s32 $0xFFFFD800  }
0x10e: {  	[spmem:s3] =	stream.indirect.scatter.add.f32 [tilespmem:s15], [sflag:$0x15], $0x80, s23, s5, $0xb8;
	[tilespmem:$0x1E800] =	vst v63  }
0x10f: {  	_ =	swait.ge [sflag:s31], $0x2800  }
0x110: {  	[sflag:s31] =	ssyncset.done $0x0  }
0x111: {  	s21 =	simm.s32 @p0 $0x13;
	[sflag:s31] =	ssyncadd.s32 $0xFFFFD800  }
0x112: {  	_ =	swait.ge @p0 [sflag:s21], $0x2800  }
0x113: {  	s22 =	simm.s32 @p0 $0x500;
	[sflag:s21] =	ssyncset.done @p0 $0x0  }
0x114: {  	s23 =	simm.s32 @p0 $0x5800;
	[sflag:s21] =	ssyncadd.s32 @p0 $0xFFFFD800;
	s21 =	simm.s32 @p0 $0x50  }
0x115: {  	[spmem:s3] =	stream.indirect.scatter.add.f32 @p0 [tilespmem:s23], [sflag:$0x15], $0x80, s22, s21, $0xb8;
	[tilespmem:$0x1E800] =	vst v63  }
0x116: {  	s21 =	simm.s32 @p0 $0x15  }
0x117: {  	_ =	swait.ge @p0 [sflag:s21], $0x2800  }
0x118: {  	[sflag:s21] =	ssyncset.done @p0 $0x0  }
0x119: {  	s22 =	simm.s32 @!p0 $0x80;
	[sflag:s21] =	ssyncadd.s32 @p0 $0xFFFFD800;
	s21 =	sadd.s32 @!p0 s19, s28  }
0x11a: {  	[tilespmem:s22], [sflag:$0x2] =	stream.linear.gather @!p0 [hbm4b:s21+s20], $0x50, $0x38;
	[tilespmem:$0x1E800] =	vst v63  }
0x11b: {  	s21 =	sadd.s32 @!p0 s19, s26;
	s22 =	simm.s32 @!p0 $0x480  }
0x11c: {  	[tilespmem:s22], [sflag:$0xA] =	stream.linear.gather @!p0 [hbm4b:s21+s20], $0x50, $0x38;
	[tilespmem:$0x1E800] =	vst v63  }
0x11d: {  	s21 =	simm.s32 @!p0 $0x6  }
0x11e: {  	_ =	swait.ge @!p0 [sflag:s21], $0x50  }
0x11f: {  	[sflag:s21] =	ssyncset.done @!p0 $0x0  }
0x120: {  	[sflag:s21] =	ssyncadd.s32 @!p0 $0xFFFFFFB0;
	s21 =	simm.s32 @!p0 $0xE  }
0x121: {  	_ =	swait.ge @!p0 [sflag:s21], $0x50  }
0x122: {  	s23 =	simm.s32 @!p0 $0x3000;
	[sflag:s21] =	ssyncset.done @!p0 $0x0  }
0x123: {  	s22 =	simm.s32 @!p0 $0x280;
	[sflag:s21] =	ssyncadd.s32 @!p0 $0xFFFFFFB0;
	s21 =	simm.s32 @!p0 $0x50  }
0x124: {  	[tilespmem:s23], [sflag:$0x12] =	stream.indirect.gather @!p0 [hbm4b:s14+s21], $0x80, s22, s21, $0xb8;
	[tilespmem:$0x1E800] =	vst v63  }
0x125: {  	s22 =	simm.s32 @!p0 $0x13  }
0x126: {  	_ =	swait.ge @!p0 [sflag:s22], $0x2800  }
0x127: {  	[sflag:s22] =	ssyncset.done @!p0 $0x0  }
0x128: {  	s23 =	simm.s32 @!p0 $0x5800;
	[sflag:s22] =	ssyncadd.s32 @!p0 $0xFFFFD800;
	s22 =	simm.s32 @!p0 $0x500  }
0x129: {  	[spmem:s3] =	stream.indirect.scatter.add.f32 @!p0 [tilespmem:s23], [sflag:$0x15], $0x80, s22, s21, $0xb8;
	[tilespmem:$0x1E800] =	vst v63  }
0x12a: {  	s21 =	simm.s32 @!p0 $0x15  }
0x12b: {  	_ =	swait.ge @!p0 [sflag:s21], $0x2800  }
0x12c: {  	[sflag:s21] =	ssyncset.done @!p0 $0x0  }
0x12d: {  	[sflag:s21] =	ssyncadd.s32 @!p0 $0xFFFFD800;
	s21 =	sld [smem:$0x7FB];
	_ =	sdelay $0x2  }
0x12e: {  	s23 =	simm.s32 @!p0 $0x100;
	s21 =	sadd.s32 @!p0 s19, s21  }
0x12f: {  	[tilespmem:s23], [sflag:$0x3] =	stream.linear.gather @!p0 [hbm4b:s21+s20], $0x50, $0x38;
	[tilespmem:$0x1E800] =	vst v63  }
0x130: {  	s21 =	sld [smem:$0x7FA];
	_ =	sdelay $0x1  }
0x131: {  	p1 =	sgt.u32 @!p0 s13, $0xE  }
0x132: {  	p1 =	por p1, p0;
	s21 =	sadd.s32 @!p0 s19, s21  }
0x133: {  	[tilespmem:s22], [sflag:$0xB] =	stream.linear.gather @!p0 [hbm4b:s21+s20], $0x50, $0x38;
	[tilespmem:$0x1E800] =	vst v63  }
0x134: {  	s20 =	simm.s32 @!p1 $0x7  }
0x135: {  	_ =	swait.ge @!p1 [sflag:s20], $0x50  }
0x136: {  	[sflag:s20] =	ssyncset.done @!p1 $0x0  }
0x137: {  	[sflag:s20] =	ssyncadd.s32 @!p1 $0xFFFFFFB0;
	s20 =	simm.s32 @!p1 $0xF  }
0x138: {  	_ =	swait.ge @!p1 [sflag:s20], $0x50  }
0x139: {  	s21 =	simm.s32 @!p1 $0x300;
	[sflag:s20] =	ssyncset.done @!p1 $0x0  }
0x13a: {  	s22 =	simm.s32 @!p1 $0x5800;
	[sflag:s20] =	ssyncadd.s32 @!p1 $0xFFFFFFB0;
	s20 =	simm.s32 @!p1 $0x50  }
0x13b: {  	[tilespmem:s22], [sflag:$0x13] =	stream.indirect.gather @!p1 [hbm4b:s14+s20], $0x80, s21, s20, $0xb8;
	[tilespmem:$0x1E800] =	vst v63  }
0x13c: {  	_ =	swait.ge [sflag:s12], $0x2800  }
0x13d: {  	[sflag:s12] =	ssyncset.done $0x0  }
.Ltmp4:
0x13e: {  	[sflag:s12] =	ssyncadd.s32 $0xFFFFD800;
	(pc) =	sbr.rel @p0 .LBB2_8-.Ltmp4, $4  }
0x13f: {  	[spmem:s3] =	stream.indirect.scatter.add.f32 [tilespmem:s0], [sflag:$0x15], $0x80, s7, s5, $0xb8;
	[tilespmem:$0x1E800] =	vst v63  }
0x140: {  	_ =	swait.ge [sflag:s31], $0x2800  }
0x141: {  	[sflag:s31] =	ssyncset.done $0x0  }
0x142: {  	[sflag:s31] =	ssyncadd.s32 $0xFFFFD800  }
0x143: {  	s20 =	sld [smem:$0x7F9];
	_ =	sdelay $0x1  }
0x144: {  	s23 =	sld [smem:$0x7F8]  }
0x145: {  	s20 =	sadd.s32 s19, s20  }
0x146: {  	[tilespmem:s25], [sflag:$0x4] =	stream.linear.gather [hbm4b:s20+s4], $0x50, $0x38;
	[tilespmem:$0x1E800] =	vst v63  }
0x147: {  	s20 =	sadd.s32 s19, s23  }
0x148: {  	[tilespmem:s7], [sflag:$0xC] =	stream.linear.gather [hbm4b:s20+s4], $0x50, $0x38;
	[tilespmem:$0x1E800] =	vst v63  }
0x149: {  	_ =	swait.ge [sflag:s16], $0x50  }
0x14a: {  	[sflag:s16] =	ssyncset.done $0x0  }
0x14b: {  	[sflag:s16] =	ssyncadd.s32 $0xFFFFFFB0  }
0x14c: {  	_ =	swait.ge [sflag:s17], $0x50  }
0x14d: {  	[sflag:s17] =	ssyncset.done $0x0  }
0x14e: {  	s21 =	simm.s32 $0x380;
	[sflag:s17] =	ssyncadd.s32 $0xFFFFFFB0  }
0x14f: {  	[tilespmem:s0], [sflag:$0x14] =	stream.indirect.gather [hbm4b:s14+s5], $0x80, s21, s5, $0xb8;
	[tilespmem:$0x1E800] =	vst v63  }
0x150: {  	_ =	swait.ge [sflag:s2], $0x2800  }
0x151: {  	[sflag:s2] =	ssyncset.done $0x0  }
0x152: {  	[sflag:s2] =	ssyncadd.s32 $0xFFFFD800  }
0x153: {  	[spmem:s3] =	stream.indirect.scatter.add.f32 [tilespmem:s30], [sflag:$0x15], $0x80, s9, s5, $0xb8;
	[tilespmem:$0x1E800] =	vst v63  }
0x154: {  	_ =	swait.ge [sflag:s31], $0x2800  }
0x155: {  	s22 =	sld [smem:$0x7F7];
	_ =	sdelay $0x1  }
0x156: {  	[sflag:s31] =	ssyncset.done $0x0;
	s23 =	sld [smem:$0x7F6]  }
0x157: {  	[sflag:s31] =	ssyncadd.s32 $0xFFFFD800;
	s20 =	sadd.s32 s19, s22  }
0x158: {  	[tilespmem:s8], [sflag:$0x5] =	stream.linear.gather [hbm4b:s20+s4], $0x50, $0x38;
	[tilespmem:$0x1E800] =	vst v63  }
0x159: {  	s20 =	sadd.s32 s19, s23  }
0x15a: {  	[tilespmem:s9], [sflag:$0xD] =	stream.linear.gather [hbm4b:s20+s4], $0x50, $0x38;
	[tilespmem:$0x1E800] =	vst v63  }
0x15b: {  	_ =	swait.ge [sflag:s11], $0x50  }
0x15c: {  	p0 =	sgt.u32 s13, $0xE;
	[sflag:s11] =	ssyncset.done $0x0  }
.Ltmp5:
0x15d: {  	[sflag:s11] =	ssyncadd.s32 $0xFFFFFFB0;
	(pc) =	sbr.rel @p0 .LBB2_7-.Ltmp5, $4  }
0x15e: {  	_ =	swait.ge [sflag:s29], $0x50  }
0x15f: {  	[sflag:s29] =	ssyncset.done $0x0  }
0x160: {  	[sflag:s29] =	ssyncadd.s32 $0xFFFFFFB0  }
0x161: {  	[tilespmem:s30], [sflag:$0x11] =	stream.indirect.gather [hbm4b:s14+s5], $0x80, s4, s5, $0xb8;
	[tilespmem:$0x1E800] =	vst v63  }
0x162: {  	_ =	swait.ge [sflag:s1], $0x2800  }
0x163: {  	[sflag:s1] =	ssyncset.done $0x0  }
0x164: {  	s20 =	simm.s32 $0x680;
	[sflag:s1] =	ssyncadd.s32 $0xFFFFD800  }
0x165: {  	[spmem:s3] =	stream.indirect.scatter.add.f32 [tilespmem:s15], [sflag:$0x15], $0x80, s20, s5, $0xb8;
	[tilespmem:$0x1E800] =	vst v63  }
0x166: {  	_ =	swait.ge [sflag:s31], $0x2800  }
0x167: {  	s20 =	sld [smem:$0x7F5]  }
0x168: {  	p0 =	seq.s32 s19, $0x460  }
0x169: {  	s21 =	simm.s32 @!p0 $0x0;
	[sflag:s31] =	ssyncset.done $0x0  }
0x16a: {  	s22 =	simm.s32 @!p0 $0x280;
	[sflag:s31] =	ssyncadd.s32 $0xFFFFD800;
	s20 =	sadd.s32 @!p0 s19, s20  }
0x16b: {  	[tilespmem:s22], [sflag:$0x6] =	stream.linear.gather @!p0 [hbm4b:s20+s21], $0x50, $0x38;
	[tilespmem:$0x1E800] =	vst v63  }
0x16c: {  	s20 =	sld [smem:$0x7F4];
	_ =	sdelay $0x2  }
0x16d: {  	s22 =	simm.s32 @!p0 $0x680;
	s20 =	sadd.s32 @!p0 s19, s20  }
0x16e: {  	[tilespmem:s22], [sflag:$0xE] =	stream.linear.gather @!p0 [hbm4b:s20+s21], $0x50, $0x38;
	[tilespmem:$0x1E800] =	vst v63  }
0x16f: {  	s22 =	simm.s32 $0x2  }
0x170: {  	_ =	swait.ge [sflag:s22], $0x50  }
0x171: {  	[sflag:s22] =	ssyncset.done $0x0  }
0x172: {  	s23 =	simm.s32 $0xA;
	[sflag:s22] =	ssyncadd.s32 $0xFFFFFFB0  }
0x173: {  	_ =	swait.ge [sflag:s23], $0x50  }
0x174: {  	[sflag:s23] =	ssyncset.done $0x0  }
0x175: {  	s22 =	simm.s32 $0x80;
	[sflag:s23] =	ssyncadd.s32 $0xFFFFFFB0;
	s23 =	simm.s32 $0x13  }
0x176: {  	[tilespmem:s15], [sflag:$0x12] =	stream.indirect.gather [hbm4b:s14+s5], $0x80, s22, s5, $0xb8;
	[tilespmem:$0x1E800] =	vst v63  }
0x177: {  	_ =	swait.ge [sflag:s23], $0x2800  }
0x178: {  	[sflag:s23] =	ssyncset.done $0x0  }
0x179: {  	s22 =	simm.s32 $0x700;
	[sflag:s23] =	ssyncadd.s32 $0xFFFFD800;
	s23 =	simm.s32 $0x5800  }
0x17a: {  	[spmem:s3] =	stream.indirect.scatter.add.f32 [tilespmem:s23], [sflag:$0x15], $0x80, s22, s5, $0xb8;
	[tilespmem:$0x1E800] =	vst v63  }
0x17b: {  	_ =	swait.ge [sflag:s31], $0x2800  }
0x17c: {  	s20 =	sld [smem:$0x7F3];
	_ =	sdelay $0x1  }
0x17d: {  	[sflag:s31] =	ssyncset.done $0x0  }
0x17e: {  	s22 =	simm.s32 @!p0 $0x300;
	[sflag:s31] =	ssyncadd.s32 $0xFFFFD800;
	s20 =	sadd.s32 @!p0 s19, s20  }
0x17f: {  	[tilespmem:s22], [sflag:$0x7] =	stream.linear.gather @!p0 [hbm4b:s20+s21], $0x50, $0x38;
	[tilespmem:$0x1E800] =	vst v63  }
0x180: {  	s20 =	sld [smem:$0x7F2];
	_ =	sdelay $0x2  }
0x181: {  	s22 =	simm.s32 @!p0 $0x700;
	s20 =	sadd.s32 @!p0 s19, s20  }
0x182: {  	[tilespmem:s22], [sflag:$0xF] =	stream.linear.gather @!p0 [hbm4b:s20+s21], $0x50, $0x38;
	[tilespmem:$0x1E800] =	vst v63  }
0x183: {  	s22 =	simm.s32 $0x3  }
0x184: {  	_ =	swait.ge [sflag:s22], $0x50  }
0x185: {  	[sflag:s22] =	ssyncset.done $0x0  }
0x186: {  	[sflag:s22] =	ssyncadd.s32 $0xFFFFFFB0;
	s22 =	simm.s32 $0xB  }
0x187: {  	_ =	swait.ge [sflag:s22], $0x50  }
0x188: {  	[sflag:s22] =	ssyncset.done $0x0  }
0x189: {  	[sflag:s22] =	ssyncadd.s32 $0xFFFFFFB0;
	s22 =	simm.s32 $0x100  }
0x18a: {  	[tilespmem:s23], [sflag:$0x13] =	stream.indirect.gather [hbm4b:s14+s5], $0x80, s22, s5, $0xb8;
	[tilespmem:$0x1E800] =	vst v63  }
0x18b: {  	_ =	swait.ge [sflag:s12], $0x2800  }
0x18c: {  	[sflag:s12] =	ssyncset.done $0x0  }
0x18d: {  	s23 =	simm.s32 $0x780;
	[sflag:s12] =	ssyncadd.s32 $0xFFFFD800  }
0x18e: {  	[spmem:s3] =	stream.indirect.scatter.add.f32 [tilespmem:s0], [sflag:$0x15], $0x80, s23, s5, $0xb8;
	[tilespmem:$0x1E800] =	vst v63  }
0x18f: {  	_ =	swait.ge [sflag:s31], $0x2800  }
0x190: {  	s20 =	sld [smem:$0x7F1];
	_ =	sdelay $0x1  }
0x191: {  	[sflag:s31] =	ssyncset.done $0x0  }
0x192: {  	s22 =	simm.s32 @!p0 $0x380;
	[sflag:s31] =	ssyncadd.s32 $0xFFFFD800;
	s20 =	sadd.s32 @!p0 s19, s20  }
0x193: {  	[tilespmem:s22], [sflag:$0x8] =	stream.linear.gather @!p0 [hbm4b:s20+s21], $0x50, $0x38;
	[tilespmem:$0x1E800] =	vst v63  }
0x194: {  	s20 =	sld [smem:$0x7F0];
	_ =	sdelay $0x2  }
0x195: {  	s22 =	simm.s32 @!p0 $0x780;
	s20 =	sadd.s32 @!p0 s19, s20  }
0x196: {  	[tilespmem:s22], [sflag:$0x10] =	stream.linear.gather @!p0 [hbm4b:s20+s21], $0x50, $0x38;
	[tilespmem:$0x1E800] =	vst v63  }
0x197: {  	s22 =	simm.s32 $0x4  }
0x198: {  	_ =	swait.ge [sflag:s22], $0x50  }
0x199: {  	[sflag:s22] =	ssyncset.done $0x0  }
.Ltmp6:
0x19a: {  	s23 =	simm.s32 $0xC;
	[sflag:s22] =	ssyncadd.s32 $0xFFFFFFB0;
	(pc) =	sbr.rel .LBB2_7-.Ltmp6, $4  }
0x19b: {  	_ =	swait.ge [sflag:s23], $0x50  }
0x19c: {  	[sflag:s23] =	ssyncset.done $0x0  }
0x19d: {  	[sflag:s23] =	ssyncadd.s32 $0xFFFFFFB0  }
0x19e: {  	[tilespmem:s0], [sflag:$0x14] =	stream.indirect.gather [hbm4b:s14+s5], $0x80, s25, s5, $0xb8;
	[tilespmem:$0x1E800] =	vst v63  }
.LBB2_9:
0x19f: {  	_ =	sfence.sel $0x180000  }
0x1a0: {  	[bflag:$0x0] =	sbarrier.arrive $0xFFFF  }
0x1a1: {  	_ =	strace $0x9000004A  }
0x1a2: {  	s0 =	stileid.u32;
	[bflag:$0x2] =	sbarrier.arrive $0xFFFF  }
0x1a3: {  	p0 =	sne.s32 s0, $0x0;
	s0 =	rddreg [dreg:$0x3]  }
0x1a4: {  	s0 =	sadd.s32 @!p0 $0x100000, s0  }
0x1a5: {  	[sflag:s0] =	ssyncadd.tile.s32 @!p0 $0x1;
	_ =	shalt  }
.Lfunc_end2:
_tile_overlayer_lowered:
.L_overlay_start_2:
0x1a6: {  	(tag) =	ssettag $0x2  }
0x1a7: {  	s0 =	rddreg [dreg:$0x0];
	s2 =	stileid.u32  }
0x1a8: {  	s1 =	rddreg [dreg:$0x1];
	p0 =	sne.s32 s2, $0x0  }
0x1a9: {  	s3 =	rddreg [dreg:$0x2];
	[bflag:$0x3] =	sbarrier.arrive $0xFFFF;
	s2 =	simm.s32 @!p0 $0x1C15  }
0x1aa: {  	[timem:s3], [sflag:s2] =	dma.local @!p0 [hbm:s0], s1  }
0x1ab: {  	s0 =	simm.s32 @!p0 $0x15  }
0x1ac: {  	_ =	swait.ge @!p0 [sflag:s0], s1  }
0x1ad: {  	s1 =	ssub.s32 @!p0 $0x0, s1;
	[sflag:s0] =	ssyncset.done @!p0 $0x0  }
0x1ae: {  	[sflag:s0] =	ssyncadd.s32 @!p0 s1  }
0x1af: {  	[bflag:$0x3] =	sbarrier.arrive $0xFFFF  }
0x1b0: {  	_ =	shalt  }

// kernel: kernel.15.cloned.1.call-start
scs
__scs_entry_jumppad:
0x0: {  	(pc) =	sbr.rel $0x88, $3  }
0x1: {  	(tag) =	ssettag $0x0;
	lr =	simm.s32 $0x1  }
0x2: {  	[smem:$0x3F97] =	sst lr;
	_ =	strace $0xD0000000  }
0x3: {  	_ = 	snop  }
0x4: {  	_ = 	snop  }
0x5: {  	_ = 	snop  }
0x6: {  	_ = 	snop  }
0x7: {  	_ = 	snop  }
__scs_overlays_trampoline_lowered:
0x8: {  	[smem:$0x3FA6] =	sst s0  }
0x9: {  	[smem:$0x3FA7] =	sst s1  }
0xa: {  	[smem:$0x3FA8] =	sst s2  }
0xb: {  	[smem:$0x3FA9] =	sst s3  }
0xc: {  	[smem:$0x3FAA] =	sst s4  }
0xd: {  	[smem:$0x3FAB] =	sst s5  }
0xe: {  	[smem:$0x3FAC] =	sst s6  }
0xf: {  	[smem:$0x3FAD] =	sst s7  }
0x10: {  	[smem:$0x3FAE] =	sst s8  }
0x11: {  	[smem:$0x3FAF] =	sst s9;
	s0 =	simm.s32 @!p0 $0x0  }
0x12: {  	s1 =	sld [smem:$0x3F95];
	s0 =	simm.s32 @p0 $0x1  }
0x13: {  	[smem:$0x3FB0] =	sst s0;
	s0 =	simm.s32 @!p1 $0x0  }
0x14: {  	s2 =	sld [smem:$0x3F94];
	s0 =	simm.s32 @p1 $0x1  }
0x15: {  	[smem:$0x3FB1] =	sst s0;
	s0 =	simm.s32 @!p2 $0x0  }
0x16: {  	s3 =	sld [smem:$0x3FDB];
	s0 =	simm.s32 @p2 $0x1  }
0x17: {  	s4 =	simm.s32 $0x1BF5;
	[smem:$0x3FB3] =	sst s0  }
0x18: {  	s0 =	sld [smem:$0x3F96];
	_ =	swait.ge [sflag:s4], $0x0  }
0x19: {  	s7 =	sld [smem:$0x3F97]  }
0x1a: {  	s8 =	sadd.s32 $0xFFFFE003, lr  }
0x1b: {  	s9 =	sadd.s32 $0xFFFFFEF7, lr;
	s5 =	simm.s32 $0xFFFFFFFF;
	p2 =	slt.u32 s8, $0xFFFFF086  }
0x1c: {  	p1 =	slt.u32 s9, $0xF7A;
	s5 =	simm.s32 @!p2 $0x0  }
0x1d: {  	s5 =	simm.s32 @p1 $0x1;
	p0 =	seq.s32 s7, s2  }
0x1e: {  	s7 =	smul.u32 @!p0 $0xF7A, s2;
	p2 =	seq.s32 @!p0 s5, $0x0  }
0x1f: {  	s9 =	smul.u32 $0xF7A, s1;
	s8 =	simm.s32 @!p0 $0x1BF5;
	p2 =	por !p2, p0  }
0x20: {  	[sflag:s8] =	ssyncset.s32 @!p0 $0xFFFFF086;
	s6 =	sadd.s32 @!p0 s3, s7;
	s7 =	simm.s32 @!p0 $0x108  }
0x21: {  	s3 =	sadd.s32 s3, s9;
	s6 =	sadd.s32 @!p0 $0x88, s6;
	s7 =	simm.s32 @p2 $0x1082  }
0x22: {  	[simem:s7], [sflag:s8] =	dma.local @!p0 [hbm:s6], $0xF7A  }
0x23: {  	s9 =	sor.u32 $0xD0000000, s2;
	s6 =	simm.s32 $0x108;
	_ =	swait.ge @!p0 [sflag:s8], $0x0  }
0x24: {  	s3 =	sadd.s32 $0x88, s3;
	s6 =	simm.s32 @!p1 $0x1082;
	[sflag:s4] =	ssyncset.s32 $0xFFFFF086  }
0x25: {  	[simem:s6], [sflag:s4] =	dma.local [hbm:s3], $0xF7A  }
0x26: {  	[smem:$0x3F97] =	sst s1;
	(tag) =	ssettag s2;
	_ =	strace s9  }
0x27: {  	s1 =	sld [smem:$0x3FA7]  }
0x28: {  	s2 =	sld [smem:$0x3FA8]  }
0x29: {  	s4 =	sld [smem:$0x3FAA]  }
0x2a: {  	p0 =	seq.s32 s5, $0x0;
	s5 =	sld [smem:$0x3FAB]  }
0x2b: {  	s6 =	sld [smem:$0x3FAC]  }
0x2c: {  	s7 =	sld [smem:$0x3FAD]  }
0x2d: {  	s3 =	simm.s32 $0x108;
	s8 =	sld [smem:$0x3FAE]  }
0x2e: {  	s3 =	simm.s32 @!p0 $0x1082;
	s9 =	sld [smem:$0x3FAF]  }
0x2f: {  	lr =	sadd.s32 s0, s3;
	s0 =	sld [smem:$0x3FA6]  }
0x30: {  	s3 =	sld [smem:$0x3FA9]  }
0x31: {  	[smem:$0x3FB2] =	sst s10  }
0x32: {  	s10 =	sld [smem:$0x3FB0];
	_ =	sdelay $0x3  }
0x33: {  	p0 =	seq.s32 s10, $0x1;
	s10 =	sld [smem:$0x3FB2];
	_ =	sdelay $0x3  }
0x34: {  	[smem:$0x3FB2] =	sst s10  }
0x35: {  	s10 =	sld [smem:$0x3FB1];
	_ =	sdelay $0x3  }
0x36: {  	p1 =	seq.s32 s10, $0x1;
	s10 =	sld [smem:$0x3FB2];
	_ =	sdelay $0x3  }
0x37: {  	[smem:$0x3FB2] =	sst s10  }
0x38: {  	s10 =	sld [smem:$0x3FB3]  }
0x39: {  	_ = 	snop;
	(pc) =	sbr.ind lr, $3  }
0x3a: {  	_ = 	snop  }
0x3b: {  	_ = 	snop  }
0x3c: {  	p2 =	seq.s32 s10, $0x1;
	s10 =	sld [smem:$0x3FB2]  }
0x3d: {  	_ =	shalt  }
0x3e: {  	_ =	shalt  }
0x3f: {  	_ =	shalt  }
0x40: {  	_ =	shalt  }
0x41: {  	_ =	shalt  }
0x42: {  	_ =	shalt  }
0x43: {  	_ =	shalt  }
0x44: {  	_ =	shalt  }
0x45: {  	_ =	shalt  }
0x46: {  	_ =	shalt  }
0x47: {  	_ =	shalt  }
0x48: {  	_ =	shalt  }
0x49: {  	_ =	shalt  }
0x4a: {  	_ =	shalt  }
0x4b: {  	_ =	shalt  }
0x4c: {  	_ =	shalt  }
0x4d: {  	_ =	shalt  }
0x4e: {  	_ =	shalt  }
0x4f: {  	_ =	shalt  }
0x50: {  	_ =	shalt  }
0x51: {  	_ =	shalt  }
0x52: {  	_ =	shalt  }
0x53: {  	_ =	shalt  }
0x54: {  	_ =	shalt  }
0x55: {  	_ =	shalt  }
0x56: {  	_ =	shalt  }
0x57: {  	_ =	shalt  }
0x58: {  	_ =	shalt  }
0x59: {  	_ =	shalt  }
0x5a: {  	_ =	shalt  }
0x5b: {  	_ =	shalt  }
0x5c: {  	_ =	shalt  }
0x5d: {  	_ =	shalt  }
0x5e: {  	_ =	shalt  }
0x5f: {  	_ =	shalt  }
0x60: {  	_ =	shalt  }
0x61: {  	_ =	shalt  }
0x62: {  	_ =	shalt  }
0x63: {  	_ =	shalt  }
0x64: {  	_ =	shalt  }
0x65: {  	_ =	shalt  }
0x66: {  	_ =	shalt  }
0x67: {  	_ =	shalt  }
0x68: {  	_ =	shalt  }
0x69: {  	_ =	shalt  }
0x6a: {  	_ =	shalt  }
0x6b: {  	_ =	shalt  }
0x6c: {  	_ =	shalt  }
0x6d: {  	_ =	shalt  }
0x6e: {  	_ =	shalt  }
0x6f: {  	_ =	shalt  }
0x70: {  	_ =	shalt  }
0x71: {  	_ =	shalt  }
0x72: {  	_ =	shalt  }
0x73: {  	_ =	shalt  }
0x74: {  	_ =	shalt  }
0x75: {  	_ =	shalt  }
0x76: {  	_ =	shalt  }
0x77: {  	_ =	shalt  }
0x78: {  	_ =	shalt  }
0x79: {  	_ =	shalt  }
0x7a: {  	_ =	shalt  }
0x7b: {  	_ =	shalt  }
0x7c: {  	_ =	shalt  }
0x7d: {  	_ =	shalt  }
0x7e: {  	_ =	shalt  }
0x7f: {  	_ =	shalt  }
0x80: {  	_ =	shalt  }
0x81: {  	_ =	shalt  }
0x82: {  	_ =	shalt  }
0x83: {  	_ =	shalt  }
0x84: {  	_ =	shalt  }
0x85: {  	_ =	shalt  }
0x86: {  	_ =	shalt  }
0x87: {  	_ =	shalt  }
.Lfunc_end0:
.L_simem_size_0:
called_computation.2_lowered:
.L_overlay_start_0:
0x88: {  	s2 =	sld [smem:$0x3FD9]  }
0x89: {  	s3 =	sld [smem:$0x3FFE];
	_ =	sdelay $0x1  }
0x8a: {  	s1 =	srdreg.scid  }
0x8b: {  	s0 =	sand.u32 $0x1, s1  }
0x8c: {  	s17 =	sshll.u32 s0, $0xA;
	s2 =	sadd.s32 s3, s2  }
0x8d: {  	s2 =	sadd.s32 s2, s17  }
0x8e: {  	[smem:$0x3FBE] =	sst s2  }
0x8f: {  	_ = 	snop  }
0x90: {  	s2 =	sld [smem:$0x3FD0];
	(tm) =	ssettm $0x1  }
0x91: {  	s18 =	sld [smem:$0x3FFB];
	_ =	sdelay $0x3  }
0x92: {  	_ =	strace s18  }
0x93: {  	s3 =	sld [smem:$0x3FFC];
	_ =	sdelay $0x3  }
0x94: {  	_ =	strace s3  }
0x95: {  	s3 =	sld [smem:$0x3FFD];
	_ =	sdelay $0x3  }
0x96: {  	_ =	strace s3  }
0x97: {  	_ =	strace $0x8FFFFFFF  }
0x98: {  	s19 =	sld [smem:$0x3FDB];
	_ =	sdelay $0x1  }
0x99: {  	s4 =	simm.s32 $_scs_section_size  }
0x9a: {  	s5 =	simm.s32 $_size__tile_overlayer_lowered;
	s6 =	simm.s32 $_tile_overlayer_lowered  }
0x9b: {  	s22 =	simm.s32 $0x1BFF;
	s21 =	sshll.u32 s6, $0x1;
	s3 =	sadd.s32 s4, s19  }
0x9c: {  	s7 =	simm.s32 $0x0;
	s20 =	sshll.u32 s5, $0x1;
	s5 =	sadd.s32 s21, s3  }
0x9d: {  	[timem:s7], [sflag:s22] =	dma.local [hbm:s5], s20  }
0x9e: {  	_ =	swait.ge [sflag:s22], s20  }
0x9f: {  	s4 =	ssub.s32 $0x0, s20;
	[sflag:s22] =	ssyncset.done $0x0  }
0xa0: {  	[sflag:s22] =	ssyncadd.s32 s4;
	_ =	sdelay $0x1  }
0xa1: {  	s23 =	simm.s32 $0x1B8B  }
0xa2: {  	_ =	swait.ge [sflag:s23], $0x1  }
0xa3: {  	[sflag:s23] =	ssyncset.done $0x0  }
0xa4: {  	s25 =	simm.s32 $0x1B8E;
	s24 =	sld [smem:$0x3FFE];
	[sflag:s23] =	ssyncadd.s32 $0xFFFFFFFF  }
0xa5: {  	s26 =	simm.s32 $execute0_lowered;
	[smem:$0x3FD2] =	sst s25  }
0xa6: {  	s5 =	sshll.u32 s26, $0x1;
	_ =	strace $0x8000004C;
	[dreg:$0x1] =	wrdreg $0xFFFFFFFF  }
0xa7: {  	s28 =	simm.s32 $_size_execute0_lowered;
	s3 =	sadd.s32 s3, s5;
	[dreg:$0x0] =	wrdreg $0x0  }
0xa8: {  	s5 =	sshll.u32 s28, $0x1;
	[dreg:$0x2] =	wrdreg s3  }
0xa9: {  	[dreg:$0x3] =	wrdreg s5  }
0xaa: {  	[dreg:$0x4] =	wrdreg $0xC0  }
0xab: {  	_ =	task [dreg:s7], $0x5FFFF  }
0xac: {  	[dreg:$0x1] =	wrdreg $0xFFFFFFFF  }
0xad: {  	[dreg:$0x0] =	wrdreg $0x60  }
0xae: {  	[dreg:$0x2] =	wrdreg s24  }
0xaf: {  	[dreg:$0x3] =	wrdreg s2  }
0xb0: {  	[dreg:$0x4] =	wrdreg $0xA8000  }
0xb1: {  	[dreg:$0x5] =	wrdreg $0x9  }
0xb2: {  	_ =	task.clear_ibuf [dreg:s7], $0x6FFFF;
	_ =	strace $0x9000004C  }
0xb3: {  	s29 =	simm.s32 $0x9;
	_ =	strace $0x8000004E  }
0xb4: {  	_ =	swait.ge [sflag:s29], $0x1  }
0xb5: {  	[sflag:s29] =	ssyncadd.s32 $0xFFFFFFFF  }
0xb6: {  	_ =	strace $0x9000004E  }
0xb7: {  	_ =	sfence  }
0xb8: {  	s30 =	sld [smem:$0x0];
	_ =	sdelay $0x2  }
0xb9: {  	s31 =	sshll.u32 s1, $0xD;
	s1 =	sshrl.u32 s1, $0x2  }
0xba: {  	s3 =	sand.u32 $0x4000, s31;
	s1 =	sadd.s32 s1, s30  }
0xbb: {  	s0 =	sor.u32 s3, s0;
	s1 =	sshll.u32 s1, $0x11  }
0xbc: {  	s0 =	sor.u32 s1, s0  }
0xbd: {  	s0 =	sadd.s32 $0x8F2B, s0  }
0xbe: {  	[sflag:s0] =	ssyncadd.remote.s32 $0x1  }
0xbf: {  	_ =	sfence.sel $0xFFFF  }
0xc0: {  	[dreg:$0x0] =	wrdreg $0xFFFFFFFF;
	(pc) =	sbr.abs _section_cstart, $3  }
0xc1: {  	[dreg:$0x1] =	wrdreg $0xFFFFFFFF  }
0xc2: {  	_ =	task.clear_ibuf [dreg:s7], $0x2FFFF;
	_ =	strace $0x9FFFFFFF  }
0xc3: {  	(tm) =	ssettm $0x7FFFFFFF  }
tec
execute0_lowered:
.L_overlay_start_1:
0x0: {  	(tag) =	ssettag $0x1  }
0x1: {  	s1 =	rddreg [dreg:$0x0]  }
0x2: {  	s18 =	rddreg [dreg:$0x1]  }
0x3: {  	s3 =	rddreg [dreg:$0x2];
	s19 =	stileid.u32  }
0x4: {  	s0 =	srdreg.scid;
	s6 =	smul.u32 $0x14000, s19  }
0x5: {  	s4 =	simm.s32 $0x0;
	s0 =	sand.u32 $0x1, s0;
	s22 =	smul.u32 $0x4E20, s19  }
0x6: {  	s5 =	sshll.u32 s19, $0x1;
	[smem:$0x7FF] =	sst s4;
	s2 =	smul.u32 $0x140000, s0  }
0x7: {  	s5 =	sor.u32 s0, s5;
	s7 =	ssub.s32 $0x2, s0;
	s0 =	smul.u32 $0x2710, s0  }
0x8: {  	s9 =	sadd.s32 $0x33600, s1;
	s5 =	smul.u32 $0x2710, s5;
	s10 =	sshrl.u32 s7, $0x1  }
0x9: {  	s11 =	sadd.s32 $0x7800, s6;
	s12 =	sadd.s32 $0xA000, s6;
	s13 =	sadd.s32 $0xC800, s6  }
0xa: {  	s15 =	sadd.s32 $0xF000, s6;
	s8 =	sadd.s32 s2, s6;
	s7 =	ssub.s32 s7, s10  }
0xb: {  	s10 =	sadd.s32 $0x5000, s6;
	s25 =	sadd.s32 s2, s11;
	s26 =	sadd.s32 s2, s12  }
0xc: {  	s17 =	sadd.s32 s2, s13;
	s21 =	sadd.s32 s2, s15;
	s8 =	sshrl.u32 s8, $0x3  }
0xd: {  	s5 =	sshrl.u32 s5, $0x3;
	s16 =	sadd.s32 s2, s10;
	s20 =	sshrl.u32 s17, $0x3  }
0xe: {  	s8 =	sadd.s32 s9, s8;
	s24 =	sshrl.u32 s16, $0x3;
	s16 =	sshrl.u32 s26, $0x3  }
0xf: {  	[dreg:$0x4] =	wrdreg s8;
	s8 =	sor.u32 $0x2800, s6;
	s16 =	sadd.s32 s9, s16  }
0x10: {  	s14 =	sadd.s32 s2, s8;
	[dreg:$0x8] =	wrdreg s16;
	s16 =	sshrl.u32 s21, $0x3  }
0x11: {  	s6 =	sadd.s32 $0x11800, s6;
	s14 =	sshrl.u32 s14, $0x3;
	s23 =	sadd.s32 s9, s16  }
0x12: {  	s2 =	sadd.s32 s2, s6;
	s14 =	sadd.s32 s9, s14;
	[dreg:$0xa] =	wrdreg s23  }
0x13: {  	s2 =	sshrl.u32 s2, $0x3;
	[dreg:$0x5] =	wrdreg s14;
	s14 =	sadd.s32 s9, s24  }
0x14: {  	s2 =	sadd.s32 s9, s2;
	[dreg:$0x6] =	wrdreg s14;
	s14 =	sshrl.u32 s25, $0x3  }
0x15: {  	[dreg:$0xb] =	wrdreg s2;
	s24 =	sadd.s32 $0xA, s5;
	s14 =	sadd.s32 s9, s14  }
0x16: {  	[dreg:$0x7] =	wrdreg s14;
	s14 =	sadd.s32 s9, s20;
	s9 =	sadd.s32 $0x2600, s1  }
0x17: {  	s2 =	sadd.s32 $0x14, s5;
	[dreg:$0x9] =	wrdreg s14;
	s25 =	sadd.s32 s9, s24  }
0x18: {  	s26 =	sadd.s32 s18, s24;
	_ =	strace $0x8000004D;
	[dreg:$0xc] =	wrdreg s25  }
0x19: {  	s17 =	sadd.s32 $0x1E, s5;
	s20 =	sadd.s32 s9, s2;
	[dreg:$0xd] =	wrdreg s26  }
0x1a: {  	s14 =	sadd.s32 $0xC400, s1;
	s1 =	sadd.s32 s18, s2;
	[dreg:$0xe] =	wrdreg s20  }
0x1b: {  	s21 =	sadd.s32 s9, s17;
	[dreg:$0xf] =	wrdreg s1  }
0x1c: {  	s0 =	sadd.s32 s0, s22;
	s22 =	sadd.s32 s18, s17;
	[dreg:$0x10] =	wrdreg s21  }
0x1d: {  	s30 =	simm.s32 $0x800;
	s17 =	sadd.s32 s9, s5;
	[dreg:$0x11] =	wrdreg s22  }
0x1e: {  	s23 =	sadd.s32 $0x28, s5;
	s2 =	smax.u32 s7, $0x1;
	[dreg:$0x16] =	wrdreg s17  }
0x1f: {  	s31 =	simm.s32 $0x15;
	s25 =	sadd.s32 s9, s23;
	[dreg:$0x1c] =	wrdreg s2  }
0x20: {  	s24 =	sadd.s32 $0x32, s5;
	s1 =	sadd.s32 s18, s23;
	[dreg:$0x12] =	wrdreg s25  }
0x21: {  	s29 =	simm.s32 $0x9;
	s26 =	sadd.s32 s9, s24;
	[dreg:$0x13] =	wrdreg s1  }
0x22: {  	s16 =	sadd.s32 s18, s24;
	s20 =	sadd.s32 s18, s5;
	[dreg:$0x14] =	wrdreg s26  }
0x23: {  	s21 =	sadd.s32 $0x3C, s5;
	s22 =	sadd.s32 $0x46, s5;
	[dreg:$0x15] =	wrdreg s16  }
0x24: {  	s23 =	smul.u32 $0x50000, s19;
	s19 =	sadd.s32 s13, s3;
	[dreg:$0x17] =	wrdreg s20  }
0x25: {  	s17 =	sadd.s32 $0x4B0, s0;
	s24 =	sadd.s32 s9, s21;
	[smem:$0x7ED] =	sst s19  }
0x26: {  	s5 =	sadd.s32 $0x460, s0;
	s1 =	sadd.s32 s18, s21;
	[dreg:$0x18] =	wrdreg s24  }
0x27: {  	s25 =	sadd.s32 s9, s22;
	s26 =	sadd.s32 s18, s22;
	[dreg:$0x19] =	wrdreg s1  }
0x28: {  	s21 =	sadd.s32 s8, s3;
	s22 =	sadd.s32 s10, s3;
	[dreg:$0x1a] =	wrdreg s25  }
0x29: {  	s16 =	sadd.s32 s12, s3;
	s10 =	sadd.s32 $0x3C0, s0;
	[dreg:$0x1b] =	wrdreg s26  }
0x2a: {  	s7 =	sshrl.u32 s23, $0x2;
	s23 =	sadd.s32 s11, s3;
	[smem:$0x7EC] =	sst s16  }
0x2b: {  	s24 =	sadd.s32 s15, s3;
	s1 =	sshrl.u32 s17, $0x3;
	s25 =	sadd.s32 s6, s3  }
0x2c: {  	s6 =	sshrl.u32 s5, $0x3;
	s11 =	sshrl.u32 s10, $0x3;
	[dreg:$0x1e] =	wrdreg s21  }
0x2d: {  	s15 =	sadd.s32 $0x370, s0;
	s17 =	sadd.s32 $0x320, s0;
	[dreg:$0x1f] =	wrdreg s22  }
0x2e: {  	s5 =	simm.s32 $0x50;
	s20 =	sadd.s32 s7, s3;
	[smem:$0x7EE] =	sst s24  }
0x2f: {  	[smem:$0x7EF] =	sst s25;
	s26 =	sadd.s32 s1, s18;
	s1 =	sadd.s32 s1, s9  }
0x30: {  	s7 =	sadd.s32 $0x410, s0;
	s8 =	sadd.s32 s6, s18;
	[smem:$0x7FD] =	sst s23  }
0x31: {  	s13 =	sadd.s32 s11, s18;
	s16 =	sshrl.u32 s15, $0x3;
	[smem:$0x7F0] =	sst s26  }
0x32: {  	s24 =	sadd.s32 $0x2D0, s0;
	s0 =	sadd.s32 $0x280, s0;
	[smem:$0x7F1] =	sst s1  }
0x33: {  	s15 =	simm.s32 $0x3000;
	s2 =	sshrl.u32 s7, $0x3;
	[smem:$0x7F2] =	sst s8  }
0x34: {  	s1 =	sadd.s32 s6, s9;
	[smem:$0x7F6] =	sst s13;
	s19 =	sadd.s32 s16, s18  }
0x35: {  	s25 =	sshrl.u32 s24, $0x3;
	s24 =	smov.u32 s9;
	[smem:$0x7FC] =	sst s0  }
0x36: {  	s7 =	simm.s32 $0x580;
	s8 =	simm.s32 $0x200;
	[dreg:$0x1d] =	wrdreg s20  }
0x37: {  	s0 =	simm.s32 $0x8000;
	s6 =	simm.s32 $0xD;
	[smem:$0x7F3] =	sst s1  }
0x38: {  	s13 =	simm.s32 $0x0;
	s12 =	sadd.s32 s2, s18;
	[smem:$0x7F8] =	sst s19  }
0x39: {  	s2 =	sadd.s32 s2, s9;
	s1 =	sadd.s32 s11, s9;
	[smem:$0x7F4] =	sst s12  }
0x3a: {  	s28 =	sadd.s32 s25, s9;
	s11 =	simm.s32 $0x1;
	[smem:$0x7F5] =	sst s2  }
0x3b: {  	[smem:$0x7F7] =	sst s1;
	s2 =	sshrl.u32 s17, $0x3;
	s1 =	sadd.s32 s16, s9  }
.Ltmp0:
0x3c: {  	s12 =	simm.s32 $0x14;
	s16 =	simm.s32 $0x8;
	(pc) =	sbr.rel .LBB2_1-.Ltmp0, $4  }
0x3d: {  	s17 =	simm.s32 $0x10;
	[smem:$0x7F9] =	sst s1;
	s26 =	sadd.s32 s2, s18  }
0x3e: {  	s2 =	sadd.s32 s2, s9;
	s9 =	simm.s32 $0x600;
	[smem:$0x7FA] =	sst s26  }
0x3f: {  	s1 =	simm.s32 $0x12;
	[smem:$0x7FB] =	sst s2;
	s26 =	sadd.s32 s25, s18  }
0x40: {  	v0 =	vimm.f32 $0.0e+00;
	s2 =	simm.s32 $0x11;
	s18 =	simm.s32 $0x5;
	s25 =	simm.s32 $0x180  }
.LBB2_8:
0x41: {  	_ =	swait.ge [sflag:s2], $0x2800  }
0x42: {  	[sflag:s2] =	ssyncset.done $0x0  }
0x43: {  	[sflag:s2] =	ssyncadd.s32 $0xFFFFD800  }
0x44: {  	[spmem:s3] =	stream.indirect.scatter.add.f32 [tilespmem:s30], [sflag:$0x15], $0x80, s9, s5, $0xb8;
	[tilespmem:$0x1E800] =	vst v63  }
0x45: {  	_ =	swait.ge [sflag:s31], $0x2800  }
0x46: {  	[sflag:s31] =	ssyncset.done $0x0  }
0x47: {  	[sflag:s31] =	ssyncadd.s32 $0xFFFFD800  }
0x48: {  	s10 =	stileid.u32;
	[bflag:$0x0] =	sbarrier.arrive $0xFFFF  }
0x49: {  	s10 =	sshll.u32 s10, $0x6;
	s20 =	rddreg [dreg:$0x1d]  }
0x4a: {  	s10 =	sor.u32 $0x1C15, s10;
	s19 =	rddreg [dreg:$0x4];
	s13 =	sshrl.u32 s20, $0x3  }
0x4b: {  	[hbm:s19], [sflag:s10] =	dma.local [spmem:s13], $0x500  }
0x4c: {  	_ =	swait.ge [sflag:s31], $0x500  }
0x4d: {  	[sflag:s31] =	ssyncset.done $0x0;
	s21 =	rddreg [dreg:$0x1e]  }
0x4e: {  	s23 =	rddreg [dreg:$0x5];
	[sflag:s31] =	ssyncadd.s32 $0xFFFFFB00;
	s22 =	sshrl.u32 s21, $0x3  }
0x4f: {  	[hbm:s23], [sflag:s10] =	dma.local [spmem:s22], $0x500  }
0x50: {  	_ =	swait.ge [sflag:s31], $0x500  }
0x51: {  	[sflag:s31] =	ssyncset.done $0x0;
	s22 =	rddreg [dreg:$0x1f]  }
0x52: {  	s23 =	rddreg [dreg:$0x6];
	[sflag:s31] =	ssyncadd.s32 $0xFFFFFB00;
	s19 =	sshrl.u32 s22, $0x3  }
0x53: {  	[hbm:s23], [sflag:s10] =	dma.local [spmem:s19], $0x500  }
0x54: {  	_ =	swait.ge [sflag:s31], $0x500  }
0x55: {  	s23 =	sld [smem:$0x7FD];
	_ =	sdelay $0x1  }
0x56: {  	[sflag:s31] =	ssyncset.done $0x0  }
0x57: {  	s19 =	rddreg [dreg:$0x7];
	[sflag:s31] =	ssyncadd.s32 $0xFFFFFB00;
	s13 =	sshrl.u32 s23, $0x3  }
0x58: {  	[hbm:s19], [sflag:s10] =	dma.local [spmem:s13], $0x500  }
0x59: {  	_ =	swait.ge [sflag:s31], $0x500  }
0x5a: {  	s19 =	sld [smem:$0x7EC];
	_ =	sdelay $0x1  }
0x5b: {  	[sflag:s31] =	ssyncset.done $0x0  }
0x5c: {  	[sflag:s31] =	ssyncadd.s32 $0xFFFFFB00;
	s13 =	sshrl.u32 s19, $0x3;
	s19 =	rddreg [dreg:$0x8]  }
0x5d: {  	[hbm:s19], [sflag:s10] =	dma.local [spmem:s13], $0x500  }
0x5e: {  	_ =	swait.ge [sflag:s31], $0x500  }
0x5f: {  	s19 =	sld [smem:$0x7ED];
	_ =	sdelay $0x1  }
0x60: {  	[sflag:s31] =	ssyncset.done $0x0  }
0x61: {  	[sflag:s31] =	ssyncadd.s32 $0xFFFFFB00;
	s13 =	sshrl.u32 s19, $0x3;
	s19 =	rddreg [dreg:$0x9]  }
0x62: {  	[hbm:s19], [sflag:s10] =	dma.local [spmem:s13], $0x500  }
0x63: {  	_ =	swait.ge [sflag:s31], $0x500  }
0x64: {  	s19 =	sld [smem:$0x7EE];
	_ =	sdelay $0x1  }
0x65: {  	[sflag:s31] =	ssyncset.done $0x0  }
0x66: {  	[sflag:s31] =	ssyncadd.s32 $0xFFFFFB00;
	s13 =	sshrl.u32 s19, $0x3;
	s19 =	rddreg [dreg:$0xa]  }
0x67: {  	[hbm:s19], [sflag:s10] =	dma.local [spmem:s13], $0x500  }
0x68: {  	_ =	swait.ge [sflag:s31], $0x500  }
0x69: {  	s19 =	sld [smem:$0x7EF];
	_ =	sdelay $0x1  }
0x6a: {  	[sflag:s31] =	ssyncset.done $0x0  }
0x6b: {  	[sflag:s31] =	ssyncadd.s32 $0xFFFFFB00;
	s13 =	sshrl.u32 s19, $0x3;
	s19 =	rddreg [dreg:$0xb]  }
0x6c: {  	[hbm:s19], [sflag:s10] =	dma.local [spmem:s13], $0x500  }
0x6d: {  	_ =	swait.ge [sflag:s31], $0x500  }
0x6e: {  	s10 =	sld [smem:$0x7EB];
	_ =	sdelay $0x2  }
0x6f: {  	s19 =	rddreg [dreg:$0x1c];
	s13 =	sadd.s32 $0x1, s10  }
0x70: {  	p0 =	sne.s32 s13, s19  }
.Ltmp1:
0x71: {  	_ = 	snop;
	(pc) =	sbr.rel @!p0 .LBB2_9-.Ltmp1, $3  }
0x72: {  	_ =	sdelay $0x1  }
0x73: {  	[sflag:s31] =	ssyncset.done $0x0  }
0x74: {  	[sflag:s31] =	ssyncadd.s32 $0xFFFFFB00  }
.LBB2_1:
0x75: {  	s10 =	simm.s32 $0x880  }
0x76: {  	[tilespmem:s10+$0xFFFFFF80] =	vst v0  }
0x77: {  	[tilespmem:s10+$0x70] =	vst v0  }
0x78: {  	[tilespmem:s10+$0x60] =	vst v0  }
0x79: {  	[tilespmem:s10+$0x50] =	vst v0  }
0x7a: {  	[tilespmem:s10+$0x40] =	vst v0  }
0x7b: {  	[tilespmem:s10+$0x30] =	vst v0  }
0x7c: {  	[tilespmem:s10+$0x20] =	vst v0  }
0x7d: {  	[tilespmem:s10+$0x10] =	vst v0  }
0x7e: {  	[tilespmem:s10+$0x0] =	vst v0  }
0x7f: {  	[tilespmem:s10+$0xFFFFFFF0] =	vst v0  }
0x80: {  	[tilespmem:s10+$0xFFFFFFE0] =	vst v0  }
0x81: {  	[tilespmem:s10+$0xFFFFFFD0] =	vst v0  }
0x82: {  	[tilespmem:s10+$0xFFFFFFC0] =	vst v0  }
0x83: {  	[tilespmem:s10+$0xFFFFFFB0] =	vst v0  }
0x84: {  	[smem:$0x7EB] =	sst s13;
	s13 =	simm.s32 $0x0;
	[tilespmem:s10+$0xFFFFFFA0] =	vst v0  }
.LBB2_2:
0x85: {  	s13 =	sadd.s32 $0x2, s13;
	[tilespmem:s10+$0xFFFFFF90] =	vst v0;
	s10 =	sadd.s32 $0x100, s10  }
0x86: {  	[tilespmem:s10+$0xFFFFFF80] =	vst v0;
	p0 =	slt.u32 s13, $0x4E  }
0x87: {  	[tilespmem:s10+$0x70] =	vst v0  }
0x88: {  	[tilespmem:s10+$0x60] =	vst v0  }
0x89: {  	[tilespmem:s10+$0x50] =	vst v0  }
0x8a: {  	[tilespmem:s10+$0x40] =	vst v0  }
0x8b: {  	[tilespmem:s10+$0x30] =	vst v0  }
0x8c: {  	[tilespmem:s10+$0x20] =	vst v0  }
0x8d: {  	[tilespmem:s10+$0x10] =	vst v0  }
0x8e: {  	[tilespmem:s10+$0x0] =	vst v0  }
0x8f: {  	[tilespmem:s10+$0xFFFFFFF0] =	vst v0  }
.Ltmp2:
0x90: {  	[tilespmem:s10+$0xFFFFFFE0] =	vst v0;
	(pc) =	sbr.rel @p0 .LBB2_2-.Ltmp2, $4  }
0x91: {  	[tilespmem:s10+$0xFFFFFFD0] =	vst v0  }
0x92: {  	[tilespmem:s10+$0xFFFFFFC0] =	vst v0  }
0x93: {  	[tilespmem:s10+$0xFFFFFFB0] =	vst v0  }
0x94: {  	[tilespmem:s10+$0xFFFFFFA0] =	vst v0  }
0x95: {  	[tilespmem:s10+$0xFFFFFF90] =	vst v0  }
0x96: {  	[spmem:s20] =	stream.linear.scatter [tilespmem:s30], [sflag:$0x15], $0x2800, $0x38;
	[tilespmem:$0x1E800] =	vst v63  }
0x97: {  	_ =	swait.ge [sflag:s31], $0x2800  }
0x98: {  	[sflag:s31] =	ssyncset.done $0x0  }
0x99: {  	[sflag:s31] =	ssyncadd.s32 $0xFFFFD800  }
0x9a: {  	[spmem:s21] =	stream.linear.scatter [tilespmem:s30], [sflag:$0x15], $0x2800, $0x38;
	[tilespmem:$0x1E800] =	vst v63  }
0x9b: {  	_ =	swait.ge [sflag:s31], $0x2800  }
0x9c: {  	[sflag:s31] =	ssyncset.done $0x0  }
0x9d: {  	[sflag:s31] =	ssyncadd.s32 $0xFFFFD800  }
0x9e: {  	[spmem:s22] =	stream.linear.scatter [tilespmem:s30], [sflag:$0x15], $0x2800, $0x38;
	[tilespmem:$0x1E800] =	vst v63  }
0x9f: {  	_ =	swait.ge [sflag:s31], $0x2800  }
0xa0: {  	[sflag:s31] =	ssyncset.done $0x0  }
0xa1: {  	[sflag:s31] =	ssyncadd.s32 $0xFFFFD800  }
0xa2: {  	[spmem:s23] =	stream.linear.scatter [tilespmem:s30], [sflag:$0x15], $0x2800, $0x38;
	[tilespmem:$0x1E800] =	vst v63  }
0xa3: {  	_ =	swait.ge [sflag:s31], $0x2800  }
0xa4: {  	s20 =	sld [smem:$0x7EC]  }
0xa5: {  	[sflag:s31] =	ssyncset.done $0x0  }
0xa6: {  	[sflag:s31] =	ssyncadd.s32 $0xFFFFD800  }
0xa7: {  	[spmem:s20] =	stream.linear.scatter [tilespmem:s30], [sflag:$0x15], $0x2800, $0x38;
	[tilespmem:$0x1E800] =	vst v63  }
0xa8: {  	_ =	swait.ge [sflag:s31], $0x2800  }
0xa9: {  	s21 =	sld [smem:$0x7ED]  }
0xaa: {  	[sflag:s31] =	ssyncset.done $0x0  }
0xab: {  	[sflag:s31] =	ssyncadd.s32 $0xFFFFD800  }
0xac: {  	[spmem:s21] =	stream.linear.scatter [tilespmem:s30], [sflag:$0x15], $0x2800, $0x38;
	[tilespmem:$0x1E800] =	vst v63  }
0xad: {  	_ =	swait.ge [sflag:s31], $0x2800  }
0xae: {  	s22 =	sld [smem:$0x7EE]  }
0xaf: {  	[sflag:s31] =	ssyncset.done $0x0  }
0xb0: {  	[sflag:s31] =	ssyncadd.s32 $0xFFFFD800  }
0xb1: {  	[spmem:s22] =	stream.linear.scatter [tilespmem:s30], [sflag:$0x15], $0x2800, $0x38;
	[tilespmem:$0x1E800] =	vst v63  }
0xb2: {  	_ =	swait.ge [sflag:s31], $0x2800  }
0xb3: {  	s23 =	sld [smem:$0x7EF]  }
0xb4: {  	[sflag:s31] =	ssyncset.done $0x0  }
0xb5: {  	[sflag:s31] =	ssyncadd.s32 $0xFFFFD800  }
0xb6: {  	[spmem:s23] =	stream.linear.scatter [tilespmem:s30], [sflag:$0x15], $0x2800, $0x38;
	[tilespmem:$0x1E800] =	vst v63  }
0xb7: {  	_ =	swait.ge [sflag:s31], $0x2800  }
0xb8: {  	[sflag:s31] =	ssyncset.done $0x0  }
0xb9: {  	[sflag:s31] =	ssyncadd.s32 $0xFFFFD800  }
0xba: {  	[bflag:$0x0] =	sbarrier.arrive $0xFFFF  }
0xbb: {  	s19 =	simm.s32 $0x0;
	s13 =	rddreg [dreg:$0x16]  }
0xbc: {  	[tilespmem:s19], [sflag:$0x1] =	stream.linear.gather [hbm4b:s13+s19], $0x50, $0x38;
	[tilespmem:$0x1E800] =	vst v63  }
0xbd: {  	s20 =	rddreg [dreg:$0x17];
	s13 =	simm.s32 $0x400  }
0xbe: {  	[tilespmem:s13], [sflag:$0x9] =	stream.linear.gather [hbm4b:s20+s19], $0x50, $0x38;
	[tilespmem:$0x1E800] =	vst v63  }
0xbf: {  	s21 =	rddreg [dreg:$0xc];
	s13 =	simm.s32 $0x80  }
0xc0: {  	[tilespmem:s13], [sflag:$0x2] =	stream.linear.gather [hbm4b:s21+s19], $0x50, $0x38;
	[tilespmem:$0x1E800] =	vst v63  }
0xc1: {  	s23 =	simm.s32 $0x480;
	s22 =	rddreg [dreg:$0xd]  }
0xc2: {  	[tilespmem:s23], [sflag:$0xA] =	stream.linear.gather [hbm4b:s22+s19], $0x50, $0x38;
	[tilespmem:$0x1E800] =	vst v63  }
0xc3: {  	s20 =	simm.s32 $0x100;
	s21 =	rddreg [dreg:$0xe]  }
0xc4: {  	[tilespmem:s20], [sflag:$0x3] =	stream.linear.gather [hbm4b:s21+s19], $0x50, $0x38;
	[tilespmem:$0x1E800] =	vst v63  }
0xc5: {  	s22 =	rddreg [dreg:$0xf];
	s23 =	simm.s32 $0x500  }
0xc6: {  	[tilespmem:s23], [sflag:$0xB] =	stream.linear.gather [hbm4b:s22+s19], $0x50, $0x38;
	[tilespmem:$0x1E800] =	vst v63  }
0xc7: {  	s21 =	simm.s32 $0x180;
	s22 =	rddreg [dreg:$0x10]  }
0xc8: {  	[tilespmem:s21], [sflag:$0x4] =	stream.linear.gather [hbm4b:s22+s19], $0x50, $0x38;
	[tilespmem:$0x1E800] =	vst v63  }
0xc9: {  	s23 =	rddreg [dreg:$0x11]  }
0xca: {  	[tilespmem:s7], [sflag:$0xC] =	stream.linear.gather [hbm4b:s23+s19], $0x50, $0x38;
	[tilespmem:$0x1E800] =	vst v63  }
0xcb: {  	s22 =	rddreg [dreg:$0x12]  }
0xcc: {  	[tilespmem:s8], [sflag:$0x5] =	stream.linear.gather [hbm4b:s22+s19], $0x50, $0x38;
	[tilespmem:$0x1E800] =	vst v63  }
0xcd: {  	s23 =	rddreg [dreg:$0x13]  }
0xce: {  	[tilespmem:s9], [sflag:$0xD] =	stream.linear.gather [hbm4b:s23+s19], $0x50, $0x38;
	[tilespmem:$0x1E800] =	vst v63  }
0xcf: {  	s22 =	rddreg [dreg:$0x14];
	s23 =	simm.s32 $0x280  }
0xd0: {  	[tilespmem:s23], [sflag:$0x6] =	stream.linear.gather [hbm4b:s22+s19], $0x50, $0x38;
	[tilespmem:$0x1E800] =	vst v63  }
0xd1: {  	s22 =	rddreg [dreg:$0x15];
	s23 =	simm.s32 $0x680  }
0xd2: {  	[tilespmem:s23], [sflag:$0xE] =	stream.linear.gather [hbm4b:s22+s19], $0x50, $0x38;
	[tilespmem:$0x1E800] =	vst v63  }
0xd3: {  	s22 =	rddreg [dreg:$0x18];
	s23 =	simm.s32 $0x300  }
0xd4: {  	[tilespmem:s23], [sflag:$0x7] =	stream.linear.gather [hbm4b:s22+s19], $0x50, $0x38;
	[tilespmem:$0x1E800] =	vst v63  }
0xd5: {  	s22 =	rddreg [dreg:$0x19];
	s23 =	simm.s32 $0x700  }
0xd6: {  	[tilespmem:s23], [sflag:$0xF] =	stream.linear.gather [hbm4b:s22+s19], $0x50, $0x38;
	[tilespmem:$0x1E800] =	vst v63  }
0xd7: {  	s22 =	rddreg [dreg:$0x1a];
	s23 =	simm.s32 $0x380  }
0xd8: {  	[tilespmem:s23], [sflag:$0x8] =	stream.linear.gather [hbm4b:s22+s19], $0x50, $0x38;
	[tilespmem:$0x1E800] =	vst v63  }
0xd9: {  	s22 =	rddreg [dreg:$0x1b];
	s23 =	simm.s32 $0x780  }
0xda: {  	[tilespmem:s23], [sflag:$0x10] =	stream.linear.gather [hbm4b:s22+s19], $0x50, $0x38;
	[tilespmem:$0x1E800] =	vst v63  }
0xdb: {  	_ =	swait.ge [sflag:s11], $0x50  }
0xdc: {  	[sflag:s11] =	ssyncset.done $0x0  }
0xdd: {  	[sflag:s11] =	ssyncadd.s32 $0xFFFFFFB0  }
0xde: {  	_ =	swait.ge [sflag:s29], $0x50  }
0xdf: {  	[sflag:s29] =	ssyncset.done $0x0  }
0xe0: {  	s22 =	simm.s32 $0x2;
	[sflag:s29] =	ssyncadd.s32 $0xFFFFFFB0  }
0xe1: {  	[tilespmem:s30], [sflag:$0x11] =	stream.indirect.gather [hbm4b:s14+s5], $0x80, s19, s5, $0xb8;
	[tilespmem:$0x1E800] =	vst v63  }
0xe2: {  	_ =	swait.ge [sflag:s22], $0x50  }
0xe3: {  	[sflag:s22] =	ssyncset.done $0x0  }
0xe4: {  	s23 =	simm.s32 $0xA;
	[sflag:s22] =	ssyncadd.s32 $0xFFFFFFB0  }
0xe5: {  	_ =	swait.ge [sflag:s23], $0x50  }
0xe6: {  	[sflag:s23] =	ssyncset.done $0x0  }
0xe7: {  	s22 =	simm.s32 $0x3;
	[sflag:s23] =	ssyncadd.s32 $0xFFFFFFB0  }
0xe8: {  	[tilespmem:s15], [sflag:$0x12] =	stream.indirect.gather [hbm4b:s14+s5], $0x80, s13, s5, $0xb8;
	[tilespmem:$0x1E800] =	vst v63  }
0xe9: {  	_ =	swait.ge [sflag:s22], $0x50  }
0xea: {  	[sflag:s22] =	ssyncset.done $0x0  }
0xeb: {  	s23 =	simm.s32 $0xB;
	[sflag:s22] =	ssyncadd.s32 $0xFFFFFFB0  }
0xec: {  	_ =	swait.ge [sflag:s23], $0x50  }
0xed: {  	[sflag:s23] =	ssyncset.done $0x0  }
0xee: {  	s13 =	simm.s32 $0x5800;
	s22 =	simm.s32 $0x4;
	[sflag:s23] =	ssyncadd.s32 $0xFFFFFFB0  }
0xef: {  	[tilespmem:s13], [sflag:$0x13] =	stream.indirect.gather [hbm4b:s14+s5], $0x80, s20, s5, $0xb8;
	[tilespmem:$0x1E800] =	vst v63  }
0xf0: {  	_ =	swait.ge [sflag:s22], $0x50  }
0xf1: {  	[sflag:s22] =	ssyncset.done $0x0  }
.Ltmp3:
0xf2: {  	s23 =	simm.s32 $0xC;
	[sflag:s22] =	ssyncadd.s32 $0xFFFFFFB0;
	(pc) =	sbr.rel .LBB2_4-.Ltmp3, $4  }
0xf3: {  	_ =	swait.ge [sflag:s23], $0x50  }
0xf4: {  	[sflag:s23] =	ssyncset.done $0x0  }
0xf5: {  	s13 =	simm.s32 $0x0;
	s10 =	sld [smem:$0x7FC];
	[sflag:s23] =	ssyncadd.s32 $0xFFFFFFB0  }
0xf6: {  	[tilespmem:s0], [sflag:$0x14] =	stream.indirect.gather [hbm4b:s14+s5], $0x80, s21, s5, $0xb8;
	[tilespmem:$0x1E800] =	vst v63  }
.LBB2_7:
0xf7: {  	_ = 	snop  }
0xf8: {  	s13 =	sadd.s32 $0x1, s13;
	s19 =	sadd.s32 $0x50, s19;
	s10 =	sadd.s32 $0x280, s10  }
.LBB2_4:
0xf9: {  	_ =	swait.ge [sflag:s2], $0x2800  }
0xfa: {  	[sflag:s2] =	ssyncset.done $0x0  }
0xfb: {  	s20 =	simm.s32 $0x400;
	[sflag:s2] =	ssyncadd.s32 $0xFFFFD800  }
0xfc: {  	[spmem:s3] =	stream.indirect.scatter.add.f32 [tilespmem:s30], [sflag:$0x15], $0x80, s20, s5, $0xb8;
	[tilespmem:$0x1E800] =	vst v63  }
0xfd: {  	p0 =	seq.s32 s19, $0x4B0;
	_ =	swait.ge [sflag:s31], $0x2800  }
0xfe: {  	s21 =	sshrl.u32 @!p0 s10, $0x3;
	[sflag:s31] =	ssyncset.done $0x0  }
0xff: {  	s22 =	sadd.s32 @!p0 s24, s21;
	s20 =	simm.s32 @!p0 $0x0;
	[sflag:s31] =	ssyncadd.s32 $0xFFFFD800  }
0x100: {  	[tilespmem:s20], [sflag:$0x1] =	stream.linear.gather @!p0 [hbm4b:s22+s20], $0x50, $0x38;
	[tilespmem:$0x1E800] =	vst v63  }
0x101: {  	s22 =	rddreg [dreg:$0x1]  }
0x102: {  	s21 =	sadd.s32 @!p0 s22, s21;
	s22 =	simm.s32 @!p0 $0x400  }
0x103: {  	[tilespmem:s22], [sflag:$0x9] =	stream.linear.gather @!p0 [hbm4b:s21+s20], $0x50, $0x38;
	[tilespmem:$0x1E800] =	vst v63  }
0x104: {  	_ =	swait.ge [sflag:s18], $0x50  }
0x105: {  	[sflag:s18] =	ssyncset.done $0x0  }
0x106: {  	[sflag:s18] =	ssyncadd.s32 $0xFFFFFFB0  }
0x107: {  	_ =	swait.ge [sflag:s6], $0x50  }
0x108: {  	[sflag:s6] =	ssyncset.done $0x0  }
0x109: {  	[sflag:s6] =	ssyncadd.s32 $0xFFFFFFB0  }
0x10a: {  	[tilespmem:s30], [sflag:$0x11] =	stream.indirect.gather [hbm4b:s14+s5], $0x80, s8, s5, $0xb8;
	[tilespmem:$0x1E800] =	vst v63  }
0x10b: {  	_ =	swait.ge [sflag:s1], $0x2800  }
0x10c: {  	[sflag:s1] =	ssyncset.done $0x0  }
0x10d: {  	s23 =	simm.s32 $0x480;
	[sflag:s1] =	ssyncadd.s32 $0xFFFFD800  }
0x10e: {  	[spmem:s3] =	stream.indirect.scatter.add.f32 [tilespmem:s15], [sflag:$0x15], $0x80, s23, s5, $0xb8;
	[tilespmem:$0x1E800] =	vst v63  }
0x10f: {  	_ =	swait.ge [sflag:s31], $0x2800  }
0x110: {  	[sflag:s31] =	ssyncset.done $0x0  }
0x111: {  	s21 =	simm.s32 @p0 $0x13;
	[sflag:s31] =	ssyncadd.s32 $0xFFFFD800  }
0x112: {  	_ =	swait.ge @p0 [sflag:s21], $0x2800  }
0x113: {  	s22 =	simm.s32 @p0 $0x500;
	[sflag:s21] =	ssyncset.done @p0 $0x0  }
0x114: {  	s23 =	simm.s32 @p0 $0x5800;
	[sflag:s21] =	ssyncadd.s32 @p0 $0xFFFFD800;
	s21 =	simm.s32 @p0 $0x50  }
0x115: {  	[spmem:s3] =	stream.indirect.scatter.add.f32 @p0 [tilespmem:s23], [sflag:$0x15], $0x80, s22, s21, $0xb8;
	[tilespmem:$0x1E800] =	vst v63  }
0x116: {  	s21 =	simm.s32 @p0 $0x15  }
0x117: {  	_ =	swait.ge @p0 [sflag:s21], $0x2800  }
0x118: {  	[sflag:s21] =	ssyncset.done @p0 $0x0  }
0x119: {  	s22 =	simm.s32 @!p0 $0x80;
	[sflag:s21] =	ssyncadd.s32 @p0 $0xFFFFD800;
	s21 =	sadd.s32 @!p0 s19, s28  }
0x11a: {  	[tilespmem:s22], [sflag:$0x2] =	stream.linear.gather @!p0 [hbm4b:s21+s20], $0x50, $0x38;
	[tilespmem:$0x1E800] =	vst v63  }
0x11b: {  	s21 =	sadd.s32 @!p0 s19, s26;
	s22 =	simm.s32 @!p0 $0x480  }
0x11c: {  	[tilespmem:s22], [sflag:$0xA] =	stream.linear.gather @!p0 [hbm4b:s21+s20], $0x50, $0x38;
	[tilespmem:$0x1E800] =	vst v63  }
0x11d: {  	s21 =	simm.s32 @!p0 $0x6  }
0x11e: {  	_ =	swait.ge @!p0 [sflag:s21], $0x50  }
0x11f: {  	[sflag:s21] =	ssyncset.done @!p0 $0x0  }
0x120: {  	[sflag:s21] =	ssyncadd.s32 @!p0 $0xFFFFFFB0;
	s21 =	simm.s32 @!p0 $0xE  }
0x121: {  	_ =	swait.ge @!p0 [sflag:s21], $0x50  }
0x122: {  	s23 =	simm.s32 @!p0 $0x3000;
	[sflag:s21] =	ssyncset.done @!p0 $0x0  }
0x123: {  	s22 =	simm.s32 @!p0 $0x280;
	[sflag:s21] =	ssyncadd.s32 @!p0 $0xFFFFFFB0;
	s21 =	simm.s32 @!p0 $0x50  }
0x124: {  	[tilespmem:s23], [sflag:$0x12] =	stream.indirect.gather @!p0 [hbm4b:s14+s21], $0x80, s22, s21, $0xb8;
	[tilespmem:$0x1E800] =	vst v63  }
0x125: {  	s22 =	simm.s32 @!p0 $0x13  }
0x126: {  	_ =	swait.ge @!p0 [sflag:s22], $0x2800  }
0x127: {  	[sflag:s22] =	ssyncset.done @!p0 $0x0  }
0x128: {  	s23 =	simm.s32 @!p0 $0x5800;
	[sflag:s22] =	ssyncadd.s32 @!p0 $0xFFFFD800;
	s22 =	simm.s32 @!p0 $0x500  }
0x129: {  	[spmem:s3] =	stream.indirect.scatter.add.f32 @!p0 [tilespmem:s23], [sflag:$0x15], $0x80, s22, s21, $0xb8;
	[tilespmem:$0x1E800] =	vst v63  }
0x12a: {  	s21 =	simm.s32 @!p0 $0x15  }
0x12b: {  	_ =	swait.ge @!p0 [sflag:s21], $0x2800  }
0x12c: {  	[sflag:s21] =	ssyncset.done @!p0 $0x0  }
0x12d: {  	[sflag:s21] =	ssyncadd.s32 @!p0 $0xFFFFD800;
	s21 =	sld [smem:$0x7FB];
	_ =	sdelay $0x2  }
0x12e: {  	s23 =	simm.s32 @!p0 $0x100;
	s21 =	sadd.s32 @!p0 s19, s21  }
0x12f: {  	[tilespmem:s23], [sflag:$0x3] =	stream.linear.gather @!p0 [hbm4b:s21+s20], $0x50, $0x38;
	[tilespmem:$0x1E800] =	vst v63  }
0x130: {  	s21 =	sld [smem:$0x7FA];
	_ =	sdelay $0x1  }
0x131: {  	p1 =	sgt.u32 @!p0 s13, $0xE  }
0x132: {  	p1 =	por p1, p0;
	s21 =	sadd.s32 @!p0 s19, s21  }
0x133: {  	[tilespmem:s22], [sflag:$0xB] =	stream.linear.gather @!p0 [hbm4b:s21+s20], $0x50, $0x38;
	[tilespmem:$0x1E800] =	vst v63  }
0x134: {  	s20 =	simm.s32 @!p1 $0x7  }
0x135: {  	_ =	swait.ge @!p1 [sflag:s20], $0x50  }
0x136: {  	[sflag:s20] =	ssyncset.done @!p1 $0x0  }
0x137: {  	[sflag:s20] =	ssyncadd.s32 @!p1 $0xFFFFFFB0;
	s20 =	simm.s32 @!p1 $0xF  }
0x138: {  	_ =	swait.ge @!p1 [sflag:s20], $0x50  }
0x139: {  	s21 =	simm.s32 @!p1 $0x300;
	[sflag:s20] =	ssyncset.done @!p1 $0x0  }
0x13a: {  	s22 =	simm.s32 @!p1 $0x5800;
	[sflag:s20] =	ssyncadd.s32 @!p1 $0xFFFFFFB0;
	s20 =	simm.s32 @!p1 $0x50  }
0x13b: {  	[tilespmem:s22], [sflag:$0x13] =	stream.indirect.gather @!p1 [hbm4b:s14+s20], $0x80, s21, s20, $0xb8;
	[tilespmem:$0x1E800] =	vst v63  }
0x13c: {  	_ =	swait.ge [sflag:s12], $0x2800  }
0x13d: {  	[sflag:s12] =	ssyncset.done $0x0  }
.Ltmp4:
0x13e: {  	[sflag:s12] =	ssyncadd.s32 $0xFFFFD800;
	(pc) =	sbr.rel @p0 .LBB2_8-.Ltmp4, $4  }
0x13f: {  	[spmem:s3] =	stream.indirect.scatter.add.f32 [tilespmem:s0], [sflag:$0x15], $0x80, s7, s5, $0xb8;
	[tilespmem:$0x1E800] =	vst v63  }
0x140: {  	_ =	swait.ge [sflag:s31], $0x2800  }
0x141: {  	[sflag:s31] =	ssyncset.done $0x0  }
0x142: {  	[sflag:s31] =	ssyncadd.s32 $0xFFFFD800  }
0x143: {  	s20 =	sld [smem:$0x7F9];
	_ =	sdelay $0x1  }
0x144: {  	s23 =	sld [smem:$0x7F8]  }
0x145: {  	s20 =	sadd.s32 s19, s20  }
0x146: {  	[tilespmem:s25], [sflag:$0x4] =	stream.linear.gather [hbm4b:s20+s4], $0x50, $0x38;
	[tilespmem:$0x1E800] =	vst v63  }
0x147: {  	s20 =	sadd.s32 s19, s23  }
0x148: {  	[tilespmem:s7], [sflag:$0xC] =	stream.linear.gather [hbm4b:s20+s4], $0x50, $0x38;
	[tilespmem:$0x1E800] =	vst v63  }
0x149: {  	_ =	swait.ge [sflag:s16], $0x50  }
0x14a: {  	[sflag:s16] =	ssyncset.done $0x0  }
0x14b: {  	[sflag:s16] =	ssyncadd.s32 $0xFFFFFFB0  }
0x14c: {  	_ =	swait.ge [sflag:s17], $0x50  }
0x14d: {  	[sflag:s17] =	ssyncset.done $0x0  }
0x14e: {  	s21 =	simm.s32 $0x380;
	[sflag:s17] =	ssyncadd.s32 $0xFFFFFFB0  }
0x14f: {  	[tilespmem:s0], [sflag:$0x14] =	stream.indirect.gather [hbm4b:s14+s5], $0x80, s21, s5, $0xb8;
	[tilespmem:$0x1E800] =	vst v63  }
0x150: {  	_ =	swait.ge [sflag:s2], $0x2800  }
0x151: {  	[sflag:s2] =	ssyncset.done $0x0  }
0x152: {  	[sflag:s2] =	ssyncadd.s32 $0xFFFFD800  }
0x153: {  	[spmem:s3] =	stream.indirect.scatter.add.f32 [tilespmem:s30], [sflag:$0x15], $0x80, s9, s5, $0xb8;
	[tilespmem:$0x1E800] =	vst v63  }
0x154: {  	_ =	swait.ge [sflag:s31], $0x2800  }
0x155: {  	s22 =	sld [smem:$0x7F7];
	_ =	sdelay $0x1  }
0x156: {  	[sflag:s31] =	ssyncset.done $0x0;
	s23 =	sld [smem:$0x7F6]  }
0x157: {  	[sflag:s31] =	ssyncadd.s32 $0xFFFFD800;
	s20 =	sadd.s32 s19, s22  }
0x158: {  	[tilespmem:s8], [sflag:$0x5] =	stream.linear.gather [hbm4b:s20+s4], $0x50, $0x38;
	[tilespmem:$0x1E800] =	vst v63  }
0x159: {  	s20 =	sadd.s32 s19, s23  }
0x15a: {  	[tilespmem:s9], [sflag:$0xD] =	stream.linear.gather [hbm4b:s20+s4], $0x50, $0x38;
	[tilespmem:$0x1E800] =	vst v63  }
0x15b: {  	_ =	swait.ge [sflag:s11], $0x50  }
0x15c: {  	p0 =	sgt.u32 s13, $0xE;
	[sflag:s11] =	ssyncset.done $0x0  }
.Ltmp5:
0x15d: {  	[sflag:s11] =	ssyncadd.s32 $0xFFFFFFB0;
	(pc) =	sbr.rel @p0 .LBB2_7-.Ltmp5, $4  }
0x15e: {  	_ =	swait.ge [sflag:s29], $0x50  }
0x15f: {  	[sflag:s29] =	ssyncset.done $0x0  }
0x160: {  	[sflag:s29] =	ssyncadd.s32 $0xFFFFFFB0  }
0x161: {  	[tilespmem:s30], [sflag:$0x11] =	stream.indirect.gather [hbm4b:s14+s5], $0x80, s4, s5, $0xb8;
	[tilespmem:$0x1E800] =	vst v63  }
0x162: {  	_ =	swait.ge [sflag:s1], $0x2800  }
0x163: {  	[sflag:s1] =	ssyncset.done $0x0  }
0x164: {  	s20 =	simm.s32 $0x680;
	[sflag:s1] =	ssyncadd.s32 $0xFFFFD800  }
0x165: {  	[spmem:s3] =	stream.indirect.scatter.add.f32 [tilespmem:s15], [sflag:$0x15], $0x80, s20, s5, $0xb8;
	[tilespmem:$0x1E800] =	vst v63  }
0x166: {  	_ =	swait.ge [sflag:s31], $0x2800  }
0x167: {  	s20 =	sld [smem:$0x7F5]  }
0x168: {  	p0 =	seq.s32 s19, $0x460  }
0x169: {  	s21 =	simm.s32 @!p0 $0x0;
	[sflag:s31] =	ssyncset.done $0x0  }
0x16a: {  	s22 =	simm.s32 @!p0 $0x280;
	[sflag:s31] =	ssyncadd.s32 $0xFFFFD800;
	s20 =	sadd.s32 @!p0 s19, s20  }
0x16b: {  	[tilespmem:s22], [sflag:$0x6] =	stream.linear.gather @!p0 [hbm4b:s20+s21], $0x50, $0x38;
	[tilespmem:$0x1E800] =	vst v63  }
0x16c: {  	s20 =	sld [smem:$0x7F4];
	_ =	sdelay $0x2  }
0x16d: {  	s22 =	simm.s32 @!p0 $0x680;
	s20 =	sadd.s32 @!p0 s19, s20  }
0x16e: {  	[tilespmem:s22], [sflag:$0xE] =	stream.linear.gather @!p0 [hbm4b:s20+s21], $0x50, $0x38;
	[tilespmem:$0x1E800] =	vst v63  }
0x16f: {  	s22 =	simm.s32 $0x2  }
0x170: {  	_ =	swait.ge [sflag:s22], $0x50  }
0x171: {  	[sflag:s22] =	ssyncset.done $0x0  }
0x172: {  	s23 =	simm.s32 $0xA;
	[sflag:s22] =	ssyncadd.s32 $0xFFFFFFB0  }
0x173: {  	_ =	swait.ge [sflag:s23], $0x50  }
0x174: {  	[sflag:s23] =	ssyncset.done $0x0  }
0x175: {  	s22 =	simm.s32 $0x80;
	[sflag:s23] =	ssyncadd.s32 $0xFFFFFFB0;
	s23 =	simm.s32 $0x13  }
0x176: {  	[tilespmem:s15], [sflag:$0x12] =	stream.indirect.gather [hbm4b:s14+s5], $0x80, s22, s5, $0xb8;
	[tilespmem:$0x1E800] =	vst v63  }
0x177: {  	_ =	swait.ge [sflag:s23], $0x2800  }
0x178: {  	[sflag:s23] =	ssyncset.done $0x0  }
0x179: {  	s22 =	simm.s32 $0x700;
	[sflag:s23] =	ssyncadd.s32 $0xFFFFD800;
	s23 =	simm.s32 $0x5800  }
0x17a: {  	[spmem:s3] =	stream.indirect.scatter.add.f32 [tilespmem:s23], [sflag:$0x15], $0x80, s22, s5, $0xb8;
	[tilespmem:$0x1E800] =	vst v63  }
0x17b: {  	_ =	swait.ge [sflag:s31], $0x2800  }
0x17c: {  	s20 =	sld [smem:$0x7F3];
	_ =	sdelay $0x1  }
0x17d: {  	[sflag:s31] =	ssyncset.done $0x0  }
0x17e: {  	s22 =	simm.s32 @!p0 $0x300;
	[sflag:s31] =	ssyncadd.s32 $0xFFFFD800;
	s20 =	sadd.s32 @!p0 s19, s20  }
0x17f: {  	[tilespmem:s22], [sflag:$0x7] =	stream.linear.gather @!p0 [hbm4b:s20+s21], $0x50, $0x38;
	[tilespmem:$0x1E800] =	vst v63  }
0x180: {  	s20 =	sld [smem:$0x7F2];
	_ =	sdelay $0x2  }
0x181: {  	s22 =	simm.s32 @!p0 $0x700;
	s20 =	sadd.s32 @!p0 s19, s20  }
0x182: {  	[tilespmem:s22], [sflag:$0xF] =	stream.linear.gather @!p0 [hbm4b:s20+s21], $0x50, $0x38;
	[tilespmem:$0x1E800] =	vst v63  }
0x183: {  	s22 =	simm.s32 $0x3  }
0x184: {  	_ =	swait.ge [sflag:s22], $0x50  }
0x185: {  	[sflag:s22] =	ssyncset.done $0x0  }
0x186: {  	[sflag:s22] =	ssyncadd.s32 $0xFFFFFFB0;
	s22 =	simm.s32 $0xB  }
0x187: {  	_ =	swait.ge [sflag:s22], $0x50  }
0x188: {  	[sflag:s22] =	ssyncset.done $0x0  }
0x189: {  	[sflag:s22] =	ssyncadd.s32 $0xFFFFFFB0;
	s22 =	simm.s32 $0x100  }
0x18a: {  	[tilespmem:s23], [sflag:$0x13] =	stream.indirect.gather [hbm4b:s14+s5], $0x80, s22, s5, $0xb8;
	[tilespmem:$0x1E800] =	vst v63  }
0x18b: {  	_ =	swait.ge [sflag:s12], $0x2800  }
0x18c: {  	[sflag:s12] =	ssyncset.done $0x0  }
0x18d: {  	s23 =	simm.s32 $0x780;
	[sflag:s12] =	ssyncadd.s32 $0xFFFFD800  }
0x18e: {  	[spmem:s3] =	stream.indirect.scatter.add.f32 [tilespmem:s0], [sflag:$0x15], $0x80, s23, s5, $0xb8;
	[tilespmem:$0x1E800] =	vst v63  }
0x18f: {  	_ =	swait.ge [sflag:s31], $0x2800  }
0x190: {  	s20 =	sld [smem:$0x7F1];
	_ =	sdelay $0x1  }
0x191: {  	[sflag:s31] =	ssyncset.done $0x0  }
0x192: {  	s22 =	simm.s32 @!p0 $0x380;
	[sflag:s31] =	ssyncadd.s32 $0xFFFFD800;
	s20 =	sadd.s32 @!p0 s19, s20  }
0x193: {  	[tilespmem:s22], [sflag:$0x8] =	stream.linear.gather @!p0 [hbm4b:s20+s21], $0x50, $0x38;
	[tilespmem:$0x1E800] =	vst v63  }
0x194: {  	s20 =	sld [smem:$0x7F0];
	_ =	sdelay $0x2  }
0x195: {  	s22 =	simm.s32 @!p0 $0x780;
	s20 =	sadd.s32 @!p0 s19, s20  }
0x196: {  	[tilespmem:s22], [sflag:$0x10] =	stream.linear.gather @!p0 [hbm4b:s20+s21], $0x50, $0x38;
	[tilespmem:$0x1E800] =	vst v63  }
0x197: {  	s22 =	simm.s32 $0x4  }
0x198: {  	_ =	swait.ge [sflag:s22], $0x50  }
0x199: {  	[sflag:s22] =	ssyncset.done $0x0  }
.Ltmp6:
0x19a: {  	s23 =	simm.s32 $0xC;
	[sflag:s22] =	ssyncadd.s32 $0xFFFFFFB0;
	(pc) =	sbr.rel .LBB2_7-.Ltmp6, $4  }
0x19b: {  	_ =	swait.ge [sflag:s23], $0x50  }
0x19c: {  	[sflag:s23] =	ssyncset.done $0x0  }
0x19d: {  	[sflag:s23] =	ssyncadd.s32 $0xFFFFFFB0  }
0x19e: {  	[tilespmem:s0], [sflag:$0x14] =	stream.indirect.gather [hbm4b:s14+s5], $0x80, s25, s5, $0xb8;
	[tilespmem:$0x1E800] =	vst v63  }
.LBB2_9:
0x19f: {  	_ =	sfence.sel $0x180000  }
0x1a0: {  	[bflag:$0x0] =	sbarrier.arrive $0xFFFF  }
0x1a1: {  	_ =	strace $0x9000004D  }
0x1a2: {  	s0 =	stileid.u32;
	[bflag:$0x2] =	sbarrier.arrive $0xFFFF  }
0x1a3: {  	p0 =	sne.s32 s0, $0x0;
	s0 =	rddreg [dreg:$0x3]  }
0x1a4: {  	s0 =	sadd.s32 @!p0 $0x100000, s0  }
0x1a5: {  	[sflag:s0] =	ssyncadd.tile.s32 @!p0 $0x1;
	_ =	shalt  }
.Lfunc_end2:
_tile_overlayer_lowered:
.L_overlay_start_2:
0x1a6: {  	(tag) =	ssettag $0x2  }
0x1a7: {  	s0 =	rddreg [dreg:$0x0];
	s2 =	stileid.u32  }
0x1a8: {  	s1 =	rddreg [dreg:$0x1];
	p0 =	sne.s32 s2, $0x0  }
0x1a9: {  	s3 =	rddreg [dreg:$0x2];
	[bflag:$0x3] =	sbarrier.arrive $0xFFFF;
	s2 =	simm.s32 @!p0 $0x1C15  }
0x1aa: {  	[timem:s3], [sflag:s2] =	dma.local @!p0 [hbm:s0], s1  }
0x1ab: {  	s0 =	simm.s32 @!p0 $0x15  }
0x1ac: {  	_ =	swait.ge @!p0 [sflag:s0], s1  }
0x1ad: {  	s1 =	ssub.s32 @!p0 $0x0, s1;
	[sflag:s0] =	ssyncset.done @!p0 $0x0  }
0x1ae: {  	[sflag:s0] =	ssyncadd.s32 @!p0 s1  }
0x1af: {  	[bflag:$0x3] =	sbarrier.arrive $0xFFFF  }
0x1b0: {  	_ =	shalt  }

// kernel: kernel.9.cloned.1.call-start
scs
__scs_entry_jumppad:
0x0: {  	(pc) =	sbr.rel $0x88, $3  }
0x1: {  	(tag) =	ssettag $0x0;
	lr =	simm.s32 $0x1  }
0x2: {  	[smem:$0x3F97] =	sst lr;
	_ =	strace $0xD0000000  }
0x3: {  	_ = 	snop  }
0x4: {  	_ = 	snop  }
0x5: {  	_ = 	snop  }
0x6: {  	_ = 	snop  }
0x7: {  	_ = 	snop  }
__scs_overlays_trampoline_lowered:
0x8: {  	[smem:$0x3FA6] =	sst s0  }
0x9: {  	[smem:$0x3FA7] =	sst s1  }
0xa: {  	[smem:$0x3FA8] =	sst s2  }
0xb: {  	[smem:$0x3FA9] =	sst s3  }
0xc: {  	[smem:$0x3FAA] =	sst s4  }
0xd: {  	[smem:$0x3FAB] =	sst s5  }
0xe: {  	[smem:$0x3FAC] =	sst s6  }
0xf: {  	[smem:$0x3FAD] =	sst s7  }
0x10: {  	[smem:$0x3FAE] =	sst s8  }
0x11: {  	[smem:$0x3FAF] =	sst s9;
	s0 =	simm.s32 @!p0 $0x0  }
0x12: {  	s1 =	sld [smem:$0x3F95];
	s0 =	simm.s32 @p0 $0x1  }
0x13: {  	[smem:$0x3FB0] =	sst s0;
	s0 =	simm.s32 @!p1 $0x0  }
0x14: {  	s2 =	sld [smem:$0x3F94];
	s0 =	simm.s32 @p1 $0x1  }
0x15: {  	[smem:$0x3FB1] =	sst s0;
	s0 =	simm.s32 @!p2 $0x0  }
0x16: {  	s3 =	sld [smem:$0x3FDB];
	s0 =	simm.s32 @p2 $0x1  }
0x17: {  	s4 =	simm.s32 $0x1BF5;
	[smem:$0x3FB3] =	sst s0  }
0x18: {  	s0 =	sld [smem:$0x3F96];
	_ =	swait.ge [sflag:s4], $0x0  }
0x19: {  	s7 =	sld [smem:$0x3F97]  }
0x1a: {  	s8 =	sadd.s32 $0xFFFFE003, lr  }
0x1b: {  	s9 =	sadd.s32 $0xFFFFFEF7, lr;
	s5 =	simm.s32 $0xFFFFFFFF;
	p2 =	slt.u32 s8, $0xFFFFF086  }
0x1c: {  	p1 =	slt.u32 s9, $0xF7A;
	s5 =	simm.s32 @!p2 $0x0  }
0x1d: {  	s5 =	simm.s32 @p1 $0x1;
	p0 =	seq.s32 s7, s2  }
0x1e: {  	s7 =	smul.u32 @!p0 $0xF7A, s2;
	p2 =	seq.s32 @!p0 s5, $0x0  }
0x1f: {  	s9 =	smul.u32 $0xF7A, s1;
	s8 =	simm.s32 @!p0 $0x1BF5;
	p2 =	por !p2, p0  }
0x20: {  	[sflag:s8] =	ssyncset.s32 @!p0 $0xFFFFF086;
	s6 =	sadd.s32 @!p0 s3, s7;
	s7 =	simm.s32 @!p0 $0x108  }
0x21: {  	s3 =	sadd.s32 s3, s9;
	s6 =	sadd.s32 @!p0 $0x88, s6;
	s7 =	simm.s32 @p2 $0x1082  }
0x22: {  	[simem:s7], [sflag:s8] =	dma.local @!p0 [hbm:s6], $0xF7A  }
0x23: {  	s9 =	sor.u32 $0xD0000000, s2;
	s6 =	simm.s32 $0x108;
	_ =	swait.ge @!p0 [sflag:s8], $0x0  }
0x24: {  	s3 =	sadd.s32 $0x88, s3;
	s6 =	simm.s32 @!p1 $0x1082;
	[sflag:s4] =	ssyncset.s32 $0xFFFFF086  }
0x25: {  	[simem:s6], [sflag:s4] =	dma.local [hbm:s3], $0xF7A  }
0x26: {  	[smem:$0x3F97] =	sst s1;
	(tag) =	ssettag s2;
	_ =	strace s9  }
0x27: {  	s1 =	sld [smem:$0x3FA7]  }
0x28: {  	s2 =	sld [smem:$0x3FA8]  }
0x29: {  	s4 =	sld [smem:$0x3FAA]  }
0x2a: {  	p0 =	seq.s32 s5, $0x0;
	s5 =	sld [smem:$0x3FAB]  }
0x2b: {  	s6 =	sld [smem:$0x3FAC]  }
0x2c: {  	s7 =	sld [smem:$0x3FAD]  }
0x2d: {  	s3 =	simm.s32 $0x108;
	s8 =	sld [smem:$0x3FAE]  }
0x2e: {  	s3 =	simm.s32 @!p0 $0x1082;
	s9 =	sld [smem:$0x3FAF]  }
0x2f: {  	lr =	sadd.s32 s0, s3;
	s0 =	sld [smem:$0x3FA6]  }
0x30: {  	s3 =	sld [smem:$0x3FA9]  }
0x31: {  	[smem:$0x3FB2] =	sst s10  }
0x32: {  	s10 =	sld [smem:$0x3FB0];
	_ =	sdelay $0x3  }
0x33: {  	p0 =	seq.s32 s10, $0x1;
	s10 =	sld [smem:$0x3FB2];
	_ =	sdelay $0x3  }
0x34: {  	[smem:$0x3FB2] =	sst s10  }
0x35: {  	s10 =	sld [smem:$0x3FB1];
	_ =	sdelay $0x3  }
0x36: {  	p1 =	seq.s32 s10, $0x1;
	s10 =	sld [smem:$0x3FB2];
	_ =	sdelay $0x3  }
0x37: {  	[smem:$0x3FB2] =	sst s10  }
0x38: {  	s10 =	sld [smem:$0x3FB3]  }
0x39: {  	_ = 	snop;
	(pc) =	sbr.ind lr, $3  }
0x3a: {  	_ = 	snop  }
0x3b: {  	_ = 	snop  }
0x3c: {  	p2 =	seq.s32 s10, $0x1;
	s10 =	sld [smem:$0x3FB2]  }
0x3d: {  	_ =	shalt  }
0x3e: {  	_ =	shalt  }
0x3f: {  	_ =	shalt  }
0x40: {  	_ =	shalt  }
0x41: {  	_ =	shalt  }
0x42: {  	_ =	shalt  }
0x43: {  	_ =	shalt  }
0x44: {  	_ =	shalt  }
0x45: {  	_ =	shalt  }
0x46: {  	_ =	shalt  }
0x47: {  	_ =	shalt  }
0x48: {  	_ =	shalt  }
0x49: {  	_ =	shalt  }
0x4a: {  	_ =	shalt  }
0x4b: {  	_ =	shalt  }
0x4c: {  	_ =	shalt  }
0x4d: {  	_ =	shalt  }
0x4e: {  	_ =	shalt  }
0x4f: {  	_ =	shalt  }
0x50: {  	_ =	shalt  }
0x51: {  	_ =	shalt  }
0x52: {  	_ =	shalt  }
0x53: {  	_ =	shalt  }
0x54: {  	_ =	shalt  }
0x55: {  	_ =	shalt  }
0x56: {  	_ =	shalt  }
0x57: {  	_ =	shalt  }
0x58: {  	_ =	shalt  }
0x59: {  	_ =	shalt  }
0x5a: {  	_ =	shalt  }
0x5b: {  	_ =	shalt  }
0x5c: {  	_ =	shalt  }
0x5d: {  	_ =	shalt  }
0x5e: {  	_ =	shalt  }
0x5f: {  	_ =	shalt  }
0x60: {  	_ =	shalt  }
0x61: {  	_ =	shalt  }
0x62: {  	_ =	shalt  }
0x63: {  	_ =	shalt  }
0x64: {  	_ =	shalt  }
0x65: {  	_ =	shalt  }
0x66: {  	_ =	shalt  }
0x67: {  	_ =	shalt  }
0x68: {  	_ =	shalt  }
0x69: {  	_ =	shalt  }
0x6a: {  	_ =	shalt  }
0x6b: {  	_ =	shalt  }
0x6c: {  	_ =	shalt  }
0x6d: {  	_ =	shalt  }
0x6e: {  	_ =	shalt  }
0x6f: {  	_ =	shalt  }
0x70: {  	_ =	shalt  }
0x71: {  	_ =	shalt  }
0x72: {  	_ =	shalt  }
0x73: {  	_ =	shalt  }
0x74: {  	_ =	shalt  }
0x75: {  	_ =	shalt  }
0x76: {  	_ =	shalt  }
0x77: {  	_ =	shalt  }
0x78: {  	_ =	shalt  }
0x79: {  	_ =	shalt  }
0x7a: {  	_ =	shalt  }
0x7b: {  	_ =	shalt  }
0x7c: {  	_ =	shalt  }
0x7d: {  	_ =	shalt  }
0x7e: {  	_ =	shalt  }
0x7f: {  	_ =	shalt  }
0x80: {  	_ =	shalt  }
0x81: {  	_ =	shalt  }
0x82: {  	_ =	shalt  }
0x83: {  	_ =	shalt  }
0x84: {  	_ =	shalt  }
0x85: {  	_ =	shalt  }
0x86: {  	_ =	shalt  }
0x87: {  	_ =	shalt  }
.Lfunc_end0:
.L_simem_size_0:
called_computation_lowered:
.L_overlay_start_0:
0x88: {  	s2 =	sld [smem:$0x3FD9]  }
0x89: {  	s3 =	sld [smem:$0x3FFE];
	_ =	sdelay $0x1  }
0x8a: {  	s1 =	srdreg.scid  }
0x8b: {  	s0 =	sand.u32 $0x1, s1  }
0x8c: {  	s17 =	sshll.u32 s0, $0xA;
	s2 =	sadd.s32 s3, s2  }
0x8d: {  	s2 =	sadd.s32 s2, s17  }
0x8e: {  	[smem:$0x3FBE] =	sst s2  }
0x8f: {  	_ = 	snop  }
0x90: {  	s2 =	sld [smem:$0x3FD0];
	(tm) =	ssettm $0x1  }
0x91: {  	s18 =	sld [smem:$0x3FFB];
	_ =	sdelay $0x3  }
0x92: {  	_ =	strace s18  }
0x93: {  	s3 =	sld [smem:$0x3FFC];
	_ =	sdelay $0x3  }
0x94: {  	_ =	strace s3  }
0x95: {  	s3 =	sld [smem:$0x3FFD];
	_ =	sdelay $0x3  }
0x96: {  	_ =	strace s3  }
0x97: {  	_ =	strace $0x8FFFFFFF  }
0x98: {  	s19 =	sld [smem:$0x3FDB];
	_ =	sdelay $0x1  }
0x99: {  	s4 =	simm.s32 $_scs_section_size  }
0x9a: {  	s5 =	simm.s32 $_size__tile_overlayer_lowered;
	s6 =	simm.s32 $_tile_overlayer_lowered  }
0x9b: {  	s22 =	simm.s32 $0x1BFF;
	s21 =	sshll.u32 s6, $0x1;
	s3 =	sadd.s32 s4, s19  }
0x9c: {  	s7 =	simm.s32 $0x0;
	s20 =	sshll.u32 s5, $0x1;
	s5 =	sadd.s32 s21, s3  }
0x9d: {  	[timem:s7], [sflag:s22] =	dma.local [hbm:s5], s20  }
0x9e: {  	_ =	swait.ge [sflag:s22], s20  }
0x9f: {  	s4 =	ssub.s32 $0x0, s20;
	[sflag:s22] =	ssyncset.done $0x0  }
0xa0: {  	[sflag:s22] =	ssyncadd.s32 s4;
	_ =	sdelay $0x1  }
0xa1: {  	s23 =	simm.s32 $0x1B8B  }
0xa2: {  	_ =	swait.ge [sflag:s23], $0x1  }
0xa3: {  	[sflag:s23] =	ssyncset.done $0x0  }
0xa4: {  	s25 =	simm.s32 $0x1B8E;
	s24 =	sld [smem:$0x3FFE];
	[sflag:s23] =	ssyncadd.s32 $0xFFFFFFFF  }
0xa5: {  	s26 =	simm.s32 $execute0_lowered;
	[smem:$0x3FD2] =	sst s25  }
0xa6: {  	s5 =	sshll.u32 s26, $0x1;
	_ =	strace $0x80000046;
	[dreg:$0x1] =	wrdreg $0xFFFFFFFF  }
0xa7: {  	s28 =	simm.s32 $_size_execute0_lowered;
	s3 =	sadd.s32 s3, s5;
	[dreg:$0x0] =	wrdreg $0x0  }
0xa8: {  	s5 =	sshll.u32 s28, $0x1;
	[dreg:$0x2] =	wrdreg s3  }
0xa9: {  	[dreg:$0x3] =	wrdreg s5  }
0xaa: {  	[dreg:$0x4] =	wrdreg $0xC0  }
0xab: {  	_ =	task [dreg:s7], $0x5FFFF  }
0xac: {  	[dreg:$0x1] =	wrdreg $0xFFFFFFFF  }
0xad: {  	[dreg:$0x0] =	wrdreg $0x60  }
0xae: {  	[dreg:$0x2] =	wrdreg s2  }
0xaf: {  	[dreg:$0x3] =	wrdreg s24  }
0xb0: {  	[dreg:$0x4] =	wrdreg $0x4000  }
0xb1: {  	[dreg:$0x5] =	wrdreg $0x9  }
0xb2: {  	_ =	task.clear_ibuf [dreg:s7], $0x6FFFF;
	_ =	strace $0x90000046  }
0xb3: {  	s29 =	simm.s32 $0x9;
	_ =	strace $0x80000048  }
0xb4: {  	_ =	swait.ge [sflag:s29], $0x1  }
0xb5: {  	[sflag:s29] =	ssyncadd.s32 $0xFFFFFFFF  }
0xb6: {  	_ =	strace $0x90000048  }
0xb7: {  	_ =	sfence  }
0xb8: {  	s30 =	sld [smem:$0x0];
	_ =	sdelay $0x2  }
0xb9: {  	s31 =	sshll.u32 s1, $0xD;
	s1 =	sshrl.u32 s1, $0x2  }
0xba: {  	s3 =	sand.u32 $0x4000, s31;
	s1 =	sadd.s32 s1, s30  }
0xbb: {  	s0 =	sor.u32 s3, s0;
	s1 =	sshll.u32 s1, $0x11  }
0xbc: {  	s0 =	sor.u32 s1, s0  }
0xbd: {  	s0 =	sadd.s32 $0x8F2B, s0  }
0xbe: {  	[sflag:s0] =	ssyncadd.remote.s32 $0x1  }
0xbf: {  	_ =	sfence.sel $0xFFFF  }
0xc0: {  	[dreg:$0x0] =	wrdreg $0xFFFFFFFF;
	(pc) =	sbr.abs _section_cstart, $3  }
0xc1: {  	[dreg:$0x1] =	wrdreg $0xFFFFFFFF  }
0xc2: {  	_ =	task.clear_ibuf [dreg:s7], $0x2FFFF;
	_ =	strace $0x9FFFFFFF  }
0xc3: {  	(tm) =	ssettm $0x7FFFFFFF  }
tec
execute0_lowered:
.L_overlay_start_1:
0x0: {  	(tag) =	ssettag $0x1  }
0x1: {  	s1 =	rddreg [dreg:$0x0]  }
0x2: {  	s2 =	srdreg.scid;
	s5 =	rddreg [dreg:$0x1]  }
0x3: {  	s0 =	stileid.u32;
	s3 =	rddreg [dreg:$0x2];
	s4 =	simm.s32 $0x0  }
0x4: {  	s13 =	simm.s32 $0x80;
	s14 =	simm.s32 $0x1;
	s15 =	simm.s32 $0x50  }
0x5: {  	s16 =	simm.s32 $0x100;
	s17 =	simm.s32 $0x2;
	s20 =	simm.s32 $0x20  }
0x6: {  	s21 =	simm.s32 $0x10;
	s22 =	simm.s32 $0x0;
	s7 =	smul.u32 $0x500, s0  }
0x7: {  	s6 =	sand.u32 $0x1, s2;
	s2 =	rddreg [dreg:$0x3];
	s10 =	smul.u32 $0xA00, s0  }
0x8: {  	s28 =	sshll.u32 s0, $0x1;
	[smem:$0x7FF] =	sst s4;
	s11 =	smul.u32 $0x4E20, s0  }
0x9: {  	s18 =	sshll.u32 s0, $0x6;
	s8 =	sor.u32 s6, s28;
	s9 =	sshll.u32 s6, $0x7  }
0xa: {  	s29 =	ssub.s32 $0x2, s6;
	s6 =	smul.u32 $0x2710, s6;
	_ =	strace $0x80000047  }
0xb: {  	s18 =	sor.u32 $0x1C03, s18;
	s8 =	smul.u32 $0x2710, s8;
	s7 =	sor.u32 s9, s7  }
0xc: {  	s12 =	sshrl.u32 s29, $0x1;
	s30 =	sshrl.u32 s10, $0x2;
	s7 =	sshrl.u32 s7, $0x3  }
0xd: {  	s9 =	ssub.s32 s29, s12;
	s31 =	sadd.s32 s6, s11;
	s12 =	simm.s32 $0x3  }
0xe: {  	s7 =	sadd.s32 s7, s5;
	s8 =	sshrl.u32 s8, $0x3;
	s5 =	sadd.s32 s30, s3  }
0xf: {  	s11 =	sadd.s32 $0x50, s31;
	s6 =	sadd.s32 s1, s8;
	s7 =	sadd.s32 $0xC400, s7  }
0x10: {  	s8 =	smax.u32 s9, $0x1;
	s11 =	sshrl.u32 s11, $0x3;
	s9 =	sadd.s32 $0xA0, s31  }
0x11: {  	v0 =	vimm.f32 $1.000000000e+00;
	v1 =	vimm.f32 $0.0e+00;
	s19 =	sshrl.u32 s5, $0x3;
	s10 =	sadd.s32 s11, s1;
	s11 =	simm.s32 $0x180  }
.LBB2_1:
0x12: {  	[tilespmem:$0x100] =	vst v0  }
0x13: {  	[tilespmem:$0x110] =	vst v0  }
0x14: {  	[tilespmem:$0x120] =	vst v0  }
0x15: {  	[tilespmem:$0x130] =	vst v0  }
0x16: {  	[tilespmem:$0x140] =	vst v0  }
0x17: {  	[tilespmem:$0x180] =	vst v1  }
0x18: {  	[tilespmem:$0x190] =	vst v1  }
0x19: {  	[tilespmem:$0x1A0] =	vst v1  }
0x1a: {  	[tilespmem:$0x1B0] =	vst v1  }
0x1b: {  	[tilespmem:$0x1C0] =	vst v1  }
0x1c: {  	[tilespmem:$0x1D0] =	vst v1  }
0x1d: {  	[tilespmem:$0x1E0] =	vst v1  }
0x1e: {  	[tilespmem:$0x1F0] =	vst v1  }
0x1f: {  	[tilespmem:$0x200] =	vst v1  }
0x20: {  	[tilespmem:$0x210] =	vst v1  }
0x21: {  	[tilespmem:$0x220] =	vst v1  }
0x22: {  	[tilespmem:$0x230] =	vst v1  }
0x23: {  	[tilespmem:$0x240] =	vst v1  }
0x24: {  	[tilespmem:$0x250] =	vst v1  }
0x25: {  	[tilespmem:$0x260] =	vst v1  }
0x26: {  	[tilespmem:$0x270] =	vst v1  }
0x27: {  	[tilespmem:$0x280] =	vst v1  }
0x28: {  	[tilespmem:$0x290] =	vst v1  }
0x29: {  	[tilespmem:$0x2A0] =	vst v1  }
0x2a: {  	[tilespmem:$0x2B0] =	vst v1  }
0x2b: {  	[tilespmem:$0x2C0] =	vst v1  }
0x2c: {  	[tilespmem:$0x2D0] =	vst v1  }
0x2d: {  	[tilespmem:$0x2E0] =	vst v1  }
0x2e: {  	[tilespmem:$0x2F0] =	vst v1  }
0x2f: {  	[tilespmem:$0x300] =	vst v1  }
0x30: {  	[tilespmem:$0x310] =	vst v1  }
0x31: {  	[tilespmem:$0x320] =	vst v1  }
0x32: {  	[tilespmem:$0x330] =	vst v1  }
0x33: {  	[tilespmem:$0x340] =	vst v1  }
0x34: {  	[tilespmem:$0x350] =	vst v1  }
0x35: {  	[tilespmem:$0x360] =	vst v1  }
0x36: {  	[tilespmem:$0x370] =	vst v1  }
0x37: {  	[tilespmem:$0x380] =	vst v1  }
0x38: {  	[tilespmem:$0x390] =	vst v1  }
0x39: {  	[tilespmem:$0x3A0] =	vst v1  }
0x3a: {  	[tilespmem:$0x3B0] =	vst v1  }
0x3b: {  	[tilespmem:$0x3C0] =	vst v1  }
0x3c: {  	[tilespmem:$0x3D0] =	vst v1  }
0x3d: {  	[tilespmem:$0x3E0] =	vst v1  }
0x3e: {  	[tilespmem:$0x3F0] =	vst v1  }
0x3f: {  	[spmem:s5] =	stream.linear.scatter [tilespmem:s11], [sflag:$0x3], $0x280, $0x38;
	[tilespmem:$0x680] =	vst v63  }
0x40: {  	_ =	swait.ge [sflag:s12], $0x280  }
0x41: {  	[sflag:s12] =	ssyncset.done $0x0  }
0x42: {  	[sflag:s12] =	ssyncadd.s32 $0xFFFFFD80  }
0x43: {  	[bflag:$0x0] =	sbarrier.arrive $0xFFFF  }
0x44: {  	[tilespmem:s4], [sflag:$0x1] =	stream.linear.gather [hbm4b:s6+s4], $0x50, $0x38;
	[tilespmem:$0x680] =	vst v63  }
0x45: {  	s23 =	sadd.s32 $0x0, s10  }
0x46: {  	[tilespmem:s13], [sflag:$0x2] =	stream.linear.gather [hbm4b:s23+s4], $0x50, $0x38;
	[tilespmem:$0x680] =	vst v63  }
0x47: {  	_ =	swait.ge [sflag:s14], $0x50  }
0x48: {  	[sflag:s14] =	ssyncset.done $0x0  }
0x49: {  	[sflag:s14] =	ssyncadd.s32 $0xFFFFFFB0  }
0x4a: {  	[spmem:s3] =	stream.indirect.scatter.add.f32 [tilespmem:s16], [sflag:$0x3], $0x1, s4, s15, $0xb8;
	[tilespmem:$0x680] =	vst v63  }
0x4b: {  	_ =	swait.ge [sflag:s12], $0x50  }
0x4c: {  	s31 =	sshrl.u32 s9, $0x3;
	[sflag:s12] =	ssyncset.done $0x0  }
0x4d: {  	s23 =	sadd.s32 s1, s31;
	[sflag:s12] =	ssyncadd.s32 $0xFFFFFFB0  }
0x4e: {  	[tilespmem:s4], [sflag:$0x1] =	stream.linear.gather [hbm4b:s23+s4], $0x50, $0x38;
	[tilespmem:$0x680] =	vst v63  }
0x4f: {  	_ =	swait.ge [sflag:s17], $0x50  }
0x50: {  	[sflag:s17] =	ssyncset.done $0x0  }
0x51: {  	[sflag:s17] =	ssyncadd.s32 $0xFFFFFFB0  }
0x52: {  	[spmem:s3] =	stream.indirect.scatter.add.f32 [tilespmem:s16], [sflag:$0x3], $0x1, s13, s15, $0xb8;
	[tilespmem:$0x680] =	vst v63  }
0x53: {  	s24 =	simm.s32 $0x14;
	_ =	swait.ge [sflag:s12], $0x50  }
0x54: {  	s25 =	simm.s32 $0x28;
	s23 =	sadd.s32 $0xA0, s9;
	[sflag:s12] =	ssyncset.done $0x0  }
.LBB2_2:
0x55: {  	s26 =	sadd.s32 s24, s10  }
0x56: {  	[sflag:s12] =	ssyncadd.s32 $0xFFFFFFB0;
	s24 =	smov.u32 s25;
	s28 =	sadd.s32 $0x14, s25  }
0x57: {  	[tilespmem:s13], [sflag:$0x2] =	stream.linear.gather [hbm4b:s26+s4], $0x50, $0x38;
	[tilespmem:$0x680] =	vst v63  }
0x58: {  	p0 =	sne.s32 s25, $0x4C4;
	_ =	swait.ge [sflag:s14], $0x50  }
0x59: {  	[sflag:s14] =	ssyncset.done $0x0  }
0x5a: {  	[sflag:s14] =	ssyncadd.s32 $0xFFFFFFB0  }
0x5b: {  	[spmem:s3] =	stream.indirect.scatter.add.f32 [tilespmem:s16], [sflag:$0x3], $0x1, s4, s15, $0xb8;
	[tilespmem:$0x680] =	vst v63  }
0x5c: {  	_ =	swait.ge [sflag:s12], $0x50  }
0x5d: {  	s25 =	sshrl.u32 s23, $0x3;
	[sflag:s12] =	ssyncset.done $0x0  }
0x5e: {  	s25 =	sadd.s32 s1, s25;
	[sflag:s12] =	ssyncadd.s32 $0xFFFFFFB0  }
0x5f: {  	[tilespmem:s4], [sflag:$0x1] =	stream.linear.gather [hbm4b:s25+s4], $0x50, $0x38;
	[tilespmem:$0x680] =	vst v63  }
0x60: {  	_ =	swait.ge [sflag:s17], $0x50  }
.Ltmp0:
0x61: {  	[sflag:s17] =	ssyncset.done $0x0;
	(pc) =	sbr.rel @p0 .LBB2_2-.Ltmp0, $4  }
0x62: {  	[sflag:s17] =	ssyncadd.s32 $0xFFFFFFB0  }
0x63: {  	[spmem:s3] =	stream.indirect.scatter.add.f32 [tilespmem:s16], [sflag:$0x3], $0x1, s13, s15, $0xb8;
	[tilespmem:$0x680] =	vst v63  }
0x64: {  	_ =	swait.ge [sflag:s12], $0x50  }
0x65: {  	s23 =	sadd.s32 $0xA0, s23;
	s25 =	smov.u32 s28;
	[sflag:s12] =	ssyncset.done $0x0  }
0x66: {  	s24 =	sadd.s32 s24, s10;
	[sflag:s12] =	ssyncadd.s32 $0xFFFFFFB0  }
0x67: {  	[tilespmem:s13], [sflag:$0x2] =	stream.linear.gather [hbm4b:s24+s4], $0x50, $0x38;
	[tilespmem:$0x680] =	vst v63  }
0x68: {  	_ =	swait.ge [sflag:s14], $0x50  }
0x69: {  	[sflag:s14] =	ssyncset.done $0x0  }
0x6a: {  	[sflag:s14] =	ssyncadd.s32 $0xFFFFFFB0  }
0x6b: {  	[spmem:s3] =	stream.indirect.scatter.add.f32 [tilespmem:s16], [sflag:$0x3], $0x1, s4, s15, $0xb8;
	[tilespmem:$0x680] =	vst v63  }
0x6c: {  	_ =	swait.ge [sflag:s12], $0x50  }
0x6d: {  	s23 =	sshrl.u32 s23, $0x3;
	[sflag:s12] =	ssyncset.done $0x0  }
0x6e: {  	s23 =	sadd.s32 s1, s23;
	[sflag:s12] =	ssyncadd.s32 $0xFFFFFFB0  }
0x6f: {  	[tilespmem:s4], [sflag:$0x1] =	stream.linear.gather [hbm4b:s23+s4], $0x50, $0x38;
	[tilespmem:$0x680] =	vst v63  }
0x70: {  	_ =	swait.ge [sflag:s17], $0x50  }
0x71: {  	[sflag:s17] =	ssyncset.done $0x0  }
0x72: {  	[sflag:s17] =	ssyncadd.s32 $0xFFFFFFB0  }
0x73: {  	[spmem:s3] =	stream.indirect.scatter.add.f32 [tilespmem:s16], [sflag:$0x3], $0x1, s13, s15, $0xb8;
	[tilespmem:$0x680] =	vst v63  }
0x74: {  	_ =	swait.ge [sflag:s12], $0x50  }
0x75: {  	[sflag:s12] =	ssyncset.done $0x0  }
0x76: {  	[sflag:s12] =	ssyncadd.s32 $0xFFFFFFB0  }
0x77: {  	_ =	swait.ge [sflag:s14], $0x50  }
0x78: {  	[sflag:s14] =	ssyncset.done $0x0  }
0x79: {  	[sflag:s14] =	ssyncadd.s32 $0xFFFFFFB0  }
0x7a: {  	[spmem:s3] =	stream.indirect.scatter.add.f32 [tilespmem:s16], [sflag:$0x3], $0x1, s4, s15, $0xb8;
	[tilespmem:$0x680] =	vst v63  }
0x7b: {  	_ =	swait.ge [sflag:s12], $0x50  }
0x7c: {  	s22 =	sadd.s32 $0x1, s22;
	[sflag:s12] =	ssyncset.done $0x0  }
0x7d: {  	p0 =	sne.s32 s22, s8;
	[sflag:s12] =	ssyncadd.s32 $0xFFFFFFB0  }
.Ltmp1:
0x7e: {  	[bflag:$0x0] =	sbarrier.arrive $0xFFFF;
	(pc) =	sbr.rel @p0 .LBB2_1-.Ltmp1, $4  }
0x7f: {  	[hbm:s7@s20], [sflag:s18] =	dma.strided [spmem:s19@s21], $0x50, s14, $0x10   }
0x80: {  	_ =	swait.ge [sflag:s12], $0x50  }
0x81: {  	[sflag:s12] =	ssyncset.done $0x0  }
0x82: {  	[sflag:s12] =	ssyncadd.s32 $0xFFFFFFB0  }
0x83: {  	_ =	sfence.sel $0x180000  }
0x84: {  	[bflag:$0x0] =	sbarrier.arrive $0xFFFF  }
0x85: {  	p0 =	sne.s32 s0, $0x0;
	_ =	strace $0x90000047  }
0x86: {  	s0 =	sadd.s32 @!p0 $0x100000, s2;
	[bflag:$0x2] =	sbarrier.arrive $0xFFFF  }
0x87: {  	[sflag:s0] =	ssyncadd.tile.s32 @!p0 $0x1;
	_ =	shalt  }
.Lfunc_end2:
_tile_overlayer_lowered:
.L_overlay_start_2:
0x88: {  	(tag) =	ssettag $0x2  }
0x89: {  	s0 =	rddreg [dreg:$0x0];
	s2 =	stileid.u32  }
0x8a: {  	s1 =	rddreg [dreg:$0x1];
	p0 =	sne.s32 s2, $0x0  }
0x8b: {  	s3 =	rddreg [dreg:$0x2];
	[bflag:$0x3] =	sbarrier.arrive $0xFFFF;
	s2 =	simm.s32 @!p0 $0x1C03  }
0x8c: {  	[timem:s3], [sflag:s2] =	dma.local @!p0 [hbm:s0], s1  }
0x8d: {  	s0 =	simm.s32 @!p0 $0x3  }
0x8e: {  	_ =	swait.ge @!p0 [sflag:s0], s1  }
0x8f: {  	s1 =	ssub.s32 @!p0 $0x0, s1;
	[sflag:s0] =	ssyncset.done @!p0 $0x0  }
0x90: {  	[sflag:s0] =	ssyncadd.s32 @!p0 s1  }
0x91: {  	[bflag:$0x3] =	sbarrier.arrive $0xFFFF  }
0x92: {  	_ =	shalt  }

</sc_bundles>
